<compile_context>
chip_gen: v7x
topology: tpu7x:2x2x1
jax: 0.10.2.dev20260603
libtpu: 0.0.44.dev20260713+nightly
codegen_flags: <defaults>
</compile_context>

<pallas_src>
import functools

import numpy as np
import jax
import jax.numpy as jnp
from jax import lax
from jax.experimental import pallas as pl
from jax.experimental.pallas import tpu as pltpu
from jax.experimental.pallas import tpu_sc as plsc

_GRADES = np.array([bin(i).count("1") for i in range(8)], dtype=np.int32)


def _cayley_sign():
    s = np.zeros((8, 8), dtype=np.float32)
    for a in range(8):
        for b in range(8):
            t = a >> 1
            cnt = 0
            while t:
                cnt += bin(t & b).count("1")
                t >>= 1
            s[a, b] = (-1.0) ** cnt
    return s

_CAYLEY_SIGN = _cayley_sign()

_NC, _NS = 2, 16
_CH = 128



def _blockdiag(w):
    out_c, in_c, _ = w.shape
    WA = jnp.zeros((4 * in_c, 4 * out_c), jnp.float32)
    WB = jnp.zeros((4 * in_c, 4 * out_c), jnp.float32)
    for k in range(8):
        g = int(_GRADES[k])
        blk = w[:, :, g].T
        kk = k % 4
        tgt = WA if k < 4 else WB
        tgt = tgt.at[kk * in_c:(kk + 1) * in_c, kk * out_c:(kk + 1) * out_c].set(blk)
        if k < 4:
            WA = tgt
        else:
            WB = tgt
    return WA, WB


def _coef_table(gp_w):
    rows = []
    for i in range(8):
        for j in range(8):
            k = i ^ j
            rows.append(_CAYLEY_SIGN[i, j] * gp_w[:, int(_GRADES[i]), int(_GRADES[j]), int(_GRADES[k])])
    return jnp.stack(rows, axis=0)


def _prep_layer(p, in_c):
    C = p["lin_w"].shape[0]
    WA, WB = _blockdiag(p["lin_w"])
    gA, gB = _blockdiag(p["gp_lin_w"])
    bias = p["lin_b"][:, None]
    aT = p["silu_a"].T.reshape(4 * C, 1)
    bT = p["silu_b"].T.reshape(4 * C, 1)
    coef = _coef_table(p["gp_w"]).reshape(64 * C, 1)
    lna = p["ln_a"][:, None]
    return (WA.T, WB.T, bias, aT, bT, gA.T, gB.T, coef, lna)



def _ga_layer(xT, in_c, WAT, WBT, bias, aT, bT, gAT, gBT, coef, lna):
    C = 32
    half = 4 * in_c
    yA = jnp.dot(WAT, xT[:half, :], preferred_element_type=jnp.float32)
    yB = jnp.dot(WBT, xT[half:, :], preferred_element_type=jnp.float32)
    yk = [yA[k * C:(k + 1) * C, :] for k in range(4)] \
        + [yB[k * C:(k + 1) * C, :] for k in range(4)]
    yk[0] = yk[0] + bias
    s1 = yk[1] * yk[1] + yk[2] * yk[2] + yk[4] * yk[4]
    s2 = yk[3] * yk[3] + yk[5] * yk[5] + yk[6] * yk[6]
    s3 = yk[7] * yk[7]
    g0 = jax.nn.sigmoid(aT[0:C] * yk[0] + bT[0:C])
    g1 = jax.nn.sigmoid(aT[C:2 * C] * jnp.sqrt(s1 + 1e-6) + bT[C:2 * C])
    g2 = jax.nn.sigmoid(aT[2 * C:3 * C] * jnp.sqrt(s2 + 1e-6) + bT[2 * C:3 * C])
    g3 = jax.nn.sigmoid(aT[3 * C:4 * C] * jnp.sqrt(s3 + 1e-6) + bT[3 * C:4 * C])
    gk = [g0, g1, g1, g2, g1, g2, g2, g3]
    yk = [yk[k] * gk[k] for k in range(8)]
    yTA = jnp.concatenate(yk[:4], axis=0)
    yTB = jnp.concatenate(yk[4:], axis=0)
    zA = jnp.dot(gAT, yTA, preferred_element_type=jnp.float32)
    zB = jnp.dot(gBT, yTB, preferred_element_type=jnp.float32)
    zk = [zA[k * C:(k + 1) * C, :] for k in range(4)] \
        + [zB[k * C:(k + 1) * C, :] for k in range(4)]
    acc = [None] * 8
    for i in range(8):
        for j in range(8):
            k = i ^ j
            t = i * 8 + j
            term = yk[i] * zk[j] * coef[t * C:(t + 1) * C]
            acc[k] = term if acc[k] is None else acc[k] + term
    ns = None
    for k in range(8):
        sq = acc[k] * acc[k]
        ns = sq if ns is None else ns + sq
    norm = jnp.sqrt(ns + 1e-6)
    mean = jnp.mean(norm, axis=0, keepdims=True)
    inv = 1.0 / mean
    return jnp.concatenate([(acc[k] * lna) * inv for k in range(8)], axis=0)



def _edge_mlp_body(diff_ref, *refs):
    (w0, w1, out_ref) = (refs[0:9], refs[9:18], refs[18])
    xT = diff_ref[...].T
    xT = _ga_layer(xT, 32, *[r[...] for r in w0])
    xT = _ga_layer(xT, 32, *[r[...] for r in w1])
    out_ref[...] = xT.T


def _node_mlp_body(h_ref, sums_ref, cnt0_ref, cnt1_ref, *refs):
    (w0, w1, out_ref) = (refs[0:9], refs[9:18], refs[18])
    C = 32
    hT = h_ref[...].T
    cnt = jnp.maximum(cnt0_ref[...][:, 0:1] + cnt1_ref[...][:, 0:1], 1.0)
    invT = (1.0 / cnt).T
    aggT = sums_ref[...].T * invT
    parts = []
    for k in range(8):
        parts.append(hT[k * C:(k + 1) * C, :])
        parts.append(aggT[k * C:(k + 1) * C, :])
    xT = jnp.concatenate(parts, axis=0)
    xT = _ga_layer(xT, 64, *[r[...] for r in w0])
    xT = _ga_layer(xT, 32, *[r[...] for r in w1])
    out_ref[...] = (hT + xT).T


def _full_spec(a):
    nd = a.ndim
    return pl.BlockSpec(a.shape, lambda i, _nd=nd: (0,) * _nd)


def _run_edge_mlp(diff, w0, w1):
    E = diff.shape[0]
    BE = 1000
    grid = (E // BE,)
    wargs = list(w0) + list(w1)
    return pl.pallas_call(
        _edge_mlp_body,
        grid=grid,
        in_specs=[pl.BlockSpec((BE, 256), lambda i: (i, 0))]
        + [_full_spec(a) for a in wargs],
        out_specs=pl.BlockSpec((BE, 256), lambda i: (i, 0)),
        out_shape=jax.ShapeDtypeStruct((E, 256), jnp.float32),
        compiler_params=pltpu.CompilerParams(
            dimension_semantics=("arbitrary",)),
    )(diff, *wargs)


def _run_node_mlp(hp, sums, cnt0, cnt1, w0, w1):
    N = hp.shape[0]
    BN = 1000
    grid = (N // BN,)
    wargs = list(w0) + list(w1)
    return pl.pallas_call(
        _node_mlp_body,
        grid=grid,
        in_specs=[pl.BlockSpec((BN, 256), lambda i: (i, 0)),
                  pl.BlockSpec((BN, 256), lambda i: (i, 0)),
                  pl.BlockSpec((BN, 128), lambda i: (i, 0)),
                  pl.BlockSpec((BN, 128), lambda i: (i, 0))]
        + [_full_spec(a) for a in wargs],
        out_specs=pl.BlockSpec((BN, 256), lambda i: (i, 0)),
        out_shape=jax.ShapeDtypeStruct((N, 256), jnp.float32),
        compiler_params=pltpu.CompilerParams(
            dimension_semantics=("arbitrary",)),
    )(hp, sums, cnt0, cnt1, *wargs)



def _run_sc_gather(hp, rows, cols):
    N, D = hp.shape
    E = rows.shape[0]
    CG = 64
    NW = _NC * _NS
    n_chunks = E // CG
    per_worker = -(-n_chunks // NW)
    mesh = plsc.VectorSubcoreMesh(core_axis_name="c", subcore_axis_name="s",
                                  num_cores=_NC, num_subcores=_NS)

    @functools.partial(
        pl.kernel,
        out_type=jax.ShapeDtypeStruct((E, D), jnp.float32),
        mesh=mesh,
        scratch_types=[
            pltpu.VMEM((CG,), jnp.int32),
            pltpu.VMEM((CG,), jnp.int32),
            pltpu.VMEM((CG,), jnp.int32),
            pltpu.VMEM((CG,), jnp.int32),
            pltpu.VMEM((CG, D), jnp.float32),
            pltpu.VMEM((CG, D), jnp.float32),
            pltpu.VMEM((CG, D), jnp.float32),
            pltpu.VMEM((CG, D), jnp.float32),
            pltpu.SemaphoreType.DMA,
            pltpu.SemaphoreType.DMA,
            pltpu.SemaphoreType.DMA,
            pltpu.SemaphoreType.DMA,
        ],
    )
    def k(hp_hbm, rows_hbm, cols_hbm, diff_hbm,
          ir0, ic0, ir1, ic1, ba0, bb0, ba1, bb1, sa0, sb0, sa1, sb1):
        cid = lax.axis_index("c")
        sid = lax.axis_index("s")
        wid = sid * _NC + cid
        sets = ((ir0, ic0, ba0, bb0, sa0, sb0), (ir1, ic1, ba1, bb1, sa1, sb1))

        def issue(s, chunk):
            ir, ic, ba, bb, sa, sb = sets[s]
            base = chunk * CG
            pltpu.sync_copy(rows_hbm.at[pl.ds(base, CG)], ir)
            pltpu.sync_copy(cols_hbm.at[pl.ds(base, CG)], ic)
            pltpu.async_copy(hp_hbm.at[ir], ba, sa)
            pltpu.async_copy(hp_hbm.at[ic], bb, sb)

        def process(s, chunk):
            ir, ic, ba, bb, sa, sb = sets[s]
            base = chunk * CG
            pltpu.make_async_copy(hp_hbm.at[ir], ba, sa).wait()
            pltpu.make_async_copy(hp_hbm.at[ic], bb, sb).wait()

            def sub_body(r, c2):
                for j in range(D // 16):
                    sl = pl.ds(j * 16, 16)
                    ba[r, sl] = ba[r, sl] - bb[r, sl]
                return c2

            lax.fori_loop(0, CG, sub_body, 0)
            pltpu.sync_copy(ba, diff_hbm.at[pl.ds(base, CG), :])

        issue(0, wid)

        def chunk_body(i, carry):
            cur = wid + NW * i
            nxt = cur + NW

            @pl.when(i % 2 == 0)
            def _():
                @pl.when(nxt < n_chunks)
                def _():
                    issue(1, nxt)

                @pl.when(cur < n_chunks)
                def _():
                    process(0, cur)

            @pl.when(i % 2 == 1)
            def _():
                @pl.when(nxt < n_chunks)
                def _():
                    issue(0, nxt)

                @pl.when(cur < n_chunks)
                def _():
                    process(1, cur)

            return carry

        lax.fori_loop(0, per_worker, chunk_body, 0)

    return k(hp, rows, cols)


def _run_sc_count(rows, n_nodes):
    N = n_nodes
    E = rows.shape[0]
    n_chunks = E // _CH
    per_worker = -(-n_chunks // (_NC * _NS))
    n_tile = (N // _NS) // 8 * 8
    tail = N - _NS * n_tile
    mesh = plsc.VectorSubcoreMesh(core_axis_name="c", subcore_axis_name="s",
                                  num_cores=_NC, num_subcores=_NS)

    @functools.partial(
        pl.kernel,
        out_type=jax.ShapeDtypeStruct((_NC, N, 128), jnp.float32),
        mesh=mesh,
        scratch_types=[
            pltpu.VMEM((_CH,), jnp.int32),
            pltpu.VMEM((_CH, 128), jnp.float32),
            pltpu.VMEM((48, 128), jnp.float32),
            pltpu.VMEM_SHARED((N, 128), jnp.float32),
        ],
    )
    def k(rows_hbm, cnt2_hbm, idx, ones, zbuf, cnt_sh):
        cid = lax.axis_index("c")
        sid = lax.axis_index("s")
        wid = sid * _NC + cid
        nb = sid * n_tile

        def zf_body(r, carry):
            for j in range(8):
                zbuf[r, pl.ds(j * 16, 16)] = jnp.zeros((16,), jnp.float32)
            return carry

        lax.fori_loop(0, 48, zf_body, 0)
        for p in range(n_tile // 48):
            pltpu.sync_copy(zbuf, cnt_sh.at[pl.ds(nb + p * 48, 48), :])

        if tail:
            @pl.when(sid == _NS - 1)
            def _():
                tb = _NS * n_tile
                pltpu.sync_copy(zbuf.at[pl.ds(0, tail), :],
                                cnt_sh.at[pl.ds(tb, tail), :])

        def ones_body(r, carry):
            for j in range(8):
                ones[r, pl.ds(j * 16, 16)] = jnp.full((16,), 1.0, jnp.float32)
            return carry

        lax.fori_loop(0, _CH, ones_body, 0)
        plsc.subcore_barrier()

        def chunk_body(i, carry):
            chunk = wid + (_NC * _NS) * i

            @pl.when(chunk < n_chunks)
            def _():
                base = chunk * _CH
                pltpu.sync_copy(rows_hbm.at[pl.ds(base, _CH)], idx)
                pltpu.sync_copy(ones, cnt_sh.at[idx], add=True)

            return carry

        lax.fori_loop(0, per_worker, chunk_body, 0)
        plsc.subcore_barrier()
        pltpu.sync_copy(cnt_sh.at[pl.ds(nb, n_tile), :],
                        cnt2_hbm.at[cid, pl.ds(nb, n_tile), :])

        if tail:
            @pl.when(sid == _NS - 1)
            def _():
                tb = _NS * n_tile
                pltpu.sync_copy(cnt_sh.at[pl.ds(tb, tail), :],
                                cnt2_hbm.at[cid, pl.ds(tb, tail), :])

    return k(rows)


def _run_sc_scatter(msg, rows, zeros_init, n_nodes):
    E, D = msg.shape
    N = n_nodes
    half = D // _NC
    n_chunks = E // _CH
    per_tile = -(-n_chunks // _NS)
    n_tile = (N // _NS) // 8 * 8
    tail = N - _NS * n_tile
    mesh = plsc.VectorSubcoreMesh(core_axis_name="c", subcore_axis_name="s",
                                  num_cores=_NC, num_subcores=_NS)

    @functools.partial(
        pl.kernel,
        out_type=jax.ShapeDtypeStruct((N, D), jnp.float32),
        mesh=mesh,
        scratch_types=[
            pltpu.VMEM_SHARED((N, half), jnp.float32),
            pltpu.VMEM((_CH,), jnp.int32),
            pltpu.VMEM((_CH,), jnp.int32),
            pltpu.VMEM((_CH, half), jnp.float32),
            pltpu.VMEM((_CH, half), jnp.float32),
            pltpu.SemaphoreType.DMA,
            pltpu.SemaphoreType.DMA,
        ],
    )
    def k(msg_hbm, rows_hbm, zeros_hbm, sums_hbm, acc_sh,
          idx0, idx1, mb0, mb1, sm0, sm1):
        cid = lax.axis_index("c")
        sid = lax.axis_index("s")
        nb = sid * n_tile
        pltpu.sync_copy(zeros_hbm.at[pl.ds(0, n_tile), :],
                        acc_sh.at[pl.ds(nb, n_tile), :])

        if tail:
            @pl.when(sid == _NS - 1)
            def _():
                tb = _NS * n_tile
                pltpu.sync_copy(zeros_hbm.at[pl.ds(0, tail), :],
                                acc_sh.at[pl.ds(tb, tail), :])

        plsc.subcore_barrier()
        sets = ((idx0, mb0, sm0), (idx1, mb1, sm1))

        def issue(s, chunk):
            ix, mb, sm = sets[s]
            base = chunk * _CH
            pltpu.sync_copy(rows_hbm.at[pl.ds(base, _CH)], ix)
            pltpu.async_copy(
                msg_hbm.at[pl.ds(base, _CH), pl.ds(cid * half, half)], mb, sm)

        def process(s):
            ix, mb, sm = sets[s]
            pltpu.make_async_copy(
                msg_hbm.at[pl.ds(0, _CH), pl.ds(cid * half, half)],
                mb, sm).wait()
            pltpu.sync_copy(mb, acc_sh.at[ix], add=True)

        issue(0, sid)

        def chunk_body(i, carry):
            cur = sid + _NS * i
            nxt = cur + _NS

            @pl.when(i % 2 == 0)
            def _():
                @pl.when(nxt < n_chunks)
                def _():
                    issue(1, nxt)

                @pl.when(cur < n_chunks)
                def _():
                    process(0)

            @pl.when(i % 2 == 1)
            def _():
                @pl.when(nxt < n_chunks)
                def _():
                    issue(0, nxt)

                @pl.when(cur < n_chunks)
                def _():
                    process(1)

            return carry

        lax.fori_loop(0, per_tile, chunk_body, 0)
        plsc.subcore_barrier()
        pltpu.sync_copy(acc_sh.at[pl.ds(nb, n_tile), :],
                        sums_hbm.at[pl.ds(nb, n_tile),
                                    pl.ds(cid * half, half)])

        if tail:
            @pl.when(sid == _NS - 1)
            def _():
                tb = _NS * n_tile
                pltpu.sync_copy(acc_sh.at[pl.ds(tb, tail), :],
                                sums_hbm.at[pl.ds(tb, tail),
                                            pl.ds(cid * half, half)])

    return k(msg, rows, zeros_init)



def kernel(h, edge_index, edge_params, node_params):
    N, C = h.shape[0], h.shape[1]
    E = edge_index.shape[1]
    hp = h.transpose(0, 2, 1).reshape(N, 8 * C)
    rows = edge_index[0]
    cols = edge_index[1]

    we0 = _prep_layer(edge_params[0], C)
    we1 = _prep_layer(edge_params[1], C)
    wn0 = _prep_layer(node_params[0], 2 * C)
    wn1 = _prep_layer(node_params[1], C)

    diff = _run_sc_gather(hp, rows, cols)
    cnt2 = _run_sc_count(rows, N)
    msg = _run_edge_mlp(diff, we0, we1)
    nt = (N // _NS) // 8 * 8
    zeros_init = jnp.zeros((nt, (8 * C) // _NC), jnp.float32)
    sums = _run_sc_scatter(msg, rows, zeros_init, N)
    outp = _run_node_mlp(hp, sums, cnt2[0], cnt2[1], wn0, wn1)
    return outp.reshape(N, 8, C).transpose(0, 2, 1)

# --- scband reference (transcript-rebuilt; emitter-appended) ---
"""Pipeline reference for scband-egcl-ga-40965398069472 (READ-ONLY COPY).

The authoritative reference and input builder live on the scoring server;
editing this copy changes nothing except your own understanding.
"""

import jax, jax.numpy as jnp
import numpy as np

def _pc(x):
    return bin(x).count("1")

def _make_cayley():
    c = np.zeros((8, 8, 8), dtype=np.float32)
    for a in range(8):
        for b in range(8):
            t = a >> 1
            cnt = 0
            while t:
                cnt += bin(t & b).count("1")
                t >>= 1
            c[a, b, a ^ b] = (-1.0) ** cnt
    return c

CAYLEY = jnp.asarray(_make_cayley())
GRADES = jnp.asarray(np.array([_pc(i) for i in range(8)], dtype=np.int32))
GRADE_MASK = jnp.asarray(np.eye(4, dtype=np.float32)[[_pc(i) for i in range(8)]])

def mv_linear(x, w, b=None):
    wk = jnp.take(w, GRADES, axis=2)
    out = jnp.einsum("nik,oik->nok", x, wk)
    if b is not None:
        out = out.at[:, :, 0].add(b[None, :])
    return out

def mv_silu(x, a, b):
    sumsq = jnp.einsum("nck,kg->ncg", x * x, GRADE_MASK)
    inv = jnp.sqrt(sumsq + 1e-6)
    inv = inv.at[:, :, 0].set(x[:, :, 0])
    gates = jax.nn.sigmoid(a[None] * inv + b[None])
    gk = jnp.einsum("ncg,kg->nck", gates, GRADE_MASK)
    return x * gk

def steerable_gp(x, lin_w, w):
    y = mv_linear(x, lin_w)
    wfull = w[:, GRADES[:, None, None], GRADES[None, :, None], GRADES[None, None, :]]
    cw = wfull * CAYLEY[None]
    return jnp.einsum("nci,ncj,cijk->nck", x, y, cw)

def mv_layernorm(x, a):
    norm = jnp.sqrt(jnp.sum(x * x, axis=-1) + 1e-6)
    mean = jnp.mean(norm, axis=1, keepdims=True)
    return a[None, :, None] * x / mean[:, :, None]

def emlp(x, layers):
    for p in layers:
        x = mv_linear(x, p["lin_w"], p["lin_b"])
        x = mv_silu(x, p["silu_a"], p["silu_b"])
        x = steerable_gp(x, p["gp_lin_w"], p["gp_w"])
        x = mv_layernorm(x, p["ln_a"])
    return x

def _mk_layer(key, in_c, out_c):
    k0, k1, k2 = jax.random.split(key, 3)
    return {
        "lin_w": jax.random.normal(k0, (out_c, in_c, 4), dtype=jnp.float32) / np.sqrt(in_c),
        "lin_b": jnp.zeros((out_c,), dtype=jnp.float32),
        "silu_a": jnp.ones((out_c, 4), dtype=jnp.float32),
        "silu_b": jnp.zeros((out_c, 4), dtype=jnp.float32),
        "gp_lin_w": jax.random.normal(k1, (out_c, out_c, 4), dtype=jnp.float32) / np.sqrt(out_c),
        "gp_w": jax.random.normal(k2, (out_c, 4, 4, 4), dtype=jnp.float32) * 0.2,
        "ln_a": jnp.ones((out_c,), dtype=jnp.float32),
    }

def setup_inputs(seed: int = 0):
    key = jax.random.key(seed)
    kh, ke, k1, k2, k3, k4 = jax.random.split(key, 6)
    N, E, C = 10000, 160000, 32
    h = jax.random.normal(kh, (N, C, 8), dtype=jnp.float32)
    edge_index = jax.random.randint(ke, (2, E), 0, N, dtype=jnp.int32)
    edge_params = [_mk_layer(k1, C, C), _mk_layer(k2, C, C)]
    node_params = [_mk_layer(k3, 2 * C, C), _mk_layer(k4, C, C)]
    return {"h": h, "edge_index": edge_index, "edge_params": edge_params, "node_params": node_params}

def reference(h, edge_index, edge_params, node_params):
    N, C = h.shape[0], h.shape[1]
    rows, cols = edge_index[0], edge_index[1]
    h_msg = emlp(h[rows] - h[cols], edge_params)
    flat = h_msg.reshape(h_msg.shape[0], -1)
    sums = jax.ops.segment_sum(flat, rows, num_segments=N)
    cnt = jax.ops.segment_sum(jnp.ones_like(flat), rows, num_segments=N)
    agg = (sums / jnp.maximum(cnt, 1.0)).reshape(N, C, 8)
    out = emlp(jnp.concatenate([h, agg], axis=1), node_params)
    return h + out

if __name__ == "__main__":
    import jax
    _d = setup_inputs()
    print(jax.jit(kernel)(*tuple(_d.values())))

</pallas_src>

<mosaic_0001>
#map = affine_map<(d0, d1) -> (0, 0)>
#map1 = affine_map<(d0, d1) -> (0)>
module attributes {stable_mosaic.version = 14 : i64} {
  func.func @k(%arg0: i32, %arg1: i32, %arg2: memref<10000x256xf32, #tpu.memory_space<hbm>>, %arg3: memref<160000xi32, #tpu.memory_space<hbm>>, %arg4: memref<160000xi32, #tpu.memory_space<hbm>>, %arg5: memref<160000x256xf32, #tpu.memory_space<hbm>>, %arg6: memref<64xi32, #tpu.memory_space<vmem>>, %arg7: memref<64xi32, #tpu.memory_space<vmem>>, %arg8: memref<64xi32, #tpu.memory_space<vmem>>, %arg9: memref<64xi32, #tpu.memory_space<vmem>>, %arg10: memref<64x256xf32, #tpu.memory_space<vmem>>, %arg11: memref<64x256xf32, #tpu.memory_space<vmem>>, %arg12: memref<64x256xf32, #tpu.memory_space<vmem>>, %arg13: memref<64x256xf32, #tpu.memory_space<vmem>>, %arg14: memref<!tpu.dma_semaphore, #tpu.memory_space<semaphore_mem>>, %arg15: memref<!tpu.dma_semaphore, #tpu.memory_space<semaphore_mem>>, %arg16: memref<!tpu.dma_semaphore, #tpu.memory_space<semaphore_mem>>, %arg17: memref<!tpu.dma_semaphore, #tpu.memory_space<semaphore_mem>>) attributes {dimension_semantics = [#tpu.dimension_semantics<core_parallel>, #tpu.dimension_semantics<subcore_parallel>], iteration_bounds = array<i64: 2, 16>, scalar_prefetch = 0 : i64, scratch_operands = 12 : i64, tpu.core_type = #tpu.core_type<sc_vector_subcore>, window_params = [{transform_indices = #map}, {transform_indices = #map1}, {transform_indices = #map1}, {transform_indices = #map}]} {
    %mul3A = arith.constant 2 : i32
    %mul3A_0 = arith.muli %arg1, %mul3A : i32
    %add3A = arith.addi %mul3A_0, %arg0 : i32
    %mul3A_1 = arith.constant 64 : i32
    %mul3A_2 = arith.muli %add3A, %mul3A_1 : i32
    "tpu.region"() ({
      %run_scoped3A = tpu.sem_alloc : memref<!tpu.dma_semaphore, #tpu.memory_space<semaphore_mem>>
      %dma_start3A_13 = tpu.memref_slice %arg3[%mul3A_2] : memref<160000xi32, #tpu.memory_space<hbm>> -> memref<64xi32, #tpu.memory_space<hbm>>
      %dma_start3A_14 = tpu.memref_slice %arg3[%mul3A_2] : memref<160000xi32, #tpu.memory_space<hbm>> -> memref<64xi32, #tpu.memory_space<hbm>>
      tpu.enqueue_dma source(%dma_start3A_14 : memref<64xi32, #tpu.memory_space<hbm>>) target(%arg6 : memref<64xi32, #tpu.memory_space<vmem>>) target_semaphore(%run_scoped3A : memref<!tpu.dma_semaphore, #tpu.memory_space<semaphore_mem>>)
      %dma_wait3A = tpu.memref_slice %arg3[%mul3A_2] : memref<160000xi32, #tpu.memory_space<hbm>> -> memref<64xi32, #tpu.memory_space<hbm>>
      %dma_wait3A_15 = tpu.memref_slice %arg3[%mul3A_2] : memref<160000xi32, #tpu.memory_space<hbm>> -> memref<64xi32, #tpu.memory_space<hbm>>
      tpu.wait_dma2 semaphore(%run_scoped3A : memref<!tpu.dma_semaphore, #tpu.memory_space<semaphore_mem>>) src(%dma_wait3A_15 : memref<64xi32, #tpu.memory_space<hbm>>) dst(%arg6 : memref<64xi32, #tpu.memory_space<vmem>>)
      tpu.yield
    }) : () -> ()
    "tpu.region"() ({
      %run_scoped3A = tpu.sem_alloc : memref<!tpu.dma_semaphore, #tpu.memory_space<semaphore_mem>>
      %dma_start3A_13 = tpu.memref_slice %arg4[%mul3A_2] : memref<160000xi32, #tpu.memory_space<hbm>> -> memref<64xi32, #tpu.memory_space<hbm>>
      %dma_start3A_14 = tpu.memref_slice %arg4[%mul3A_2] : memref<160000xi32, #tpu.memory_space<hbm>> -> memref<64xi32, #tpu.memory_space<hbm>>
      tpu.enqueue_dma source(%dma_start3A_14 : memref<64xi32, #tpu.memory_space<hbm>>) target(%arg7 : memref<64xi32, #tpu.memory_space<vmem>>) target_semaphore(%run_scoped3A : memref<!tpu.dma_semaphore, #tpu.memory_space<semaphore_mem>>)
      %dma_wait3A = tpu.memref_slice %arg4[%mul3A_2] : memref<160000xi32, #tpu.memory_space<hbm>> -> memref<64xi32, #tpu.memory_space<hbm>>
      %dma_wait3A_15 = tpu.memref_slice %arg4[%mul3A_2] : memref<160000xi32, #tpu.memory_space<hbm>> -> memref<64xi32, #tpu.memory_space<hbm>>
      tpu.wait_dma2 semaphore(%run_scoped3A : memref<!tpu.dma_semaphore, #tpu.memory_space<semaphore_mem>>) src(%dma_wait3A_15 : memref<64xi32, #tpu.memory_space<hbm>>) dst(%arg7 : memref<64xi32, #tpu.memory_space<vmem>>)
      tpu.yield
    }) : () -> ()
    %dma_start3A = arith.constant 0 : i32
    %dma_start3A_3 = arith.constant 0 : i32
    %dma_start3A_4 = tpu.memref_slice %arg2[%dma_start3A, %dma_start3A_3] : memref<10000x256xf32, #tpu.memory_space<hbm>> -> memref<10000x256xf32, #tpu.memory_space<hbm>>
    tpu.enqueue_indirect_dma source(%dma_start3A_4 : memref<10000x256xf32, #tpu.memory_space<hbm>>) target(%arg10 : memref<64x256xf32, #tpu.memory_space<vmem>>) offsets(%arg6 : memref<64xi32, #tpu.memory_space<vmem>>) semaphore(%arg14 : memref<!tpu.dma_semaphore, #tpu.memory_space<semaphore_mem>>)
    %dma_start3A_5 = arith.constant 0 : i32
    %dma_start3A_6 = arith.constant 0 : i32
    %dma_start3A_7 = tpu.memref_slice %arg2[%dma_start3A_5, %dma_start3A_6] : memref<10000x256xf32, #tpu.memory_space<hbm>> -> memref<10000x256xf32, #tpu.memory_space<hbm>>
    tpu.enqueue_indirect_dma source(%dma_start3A_7 : memref<10000x256xf32, #tpu.memory_space<hbm>>) target(%arg11 : memref<64x256xf32, #tpu.memory_space<vmem>>) offsets(%arg7 : memref<64xi32, #tpu.memory_space<vmem>>) semaphore(%arg15 : memref<!tpu.dma_semaphore, #tpu.memory_space<semaphore_mem>>)
    %scan3A = arith.constant 0 : i32
    %scan3A_8 = arith.constant 0 : i32
    %scan3A_9 = arith.constant 79 : i32
    %scan3A_10 = arith.addi %scan3A_8, %scan3A_9 : i32
    %scan3A_11 = arith.constant 1 : i32
    scf.for %scan3A_13 = %scan3A_8 to %scan3A_10 step %scan3A_11  : i32 {
      %mul3A_14 = arith.constant 32 : i32
      %mul3A_15 = arith.muli %mul3A_14, %scan3A_13 : i32
      %add3A_16 = arith.addi %add3A, %mul3A_15 : i32
      %add3A_17 = arith.constant 32 : i32
      %add3A_18 = arith.addi %add3A_16, %add3A_17 : i32
      %jit3A = arith.constant 2 : i32
      %eq3A = arith.constant 0 : i32
      %eq3A_19 = arith.cmpi eq, %jit3A, %eq3A : i32
      %jit3A_20 = arith.constant 1 : i32
      %select_n3A = arith.select %eq3A_19, %jit3A_20, %jit3A : i32
      %rem3A = arith.remsi %scan3A_13, %select_n3A : i32
      %ne3A = arith.constant 0 : i32
      %ne3A_21 = arith.cmpi ne, %rem3A, %ne3A : i32
      %lt3A = arith.constant 0 : i32
      %lt3A_22 = arith.cmpi slt, %rem3A, %lt3A : i32
      %lt3A_23 = arith.constant 0 : i32
      %lt3A_24 = arith.cmpi slt, %select_n3A, %lt3A_23 : i32
      %ne3A_25 = arith.xori %lt3A_22, %lt3A_24 : i1
      %and3A = arith.andi %ne3A_25, %ne3A_21 : i1
      %add3A_26 = arith.addi %rem3A, %select_n3A : i32
      %select_n3A_27 = arith.select %and3A, %add3A_26, %rem3A : i32
      %eq3A_28 = arith.constant 0 : i32
      %eq3A_29 = arith.cmpi eq, %select_n3A_27, %eq3A_28 : i32
      %convert_element_type3A = arith.extui %eq3A_29 : i1 to i32
      %cond3A = arith.constant 0 : i32
      %cond3A_30 = arith.cmpi ne, %convert_element_type3A, %cond3A : i32
      scf.if %cond3A_30 {
        %lt3A_52 = arith.constant 2500 : i32
        %lt3A_53 = arith.cmpi slt, %add3A_18, %lt3A_52 : i32
        %convert_element_type3A_54 = arith.extui %lt3A_53 : i1 to i32
        %cond3A_55 = arith.constant 0 : i32
        %cond3A_56 = arith.cmpi ne, %convert_element_type3A_54, %cond3A_55 : i32
        scf.if %cond3A_56 {
          %mul3A_62 = arith.constant 64 : i32
          %mul3A_63 = arith.muli %add3A_18, %mul3A_62 : i32
          "tpu.region"() ({
            %run_scoped3A = tpu.sem_alloc : memref<!tpu.dma_semaphore, #tpu.memory_space<semaphore_mem>>
            %dma_start3A_70 = tpu.memref_slice %arg3[%mul3A_63] : memref<160000xi32, #tpu.memory_space<hbm>> -> memref<64xi32, #tpu.memory_space<hbm>>
            %dma_start3A_71 = tpu.memref_slice %arg3[%mul3A_63] : memref<160000xi32, #tpu.memory_space<hbm>> -> memref<64xi32, #tpu.memory_space<hbm>>
            tpu.enqueue_dma source(%dma_start3A_71 : memref<64xi32, #tpu.memory_space<hbm>>) target(%arg8 : memref<64xi32, #tpu.memory_space<vmem>>) target_semaphore(%run_scoped3A : memref<!tpu.dma_semaphore, #tpu.memory_space<semaphore_mem>>)
            %dma_wait3A = tpu.memref_slice %arg3[%mul3A_63] : memref<160000xi32, #tpu.memory_space<hbm>> -> memref<64xi32, #tpu.memory_space<hbm>>
            %dma_wait3A_72 = tpu.memref_slice %arg3[%mul3A_63] : memref<160000xi32, #tpu.memory_space<hbm>> -> memref<64xi32, #tpu.memory_space<hbm>>
            tpu.wait_dma2 semaphore(%run_scoped3A : memref<!tpu.dma_semaphore, #tpu.memory_space<semaphore_mem>>) src(%dma_wait3A_72 : memref<64xi32, #tpu.memory_space<hbm>>) dst(%arg8 : memref<64xi32, #tpu.memory_space<vmem>>)
            tpu.yield
          }) : () -> ()
          "tpu.region"() ({
            %run_scoped3A = tpu.sem_alloc : memref<!tpu.dma_semaphore, #tpu.memory_space<semaphore_mem>>
            %dma_start3A_70 = tpu.memref_slice %arg4[%mul3A_63] : memref<160000xi32, #tpu.memory_space<hbm>> -> memref<64xi32, #tpu.memory_space<hbm>>
            %dma_start3A_71 = tpu.memref_slice %arg4[%mul3A_63] : memref<160000xi32, #tpu.memory_space<hbm>> -> memref<64xi32, #tpu.memory_space<hbm>>
            tpu.enqueue_dma source(%dma_start3A_71 : memref<64xi32, #tpu.memory_space<hbm>>) target(%arg9 : memref<64xi32, #tpu.memory_space<vmem>>) target_semaphore(%run_scoped3A : memref<!tpu.dma_semaphore, #tpu.memory_space<semaphore_mem>>)
            %dma_wait3A = tpu.memref_slice %arg4[%mul3A_63] : memref<160000xi32, #tpu.memory_space<hbm>> -> memref<64xi32, #tpu.memory_space<hbm>>
            %dma_wait3A_72 = tpu.memref_slice %arg4[%mul3A_63] : memref<160000xi32, #tpu.memory_space<hbm>> -> memref<64xi32, #tpu.memory_space<hbm>>
            tpu.wait_dma2 semaphore(%run_scoped3A : memref<!tpu.dma_semaphore, #tpu.memory_space<semaphore_mem>>) src(%dma_wait3A_72 : memref<64xi32, #tpu.memory_space<hbm>>) dst(%arg9 : memref<64xi32, #tpu.memory_space<vmem>>)
            tpu.yield
          }) : () -> ()
          %dma_start3A_64 = arith.constant 0 : i32
          %dma_start3A_65 = arith.constant 0 : i32
          %dma_start3A_66 = tpu.memref_slice %arg2[%dma_start3A_64, %dma_start3A_65] : memref<10000x256xf32, #tpu.memory_space<hbm>> -> memref<10000x256xf32, #tpu.memory_space<hbm>>
          tpu.enqueue_indirect_dma source(%dma_start3A_66 : memref<10000x256xf32, #tpu.memory_space<hbm>>) target(%arg12 : memref<64x256xf32, #tpu.memory_space<vmem>>) offsets(%arg8 : memref<64xi32, #tpu.memory_space<vmem>>) semaphore(%arg16 : memref<!tpu.dma_semaphore, #tpu.memory_space<semaphore_mem>>)
          %dma_start3A_67 = arith.constant 0 : i32
          %dma_start3A_68 = arith.constant 0 : i32
          %dma_start3A_69 = tpu.memref_slice %arg2[%dma_start3A_67, %dma_start3A_68] : memref<10000x256xf32, #tpu.memory_space<hbm>> -> memref<10000x256xf32, #tpu.memory_space<hbm>>
          tpu.enqueue_indirect_dma source(%dma_start3A_69 : memref<10000x256xf32, #tpu.memory_space<hbm>>) target(%arg13 : memref<64x256xf32, #tpu.memory_space<vmem>>) offsets(%arg9 : memref<64xi32, #tpu.memory_space<vmem>>) semaphore(%arg17 : memref<!tpu.dma_semaphore, #tpu.memory_space<semaphore_mem>>)
        } else {
        }
        %lt3A_57 = arith.constant 2500 : i32
        %lt3A_58 = arith.cmpi slt, %add3A_16, %lt3A_57 : i32
        %convert_element_type3A_59 = arith.extui %lt3A_58 : i1 to i32
        %cond3A_60 = arith.constant 0 : i32
        %cond3A_61 = arith.cmpi ne, %convert_element_type3A_59, %cond3A_60 : i32
        scf.if %cond3A_61 {
          %mul3A_62 = arith.constant 64 : i32
          %mul3A_63 = arith.muli %add3A_16, %mul3A_62 : i32
          %dma_wait3A = arith.constant 0 : i32
          %dma_wait3A_64 = arith.constant 0 : i32
          %dma_wait3A_65 = tpu.memref_slice %arg2[%dma_wait3A, %dma_wait3A_64] : memref<10000x256xf32, #tpu.memory_space<hbm>> -> memref<10000x256xf32, #tpu.memory_space<hbm>>
          tpu.wait_indirect_dma semaphore(%arg14 : memref<!tpu.dma_semaphore, #tpu.memory_space<semaphore_mem>>) src(%dma_wait3A_65 : memref<10000x256xf32, #tpu.memory_space<hbm>>) dst(%arg10 : memref<64x256xf32, #tpu.memory_space<vmem>>)
          %dma_wait3A_66 = arith.constant 0 : i32
          %dma_wait3A_67 = arith.constant 0 : i32
          %dma_wait3A_68 = tpu.memref_slice %arg2[%dma_wait3A_66, %dma_wait3A_67] : memref<10000x256xf32, #tpu.memory_space<hbm>> -> memref<10000x256xf32, #tpu.memory_space<hbm>>
          tpu.wait_indirect_dma semaphore(%arg15 : memref<!tpu.dma_semaphore, #tpu.memory_space<semaphore_mem>>) src(%dma_wait3A_68 : memref<10000x256xf32, #tpu.memory_space<hbm>>) dst(%arg11 : memref<64x256xf32, #tpu.memory_space<vmem>>)
          %scan3A_69 = arith.constant 0 : i32
          %scan3A_70 = arith.constant 0 : i32
          %scan3A_71 = arith.constant 64 : i32
          %scan3A_72 = arith.addi %scan3A_70, %scan3A_71 : i32
          %scan3A_73 = arith.constant 1 : i32
          scf.for %scan3A_75 = %scan3A_70 to %scan3A_72 step %scan3A_73  : i32 {
            %get3A = arith.index_cast %scan3A_75 : i32 to index
            %get3A_76 = arith.constant 0 : index
            %get3A_77 = tpu.vector_load %arg10[%get3A, %get3A_76] {strides = array<i32>} : memref<64x256xf32, #tpu.memory_space<vmem>>, vector<1x16xf32>,
            %get3A_78 = vector.shape_cast %get3A_77 : vector<1x16xf32> to vector<16xf32>
            %get3A_79 = arith.index_cast %scan3A_75 : i32 to index
            %get3A_80 = arith.constant 0 : index
            %get3A_81 = tpu.vector_load %arg11[%get3A_79, %get3A_80] {strides = array<i32>} : memref<64x256xf32, #tpu.memory_space<vmem>>, vector<1x16xf32>,
            %get3A_82 = vector.shape_cast %get3A_81 : vector<1x16xf32> to vector<16xf32>
            %sub3A = arith.subf %get3A_78, %get3A_82 : vector<16xf32>
            %swap3A = arith.index_cast %scan3A_75 : i32 to index
            %swap3A_83 = arith.constant 0 : index
            %swap3A_84 = tpu.vector_load %arg10[%swap3A, %swap3A_83] {strides = array<i32>} : memref<64x256xf32, #tpu.memory_space<vmem>>, vector<1x16xf32>,
            %swap3A_85 = vector.shape_cast %swap3A_84 : vector<1x16xf32> to vector<16xf32>
            %swap3A_86 = vector.shape_cast %sub3A : vector<16xf32> to vector<1x16xf32>
            tpu.vector_store %arg10[%swap3A, %swap3A_83], %swap3A_86 {strides = array<i32>} : memref<64x256xf32, #tpu.memory_space<vmem>>, vector<1x16xf32>,
            %get3A_87 = arith.index_cast %scan3A_75 : i32 to index
            %get3A_88 = arith.constant 16 : index
            %get3A_89 = tpu.vector_load %arg10[%get3A_87, %get3A_88] {strides = array<i32>} : memref<64x256xf32, #tpu.memory_space<vmem>>, vector<1x16xf32>,
            %get3A_90 = vector.shape_cast %get3A_89 : vector<1x16xf32> to vector<16xf32>
            %get3A_91 = arith.index_cast %scan3A_75 : i32 to index
            %get3A_92 = arith.constant 16 : index
            %get3A_93 = tpu.vector_load %arg11[%get3A_91, %get3A_92] {strides = array<i32>} : memref<64x256xf32, #tpu.memory_space<vmem>>, vector<1x16xf32>,
            %get3A_94 = vector.shape_cast %get3A_93 : vector<1x16xf32> to vector<16xf32>
            %sub3A_95 = arith.subf %get3A_90, %get3A_94 : vector<16xf32>
            %swap3A_96 = arith.index_cast %scan3A_75 : i32 to index
            %swap3A_97 = arith.constant 16 : index
            %swap3A_98 = tpu.vector_load %arg10[%swap3A_96, %swap3A_97] {strides = array<i32>} : memref<64x256xf32, #tpu.memory_space<vmem>>, vector<1x16xf32>,
            %swap3A_99 = vector.shape_cast %swap3A_98 : vector<1x16xf32> to vector<16xf32>
            %swap3A_100 = vector.shape_cast %sub3A_95 : vector<16xf32> to vector<1x16xf32>
            tpu.vector_store %arg10[%swap3A_96, %swap3A_97], %swap3A_100 {strides = array<i32>} : memref<64x256xf32, #tpu.memory_space<vmem>>, vector<1x16xf32>,
            %get3A_101 = arith.index_cast %scan3A_75 : i32 to index
            %get3A_102 = arith.constant 32 : index
            %get3A_103 = tpu.vector_load %arg10[%get3A_101, %get3A_102] {strides = array<i32>} : memref<64x256xf32, #tpu.memory_space<vmem>>, vector<1x16xf32>,
            %get3A_104 = vector.shape_cast %get3A_103 : vector<1x16xf32> to vector<16xf32>
            %get3A_105 = arith.index_cast %scan3A_75 : i32 to index
            %get3A_106 = arith.constant 32 : index
            %get3A_107 = tpu.vector_load %arg11[%get3A_105, %get3A_106] {strides = array<i32>} : memref<64x256xf32, #tpu.memory_space<vmem>>, vector<1x16xf32>,
            %get3A_108 = vector.shape_cast %get3A_107 : vector<1x16xf32> to vector<16xf32>
            %sub3A_109 = arith.subf %get3A_104, %get3A_108 : vector<16xf32>
            %swap3A_110 = arith.index_cast %scan3A_75 : i32 to index
            %swap3A_111 = arith.constant 32 : index
            %swap3A_112 = tpu.vector_load %arg10[%swap3A_110, %swap3A_111] {strides = array<i32>} : memref<64x256xf32, #tpu.memory_space<vmem>>, vector<1x16xf32>,
            %swap3A_113 = vector.shape_cast %swap3A_112 : vector<1x16xf32> to vector<16xf32>
            %swap3A_114 = vector.shape_cast %sub3A_109 : vector<16xf32> to vector<1x16xf32>
            tpu.vector_store %arg10[%swap3A_110, %swap3A_111], %swap3A_114 {strides = array<i32>} : memref<64x256xf32, #tpu.memory_space<vmem>>, vector<1x16xf32>,
            %get3A_115 = arith.index_cast %scan3A_75 : i32 to index
            %get3A_116 = arith.constant 48 : index
            %get3A_117 = tpu.vector_load %arg10[%get3A_115, %get3A_116] {strides = array<i32>} : memref<64x256xf32, #tpu.memory_space<vmem>>, vector<1x16xf32>,
            %get3A_118 = vector.shape_cast %get3A_117 : vector<1x16xf32> to vector<16xf32>
            %get3A_119 = arith.index_cast %scan3A_75 : i32 to index
            %get3A_120 = arith.constant 48 : index
            %get3A_121 = tpu.vector_load %arg11[%get3A_119, %get3A_120] {strides = array<i32>} : memref<64x256xf32, #tpu.memory_space<vmem>>, vector<1x16xf32>,
            %get3A_122 = vector.shape_cast %get3A_121 : vector<1x16xf32> to vector<16xf32>
            %sub3A_123 = arith.subf %get3A_118, %get3A_122 : vector<16xf32>
            %swap3A_124 = arith.index_cast %scan3A_75 : i32 to index
            %swap3A_125 = arith.constant 48 : index
            %swap3A_126 = tpu.vector_load %arg10[%swap3A_124, %swap3A_125] {strides = array<i32>} : memref<64x256xf32, #tpu.memory_space<vmem>>, vector<1x16xf32>,
            %swap3A_127 = vector.shape_cast %swap3A_126 : vector<1x16xf32> to vector<16xf32>
            %swap3A_128 = vector.shape_cast %sub3A_123 : vector<16xf32> to vector<1x16xf32>
            tpu.vector_store %arg10[%swap3A_124, %swap3A_125], %swap3A_128 {strides = array<i32>} : memref<64x256xf32, #tpu.memory_space<vmem>>, vector<1x16xf32>,
            %get3A_129 = arith.index_cast %scan3A_75 : i32 to index
            %get3A_130 = arith.constant 64 : index
            %get3A_131 = tpu.vector_load %arg10[%get3A_129, %get3A_130] {strides = array<i32>} : memref<64x256xf32, #tpu.memory_space<vmem>>, vector<1x16xf32>,
            %get3A_132 = vector.shape_cast %get3A_131 : vector<1x16xf32> to vector<16xf32>
            %get3A_133 = arith.index_cast %scan3A_75 : i32 to index
            %get3A_134 = arith.constant 64 : index
            %get3A_135 = tpu.vector_load %arg11[%get3A_133, %get3A_134] {strides = array<i32>} : memref<64x256xf32, #tpu.memory_space<vmem>>, vector<1x16xf32>,
            %get3A_136 = vector.shape_cast %get3A_135 : vector<1x16xf32> to vector<16xf32>
            %sub3A_137 = arith.subf %get3A_132, %get3A_136 : vector<16xf32>
            %swap3A_138 = arith.index_cast %scan3A_75 : i32 to index
            %swap3A_139 = arith.constant 64 : index
            %swap3A_140 = tpu.vector_load %arg10[%swap3A_138, %swap3A_139] {strides = array<i32>} : memref<64x256xf32, #tpu.memory_space<vmem>>, vector<1x16xf32>,
            %swap3A_141 = vector.shape_cast %swap3A_140 : vector<1x16xf32> to vector<16xf32>
            %swap3A_142 = vector.shape_cast %sub3A_137 : vector<16xf32> to vector<1x16xf32>
            tpu.vector_store %arg10[%swap3A_138, %swap3A_139], %swap3A_142 {strides = array<i32>} : memref<64x256xf32, #tpu.memory_space<vmem>>, vector<1x16xf32>,
            %get3A_143 = arith.index_cast %scan3A_75 : i32 to index
            %get3A_144 = arith.constant 80 : index
            %get3A_145 = tpu.vector_load %arg10[%get3A_143, %get3A_144] {strides = array<i32>} : memref<64x256xf32, #tpu.memory_space<vmem>>, vector<1x16xf32>,
            %get3A_146 = vector.shape_cast %get3A_145 : vector<1x16xf32> to vector<16xf32>
            %get3A_147 = arith.index_cast %scan3A_75 : i32 to index
            %get3A_148 = arith.constant 80 : index
            %get3A_149 = tpu.vector_load %arg11[%get3A_147, %get3A_148] {strides = array<i32>} : memref<64x256xf32, #tpu.memory_space<vmem>>, vector<1x16xf32>,
            %get3A_150 = vector.shape_cast %get3A_149 : vector<1x16xf32> to vector<16xf32>
            %sub3A_151 = arith.subf %get3A_146, %get3A_150 : vector<16xf32>
            %swap3A_152 = arith.index_cast %scan3A_75 : i32 to index
            %swap3A_153 = arith.constant 80 : index
            %swap3A_154 = tpu.vector_load %arg10[%swap3A_152, %swap3A_153] {strides = array<i32>} : memref<64x256xf32, #tpu.memory_space<vmem>>, vector<1x16xf32>,
            %swap3A_155 = vector.shape_cast %swap3A_154 : vector<1x16xf32> to vector<16xf32>
            %swap3A_156 = vector.shape_cast %sub3A_151 : vector<16xf32> to vector<1x16xf32>
            tpu.vector_store %arg10[%swap3A_152, %swap3A_153], %swap3A_156 {strides = array<i32>} : memref<64x256xf32, #tpu.memory_space<vmem>>, vector<1x16xf32>,
            %get3A_157 = arith.index_cast %scan3A_75 : i32 to index
            %get3A_158 = arith.constant 96 : index
            %get3A_159 = tpu.vector_load %arg10[%get3A_157, %get3A_158] {strides = array<i32>} : memref<64x256xf32, #tpu.memory_space<vmem>>, vector<1x16xf32>,
            %get3A_160 = vector.shape_cast %get3A_159 : vector<1x16xf32> to vector<16xf32>
            %get3A_161 = arith.index_cast %scan3A_75 : i32 to index
            %get3A_162 = arith.constant 96 : index
            %get3A_163 = tpu.vector_load %arg11[%get3A_161, %get3A_162] {strides = array<i32>} : memref<64x256xf32, #tpu.memory_space<vmem>>, vector<1x16xf32>,
            %get3A_164 = vector.shape_cast %get3A_163 : vector<1x16xf32> to vector<16xf32>
            %sub3A_165 = arith.subf %get3A_160, %get3A_164 : vector<16xf32>
            %swap3A_166 = arith.index_cast %scan3A_75 : i32 to index
            %swap3A_167 = arith.constant 96 : index
            %swap3A_168 = tpu.vector_load %arg10[%swap3A_166, %swap3A_167] {strides = array<i32>} : memref<64x256xf32, #tpu.memory_space<vmem>>, vector<1x16xf32>,
            %swap3A_169 = vector.shape_cast %swap3A_168 : vector<1x16xf32> to vector<16xf32>
            %swap3A_170 = vector.shape_cast %sub3A_165 : vector<16xf32> to vector<1x16xf32>
            tpu.vector_store %arg10[%swap3A_166, %swap3A_167], %swap3A_170 {strides = array<i32>} : memref<64x256xf32, #tpu.memory_space<vmem>>, vector<1x16xf32>,
            %get3A_171 = arith.index_cast %scan3A_75 : i32 to index
            %get3A_172 = arith.constant 112 : index
            %get3A_173 = tpu.vector_load %arg10[%get3A_171, %get3A_172] {strides = array<i32>} : memref<64x256xf32, #tpu.memory_space<vmem>>, vector<1x16xf32>,
            %get3A_174 = vector.shape_cast %get3A_173 : vector<1x16xf32> to vector<16xf32>
            %get3A_175 = arith.index_cast %scan3A_75 : i32 to index
            %get3A_176 = arith.constant 112 : index
            %get3A_177 = tpu.vector_load %arg11[%get3A_175, %get3A_176] {strides = array<i32>} : memref<64x256xf32, #tpu.memory_space<vmem>>, vector<1x16xf32>,
            %get3A_178 = vector.shape_cast %get3A_177 : vector<1x16xf32> to vector<16xf32>
            %sub3A_179 = arith.subf %get3A_174, %get3A_178 : vector<16xf32>
            %swap3A_180 = arith.index_cast %scan3A_75 : i32 to index
            %swap3A_181 = arith.constant 112 : index
            %swap3A_182 = tpu.vector_load %arg10[%swap3A_180, %swap3A_181] {strides = array<i32>} : memref<64x256xf32, #tpu.memory_space<vmem>>, vector<1x16xf32>,
            %swap3A_183 = vector.shape_cast %swap3A_182 : vector<1x16xf32> to vector<16xf32>
            %swap3A_184 = vector.shape_cast %sub3A_179 : vector<16xf32> to vector<1x16xf32>
            tpu.vector_store %arg10[%swap3A_180, %swap3A_181], %swap3A_184 {strides = array<i32>} : memref<64x256xf32, #tpu.memory_space<vmem>>, vector<1x16xf32>,
            %get3A_185 = arith.index_cast %scan3A_75 : i32 to index
            %get3A_186 = arith.constant 128 : index
            %get3A_187 = tpu.vector_load %arg10[%get3A_185, %get3A_186] {strides = array<i32>} : memref<64x256xf32, #tpu.memory_space<vmem>>, vector<1x16xf32>,
            %get3A_188 = vector.shape_cast %get3A_187 : vector<1x16xf32> to vector<16xf32>
            %get3A_189 = arith.index_cast %scan3A_75 : i32 to index
            %get3A_190 = arith.constant 128 : index
            %get3A_191 = tpu.vector_load %arg11[%get3A_189, %get3A_190] {strides = array<i32>} : memref<64x256xf32, #tpu.memory_space<vmem>>, vector<1x16xf32>,
            %get3A_192 = vector.shape_cast %get3A_191 : vector<1x16xf32> to vector<16xf32>
            %sub3A_193 = arith.subf %get3A_188, %get3A_192 : vector<16xf32>
            %swap3A_194 = arith.index_cast %scan3A_75 : i32 to index
            %swap3A_195 = arith.constant 128 : index
            %swap3A_196 = tpu.vector_load %arg10[%swap3A_194, %swap3A_195] {strides = array<i32>} : memref<64x256xf32, #tpu.memory_space<vmem>>, vector<1x16xf32>,
            %swap3A_197 = vector.shape_cast %swap3A_196 : vector<1x16xf32> to vector<16xf32>
            %swap3A_198 = vector.shape_cast %sub3A_193 : vector<16xf32> to vector<1x16xf32>
            tpu.vector_store %arg10[%swap3A_194, %swap3A_195], %swap3A_198 {strides = array<i32>} : memref<64x256xf32, #tpu.memory_space<vmem>>, vector<1x16xf32>,
            %get3A_199 = arith.index_cast %scan3A_75 : i32 to index
            %get3A_200 = arith.constant 144 : index
            %get3A_201 = tpu.vector_load %arg10[%get3A_199, %get3A_200] {strides = array<i32>} : memref<64x256xf32, #tpu.memory_space<vmem>>, vector<1x16xf32>,
            %get3A_202 = vector.shape_cast %get3A_201 : vector<1x16xf32> to vector<16xf32>
            %get3A_203 = arith.index_cast %scan3A_75 : i32 to index
            %get3A_204 = arith.constant 144 : index
            %get3A_205 = tpu.vector_load %arg11[%get3A_203, %get3A_204] {strides = array<i32>} : memref<64x256xf32, #tpu.memory_space<vmem>>, vector<1x16xf32>,
            %get3A_206 = vector.shape_cast %get3A_205 : vector<1x16xf32> to vector<16xf32>
            %sub3A_207 = arith.subf %get3A_202, %get3A_206 : vector<16xf32>
            %swap3A_208 = arith.index_cast %scan3A_75 : i32 to index
            %swap3A_209 = arith.constant 144 : index
            %swap3A_210 = tpu.vector_load %arg10[%swap3A_208, %swap3A_209] {strides = array<i32>} : memref<64x256xf32, #tpu.memory_space<vmem>>, vector<1x16xf32>,
            %swap3A_211 = vector.shape_cast %swap3A_210 : vector<1x16xf32> to vector<16xf32>
            %swap3A_212 = vector.shape_cast %sub3A_207 : vector<16xf32> to vector<1x16xf32>
            tpu.vector_store %arg10[%swap3A_208, %swap3A_209], %swap3A_212 {strides = array<i32>} : memref<64x256xf32, #tpu.memory_space<vmem>>, vector<1x16xf32>,
            %get3A_213 = arith.index_cast %scan3A_75 : i32 to index
            %get3A_214 = arith.constant 160 : index
            %get3A_215 = tpu.vector_load %arg10[%get3A_213, %get3A_214] {strides = array<i32>} : memref<64x256xf32, #tpu.memory_space<vmem>>, vector<1x16xf32>,
            %get3A_216 = vector.shape_cast %get3A_215 : vector<1x16xf32> to vector<16xf32>
            %get3A_217 = arith.index_cast %scan3A_75 : i32 to index
            %get3A_218 = arith.constant 160 : index
            %get3A_219 = tpu.vector_load %arg11[%get3A_217, %get3A_218] {strides = array<i32>} : memref<64x256xf32, #tpu.memory_space<vmem>>, vector<1x16xf32>,
            %get3A_220 = vector.shape_cast %get3A_219 : vector<1x16xf32> to vector<16xf32>
            %sub3A_221 = arith.subf %get3A_216, %get3A_220 : vector<16xf32>
            %swap3A_222 = arith.index_cast %scan3A_75 : i32 to index
            %swap3A_223 = arith.constant 160 : index
            %swap3A_224 = tpu.vector_load %arg10[%swap3A_222, %swap3A_223] {strides = array<i32>} : memref<64x256xf32, #tpu.memory_space<vmem>>, vector<1x16xf32>,
            %swap3A_225 = vector.shape_cast %swap3A_224 : vector<1x16xf32> to vector<16xf32>
            %swap3A_226 = vector.shape_cast %sub3A_221 : vector<16xf32> to vector<1x16xf32>
            tpu.vector_store %arg10[%swap3A_222, %swap3A_223], %swap3A_226 {strides = array<i32>} : memref<64x256xf32, #tpu.memory_space<vmem>>, vector<1x16xf32>,
            %get3A_227 = arith.index_cast %scan3A_75 : i32 to index
            %get3A_228 = arith.constant 176 : index
            %get3A_229 = tpu.vector_load %arg10[%get3A_227, %get3A_228] {strides = array<i32>} : memref<64x256xf32, #tpu.memory_space<vmem>>, vector<1x16xf32>,
            %get3A_230 = vector.shape_cast %get3A_229 : vector<1x16xf32> to vector<16xf32>
            %get3A_231 = arith.index_cast %scan3A_75 : i32 to index
            %get3A_232 = arith.constant 176 : index
            %get3A_233 = tpu.vector_load %arg11[%get3A_231, %get3A_232] {strides = array<i32>} : memref<64x256xf32, #tpu.memory_space<vmem>>, vector<1x16xf32>,
            %get3A_234 = vector.shape_cast %get3A_233 : vector<1x16xf32> to vector<16xf32>
            %sub3A_235 = arith.subf %get3A_230, %get3A_234 : vector<16xf32>
            %swap3A_236 = arith.index_cast %scan3A_75 : i32 to index
            %swap3A_237 = arith.constant 176 : index
            %swap3A_238 = tpu.vector_load %arg10[%swap3A_236, %swap3A_237] {strides = array<i32>} : memref<64x256xf32, #tpu.memory_space<vmem>>, vector<1x16xf32>,
            %swap3A_239 = vector.shape_cast %swap3A_238 : vector<1x16xf32> to vector<16xf32>
            %swap3A_240 = vector.shape_cast %sub3A_235 : vector<16xf32> to vector<1x16xf32>
            tpu.vector_store %arg10[%swap3A_236, %swap3A_237], %swap3A_240 {strides = array<i32>} : memref<64x256xf32, #tpu.memory_space<vmem>>, vector<1x16xf32>,
            %get3A_241 = arith.index_cast %scan3A_75 : i32 to index
            %get3A_242 = arith.constant 192 : index
            %get3A_243 = tpu.vector_load %arg10[%get3A_241, %get3A_242] {strides = array<i32>} : memref<64x256xf32, #tpu.memory_space<vmem>>, vector<1x16xf32>,
            %get3A_244 = vector.shape_cast %get3A_243 : vector<1x16xf32> to vector<16xf32>
            %get3A_245 = arith.index_cast %scan3A_75 : i32 to index
            %get3A_246 = arith.constant 192 : index
            %get3A_247 = tpu.vector_load %arg11[%get3A_245, %get3A_246] {strides = array<i32>} : memref<64x256xf32, #tpu.memory_space<vmem>>, vector<1x16xf32>,
            %get3A_248 = vector.shape_cast %get3A_247 : vector<1x16xf32> to vector<16xf32>
            %sub3A_249 = arith.subf %get3A_244, %get3A_248 : vector<16xf32>
            %swap3A_250 = arith.index_cast %scan3A_75 : i32 to index
            %swap3A_251 = arith.constant 192 : index
            %swap3A_252 = tpu.vector_load %arg10[%swap3A_250, %swap3A_251] {strides = array<i32>} : memref<64x256xf32, #tpu.memory_space<vmem>>, vector<1x16xf32>,
            %swap3A_253 = vector.shape_cast %swap3A_252 : vector<1x16xf32> to vector<16xf32>
            %swap3A_254 = vector.shape_cast %sub3A_249 : vector<16xf32> to vector<1x16xf32>
            tpu.vector_store %arg10[%swap3A_250, %swap3A_251], %swap3A_254 {strides = array<i32>} : memref<64x256xf32, #tpu.memory_space<vmem>>, vector<1x16xf32>,
            %get3A_255 = arith.index_cast %scan3A_75 : i32 to index
            %get3A_256 = arith.constant 208 : index
            %get3A_257 = tpu.vector_load %arg10[%get3A_255, %get3A_256] {strides = array<i32>} : memref<64x256xf32, #tpu.memory_space<vmem>>, vector<1x16xf32>,
            %get3A_258 = vector.shape_cast %get3A_257 : vector<1x16xf32> to vector<16xf32>
            %get3A_259 = arith.index_cast %scan3A_75 : i32 to index
            %get3A_260 = arith.constant 208 : index
            %get3A_261 = tpu.vector_load %arg11[%get3A_259, %get3A_260] {strides = array<i32>} : memref<64x256xf32, #tpu.memory_space<vmem>>, vector<1x16xf32>,
            %get3A_262 = vector.shape_cast %get3A_261 : vector<1x16xf32> to vector<16xf32>
            %sub3A_263 = arith.subf %get3A_258, %get3A_262 : vector<16xf32>
            %swap3A_264 = arith.index_cast %scan3A_75 : i32 to index
            %swap3A_265 = arith.constant 208 : index
            %swap3A_266 = tpu.vector_load %arg10[%swap3A_264, %swap3A_265] {strides = array<i32>} : memref<64x256xf32, #tpu.memory_space<vmem>>, vector<1x16xf32>,
            %swap3A_267 = vector.shape_cast %swap3A_266 : vector<1x16xf32> to vector<16xf32>
            %swap3A_268 = vector.shape_cast %sub3A_263 : vector<16xf32> to vector<1x16xf32>
            tpu.vector_store %arg10[%swap3A_264, %swap3A_265], %swap3A_268 {strides = array<i32>} : memref<64x256xf32, #tpu.memory_space<vmem>>, vector<1x16xf32>,
            %get3A_269 = arith.index_cast %scan3A_75 : i32 to index
            %get3A_270 = arith.constant 224 : index
            %get3A_271 = tpu.vector_load %arg10[%get3A_269, %get3A_270] {strides = array<i32>} : memref<64x256xf32, #tpu.memory_space<vmem>>, vector<1x16xf32>,
            %get3A_272 = vector.shape_cast %get3A_271 : vector<1x16xf32> to vector<16xf32>
            %get3A_273 = arith.index_cast %scan3A_75 : i32 to index
            %get3A_274 = arith.constant 224 : index
            %get3A_275 = tpu.vector_load %arg11[%get3A_273, %get3A_274] {strides = array<i32>} : memref<64x256xf32, #tpu.memory_space<vmem>>, vector<1x16xf32>,
            %get3A_276 = vector.shape_cast %get3A_275 : vector<1x16xf32> to vector<16xf32>
            %sub3A_277 = arith.subf %get3A_272, %get3A_276 : vector<16xf32>
            %swap3A_278 = arith.index_cast %scan3A_75 : i32 to index
            %swap3A_279 = arith.constant 224 : index
            %swap3A_280 = tpu.vector_load %arg10[%swap3A_278, %swap3A_279] {strides = array<i32>} : memref<64x256xf32, #tpu.memory_space<vmem>>, vector<1x16xf32>,
            %swap3A_281 = vector.shape_cast %swap3A_280 : vector<1x16xf32> to vector<16xf32>
            %swap3A_282 = vector.shape_cast %sub3A_277 : vector<16xf32> to vector<1x16xf32>
            tpu.vector_store %arg10[%swap3A_278, %swap3A_279], %swap3A_282 {strides = array<i32>} : memref<64x256xf32, #tpu.memory_space<vmem>>, vector<1x16xf32>,
            %get3A_283 = arith.index_cast %scan3A_75 : i32 to index
            %get3A_284 = arith.constant 240 : index
            %get3A_285 = tpu.vector_load %arg10[%get3A_283, %get3A_284] {strides = array<i32>} : memref<64x256xf32, #tpu.memory_space<vmem>>, vector<1x16xf32>,
            %get3A_286 = vector.shape_cast %get3A_285 : vector<1x16xf32> to vector<16xf32>
            %get3A_287 = arith.index_cast %scan3A_75 : i32 to index
            %get3A_288 = arith.constant 240 : index
            %get3A_289 = tpu.vector_load %arg11[%get3A_287, %get3A_288] {strides = array<i32>} : memref<64x256xf32, #tpu.memory_space<vmem>>, vector<1x16xf32>,
            %get3A_290 = vector.shape_cast %get3A_289 : vector<1x16xf32> to vector<16xf32>
            %sub3A_291 = arith.subf %get3A_286, %get3A_290 : vector<16xf32>
            %swap3A_292 = arith.index_cast %scan3A_75 : i32 to index
            %swap3A_293 = arith.constant 240 : index
            %swap3A_294 = tpu.vector_load %arg10[%swap3A_292, %swap3A_293] {strides = array<i32>} : memref<64x256xf32, #tpu.memory_space<vmem>>, vector<1x16xf32>,
            %swap3A_295 = vector.shape_cast %swap3A_294 : vector<1x16xf32> to vector<16xf32>
            %swap3A_296 = vector.shape_cast %sub3A_291 : vector<16xf32> to vector<1x16xf32>
            tpu.vector_store %arg10[%swap3A_292, %swap3A_293], %swap3A_296 {strides = array<i32>} : memref<64x256xf32, #tpu.memory_space<vmem>>, vector<1x16xf32>,
          }
          %scan3A_74 = arith.constant 64 : i32
          "tpu.region"() ({
            %run_scoped3A = tpu.sem_alloc : memref<!tpu.dma_semaphore, #tpu.memory_space<semaphore_mem>>
            %dma_start3A_75 = arith.constant 0 : i32
            %dma_start3A_76 = tpu.memref_slice %arg5[%mul3A_63, %dma_start3A_75] : memref<160000x256xf32, #tpu.memory_space<hbm>> -> memref<64x256xf32, #tpu.memory_space<hbm>>
            %dma_start3A_77 = arith.constant 0 : i32
            %dma_start3A_78 = tpu.memref_slice %arg5[%mul3A_63, %dma_start3A_77] : memref<160000x256xf32, #tpu.memory_space<hbm>> -> memref<64x256xf32, #tpu.memory_space<hbm>>
            tpu.enqueue_dma source(%arg10 : memref<64x256xf32, #tpu.memory_space<vmem>>) target(%dma_start3A_78 : memref<64x256xf32, #tpu.memory_space<hbm>>) target_semaphore(%run_scoped3A : memref<!tpu.dma_semaphore, #tpu.memory_space<semaphore_mem>>)
            %dma_wait3A_79 = arith.constant 0 : i32
            %dma_wait3A_80 = tpu.memref_slice %arg5[%mul3A_63, %dma_wait3A_79] : memref<160000x256xf32, #tpu.memory_space<hbm>> -> memref<64x256xf32, #tpu.memory_space<hbm>>
            %dma_wait3A_81 = arith.constant 0 : i32
            %dma_wait3A_82 = tpu.memref_slice %arg5[%mul3A_63, %dma_wait3A_81] : memref<160000x256xf32, #tpu.memory_space<hbm>> -> memref<64x256xf32, #tpu.memory_space<hbm>>
            tpu.wait_dma2 semaphore(%run_scoped3A : memref<!tpu.dma_semaphore, #tpu.memory_space<semaphore_mem>>) src(%arg10 : memref<64x256xf32, #tpu.memory_space<vmem>>) dst(%dma_wait3A_82 : memref<64x256xf32, #tpu.memory_space<hbm>>)
            tpu.yield
          }) : () -> ()
        } else {
        }
      } else {
      }
      %jit3A_31 = arith.constant 2 : i32
      %eq3A_32 = arith.constant 0 : i32
      %eq3A_33 = arith.cmpi eq, %jit3A_31, %eq3A_32 : i32
      %jit3A_34 = arith.constant 1 : i32
      %select_n3A_35 = arith.select %eq3A_33, %jit3A_34, %jit3A_31 : i32
      %rem3A_36 = arith.remsi %scan3A_13, %select_n3A_35 : i32
      %ne3A_37 = arith.constant 0 : i32
      %ne3A_38 = arith.cmpi ne, %rem3A_36, %ne3A_37 : i32
      %lt3A_39 = arith.constant 0 : i32
      %lt3A_40 = arith.cmpi slt, %rem3A_36, %lt3A_39 : i32
      %lt3A_41 = arith.constant 0 : i32
      %lt3A_42 = arith.cmpi slt, %select_n3A_35, %lt3A_41 : i32
      %ne3A_43 = arith.xori %lt3A_40, %lt3A_42 : i1
      %and3A_44 = arith.andi %ne3A_43, %ne3A_38 : i1
      %add3A_45 = arith.addi %rem3A_36, %select_n3A_35 : i32
      %select_n3A_46 = arith.select %and3A_44, %add3A_45, %rem3A_36 : i32
      %eq3A_47 = arith.constant 1 : i32
      %eq3A_48 = arith.cmpi eq, %select_n3A_46, %eq3A_47 : i32
      %convert_element_type3A_49 = arith.extui %eq3A_48 : i1 to i32
      %cond3A_50 = arith.constant 0 : i32
      %cond3A_51 = arith.cmpi ne, %convert_element_type3A_49, %cond3A_50 : i32
      scf.if %cond3A_51 {
        %lt3A_52 = arith.constant 2500 : i32
        %lt3A_53 = arith.cmpi slt, %add3A_18, %lt3A_52 : i32
        %convert_element_type3A_54 = arith.extui %lt3A_53 : i1 to i32
        %cond3A_55 = arith.constant 0 : i32
        %cond3A_56 = arith.cmpi ne, %convert_element_type3A_54, %cond3A_55 : i32
        scf.if %cond3A_56 {
          %mul3A_62 = arith.constant 64 : i32
          %mul3A_63 = arith.muli %add3A_18, %mul3A_62 : i32
          "tpu.region"() ({
            %run_scoped3A = tpu.sem_alloc : memref<!tpu.dma_semaphore, #tpu.memory_space<semaphore_mem>>
            %dma_start3A_70 = tpu.memref_slice %arg3[%mul3A_63] : memref<160000xi32, #tpu.memory_space<hbm>> -> memref<64xi32, #tpu.memory_space<hbm>>
            %dma_start3A_71 = tpu.memref_slice %arg3[%mul3A_63] : memref<160000xi32, #tpu.memory_space<hbm>> -> memref<64xi32, #tpu.memory_space<hbm>>
            tpu.enqueue_dma source(%dma_start3A_71 : memref<64xi32, #tpu.memory_space<hbm>>) target(%arg6 : memref<64xi32, #tpu.memory_space<vmem>>) target_semaphore(%run_scoped3A : memref<!tpu.dma_semaphore, #tpu.memory_space<semaphore_mem>>)
            %dma_wait3A = tpu.memref_slice %arg3[%mul3A_63] : memref<160000xi32, #tpu.memory_space<hbm>> -> memref<64xi32, #tpu.memory_space<hbm>>
            %dma_wait3A_72 = tpu.memref_slice %arg3[%mul3A_63] : memref<160000xi32, #tpu.memory_space<hbm>> -> memref<64xi32, #tpu.memory_space<hbm>>
            tpu.wait_dma2 semaphore(%run_scoped3A : memref<!tpu.dma_semaphore, #tpu.memory_space<semaphore_mem>>) src(%dma_wait3A_72 : memref<64xi32, #tpu.memory_space<hbm>>) dst(%arg6 : memref<64xi32, #tpu.memory_space<vmem>>)
            tpu.yield
          }) : () -> ()
          "tpu.region"() ({
            %run_scoped3A = tpu.sem_alloc : memref<!tpu.dma_semaphore, #tpu.memory_space<semaphore_mem>>
            %dma_start3A_70 = tpu.memref_slice %arg4[%mul3A_63] : memref<160000xi32, #tpu.memory_space<hbm>> -> memref<64xi32, #tpu.memory_space<hbm>>
            %dma_start3A_71 = tpu.memref_slice %arg4[%mul3A_63] : memref<160000xi32, #tpu.memory_space<hbm>> -> memref<64xi32, #tpu.memory_space<hbm>>
            tpu.enqueue_dma source(%dma_start3A_71 : memref<64xi32, #tpu.memory_space<hbm>>) target(%arg7 : memref<64xi32, #tpu.memory_space<vmem>>) target_semaphore(%run_scoped3A : memref<!tpu.dma_semaphore, #tpu.memory_space<semaphore_mem>>)
            %dma_wait3A = tpu.memref_slice %arg4[%mul3A_63] : memref<160000xi32, #tpu.memory_space<hbm>> -> memref<64xi32, #tpu.memory_space<hbm>>
            %dma_wait3A_72 = tpu.memref_slice %arg4[%mul3A_63] : memref<160000xi32, #tpu.memory_space<hbm>> -> memref<64xi32, #tpu.memory_space<hbm>>
            tpu.wait_dma2 semaphore(%run_scoped3A : memref<!tpu.dma_semaphore, #tpu.memory_space<semaphore_mem>>) src(%dma_wait3A_72 : memref<64xi32, #tpu.memory_space<hbm>>) dst(%arg7 : memref<64xi32, #tpu.memory_space<vmem>>)
            tpu.yield
          }) : () -> ()
          %dma_start3A_64 = arith.constant 0 : i32
          %dma_start3A_65 = arith.constant 0 : i32
          %dma_start3A_66 = tpu.memref_slice %arg2[%dma_start3A_64, %dma_start3A_65] : memref<10000x256xf32, #tpu.memory_space<hbm>> -> memref<10000x256xf32, #tpu.memory_space<hbm>>
          tpu.enqueue_indirect_dma source(%dma_start3A_66 : memref<10000x256xf32, #tpu.memory_space<hbm>>) target(%arg10 : memref<64x256xf32, #tpu.memory_space<vmem>>) offsets(%arg6 : memref<64xi32, #tpu.memory_space<vmem>>) semaphore(%arg14 : memref<!tpu.dma_semaphore, #tpu.memory_space<semaphore_mem>>)
          %dma_start3A_67 = arith.constant 0 : i32
          %dma_start3A_68 = arith.constant 0 : i32
          %dma_start3A_69 = tpu.memref_slice %arg2[%dma_start3A_67, %dma_start3A_68] : memref<10000x256xf32, #tpu.memory_space<hbm>> -> memref<10000x256xf32, #tpu.memory_space<hbm>>
          tpu.enqueue_indirect_dma source(%dma_start3A_69 : memref<10000x256xf32, #tpu.memory_space<hbm>>) target(%arg11 : memref<64x256xf32, #tpu.memory_space<vmem>>) offsets(%arg7 : memref<64xi32, #tpu.memory_space<vmem>>) semaphore(%arg15 : memref<!tpu.dma_semaphore, #tpu.memory_space<semaphore_mem>>)
        } else {
        }
        %lt3A_57 = arith.constant 2500 : i32
        %lt3A_58 = arith.cmpi slt, %add3A_16, %lt3A_57 : i32
        %convert_element_type3A_59 = arith.extui %lt3A_58 : i1 to i32
        %cond3A_60 = arith.constant 0 : i32
        %cond3A_61 = arith.cmpi ne, %convert_element_type3A_59, %cond3A_60 : i32
        scf.if %cond3A_61 {
          %mul3A_62 = arith.constant 64 : i32
          %mul3A_63 = arith.muli %add3A_16, %mul3A_62 : i32
          %dma_wait3A = arith.constant 0 : i32
          %dma_wait3A_64 = arith.constant 0 : i32
          %dma_wait3A_65 = tpu.memref_slice %arg2[%dma_wait3A, %dma_wait3A_64] : memref<10000x256xf32, #tpu.memory_space<hbm>> -> memref<10000x256xf32, #tpu.memory_space<hbm>>
          tpu.wait_indirect_dma semaphore(%arg16 : memref<!tpu.dma_semaphore, #tpu.memory_space<semaphore_mem>>) src(%dma_wait3A_65 : memref<10000x256xf32, #tpu.memory_space<hbm>>) dst(%arg12 : memref<64x256xf32, #tpu.memory_space<vmem>>)
          %dma_wait3A_66 = arith.constant 0 : i32
          %dma_wait3A_67 = arith.constant 0 : i32
          %dma_wait3A_68 = tpu.memref_slice %arg2[%dma_wait3A_66, %dma_wait3A_67] : memref<10000x256xf32, #tpu.memory_space<hbm>> -> memref<10000x256xf32, #tpu.memory_space<hbm>>
          tpu.wait_indirect_dma semaphore(%arg17 : memref<!tpu.dma_semaphore, #tpu.memory_space<semaphore_mem>>) src(%dma_wait3A_68 : memref<10000x256xf32, #tpu.memory_space<hbm>>) dst(%arg13 : memref<64x256xf32, #tpu.memory_space<vmem>>)
          %scan3A_69 = arith.constant 0 : i32
          %scan3A_70 = arith.constant 0 : i32
          %scan3A_71 = arith.constant 64 : i32
          %scan3A_72 = arith.addi %scan3A_70, %scan3A_71 : i32
          %scan3A_73 = arith.constant 1 : i32
          scf.for %scan3A_75 = %scan3A_70 to %scan3A_72 step %scan3A_73  : i32 {
            %get3A = arith.index_cast %scan3A_75 : i32 to index
            %get3A_76 = arith.constant 0 : index
            %get3A_77 = tpu.vector_load %arg12[%get3A, %get3A_76] {strides = array<i32>} : memref<64x256xf32, #tpu.memory_space<vmem>>, vector<1x16xf32>,
            %get3A_78 = vector.shape_cast %get3A_77 : vector<1x16xf32> to vector<16xf32>
            %get3A_79 = arith.index_cast %scan3A_75 : i32 to index
            %get3A_80 = arith.constant 0 : index
            %get3A_81 = tpu.vector_load %arg13[%get3A_79, %get3A_80] {strides = array<i32>} : memref<64x256xf32, #tpu.memory_space<vmem>>, vector<1x16xf32>,
            %get3A_82 = vector.shape_cast %get3A_81 : vector<1x16xf32> to vector<16xf32>
            %sub3A = arith.subf %get3A_78, %get3A_82 : vector<16xf32>
            %swap3A = arith.index_cast %scan3A_75 : i32 to index
            %swap3A_83 = arith.constant 0 : index
            %swap3A_84 = tpu.vector_load %arg12[%swap3A, %swap3A_83] {strides = array<i32>} : memref<64x256xf32, #tpu.memory_space<vmem>>, vector<1x16xf32>,
            %swap3A_85 = vector.shape_cast %swap3A_84 : vector<1x16xf32> to vector<16xf32>
            %swap3A_86 = vector.shape_cast %sub3A : vector<16xf32> to vector<1x16xf32>
            tpu.vector_store %arg12[%swap3A, %swap3A_83], %swap3A_86 {strides = array<i32>} : memref<64x256xf32, #tpu.memory_space<vmem>>, vector<1x16xf32>,
            %get3A_87 = arith.index_cast %scan3A_75 : i32 to index
            %get3A_88 = arith.constant 16 : index
            %get3A_89 = tpu.vector_load %arg12[%get3A_87, %get3A_88] {strides = array<i32>} : memref<64x256xf32, #tpu.memory_space<vmem>>, vector<1x16xf32>,
            %get3A_90 = vector.shape_cast %get3A_89 : vector<1x16xf32> to vector<16xf32>
            %get3A_91 = arith.index_cast %scan3A_75 : i32 to index
            %get3A_92 = arith.constant 16 : index
            %get3A_93 = tpu.vector_load %arg13[%get3A_91, %get3A_92] {strides = array<i32>} : memref<64x256xf32, #tpu.memory_space<vmem>>, vector<1x16xf32>,
            %get3A_94 = vector.shape_cast %get3A_93 : vector<1x16xf32> to vector<16xf32>
            %sub3A_95 = arith.subf %get3A_90, %get3A_94 : vector<16xf32>
            %swap3A_96 = arith.index_cast %scan3A_75 : i32 to index
            %swap3A_97 = arith.constant 16 : index
            %swap3A_98 = tpu.vector_load %arg12[%swap3A_96, %swap3A_97] {strides = array<i32>} : memref<64x256xf32, #tpu.memory_space<vmem>>, vector<1x16xf32>,
            %swap3A_99 = vector.shape_cast %swap3A_98 : vector<1x16xf32> to vector<16xf32>
            %swap3A_100 = vector.shape_cast %sub3A_95 : vector<16xf32> to vector<1x16xf32>
            tpu.vector_store %arg12[%swap3A_96, %swap3A_97], %swap3A_100 {strides = array<i32>} : memref<64x256xf32, #tpu.memory_space<vmem>>, vector<1x16xf32>,
            %get3A_101 = arith.index_cast %scan3A_75 : i32 to index
            %get3A_102 = arith.constant 32 : index
            %get3A_103 = tpu.vector_load %arg12[%get3A_101, %get3A_102] {strides = array<i32>} : memref<64x256xf32, #tpu.memory_space<vmem>>, vector<1x16xf32>,
            %get3A_104 = vector.shape_cast %get3A_103 : vector<1x16xf32> to vector<16xf32>
            %get3A_105 = arith.index_cast %scan3A_75 : i32 to index
            %get3A_106 = arith.constant 32 : index
            %get3A_107 = tpu.vector_load %arg13[%get3A_105, %get3A_106] {strides = array<i32>} : memref<64x256xf32, #tpu.memory_space<vmem>>, vector<1x16xf32>,
            %get3A_108 = vector.shape_cast %get3A_107 : vector<1x16xf32> to vector<16xf32>
            %sub3A_109 = arith.subf %get3A_104, %get3A_108 : vector<16xf32>
            %swap3A_110 = arith.index_cast %scan3A_75 : i32 to index
            %swap3A_111 = arith.constant 32 : index
            %swap3A_112 = tpu.vector_load %arg12[%swap3A_110, %swap3A_111] {strides = array<i32>} : memref<64x256xf32, #tpu.memory_space<vmem>>, vector<1x16xf32>,
            %swap3A_113 = vector.shape_cast %swap3A_112 : vector<1x16xf32> to vector<16xf32>
            %swap3A_114 = vector.shape_cast %sub3A_109 : vector<16xf32> to vector<1x16xf32>
            tpu.vector_store %arg12[%swap3A_110, %swap3A_111], %swap3A_114 {strides = array<i32>} : memref<64x256xf32, #tpu.memory_space<vmem>>, vector<1x16xf32>,
            %get3A_115 = arith.index_cast %scan3A_75 : i32 to index
            %get3A_116 = arith.constant 48 : index
            %get3A_117 = tpu.vector_load %arg12[%get3A_115, %get3A_116] {strides = array<i32>} : memref<64x256xf32, #tpu.memory_space<vmem>>, vector<1x16xf32>,
            %get3A_118 = vector.shape_cast %get3A_117 : vector<1x16xf32> to vector<16xf32>
            %get3A_119 = arith.index_cast %scan3A_75 : i32 to index
            %get3A_120 = arith.constant 48 : index
            %get3A_121 = tpu.vector_load %arg13[%get3A_119, %get3A_120] {strides = array<i32>} : memref<64x256xf32, #tpu.memory_space<vmem>>, vector<1x16xf32>,
            %get3A_122 = vector.shape_cast %get3A_121 : vector<1x16xf32> to vector<16xf32>
            %sub3A_123 = arith.subf %get3A_118, %get3A_122 : vector<16xf32>
            %swap3A_124 = arith.index_cast %scan3A_75 : i32 to index
            %swap3A_125 = arith.constant 48 : index
            %swap3A_126 = tpu.vector_load %arg12[%swap3A_124, %swap3A_125] {strides = array<i32>} : memref<64x256xf32, #tpu.memory_space<vmem>>, vector<1x16xf32>,
            %swap3A_127 = vector.shape_cast %swap3A_126 : vector<1x16xf32> to vector<16xf32>
            %swap3A_128 = vector.shape_cast %sub3A_123 : vector<16xf32> to vector<1x16xf32>
            tpu.vector_store %arg12[%swap3A_124, %swap3A_125], %swap3A_128 {strides = array<i32>} : memref<64x256xf32, #tpu.memory_space<vmem>>, vector<1x16xf32>,
            %get3A_129 = arith.index_cast %scan3A_75 : i32 to index
            %get3A_130 = arith.constant 64 : index
            %get3A_131 = tpu.vector_load %arg12[%get3A_129, %get3A_130] {strides = array<i32>} : memref<64x256xf32, #tpu.memory_space<vmem>>, vector<1x16xf32>,
            %get3A_132 = vector.shape_cast %get3A_131 : vector<1x16xf32> to vector<16xf32>
            %get3A_133 = arith.index_cast %scan3A_75 : i32 to index
            %get3A_134 = arith.constant 64 : index
            %get3A_135 = tpu.vector_load %arg13[%get3A_133, %get3A_134] {strides = array<i32>} : memref<64x256xf32, #tpu.memory_space<vmem>>, vector<1x16xf32>,
            %get3A_136 = vector.shape_cast %get3A_135 : vector<1x16xf32> to vector<16xf32>
            %sub3A_137 = arith.subf %get3A_132, %get3A_136 : vector<16xf32>
            %swap3A_138 = arith.index_cast %scan3A_75 : i32 to index
            %swap3A_139 = arith.constant 64 : index
            %swap3A_140 = tpu.vector_load %arg12[%swap3A_138, %swap3A_139] {strides = array<i32>} : memref<64x256xf32, #tpu.memory_space<vmem>>, vector<1x16xf32>,
            %swap3A_141 = vector.shape_cast %swap3A_140 : vector<1x16xf32> to vector<16xf32>
            %swap3A_142 = vector.shape_cast %sub3A_137 : vector<16xf32> to vector<1x16xf32>
            tpu.vector_store %arg12[%swap3A_138, %swap3A_139], %swap3A_142 {strides = array<i32>} : memref<64x256xf32, #tpu.memory_space<vmem>>, vector<1x16xf32>,
            %get3A_143 = arith.index_cast %scan3A_75 : i32 to index
            %get3A_144 = arith.constant 80 : index
            %get3A_145 = tpu.vector_load %arg12[%get3A_143, %get3A_144] {strides = array<i32>} : memref<64x256xf32, #tpu.memory_space<vmem>>, vector<1x16xf32>,
            %get3A_146 = vector.shape_cast %get3A_145 : vector<1x16xf32> to vector<16xf32>
            %get3A_147 = arith.index_cast %scan3A_75 : i32 to index
            %get3A_148 = arith.constant 80 : index
            %get3A_149 = tpu.vector_load %arg13[%get3A_147, %get3A_148] {strides = array<i32>} : memref<64x256xf32, #tpu.memory_space<vmem>>, vector<1x16xf32>,
            %get3A_150 = vector.shape_cast %get3A_149 : vector<1x16xf32> to vector<16xf32>
            %sub3A_151 = arith.subf %get3A_146, %get3A_150 : vector<16xf32>
            %swap3A_152 = arith.index_cast %scan3A_75 : i32 to index
            %swap3A_153 = arith.constant 80 : index
            %swap3A_154 = tpu.vector_load %arg12[%swap3A_152, %swap3A_153] {strides = array<i32>} : memref<64x256xf32, #tpu.memory_space<vmem>>, vector<1x16xf32>,
            %swap3A_155 = vector.shape_cast %swap3A_154 : vector<1x16xf32> to vector<16xf32>
            %swap3A_156 = vector.shape_cast %sub3A_151 : vector<16xf32> to vector<1x16xf32>
            tpu.vector_store %arg12[%swap3A_152, %swap3A_153], %swap3A_156 {strides = array<i32>} : memref<64x256xf32, #tpu.memory_space<vmem>>, vector<1x16xf32>,
            %get3A_157 = arith.index_cast %scan3A_75 : i32 to index
            %get3A_158 = arith.constant 96 : index
            %get3A_159 = tpu.vector_load %arg12[%get3A_157, %get3A_158] {strides = array<i32>} : memref<64x256xf32, #tpu.memory_space<vmem>>, vector<1x16xf32>,
            %get3A_160 = vector.shape_cast %get3A_159 : vector<1x16xf32> to vector<16xf32>
            %get3A_161 = arith.index_cast %scan3A_75 : i32 to index
            %get3A_162 = arith.constant 96 : index
            %get3A_163 = tpu.vector_load %arg13[%get3A_161, %get3A_162] {strides = array<i32>} : memref<64x256xf32, #tpu.memory_space<vmem>>, vector<1x16xf32>,
            %get3A_164 = vector.shape_cast %get3A_163 : vector<1x16xf32> to vector<16xf32>
            %sub3A_165 = arith.subf %get3A_160, %get3A_164 : vector<16xf32>
            %swap3A_166 = arith.index_cast %scan3A_75 : i32 to index
            %swap3A_167 = arith.constant 96 : index
            %swap3A_168 = tpu.vector_load %arg12[%swap3A_166, %swap3A_167] {strides = array<i32>} : memref<64x256xf32, #tpu.memory_space<vmem>>, vector<1x16xf32>,
            %swap3A_169 = vector.shape_cast %swap3A_168 : vector<1x16xf32> to vector<16xf32>
            %swap3A_170 = vector.shape_cast %sub3A_165 : vector<16xf32> to vector<1x16xf32>
            tpu.vector_store %arg12[%swap3A_166, %swap3A_167], %swap3A_170 {strides = array<i32>} : memref<64x256xf32, #tpu.memory_space<vmem>>, vector<1x16xf32>,
            %get3A_171 = arith.index_cast %scan3A_75 : i32 to index
            %get3A_172 = arith.constant 112 : index
            %get3A_173 = tpu.vector_load %arg12[%get3A_171, %get3A_172] {strides = array<i32>} : memref<64x256xf32, #tpu.memory_space<vmem>>, vector<1x16xf32>,
            %get3A_174 = vector.shape_cast %get3A_173 : vector<1x16xf32> to vector<16xf32>
            %get3A_175 = arith.index_cast %scan3A_75 : i32 to index
            %get3A_176 = arith.constant 112 : index
            %get3A_177 = tpu.vector_load %arg13[%get3A_175, %get3A_176] {strides = array<i32>} : memref<64x256xf32, #tpu.memory_space<vmem>>, vector<1x16xf32>,
            %get3A_178 = vector.shape_cast %get3A_177 : vector<1x16xf32> to vector<16xf32>
            %sub3A_179 = arith.subf %get3A_174, %get3A_178 : vector<16xf32>
            %swap3A_180 = arith.index_cast %scan3A_75 : i32 to index
            %swap3A_181 = arith.constant 112 : index
            %swap3A_182 = tpu.vector_load %arg12[%swap3A_180, %swap3A_181] {strides = array<i32>} : memref<64x256xf32, #tpu.memory_space<vmem>>, vector<1x16xf32>,
            %swap3A_183 = vector.shape_cast %swap3A_182 : vector<1x16xf32> to vector<16xf32>
            %swap3A_184 = vector.shape_cast %sub3A_179 : vector<16xf32> to vector<1x16xf32>
            tpu.vector_store %arg12[%swap3A_180, %swap3A_181], %swap3A_184 {strides = array<i32>} : memref<64x256xf32, #tpu.memory_space<vmem>>, vector<1x16xf32>,
            %get3A_185 = arith.index_cast %scan3A_75 : i32 to index
            %get3A_186 = arith.constant 128 : index
            %get3A_187 = tpu.vector_load %arg12[%get3A_185, %get3A_186] {strides = array<i32>} : memref<64x256xf32, #tpu.memory_space<vmem>>, vector<1x16xf32>,
            %get3A_188 = vector.shape_cast %get3A_187 : vector<1x16xf32> to vector<16xf32>
            %get3A_189 = arith.index_cast %scan3A_75 : i32 to index
            %get3A_190 = arith.constant 128 : index
            %get3A_191 = tpu.vector_load %arg13[%get3A_189, %get3A_190] {strides = array<i32>} : memref<64x256xf32, #tpu.memory_space<vmem>>, vector<1x16xf32>,
            %get3A_192 = vector.shape_cast %get3A_191 : vector<1x16xf32> to vector<16xf32>
            %sub3A_193 = arith.subf %get3A_188, %get3A_192 : vector<16xf32>
            %swap3A_194 = arith.index_cast %scan3A_75 : i32 to index
            %swap3A_195 = arith.constant 128 : index
            %swap3A_196 = tpu.vector_load %arg12[%swap3A_194, %swap3A_195] {strides = array<i32>} : memref<64x256xf32, #tpu.memory_space<vmem>>, vector<1x16xf32>,
            %swap3A_197 = vector.shape_cast %swap3A_196 : vector<1x16xf32> to vector<16xf32>
            %swap3A_198 = vector.shape_cast %sub3A_193 : vector<16xf32> to vector<1x16xf32>
            tpu.vector_store %arg12[%swap3A_194, %swap3A_195], %swap3A_198 {strides = array<i32>} : memref<64x256xf32, #tpu.memory_space<vmem>>, vector<1x16xf32>,
            %get3A_199 = arith.index_cast %scan3A_75 : i32 to index
            %get3A_200 = arith.constant 144 : index
            %get3A_201 = tpu.vector_load %arg12[%get3A_199, %get3A_200] {strides = array<i32>} : memref<64x256xf32, #tpu.memory_space<vmem>>, vector<1x16xf32>,
            %get3A_202 = vector.shape_cast %get3A_201 : vector<1x16xf32> to vector<16xf32>
            %get3A_203 = arith.index_cast %scan3A_75 : i32 to index
            %get3A_204 = arith.constant 144 : index
            %get3A_205 = tpu.vector_load %arg13[%get3A_203, %get3A_204] {strides = array<i32>} : memref<64x256xf32, #tpu.memory_space<vmem>>, vector<1x16xf32>,
            %get3A_206 = vector.shape_cast %get3A_205 : vector<1x16xf32> to vector<16xf32>
            %sub3A_207 = arith.subf %get3A_202, %get3A_206 : vector<16xf32>
            %swap3A_208 = arith.index_cast %scan3A_75 : i32 to index
            %swap3A_209 = arith.constant 144 : index
            %swap3A_210 = tpu.vector_load %arg12[%swap3A_208, %swap3A_209] {strides = array<i32>} : memref<64x256xf32, #tpu.memory_space<vmem>>, vector<1x16xf32>,
            %swap3A_211 = vector.shape_cast %swap3A_210 : vector<1x16xf32> to vector<16xf32>
            %swap3A_212 = vector.shape_cast %sub3A_207 : vector<16xf32> to vector<1x16xf32>
            tpu.vector_store %arg12[%swap3A_208, %swap3A_209], %swap3A_212 {strides = array<i32>} : memref<64x256xf32, #tpu.memory_space<vmem>>, vector<1x16xf32>,
            %get3A_213 = arith.index_cast %scan3A_75 : i32 to index
            %get3A_214 = arith.constant 160 : index
            %get3A_215 = tpu.vector_load %arg12[%get3A_213, %get3A_214] {strides = array<i32>} : memref<64x256xf32, #tpu.memory_space<vmem>>, vector<1x16xf32>,
            %get3A_216 = vector.shape_cast %get3A_215 : vector<1x16xf32> to vector<16xf32>
            %get3A_217 = arith.index_cast %scan3A_75 : i32 to index
            %get3A_218 = arith.constant 160 : index
            %get3A_219 = tpu.vector_load %arg13[%get3A_217, %get3A_218] {strides = array<i32>} : memref<64x256xf32, #tpu.memory_space<vmem>>, vector<1x16xf32>,
            %get3A_220 = vector.shape_cast %get3A_219 : vector<1x16xf32> to vector<16xf32>
            %sub3A_221 = arith.subf %get3A_216, %get3A_220 : vector<16xf32>
            %swap3A_222 = arith.index_cast %scan3A_75 : i32 to index
            %swap3A_223 = arith.constant 160 : index
            %swap3A_224 = tpu.vector_load %arg12[%swap3A_222, %swap3A_223] {strides = array<i32>} : memref<64x256xf32, #tpu.memory_space<vmem>>, vector<1x16xf32>,
            %swap3A_225 = vector.shape_cast %swap3A_224 : vector<1x16xf32> to vector<16xf32>
            %swap3A_226 = vector.shape_cast %sub3A_221 : vector<16xf32> to vector<1x16xf32>
            tpu.vector_store %arg12[%swap3A_222, %swap3A_223], %swap3A_226 {strides = array<i32>} : memref<64x256xf32, #tpu.memory_space<vmem>>, vector<1x16xf32>,
            %get3A_227 = arith.index_cast %scan3A_75 : i32 to index
            %get3A_228 = arith.constant 176 : index
            %get3A_229 = tpu.vector_load %arg12[%get3A_227, %get3A_228] {strides = array<i32>} : memref<64x256xf32, #tpu.memory_space<vmem>>, vector<1x16xf32>,
            %get3A_230 = vector.shape_cast %get3A_229 : vector<1x16xf32> to vector<16xf32>
            %get3A_231 = arith.index_cast %scan3A_75 : i32 to index
            %get3A_232 = arith.constant 176 : index
            %get3A_233 = tpu.vector_load %arg13[%get3A_231, %get3A_232] {strides = array<i32>} : memref<64x256xf32, #tpu.memory_space<vmem>>, vector<1x16xf32>,
            %get3A_234 = vector.shape_cast %get3A_233 : vector<1x16xf32> to vector<16xf32>
            %sub3A_235 = arith.subf %get3A_230, %get3A_234 : vector<16xf32>
            %swap3A_236 = arith.index_cast %scan3A_75 : i32 to index
            %swap3A_237 = arith.constant 176 : index
            %swap3A_238 = tpu.vector_load %arg12[%swap3A_236, %swap3A_237] {strides = array<i32>} : memref<64x256xf32, #tpu.memory_space<vmem>>, vector<1x16xf32>,
            %swap3A_239 = vector.shape_cast %swap3A_238 : vector<1x16xf32> to vector<16xf32>
            %swap3A_240 = vector.shape_cast %sub3A_235 : vector<16xf32> to vector<1x16xf32>
            tpu.vector_store %arg12[%swap3A_236, %swap3A_237], %swap3A_240 {strides = array<i32>} : memref<64x256xf32, #tpu.memory_space<vmem>>, vector<1x16xf32>,
            %get3A_241 = arith.index_cast %scan3A_75 : i32 to index
            %get3A_242 = arith.constant 192 : index
            %get3A_243 = tpu.vector_load %arg12[%get3A_241, %get3A_242] {strides = array<i32>} : memref<64x256xf32, #tpu.memory_space<vmem>>, vector<1x16xf32>,
            %get3A_244 = vector.shape_cast %get3A_243 : vector<1x16xf32> to vector<16xf32>
            %get3A_245 = arith.index_cast %scan3A_75 : i32 to index
            %get3A_246 = arith.constant 192 : index
            %get3A_247 = tpu.vector_load %arg13[%get3A_245, %get3A_246] {strides = array<i32>} : memref<64x256xf32, #tpu.memory_space<vmem>>, vector<1x16xf32>,
            %get3A_248 = vector.shape_cast %get3A_247 : vector<1x16xf32> to vector<16xf32>
            %sub3A_249 = arith.subf %get3A_244, %get3A_248 : vector<16xf32>
            %swap3A_250 = arith.index_cast %scan3A_75 : i32 to index
            %swap3A_251 = arith.constant 192 : index
            %swap3A_252 = tpu.vector_load %arg12[%swap3A_250, %swap3A_251] {strides = array<i32>} : memref<64x256xf32, #tpu.memory_space<vmem>>, vector<1x16xf32>,
            %swap3A_253 = vector.shape_cast %swap3A_252 : vector<1x16xf32> to vector<16xf32>
            %swap3A_254 = vector.shape_cast %sub3A_249 : vector<16xf32> to vector<1x16xf32>
            tpu.vector_store %arg12[%swap3A_250, %swap3A_251], %swap3A_254 {strides = array<i32>} : memref<64x256xf32, #tpu.memory_space<vmem>>, vector<1x16xf32>,
            %get3A_255 = arith.index_cast %scan3A_75 : i32 to index
            %get3A_256 = arith.constant 208 : index
            %get3A_257 = tpu.vector_load %arg12[%get3A_255, %get3A_256] {strides = array<i32>} : memref<64x256xf32, #tpu.memory_space<vmem>>, vector<1x16xf32>,
            %get3A_258 = vector.shape_cast %get3A_257 : vector<1x16xf32> to vector<16xf32>
            %get3A_259 = arith.index_cast %scan3A_75 : i32 to index
            %get3A_260 = arith.constant 208 : index
            %get3A_261 = tpu.vector_load %arg13[%get3A_259, %get3A_260] {strides = array<i32>} : memref<64x256xf32, #tpu.memory_space<vmem>>, vector<1x16xf32>,
            %get3A_262 = vector.shape_cast %get3A_261 : vector<1x16xf32> to vector<16xf32>
            %sub3A_263 = arith.subf %get3A_258, %get3A_262 : vector<16xf32>
            %swap3A_264 = arith.index_cast %scan3A_75 : i32 to index
            %swap3A_265 = arith.constant 208 : index
            %swap3A_266 = tpu.vector_load %arg12[%swap3A_264, %swap3A_265] {strides = array<i32>} : memref<64x256xf32, #tpu.memory_space<vmem>>, vector<1x16xf32>,
            %swap3A_267 = vector.shape_cast %swap3A_266 : vector<1x16xf32> to vector<16xf32>
            %swap3A_268 = vector.shape_cast %sub3A_263 : vector<16xf32> to vector<1x16xf32>
            tpu.vector_store %arg12[%swap3A_264, %swap3A_265], %swap3A_268 {strides = array<i32>} : memref<64x256xf32, #tpu.memory_space<vmem>>, vector<1x16xf32>,
            %get3A_269 = arith.index_cast %scan3A_75 : i32 to index
            %get3A_270 = arith.constant 224 : index
            %get3A_271 = tpu.vector_load %arg12[%get3A_269, %get3A_270] {strides = array<i32>} : memref<64x256xf32, #tpu.memory_space<vmem>>, vector<1x16xf32>,
            %get3A_272 = vector.shape_cast %get3A_271 : vector<1x16xf32> to vector<16xf32>
            %get3A_273 = arith.index_cast %scan3A_75 : i32 to index
            %get3A_274 = arith.constant 224 : index
            %get3A_275 = tpu.vector_load %arg13[%get3A_273, %get3A_274] {strides = array<i32>} : memref<64x256xf32, #tpu.memory_space<vmem>>, vector<1x16xf32>,
            %get3A_276 = vector.shape_cast %get3A_275 : vector<1x16xf32> to vector<16xf32>
            %sub3A_277 = arith.subf %get3A_272, %get3A_276 : vector<16xf32>
            %swap3A_278 = arith.index_cast %scan3A_75 : i32 to index
            %swap3A_279 = arith.constant 224 : index
            %swap3A_280 = tpu.vector_load %arg12[%swap3A_278, %swap3A_279] {strides = array<i32>} : memref<64x256xf32, #tpu.memory_space<vmem>>, vector<1x16xf32>,
            %swap3A_281 = vector.shape_cast %swap3A_280 : vector<1x16xf32> to vector<16xf32>
            %swap3A_282 = vector.shape_cast %sub3A_277 : vector<16xf32> to vector<1x16xf32>
            tpu.vector_store %arg12[%swap3A_278, %swap3A_279], %swap3A_282 {strides = array<i32>} : memref<64x256xf32, #tpu.memory_space<vmem>>, vector<1x16xf32>,
            %get3A_283 = arith.index_cast %scan3A_75 : i32 to index
            %get3A_284 = arith.constant 240 : index
            %get3A_285 = tpu.vector_load %arg12[%get3A_283, %get3A_284] {strides = array<i32>} : memref<64x256xf32, #tpu.memory_space<vmem>>, vector<1x16xf32>,
            %get3A_286 = vector.shape_cast %get3A_285 : vector<1x16xf32> to vector<16xf32>
            %get3A_287 = arith.index_cast %scan3A_75 : i32 to index
            %get3A_288 = arith.constant 240 : index
            %get3A_289 = tpu.vector_load %arg13[%get3A_287, %get3A_288] {strides = array<i32>} : memref<64x256xf32, #tpu.memory_space<vmem>>, vector<1x16xf32>,
            %get3A_290 = vector.shape_cast %get3A_289 : vector<1x16xf32> to vector<16xf32>
            %sub3A_291 = arith.subf %get3A_286, %get3A_290 : vector<16xf32>
            %swap3A_292 = arith.index_cast %scan3A_75 : i32 to index
            %swap3A_293 = arith.constant 240 : index
            %swap3A_294 = tpu.vector_load %arg12[%swap3A_292, %swap3A_293] {strides = array<i32>} : memref<64x256xf32, #tpu.memory_space<vmem>>, vector<1x16xf32>,
            %swap3A_295 = vector.shape_cast %swap3A_294 : vector<1x16xf32> to vector<16xf32>
            %swap3A_296 = vector.shape_cast %sub3A_291 : vector<16xf32> to vector<1x16xf32>
            tpu.vector_store %arg12[%swap3A_292, %swap3A_293], %swap3A_296 {strides = array<i32>} : memref<64x256xf32, #tpu.memory_space<vmem>>, vector<1x16xf32>,
          }
          %scan3A_74 = arith.constant 64 : i32
          "tpu.region"() ({
            %run_scoped3A = tpu.sem_alloc : memref<!tpu.dma_semaphore, #tpu.memory_space<semaphore_mem>>
            %dma_start3A_75 = arith.constant 0 : i32
            %dma_start3A_76 = tpu.memref_slice %arg5[%mul3A_63, %dma_start3A_75] : memref<160000x256xf32, #tpu.memory_space<hbm>> -> memref<64x256xf32, #tpu.memory_space<hbm>>
            %dma_start3A_77 = arith.constant 0 : i32
            %dma_start3A_78 = tpu.memref_slice %arg5[%mul3A_63, %dma_start3A_77] : memref<160000x256xf32, #tpu.memory_space<hbm>> -> memref<64x256xf32, #tpu.memory_space<hbm>>
            tpu.enqueue_dma source(%arg12 : memref<64x256xf32, #tpu.memory_space<vmem>>) target(%dma_start3A_78 : memref<64x256xf32, #tpu.memory_space<hbm>>) target_semaphore(%run_scoped3A : memref<!tpu.dma_semaphore, #tpu.memory_space<semaphore_mem>>)
            %dma_wait3A_79 = arith.constant 0 : i32
            %dma_wait3A_80 = tpu.memref_slice %arg5[%mul3A_63, %dma_wait3A_79] : memref<160000x256xf32, #tpu.memory_space<hbm>> -> memref<64x256xf32, #tpu.memory_space<hbm>>
            %dma_wait3A_81 = arith.constant 0 : i32
            %dma_wait3A_82 = tpu.memref_slice %arg5[%mul3A_63, %dma_wait3A_81] : memref<160000x256xf32, #tpu.memory_space<hbm>> -> memref<64x256xf32, #tpu.memory_space<hbm>>
            tpu.wait_dma2 semaphore(%run_scoped3A : memref<!tpu.dma_semaphore, #tpu.memory_space<semaphore_mem>>) src(%arg12 : memref<64x256xf32, #tpu.memory_space<vmem>>) dst(%dma_wait3A_82 : memref<64x256xf32, #tpu.memory_space<hbm>>)
            tpu.yield
          }) : () -> ()
        } else {
        }
      } else {
      }
    }
    %scan3A_12 = arith.constant 79 : i32
    return
  }
}

#map = affine_map<(d0, d1) -> (0, 0)>
#map1 = affine_map<(d0, d1) -> (0)>
module attributes {stable_mosaic.version = 14 : i64} {
  func.func @k(%arg0: i32, %arg1: i32, %arg2: memref<160000x256xf32, #tpu.memory_space<hbm>>, %arg3: memref<160000xi32, #tpu.memory_space<hbm>>, %arg4: memref<624x128xf32, #tpu.memory_space<hbm>>, %arg5: memref<10000x256xf32, #tpu.memory_space<hbm>>, %arg6: memref<10000x128xf32, #tpu.memory_space<vmem_shared>>, %arg7: memref<128xi32, #tpu.memory_space<vmem>>, %arg8: memref<128xi32, #tpu.memory_space<vmem>>, %arg9: memref<128x128xf32, #tpu.memory_space<vmem>>, %arg10: memref<128x128xf32, #tpu.memory_space<vmem>>, %arg11: memref<!tpu.dma_semaphore, #tpu.memory_space<semaphore_mem>>, %arg12: memref<!tpu.dma_semaphore, #tpu.memory_space<semaphore_mem>>) attributes {dimension_semantics = [#tpu.dimension_semantics<core_parallel>, #tpu.dimension_semantics<subcore_parallel>], iteration_bounds = array<i64: 2, 16>, scalar_prefetch = 0 : i64, scratch_operands = 7 : i64, tpu.core_type = #tpu.core_type<sc_vector_subcore>, window_params = [{transform_indices = #map}, {transform_indices = #map1}, {transform_indices = #map}, {transform_indices = #map}]} {
    %mul3A = arith.constant 624 : i32
    %mul3A_0 = arith.muli %arg1, %mul3A : i32
    "tpu.region"() ({
      %run_scoped3A = tpu.sem_alloc : memref<!tpu.dma_semaphore, #tpu.memory_space<semaphore_mem>>
      %dma_start3A_21 = arith.constant 0 : i32
      %dma_start3A_22 = tpu.memref_slice %arg6[%mul3A_0, %dma_start3A_21] : memref<10000x128xf32, #tpu.memory_space<vmem_shared>> -> memref<624x128xf32, #tpu.memory_space<vmem_shared>>
      %dma_start3A_23 = arith.constant 0 : i32
      %dma_start3A_24 = arith.constant 0 : i32
      %dma_start3A_25 = tpu.memref_slice %arg4[%dma_start3A_23, %dma_start3A_24] : memref<624x128xf32, #tpu.memory_space<hbm>> -> memref<624x128xf32, #tpu.memory_space<hbm>>
      tpu.enqueue_dma source(%dma_start3A_25 : memref<624x128xf32, #tpu.memory_space<hbm>>) target(%dma_start3A_22 : memref<624x128xf32, #tpu.memory_space<vmem_shared>>) target_semaphore(%run_scoped3A : memref<!tpu.dma_semaphore, #tpu.memory_space<semaphore_mem>>)
      %dma_wait3A = arith.constant 0 : i32
      %dma_wait3A_26 = tpu.memref_slice %arg6[%mul3A_0, %dma_wait3A] : memref<10000x128xf32, #tpu.memory_space<vmem_shared>> -> memref<624x128xf32, #tpu.memory_space<vmem_shared>>
      %dma_wait3A_27 = arith.constant 0 : i32
      %dma_wait3A_28 = arith.constant 0 : i32
      %dma_wait3A_29 = tpu.memref_slice %arg4[%dma_wait3A_27, %dma_wait3A_28] : memref<624x128xf32, #tpu.memory_space<hbm>> -> memref<624x128xf32, #tpu.memory_space<hbm>>
      tpu.wait_dma2 semaphore(%run_scoped3A : memref<!tpu.dma_semaphore, #tpu.memory_space<semaphore_mem>>) src(%dma_wait3A_29 : memref<624x128xf32, #tpu.memory_space<hbm>>) dst(%dma_wait3A_26 : memref<624x128xf32, #tpu.memory_space<vmem_shared>>)
      tpu.yield
    }) : () -> ()
    %eq3A = arith.constant 15 : i32
    %eq3A_1 = arith.cmpi eq, %arg1, %eq3A : i32
    %convert_element_type3A = arith.extui %eq3A_1 : i1 to i32
    %cond3A = arith.constant 0 : i32
    %cond3A_2 = arith.cmpi ne, %convert_element_type3A, %cond3A : i32
    scf.if %cond3A_2 {
      "tpu.region"() ({
        %run_scoped3A = tpu.sem_alloc : memref<!tpu.dma_semaphore, #tpu.memory_space<semaphore_mem>>
        %dma_start3A_21 = arith.constant 9984 : i32
        %dma_start3A_22 = arith.constant 0 : i32
        %dma_start3A_23 = tpu.memref_slice %arg6[%dma_start3A_21, %dma_start3A_22] : memref<10000x128xf32, #tpu.memory_space<vmem_shared>> -> memref<16x128xf32, #tpu.memory_space<vmem_shared>>
        %dma_start3A_24 = arith.constant 0 : i32
        %dma_start3A_25 = arith.constant 0 : i32
        %dma_start3A_26 = tpu.memref_slice %arg4[%dma_start3A_24, %dma_start3A_25] : memref<624x128xf32, #tpu.memory_space<hbm>> -> memref<16x128xf32, #tpu.memory_space<hbm>>
        tpu.enqueue_dma source(%dma_start3A_26 : memref<16x128xf32, #tpu.memory_space<hbm>>) target(%dma_start3A_23 : memref<16x128xf32, #tpu.memory_space<vmem_shared>>) target_semaphore(%run_scoped3A : memref<!tpu.dma_semaphore, #tpu.memory_space<semaphore_mem>>)
        %dma_wait3A = arith.constant 9984 : i32
        %dma_wait3A_27 = arith.constant 0 : i32
        %dma_wait3A_28 = tpu.memref_slice %arg6[%dma_wait3A, %dma_wait3A_27] : memref<10000x128xf32, #tpu.memory_space<vmem_shared>> -> memref<16x128xf32, #tpu.memory_space<vmem_shared>>
        %dma_wait3A_29 = arith.constant 0 : i32
        %dma_wait3A_30 = arith.constant 0 : i32
        %dma_wait3A_31 = tpu.memref_slice %arg4[%dma_wait3A_29, %dma_wait3A_30] : memref<624x128xf32, #tpu.memory_space<hbm>> -> memref<16x128xf32, #tpu.memory_space<hbm>>
        tpu.wait_dma2 semaphore(%run_scoped3A : memref<!tpu.dma_semaphore, #tpu.memory_space<semaphore_mem>>) src(%dma_wait3A_31 : memref<16x128xf32, #tpu.memory_space<hbm>>) dst(%dma_wait3A_28 : memref<16x128xf32, #tpu.memory_space<vmem_shared>>)
        tpu.yield
      }) : () -> ()
    } else {
    }
    %barrier3A = arith.constant 0 : index
    tpu.barrier barrier_id(%barrier3A)
    %mul3A_3 = arith.constant 128 : i32
    %mul3A_4 = arith.muli %arg1, %mul3A_3 : i32
    "tpu.region"() ({
      %run_scoped3A = tpu.sem_alloc : memref<!tpu.dma_semaphore, #tpu.memory_space<semaphore_mem>>
      %dma_start3A_21 = tpu.memref_slice %arg3[%mul3A_4] : memref<160000xi32, #tpu.memory_space<hbm>> -> memref<128xi32, #tpu.memory_space<hbm>>
      %dma_start3A_22 = tpu.memref_slice %arg3[%mul3A_4] : memref<160000xi32, #tpu.memory_space<hbm>> -> memref<128xi32, #tpu.memory_space<hbm>>
      tpu.enqueue_dma source(%dma_start3A_22 : memref<128xi32, #tpu.memory_space<hbm>>) target(%arg7 : memref<128xi32, #tpu.memory_space<vmem>>) target_semaphore(%run_scoped3A : memref<!tpu.dma_semaphore, #tpu.memory_space<semaphore_mem>>)
      %dma_wait3A = tpu.memref_slice %arg3[%mul3A_4] : memref<160000xi32, #tpu.memory_space<hbm>> -> memref<128xi32, #tpu.memory_space<hbm>>
      %dma_wait3A_23 = tpu.memref_slice %arg3[%mul3A_4] : memref<160000xi32, #tpu.memory_space<hbm>> -> memref<128xi32, #tpu.memory_space<hbm>>
      tpu.wait_dma2 semaphore(%run_scoped3A : memref<!tpu.dma_semaphore, #tpu.memory_space<semaphore_mem>>) src(%dma_wait3A_23 : memref<128xi32, #tpu.memory_space<hbm>>) dst(%arg7 : memref<128xi32, #tpu.memory_space<vmem>>)
      tpu.yield
    }) : () -> ()
    %mul3A_5 = arith.constant 128 : i32
    %mul3A_6 = arith.muli %arg0, %mul3A_5 : i32
    %dma_start3A = tpu.memref_slice %arg2[%mul3A_4, %mul3A_6] : memref<160000x256xf32, #tpu.memory_space<hbm>> -> memref<128x128xf32, #tpu.memory_space<hbm>>
    %dma_start3A_7 = tpu.memref_slice %arg2[%mul3A_4, %mul3A_6] : memref<160000x256xf32, #tpu.memory_space<hbm>> -> memref<128x128xf32, #tpu.memory_space<hbm>>
    tpu.enqueue_dma source(%dma_start3A_7 : memref<128x128xf32, #tpu.memory_space<hbm>>) target(%arg9 : memref<128x128xf32, #tpu.memory_space<vmem>>) target_semaphore(%arg11 : memref<!tpu.dma_semaphore, #tpu.memory_space<semaphore_mem>>)
    %scan3A = arith.constant 0 : i32
    %scan3A_8 = arith.constant 0 : i32
    %scan3A_9 = arith.constant 79 : i32
    %scan3A_10 = arith.addi %scan3A_8, %scan3A_9 : i32
    %scan3A_11 = arith.constant 1 : i32
    scf.for %scan3A_21 = %scan3A_8 to %scan3A_10 step %scan3A_11  : i32 {
      %mul3A_22 = arith.constant 16 : i32
      %mul3A_23 = arith.muli %mul3A_22, %scan3A_21 : i32
      %add3A = arith.addi %arg1, %mul3A_23 : i32
      %add3A_24 = arith.constant 16 : i32
      %add3A_25 = arith.addi %add3A, %add3A_24 : i32
      %jit3A = arith.constant 2 : i32
      %eq3A_26 = arith.constant 0 : i32
      %eq3A_27 = arith.cmpi eq, %jit3A, %eq3A_26 : i32
      %jit3A_28 = arith.constant 1 : i32
      %select_n3A = arith.select %eq3A_27, %jit3A_28, %jit3A : i32
      %rem3A = arith.remsi %scan3A_21, %select_n3A : i32
      %ne3A = arith.constant 0 : i32
      %ne3A_29 = arith.cmpi ne, %rem3A, %ne3A : i32
      %lt3A = arith.constant 0 : i32
      %lt3A_30 = arith.cmpi slt, %rem3A, %lt3A : i32
      %lt3A_31 = arith.constant 0 : i32
      %lt3A_32 = arith.cmpi slt, %select_n3A, %lt3A_31 : i32
      %ne3A_33 = arith.xori %lt3A_30, %lt3A_32 : i1
      %and3A = arith.andi %ne3A_33, %ne3A_29 : i1
      %add3A_34 = arith.addi %rem3A, %select_n3A : i32
      %select_n3A_35 = arith.select %and3A, %add3A_34, %rem3A : i32
      %eq3A_36 = arith.constant 0 : i32
      %eq3A_37 = arith.cmpi eq, %select_n3A_35, %eq3A_36 : i32
      %convert_element_type3A_38 = arith.extui %eq3A_37 : i1 to i32
      %cond3A_39 = arith.constant 0 : i32
      %cond3A_40 = arith.cmpi ne, %convert_element_type3A_38, %cond3A_39 : i32
      scf.if %cond3A_40 {
        %lt3A_62 = arith.constant 1250 : i32
        %lt3A_63 = arith.cmpi slt, %add3A_25, %lt3A_62 : i32
        %convert_element_type3A_64 = arith.extui %lt3A_63 : i1 to i32
        %cond3A_65 = arith.constant 0 : i32
        %cond3A_66 = arith.cmpi ne, %convert_element_type3A_64, %cond3A_65 : i32
        scf.if %cond3A_66 {
          %mul3A_72 = arith.constant 128 : i32
          %mul3A_73 = arith.muli %add3A_25, %mul3A_72 : i32
          "tpu.region"() ({
            %run_scoped3A = tpu.sem_alloc : memref<!tpu.dma_semaphore, #tpu.memory_space<semaphore_mem>>
            %dma_start3A_78 = tpu.memref_slice %arg3[%mul3A_73] : memref<160000xi32, #tpu.memory_space<hbm>> -> memref<128xi32, #tpu.memory_space<hbm>>
            %dma_start3A_79 = tpu.memref_slice %arg3[%mul3A_73] : memref<160000xi32, #tpu.memory_space<hbm>> -> memref<128xi32, #tpu.memory_space<hbm>>
            tpu.enqueue_dma source(%dma_start3A_79 : memref<128xi32, #tpu.memory_space<hbm>>) target(%arg8 : memref<128xi32, #tpu.memory_space<vmem>>) target_semaphore(%run_scoped3A : memref<!tpu.dma_semaphore, #tpu.memory_space<semaphore_mem>>)
            %dma_wait3A = tpu.memref_slice %arg3[%mul3A_73] : memref<160000xi32, #tpu.memory_space<hbm>> -> memref<128xi32, #tpu.memory_space<hbm>>
            %dma_wait3A_80 = tpu.memref_slice %arg3[%mul3A_73] : memref<160000xi32, #tpu.memory_space<hbm>> -> memref<128xi32, #tpu.memory_space<hbm>>
            tpu.wait_dma2 semaphore(%run_scoped3A : memref<!tpu.dma_semaphore, #tpu.memory_space<semaphore_mem>>) src(%dma_wait3A_80 : memref<128xi32, #tpu.memory_space<hbm>>) dst(%arg8 : memref<128xi32, #tpu.memory_space<vmem>>)
            tpu.yield
          }) : () -> ()
          %mul3A_74 = arith.constant 128 : i32
          %mul3A_75 = arith.muli %arg0, %mul3A_74 : i32
          %dma_start3A_76 = tpu.memref_slice %arg2[%mul3A_73, %mul3A_75] : memref<160000x256xf32, #tpu.memory_space<hbm>> -> memref<128x128xf32, #tpu.memory_space<hbm>>
          %dma_start3A_77 = tpu.memref_slice %arg2[%mul3A_73, %mul3A_75] : memref<160000x256xf32, #tpu.memory_space<hbm>> -> memref<128x128xf32, #tpu.memory_space<hbm>>
          tpu.enqueue_dma source(%dma_start3A_77 : memref<128x128xf32, #tpu.memory_space<hbm>>) target(%arg10 : memref<128x128xf32, #tpu.memory_space<vmem>>) target_semaphore(%arg12 : memref<!tpu.dma_semaphore, #tpu.memory_space<semaphore_mem>>)
        } else {
        }
        %lt3A_67 = arith.constant 1250 : i32
        %lt3A_68 = arith.cmpi slt, %add3A, %lt3A_67 : i32
        %convert_element_type3A_69 = arith.extui %lt3A_68 : i1 to i32
        %cond3A_70 = arith.constant 0 : i32
        %cond3A_71 = arith.cmpi ne, %convert_element_type3A_69, %cond3A_70 : i32
        scf.if %cond3A_71 {
          %mul3A_72 = arith.constant 128 : i32
          %mul3A_73 = arith.muli %arg0, %mul3A_72 : i32
          %dma_wait3A = arith.constant 0 : i32
          %dma_wait3A_74 = tpu.memref_slice %arg2[%dma_wait3A, %mul3A_73] : memref<160000x256xf32, #tpu.memory_space<hbm>> -> memref<128x128xf32, #tpu.memory_space<hbm>>
          %dma_wait3A_75 = arith.constant 0 : i32
          %dma_wait3A_76 = tpu.memref_slice %arg2[%dma_wait3A_75, %mul3A_73] : memref<160000x256xf32, #tpu.memory_space<hbm>> -> memref<128x128xf32, #tpu.memory_space<hbm>>
          tpu.wait_dma2 semaphore(%arg11 : memref<!tpu.dma_semaphore, #tpu.memory_space<semaphore_mem>>) src(%dma_wait3A_76 : memref<128x128xf32, #tpu.memory_space<hbm>>) dst(%arg9 : memref<128x128xf32, #tpu.memory_space<vmem>>)
          "tpu.region"() ({
            %run_scoped3A = tpu.sem_alloc : memref<!tpu.dma_semaphore, #tpu.memory_space<semaphore_mem>>
            %dma_start3A_77 = arith.constant 0 : i32
            %dma_start3A_78 = arith.constant 0 : i32
            %dma_start3A_79 = tpu.memref_slice %arg6[%dma_start3A_77, %dma_start3A_78] : memref<10000x128xf32, #tpu.memory_space<vmem_shared>> -> memref<10000x128xf32, #tpu.memory_space<vmem_shared>>
            tpu.enqueue_indirect_dma source(%arg9 : memref<128x128xf32, #tpu.memory_space<vmem>>) target(%dma_start3A_79 : memref<10000x128xf32, #tpu.memory_space<vmem_shared>>) offsets(%arg7 : memref<128xi32, #tpu.memory_space<vmem>>) semaphore(%run_scoped3A : memref<!tpu.dma_semaphore, #tpu.memory_space<semaphore_mem>>) {add = true}
            %dma_wait3A_80 = arith.constant 0 : i32
            %dma_wait3A_81 = arith.constant 0 : i32
            %dma_wait3A_82 = tpu.memref_slice %arg6[%dma_wait3A_80, %dma_wait3A_81] : memref<10000x128xf32, #tpu.memory_space<vmem_shared>> -> memref<10000x128xf32, #tpu.memory_space<vmem_shared>>
            tpu.wait_indirect_dma semaphore(%run_scoped3A : memref<!tpu.dma_semaphore, #tpu.memory_space<semaphore_mem>>) src(%arg9 : memref<128x128xf32, #tpu.memory_space<vmem>>) dst(%dma_wait3A_82 : memref<10000x128xf32, #tpu.memory_space<vmem_shared>>)
            tpu.yield
          }) : () -> ()
        } else {
        }
      } else {
      }
      %jit3A_41 = arith.constant 2 : i32
      %eq3A_42 = arith.constant 0 : i32
      %eq3A_43 = arith.cmpi eq, %jit3A_41, %eq3A_42 : i32
      %jit3A_44 = arith.constant 1 : i32
      %select_n3A_45 = arith.select %eq3A_43, %jit3A_44, %jit3A_41 : i32
      %rem3A_46 = arith.remsi %scan3A_21, %select_n3A_45 : i32
      %ne3A_47 = arith.constant 0 : i32
      %ne3A_48 = arith.cmpi ne, %rem3A_46, %ne3A_47 : i32
      %lt3A_49 = arith.constant 0 : i32
      %lt3A_50 = arith.cmpi slt, %rem3A_46, %lt3A_49 : i32
      %lt3A_51 = arith.constant 0 : i32
      %lt3A_52 = arith.cmpi slt, %select_n3A_45, %lt3A_51 : i32
      %ne3A_53 = arith.xori %lt3A_50, %lt3A_52 : i1
      %and3A_54 = arith.andi %ne3A_53, %ne3A_48 : i1
      %add3A_55 = arith.addi %rem3A_46, %select_n3A_45 : i32
      %select_n3A_56 = arith.select %and3A_54, %add3A_55, %rem3A_46 : i32
      %eq3A_57 = arith.constant 1 : i32
      %eq3A_58 = arith.cmpi eq, %select_n3A_56, %eq3A_57 : i32
      %convert_element_type3A_59 = arith.extui %eq3A_58 : i1 to i32
      %cond3A_60 = arith.constant 0 : i32
      %cond3A_61 = arith.cmpi ne, %convert_element_type3A_59, %cond3A_60 : i32
      scf.if %cond3A_61 {
        %lt3A_62 = arith.constant 1250 : i32
        %lt3A_63 = arith.cmpi slt, %add3A_25, %lt3A_62 : i32
        %convert_element_type3A_64 = arith.extui %lt3A_63 : i1 to i32
        %cond3A_65 = arith.constant 0 : i32
        %cond3A_66 = arith.cmpi ne, %convert_element_type3A_64, %cond3A_65 : i32
        scf.if %cond3A_66 {
          %mul3A_72 = arith.constant 128 : i32
          %mul3A_73 = arith.muli %add3A_25, %mul3A_72 : i32
          "tpu.region"() ({
            %run_scoped3A = tpu.sem_alloc : memref<!tpu.dma_semaphore, #tpu.memory_space<semaphore_mem>>
            %dma_start3A_78 = tpu.memref_slice %arg3[%mul3A_73] : memref<160000xi32, #tpu.memory_space<hbm>> -> memref<128xi32, #tpu.memory_space<hbm>>
            %dma_start3A_79 = tpu.memref_slice %arg3[%mul3A_73] : memref<160000xi32, #tpu.memory_space<hbm>> -> memref<128xi32, #tpu.memory_space<hbm>>
            tpu.enqueue_dma source(%dma_start3A_79 : memref<128xi32, #tpu.memory_space<hbm>>) target(%arg7 : memref<128xi32, #tpu.memory_space<vmem>>) target_semaphore(%run_scoped3A : memref<!tpu.dma_semaphore, #tpu.memory_space<semaphore_mem>>)
            %dma_wait3A = tpu.memref_slice %arg3[%mul3A_73] : memref<160000xi32, #tpu.memory_space<hbm>> -> memref<128xi32, #tpu.memory_space<hbm>>
            %dma_wait3A_80 = tpu.memref_slice %arg3[%mul3A_73] : memref<160000xi32, #tpu.memory_space<hbm>> -> memref<128xi32, #tpu.memory_space<hbm>>
            tpu.wait_dma2 semaphore(%run_scoped3A : memref<!tpu.dma_semaphore, #tpu.memory_space<semaphore_mem>>) src(%dma_wait3A_80 : memref<128xi32, #tpu.memory_space<hbm>>) dst(%arg7 : memref<128xi32, #tpu.memory_space<vmem>>)
            tpu.yield
          }) : () -> ()
          %mul3A_74 = arith.constant 128 : i32
          %mul3A_75 = arith.muli %arg0, %mul3A_74 : i32
          %dma_start3A_76 = tpu.memref_slice %arg2[%mul3A_73, %mul3A_75] : memref<160000x256xf32, #tpu.memory_space<hbm>> -> memref<128x128xf32, #tpu.memory_space<hbm>>
          %dma_start3A_77 = tpu.memref_slice %arg2[%mul3A_73, %mul3A_75] : memref<160000x256xf32, #tpu.memory_space<hbm>> -> memref<128x128xf32, #tpu.memory_space<hbm>>
          tpu.enqueue_dma source(%dma_start3A_77 : memref<128x128xf32, #tpu.memory_space<hbm>>) target(%arg9 : memref<128x128xf32, #tpu.memory_space<vmem>>) target_semaphore(%arg11 : memref<!tpu.dma_semaphore, #tpu.memory_space<semaphore_mem>>)
        } else {
        }
        %lt3A_67 = arith.constant 1250 : i32
        %lt3A_68 = arith.cmpi slt, %add3A, %lt3A_67 : i32
        %convert_element_type3A_69 = arith.extui %lt3A_68 : i1 to i32
        %cond3A_70 = arith.constant 0 : i32
        %cond3A_71 = arith.cmpi ne, %convert_element_type3A_69, %cond3A_70 : i32
        scf.if %cond3A_71 {
          %mul3A_72 = arith.constant 128 : i32
          %mul3A_73 = arith.muli %arg0, %mul3A_72 : i32
          %dma_wait3A = arith.constant 0 : i32
          %dma_wait3A_74 = tpu.memref_slice %arg2[%dma_wait3A, %mul3A_73] : memref<160000x256xf32, #tpu.memory_space<hbm>> -> memref<128x128xf32, #tpu.memory_space<hbm>>
          %dma_wait3A_75 = arith.constant 0 : i32
          %dma_wait3A_76 = tpu.memref_slice %arg2[%dma_wait3A_75, %mul3A_73] : memref<160000x256xf32, #tpu.memory_space<hbm>> -> memref<128x128xf32, #tpu.memory_space<hbm>>
          tpu.wait_dma2 semaphore(%arg12 : memref<!tpu.dma_semaphore, #tpu.memory_space<semaphore_mem>>) src(%dma_wait3A_76 : memref<128x128xf32, #tpu.memory_space<hbm>>) dst(%arg10 : memref<128x128xf32, #tpu.memory_space<vmem>>)
          "tpu.region"() ({
            %run_scoped3A = tpu.sem_alloc : memref<!tpu.dma_semaphore, #tpu.memory_space<semaphore_mem>>
            %dma_start3A_77 = arith.constant 0 : i32
            %dma_start3A_78 = arith.constant 0 : i32
            %dma_start3A_79 = tpu.memref_slice %arg6[%dma_start3A_77, %dma_start3A_78] : memref<10000x128xf32, #tpu.memory_space<vmem_shared>> -> memref<10000x128xf32, #tpu.memory_space<vmem_shared>>
            tpu.enqueue_indirect_dma source(%arg10 : memref<128x128xf32, #tpu.memory_space<vmem>>) target(%dma_start3A_79 : memref<10000x128xf32, #tpu.memory_space<vmem_shared>>) offsets(%arg8 : memref<128xi32, #tpu.memory_space<vmem>>) semaphore(%run_scoped3A : memref<!tpu.dma_semaphore, #tpu.memory_space<semaphore_mem>>) {add = true}
            %dma_wait3A_80 = arith.constant 0 : i32
            %dma_wait3A_81 = arith.constant 0 : i32
            %dma_wait3A_82 = tpu.memref_slice %arg6[%dma_wait3A_80, %dma_wait3A_81] : memref<10000x128xf32, #tpu.memory_space<vmem_shared>> -> memref<10000x128xf32, #tpu.memory_space<vmem_shared>>
            tpu.wait_indirect_dma semaphore(%run_scoped3A : memref<!tpu.dma_semaphore, #tpu.memory_space<semaphore_mem>>) src(%arg10 : memref<128x128xf32, #tpu.memory_space<vmem>>) dst(%dma_wait3A_82 : memref<10000x128xf32, #tpu.memory_space<vmem_shared>>)
            tpu.yield
          }) : () -> ()
        } else {
        }
      } else {
      }
    }
    %scan3A_12 = arith.constant 79 : i32
    %barrier3A_13 = arith.constant 0 : index
    tpu.barrier barrier_id(%barrier3A_13)
    %mul3A_14 = arith.constant 128 : i32
    %mul3A_15 = arith.muli %arg0, %mul3A_14 : i32
    "tpu.region"() ({
      %run_scoped3A = tpu.sem_alloc : memref<!tpu.dma_semaphore, #tpu.memory_space<semaphore_mem>>
      %dma_start3A_21 = tpu.memref_slice %arg5[%mul3A_0, %mul3A_15] : memref<10000x256xf32, #tpu.memory_space<hbm>> -> memref<624x128xf32, #tpu.memory_space<hbm>>
      %dma_start3A_22 = arith.constant 0 : i32
      %dma_start3A_23 = tpu.memref_slice %arg6[%mul3A_0, %dma_start3A_22] : memref<10000x128xf32, #tpu.memory_space<vmem_shared>> -> memref<624x128xf32, #tpu.memory_space<vmem_shared>>
      tpu.enqueue_dma source(%dma_start3A_23 : memref<624x128xf32, #tpu.memory_space<vmem_shared>>) target(%dma_start3A_21 : memref<624x128xf32, #tpu.memory_space<hbm>>) target_semaphore(%run_scoped3A : memref<!tpu.dma_semaphore, #tpu.memory_space<semaphore_mem>>)
      %dma_wait3A = tpu.memref_slice %arg5[%mul3A_0, %mul3A_15] : memref<10000x256xf32, #tpu.memory_space<hbm>> -> memref<624x128xf32, #tpu.memory_space<hbm>>
      %dma_wait3A_24 = arith.constant 0 : i32
      %dma_wait3A_25 = tpu.memref_slice %arg6[%mul3A_0, %dma_wait3A_24] : memref<10000x128xf32, #tpu.memory_space<vmem_shared>> -> memref<624x128xf32, #tpu.memory_space<vmem_shared>>
      tpu.wait_dma2 semaphore(%run_scoped3A : memref<!tpu.dma_semaphore, #tpu.memory_space<semaphore_mem>>) src(%dma_wait3A_25 : memref<624x128xf32, #tpu.memory_space<vmem_shared>>) dst(%dma_wait3A : memref<624x128xf32, #tpu.memory_space<hbm>>)
      tpu.yield
    }) : () -> ()
    %eq3A_16 = arith.constant 15 : i32
    %eq3A_17 = arith.cmpi eq, %arg1, %eq3A_16 : i32
    %convert_element_type3A_18 = arith.extui %eq3A_17 : i1 to i32
    %cond3A_19 = arith.constant 0 : i32
    %cond3A_20 = arith.cmpi ne, %convert_element_type3A_18, %cond3A_19 : i32
    scf.if %cond3A_20 {
      %mul3A_21 = arith.constant 128 : i32
      %mul3A_22 = arith.muli %arg0, %mul3A_21 : i32
      "tpu.region"() ({
        %run_scoped3A = tpu.sem_alloc : memref<!tpu.dma_semaphore, #tpu.memory_space<semaphore_mem>>
        %dma_start3A_23 = arith.constant 9984 : i32
        %dma_start3A_24 = tpu.memref_slice %arg5[%dma_start3A_23, %mul3A_22] : memref<10000x256xf32, #tpu.memory_space<hbm>> -> memref<16x128xf32, #tpu.memory_space<hbm>>
        %dma_start3A_25 = arith.constant 9984 : i32
        %dma_start3A_26 = arith.constant 0 : i32
        %dma_start3A_27 = tpu.memref_slice %arg6[%dma_start3A_25, %dma_start3A_26] : memref<10000x128xf32, #tpu.memory_space<vmem_shared>> -> memref<16x128xf32, #tpu.memory_space<vmem_shared>>
        tpu.enqueue_dma source(%dma_start3A_27 : memref<16x128xf32, #tpu.memory_space<vmem_shared>>) target(%dma_start3A_24 : memref<16x128xf32, #tpu.memory_space<hbm>>) target_semaphore(%run_scoped3A : memref<!tpu.dma_semaphore, #tpu.memory_space<semaphore_mem>>)
        %dma_wait3A = arith.constant 9984 : i32
        %dma_wait3A_28 = tpu.memref_slice %arg5[%dma_wait3A, %mul3A_22] : memref<10000x256xf32, #tpu.memory_space<hbm>> -> memref<16x128xf32, #tpu.memory_space<hbm>>
        %dma_wait3A_29 = arith.constant 9984 : i32
        %dma_wait3A_30 = arith.constant 0 : i32
        %dma_wait3A_31 = tpu.memref_slice %arg6[%dma_wait3A_29, %dma_wait3A_30] : memref<10000x128xf32, #tpu.memory_space<vmem_shared>> -> memref<16x128xf32, #tpu.memory_space<vmem_shared>>
        tpu.wait_dma2 semaphore(%run_scoped3A : memref<!tpu.dma_semaphore, #tpu.memory_space<semaphore_mem>>) src(%dma_wait3A_31 : memref<16x128xf32, #tpu.memory_space<vmem_shared>>) dst(%dma_wait3A_28 : memref<16x128xf32, #tpu.memory_space<hbm>>)
        tpu.yield
      }) : () -> ()
    } else {
    }
    return
  }
}

#map = affine_map<(d0, d1) -> (0)>
#map1 = affine_map<(d0, d1) -> (0, 0, 0)>
module attributes {stable_mosaic.version = 14 : i64} {
  func.func @k(%arg0: i32, %arg1: i32, %arg2: memref<160000xi32, #tpu.memory_space<hbm>>, %arg3: memref<2x10000x128xf32, #tpu.memory_space<hbm>>, %arg4: memref<128xi32, #tpu.memory_space<vmem>>, %arg5: memref<128x128xf32, #tpu.memory_space<vmem>>, %arg6: memref<48x128xf32, #tpu.memory_space<vmem>>, %arg7: memref<10000x128xf32, #tpu.memory_space<vmem_shared>>) attributes {dimension_semantics = [#tpu.dimension_semantics<core_parallel>, #tpu.dimension_semantics<subcore_parallel>], iteration_bounds = array<i64: 2, 16>, scalar_prefetch = 0 : i64, scratch_operands = 4 : i64, tpu.core_type = #tpu.core_type<sc_vector_subcore>, window_params = [{transform_indices = #map}, {transform_indices = #map1}]} {
    %mul3A = arith.constant 2 : i32
    %mul3A_0 = arith.muli %arg1, %mul3A : i32
    %add3A = arith.addi %mul3A_0, %arg0 : i32
    %mul3A_1 = arith.constant 624 : i32
    %mul3A_2 = arith.muli %arg1, %mul3A_1 : i32
    %scan3A = arith.constant 0 : i32
    %scan3A_3 = arith.constant 0 : i32
    %scan3A_4 = arith.constant 48 : i32
    %scan3A_5 = arith.addi %scan3A_3, %scan3A_4 : i32
    %scan3A_6 = arith.constant 1 : i32
    scf.for %scan3A_54 = %scan3A_3 to %scan3A_5 step %scan3A_6  : i32 {
      %broadcast_in_dim3A = arith.constant 0.000000e+00 : f32
      %broadcast_in_dim3A_55 = vector.broadcast %broadcast_in_dim3A : f32 to vector<16xf32>
      %swap3A = arith.index_cast %scan3A_54 : i32 to index
      %swap3A_56 = arith.constant 0 : index
      %swap3A_57 = tpu.vector_load %arg6[%swap3A, %swap3A_56] {strides = array<i32>} : memref<48x128xf32, #tpu.memory_space<vmem>>, vector<1x16xf32>,
      %swap3A_58 = vector.shape_cast %swap3A_57 : vector<1x16xf32> to vector<16xf32>
      %swap3A_59 = vector.shape_cast %broadcast_in_dim3A_55 : vector<16xf32> to vector<1x16xf32>
      tpu.vector_store %arg6[%swap3A, %swap3A_56], %swap3A_59 {strides = array<i32>} : memref<48x128xf32, #tpu.memory_space<vmem>>, vector<1x16xf32>,
      %broadcast_in_dim3A_60 = arith.constant 0.000000e+00 : f32
      %broadcast_in_dim3A_61 = vector.broadcast %broadcast_in_dim3A_60 : f32 to vector<16xf32>
      %swap3A_62 = arith.index_cast %scan3A_54 : i32 to index
      %swap3A_63 = arith.constant 16 : index
      %swap3A_64 = tpu.vector_load %arg6[%swap3A_62, %swap3A_63] {strides = array<i32>} : memref<48x128xf32, #tpu.memory_space<vmem>>, vector<1x16xf32>,
      %swap3A_65 = vector.shape_cast %swap3A_64 : vector<1x16xf32> to vector<16xf32>
      %swap3A_66 = vector.shape_cast %broadcast_in_dim3A_61 : vector<16xf32> to vector<1x16xf32>
      tpu.vector_store %arg6[%swap3A_62, %swap3A_63], %swap3A_66 {strides = array<i32>} : memref<48x128xf32, #tpu.memory_space<vmem>>, vector<1x16xf32>,
      %broadcast_in_dim3A_67 = arith.constant 0.000000e+00 : f32
      %broadcast_in_dim3A_68 = vector.broadcast %broadcast_in_dim3A_67 : f32 to vector<16xf32>
      %swap3A_69 = arith.index_cast %scan3A_54 : i32 to index
      %swap3A_70 = arith.constant 32 : index
      %swap3A_71 = tpu.vector_load %arg6[%swap3A_69, %swap3A_70] {strides = array<i32>} : memref<48x128xf32, #tpu.memory_space<vmem>>, vector<1x16xf32>,
      %swap3A_72 = vector.shape_cast %swap3A_71 : vector<1x16xf32> to vector<16xf32>
      %swap3A_73 = vector.shape_cast %broadcast_in_dim3A_68 : vector<16xf32> to vector<1x16xf32>
      tpu.vector_store %arg6[%swap3A_69, %swap3A_70], %swap3A_73 {strides = array<i32>} : memref<48x128xf32, #tpu.memory_space<vmem>>, vector<1x16xf32>,
      %broadcast_in_dim3A_74 = arith.constant 0.000000e+00 : f32
      %broadcast_in_dim3A_75 = vector.broadcast %broadcast_in_dim3A_74 : f32 to vector<16xf32>
      %swap3A_76 = arith.index_cast %scan3A_54 : i32 to index
      %swap3A_77 = arith.constant 48 : index
      %swap3A_78 = tpu.vector_load %arg6[%swap3A_76, %swap3A_77] {strides = array<i32>} : memref<48x128xf32, #tpu.memory_space<vmem>>, vector<1x16xf32>,
      %swap3A_79 = vector.shape_cast %swap3A_78 : vector<1x16xf32> to vector<16xf32>
      %swap3A_80 = vector.shape_cast %broadcast_in_dim3A_75 : vector<16xf32> to vector<1x16xf32>
      tpu.vector_store %arg6[%swap3A_76, %swap3A_77], %swap3A_80 {strides = array<i32>} : memref<48x128xf32, #tpu.memory_space<vmem>>, vector<1x16xf32>,
      %broadcast_in_dim3A_81 = arith.constant 0.000000e+00 : f32
      %broadcast_in_dim3A_82 = vector.broadcast %broadcast_in_dim3A_81 : f32 to vector<16xf32>
      %swap3A_83 = arith.index_cast %scan3A_54 : i32 to index
      %swap3A_84 = arith.constant 64 : index
      %swap3A_85 = tpu.vector_load %arg6[%swap3A_83, %swap3A_84] {strides = array<i32>} : memref<48x128xf32, #tpu.memory_space<vmem>>, vector<1x16xf32>,
      %swap3A_86 = vector.shape_cast %swap3A_85 : vector<1x16xf32> to vector<16xf32>
      %swap3A_87 = vector.shape_cast %broadcast_in_dim3A_82 : vector<16xf32> to vector<1x16xf32>
      tpu.vector_store %arg6[%swap3A_83, %swap3A_84], %swap3A_87 {strides = array<i32>} : memref<48x128xf32, #tpu.memory_space<vmem>>, vector<1x16xf32>,
      %broadcast_in_dim3A_88 = arith.constant 0.000000e+00 : f32
      %broadcast_in_dim3A_89 = vector.broadcast %broadcast_in_dim3A_88 : f32 to vector<16xf32>
      %swap3A_90 = arith.index_cast %scan3A_54 : i32 to index
      %swap3A_91 = arith.constant 80 : index
      %swap3A_92 = tpu.vector_load %arg6[%swap3A_90, %swap3A_91] {strides = array<i32>} : memref<48x128xf32, #tpu.memory_space<vmem>>, vector<1x16xf32>,
      %swap3A_93 = vector.shape_cast %swap3A_92 : vector<1x16xf32> to vector<16xf32>
      %swap3A_94 = vector.shape_cast %broadcast_in_dim3A_89 : vector<16xf32> to vector<1x16xf32>
      tpu.vector_store %arg6[%swap3A_90, %swap3A_91], %swap3A_94 {strides = array<i32>} : memref<48x128xf32, #tpu.memory_space<vmem>>, vector<1x16xf32>,
      %broadcast_in_dim3A_95 = arith.constant 0.000000e+00 : f32
      %broadcast_in_dim3A_96 = vector.broadcast %broadcast_in_dim3A_95 : f32 to vector<16xf32>
      %swap3A_97 = arith.index_cast %scan3A_54 : i32 to index
      %swap3A_98 = arith.constant 96 : index
      %swap3A_99 = tpu.vector_load %arg6[%swap3A_97, %swap3A_98] {strides = array<i32>} : memref<48x128xf32, #tpu.memory_space<vmem>>, vector<1x16xf32>,
      %swap3A_100 = vector.shape_cast %swap3A_99 : vector<1x16xf32> to vector<16xf32>
      %swap3A_101 = vector.shape_cast %broadcast_in_dim3A_96 : vector<16xf32> to vector<1x16xf32>
      tpu.vector_store %arg6[%swap3A_97, %swap3A_98], %swap3A_101 {strides = array<i32>} : memref<48x128xf32, #tpu.memory_space<vmem>>, vector<1x16xf32>,
      %broadcast_in_dim3A_102 = arith.constant 0.000000e+00 : f32
      %broadcast_in_dim3A_103 = vector.broadcast %broadcast_in_dim3A_102 : f32 to vector<16xf32>
      %swap3A_104 = arith.index_cast %scan3A_54 : i32 to index
      %swap3A_105 = arith.constant 112 : index
      %swap3A_106 = tpu.vector_load %arg6[%swap3A_104, %swap3A_105] {strides = array<i32>} : memref<48x128xf32, #tpu.memory_space<vmem>>, vector<1x16xf32>,
      %swap3A_107 = vector.shape_cast %swap3A_106 : vector<1x16xf32> to vector<16xf32>
      %swap3A_108 = vector.shape_cast %broadcast_in_dim3A_103 : vector<16xf32> to vector<1x16xf32>
      tpu.vector_store %arg6[%swap3A_104, %swap3A_105], %swap3A_108 {strides = array<i32>} : memref<48x128xf32, #tpu.memory_space<vmem>>, vector<1x16xf32>,
    }
    %scan3A_7 = arith.constant 48 : i32
    %add3A_8 = arith.constant 0 : i32
    %add3A_9 = arith.addi %mul3A_2, %add3A_8 : i32
    "tpu.region"() ({
      %run_scoped3A = tpu.sem_alloc : memref<!tpu.dma_semaphore, #tpu.memory_space<semaphore_mem>>
      %dma_start3A = arith.constant 0 : i32
      %dma_start3A_54 = tpu.memref_slice %arg7[%add3A_9, %dma_start3A] : memref<10000x128xf32, #tpu.memory_space<vmem_shared>> -> memref<48x128xf32, #tpu.memory_space<vmem_shared>>
      %dma_start3A_55 = arith.constant 0 : i32
      %dma_start3A_56 = tpu.memref_slice %arg7[%add3A_9, %dma_start3A_55] : memref<10000x128xf32, #tpu.memory_space<vmem_shared>> -> memref<48x128xf32, #tpu.memory_space<vmem_shared>>
      tpu.enqueue_dma source(%arg6 : memref<48x128xf32, #tpu.memory_space<vmem>>) target(%dma_start3A_56 : memref<48x128xf32, #tpu.memory_space<vmem_shared>>) target_semaphore(%run_scoped3A : memref<!tpu.dma_semaphore, #tpu.memory_space<semaphore_mem>>)
      %dma_wait3A = arith.constant 0 : i32
      %dma_wait3A_57 = tpu.memref_slice %arg7[%add3A_9, %dma_wait3A] : memref<10000x128xf32, #tpu.memory_space<vmem_shared>> -> memref<48x128xf32, #tpu.memory_space<vmem_shared>>
      %dma_wait3A_58 = arith.constant 0 : i32
      %dma_wait3A_59 = tpu.memref_slice %arg7[%add3A_9, %dma_wait3A_58] : memref<10000x128xf32, #tpu.memory_space<vmem_shared>> -> memref<48x128xf32, #tpu.memory_space<vmem_shared>>
      tpu.wait_dma2 semaphore(%run_scoped3A : memref<!tpu.dma_semaphore, #tpu.memory_space<semaphore_mem>>) src(%arg6 : memref<48x128xf32, #tpu.memory_space<vmem>>) dst(%dma_wait3A_59 : memref<48x128xf32, #tpu.memory_space<vmem_shared>>)
      tpu.yield
    }) : () -> ()
    %add3A_10 = arith.constant 48 : i32
    %add3A_11 = arith.addi %mul3A_2, %add3A_10 : i32
    "tpu.region"() ({
      %run_scoped3A = tpu.sem_alloc : memref<!tpu.dma_semaphore, #tpu.memory_space<semaphore_mem>>
      %dma_start3A = arith.constant 0 : i32
      %dma_start3A_54 = tpu.memref_slice %arg7[%add3A_11, %dma_start3A] : memref<10000x128xf32, #tpu.memory_space<vmem_shared>> -> memref<48x128xf32, #tpu.memory_space<vmem_shared>>
      %dma_start3A_55 = arith.constant 0 : i32
      %dma_start3A_56 = tpu.memref_slice %arg7[%add3A_11, %dma_start3A_55] : memref<10000x128xf32, #tpu.memory_space<vmem_shared>> -> memref<48x128xf32, #tpu.memory_space<vmem_shared>>
      tpu.enqueue_dma source(%arg6 : memref<48x128xf32, #tpu.memory_space<vmem>>) target(%dma_start3A_56 : memref<48x128xf32, #tpu.memory_space<vmem_shared>>) target_semaphore(%run_scoped3A : memref<!tpu.dma_semaphore, #tpu.memory_space<semaphore_mem>>)
      %dma_wait3A = arith.constant 0 : i32
      %dma_wait3A_57 = tpu.memref_slice %arg7[%add3A_11, %dma_wait3A] : memref<10000x128xf32, #tpu.memory_space<vmem_shared>> -> memref<48x128xf32, #tpu.memory_space<vmem_shared>>
      %dma_wait3A_58 = arith.constant 0 : i32
      %dma_wait3A_59 = tpu.memref_slice %arg7[%add3A_11, %dma_wait3A_58] : memref<10000x128xf32, #tpu.memory_space<vmem_shared>> -> memref<48x128xf32, #tpu.memory_space<vmem_shared>>
      tpu.wait_dma2 semaphore(%run_scoped3A : memref<!tpu.dma_semaphore, #tpu.memory_space<semaphore_mem>>) src(%arg6 : memref<48x128xf32, #tpu.memory_space<vmem>>) dst(%dma_wait3A_59 : memref<48x128xf32, #tpu.memory_space<vmem_shared>>)
      tpu.yield
    }) : () -> ()
    %add3A_12 = arith.constant 96 : i32
    %add3A_13 = arith.addi %mul3A_2, %add3A_12 : i32
    "tpu.region"() ({
      %run_scoped3A = tpu.sem_alloc : memref<!tpu.dma_semaphore, #tpu.memory_space<semaphore_mem>>
      %dma_start3A = arith.constant 0 : i32
      %dma_start3A_54 = tpu.memref_slice %arg7[%add3A_13, %dma_start3A] : memref<10000x128xf32, #tpu.memory_space<vmem_shared>> -> memref<48x128xf32, #tpu.memory_space<vmem_shared>>
      %dma_start3A_55 = arith.constant 0 : i32
      %dma_start3A_56 = tpu.memref_slice %arg7[%add3A_13, %dma_start3A_55] : memref<10000x128xf32, #tpu.memory_space<vmem_shared>> -> memref<48x128xf32, #tpu.memory_space<vmem_shared>>
      tpu.enqueue_dma source(%arg6 : memref<48x128xf32, #tpu.memory_space<vmem>>) target(%dma_start3A_56 : memref<48x128xf32, #tpu.memory_space<vmem_shared>>) target_semaphore(%run_scoped3A : memref<!tpu.dma_semaphore, #tpu.memory_space<semaphore_mem>>)
      %dma_wait3A = arith.constant 0 : i32
      %dma_wait3A_57 = tpu.memref_slice %arg7[%add3A_13, %dma_wait3A] : memref<10000x128xf32, #tpu.memory_space<vmem_shared>> -> memref<48x128xf32, #tpu.memory_space<vmem_shared>>
      %dma_wait3A_58 = arith.constant 0 : i32
      %dma_wait3A_59 = tpu.memref_slice %arg7[%add3A_13, %dma_wait3A_58] : memref<10000x128xf32, #tpu.memory_space<vmem_shared>> -> memref<48x128xf32, #tpu.memory_space<vmem_shared>>
      tpu.wait_dma2 semaphore(%run_scoped3A : memref<!tpu.dma_semaphore, #tpu.memory_space<semaphore_mem>>) src(%arg6 : memref<48x128xf32, #tpu.memory_space<vmem>>) dst(%dma_wait3A_59 : memref<48x128xf32, #tpu.memory_space<vmem_shared>>)
      tpu.yield
    }) : () -> ()
    %add3A_14 = arith.constant 144 : i32
    %add3A_15 = arith.addi %mul3A_2, %add3A_14 : i32
    "tpu.region"() ({
      %run_scoped3A = tpu.sem_alloc : memref<!tpu.dma_semaphore, #tpu.memory_space<semaphore_mem>>
      %dma_start3A = arith.constant 0 : i32
      %dma_start3A_54 = tpu.memref_slice %arg7[%add3A_15, %dma_start3A] : memref<10000x128xf32, #tpu.memory_space<vmem_shared>> -> memref<48x128xf32, #tpu.memory_space<vmem_shared>>
      %dma_start3A_55 = arith.constant 0 : i32
      %dma_start3A_56 = tpu.memref_slice %arg7[%add3A_15, %dma_start3A_55] : memref<10000x128xf32, #tpu.memory_space<vmem_shared>> -> memref<48x128xf32, #tpu.memory_space<vmem_shared>>
      tpu.enqueue_dma source(%arg6 : memref<48x128xf32, #tpu.memory_space<vmem>>) target(%dma_start3A_56 : memref<48x128xf32, #tpu.memory_space<vmem_shared>>) target_semaphore(%run_scoped3A : memref<!tpu.dma_semaphore, #tpu.memory_space<semaphore_mem>>)
      %dma_wait3A = arith.constant 0 : i32
      %dma_wait3A_57 = tpu.memref_slice %arg7[%add3A_15, %dma_wait3A] : memref<10000x128xf32, #tpu.memory_space<vmem_shared>> -> memref<48x128xf32, #tpu.memory_space<vmem_shared>>
      %dma_wait3A_58 = arith.constant 0 : i32
      %dma_wait3A_59 = tpu.memref_slice %arg7[%add3A_15, %dma_wait3A_58] : memref<10000x128xf32, #tpu.memory_space<vmem_shared>> -> memref<48x128xf32, #tpu.memory_space<vmem_shared>>
      tpu.wait_dma2 semaphore(%run_scoped3A : memref<!tpu.dma_semaphore, #tpu.memory_space<semaphore_mem>>) src(%arg6 : memref<48x128xf32, #tpu.memory_space<vmem>>) dst(%dma_wait3A_59 : memref<48x128xf32, #tpu.memory_space<vmem_shared>>)
      tpu.yield
    }) : () -> ()
    %add3A_16 = arith.constant 192 : i32
    %add3A_17 = arith.addi %mul3A_2, %add3A_16 : i32
    "tpu.region"() ({
      %run_scoped3A = tpu.sem_alloc : memref<!tpu.dma_semaphore, #tpu.memory_space<semaphore_mem>>
      %dma_start3A = arith.constant 0 : i32
      %dma_start3A_54 = tpu.memref_slice %arg7[%add3A_17, %dma_start3A] : memref<10000x128xf32, #tpu.memory_space<vmem_shared>> -> memref<48x128xf32, #tpu.memory_space<vmem_shared>>
      %dma_start3A_55 = arith.constant 0 : i32
      %dma_start3A_56 = tpu.memref_slice %arg7[%add3A_17, %dma_start3A_55] : memref<10000x128xf32, #tpu.memory_space<vmem_shared>> -> memref<48x128xf32, #tpu.memory_space<vmem_shared>>
      tpu.enqueue_dma source(%arg6 : memref<48x128xf32, #tpu.memory_space<vmem>>) target(%dma_start3A_56 : memref<48x128xf32, #tpu.memory_space<vmem_shared>>) target_semaphore(%run_scoped3A : memref<!tpu.dma_semaphore, #tpu.memory_space<semaphore_mem>>)
      %dma_wait3A = arith.constant 0 : i32
      %dma_wait3A_57 = tpu.memref_slice %arg7[%add3A_17, %dma_wait3A] : memref<10000x128xf32, #tpu.memory_space<vmem_shared>> -> memref<48x128xf32, #tpu.memory_space<vmem_shared>>
      %dma_wait3A_58 = arith.constant 0 : i32
      %dma_wait3A_59 = tpu.memref_slice %arg7[%add3A_17, %dma_wait3A_58] : memref<10000x128xf32, #tpu.memory_space<vmem_shared>> -> memref<48x128xf32, #tpu.memory_space<vmem_shared>>
      tpu.wait_dma2 semaphore(%run_scoped3A : memref<!tpu.dma_semaphore, #tpu.memory_space<semaphore_mem>>) src(%arg6 : memref<48x128xf32, #tpu.memory_space<vmem>>) dst(%dma_wait3A_59 : memref<48x128xf32, #tpu.memory_space<vmem_shared>>)
      tpu.yield
    }) : () -> ()
    %add3A_18 = arith.constant 240 : i32
    %add3A_19 = arith.addi %mul3A_2, %add3A_18 : i32
    "tpu.region"() ({
      %run_scoped3A = tpu.sem_alloc : memref<!tpu.dma_semaphore, #tpu.memory_space<semaphore_mem>>
      %dma_start3A = arith.constant 0 : i32
      %dma_start3A_54 = tpu.memref_slice %arg7[%add3A_19, %dma_start3A] : memref<10000x128xf32, #tpu.memory_space<vmem_shared>> -> memref<48x128xf32, #tpu.memory_space<vmem_shared>>
      %dma_start3A_55 = arith.constant 0 : i32
      %dma_start3A_56 = tpu.memref_slice %arg7[%add3A_19, %dma_start3A_55] : memref<10000x128xf32, #tpu.memory_space<vmem_shared>> -> memref<48x128xf32, #tpu.memory_space<vmem_shared>>
      tpu.enqueue_dma source(%arg6 : memref<48x128xf32, #tpu.memory_space<vmem>>) target(%dma_start3A_56 : memref<48x128xf32, #tpu.memory_space<vmem_shared>>) target_semaphore(%run_scoped3A : memref<!tpu.dma_semaphore, #tpu.memory_space<semaphore_mem>>)
      %dma_wait3A = arith.constant 0 : i32
      %dma_wait3A_57 = tpu.memref_slice %arg7[%add3A_19, %dma_wait3A] : memref<10000x128xf32, #tpu.memory_space<vmem_shared>> -> memref<48x128xf32, #tpu.memory_space<vmem_shared>>
      %dma_wait3A_58 = arith.constant 0 : i32
      %dma_wait3A_59 = tpu.memref_slice %arg7[%add3A_19, %dma_wait3A_58] : memref<10000x128xf32, #tpu.memory_space<vmem_shared>> -> memref<48x128xf32, #tpu.memory_space<vmem_shared>>
      tpu.wait_dma2 semaphore(%run_scoped3A : memref<!tpu.dma_semaphore, #tpu.memory_space<semaphore_mem>>) src(%arg6 : memref<48x128xf32, #tpu.memory_space<vmem>>) dst(%dma_wait3A_59 : memref<48x128xf32, #tpu.memory_space<vmem_shared>>)
      tpu.yield
    }) : () -> ()
    %add3A_20 = arith.constant 288 : i32
    %add3A_21 = arith.addi %mul3A_2, %add3A_20 : i32
    "tpu.region"() ({
      %run_scoped3A = tpu.sem_alloc : memref<!tpu.dma_semaphore, #tpu.memory_space<semaphore_mem>>
      %dma_start3A = arith.constant 0 : i32
      %dma_start3A_54 = tpu.memref_slice %arg7[%add3A_21, %dma_start3A] : memref<10000x128xf32, #tpu.memory_space<vmem_shared>> -> memref<48x128xf32, #tpu.memory_space<vmem_shared>>
      %dma_start3A_55 = arith.constant 0 : i32
      %dma_start3A_56 = tpu.memref_slice %arg7[%add3A_21, %dma_start3A_55] : memref<10000x128xf32, #tpu.memory_space<vmem_shared>> -> memref<48x128xf32, #tpu.memory_space<vmem_shared>>
      tpu.enqueue_dma source(%arg6 : memref<48x128xf32, #tpu.memory_space<vmem>>) target(%dma_start3A_56 : memref<48x128xf32, #tpu.memory_space<vmem_shared>>) target_semaphore(%run_scoped3A : memref<!tpu.dma_semaphore, #tpu.memory_space<semaphore_mem>>)
      %dma_wait3A = arith.constant 0 : i32
      %dma_wait3A_57 = tpu.memref_slice %arg7[%add3A_21, %dma_wait3A] : memref<10000x128xf32, #tpu.memory_space<vmem_shared>> -> memref<48x128xf32, #tpu.memory_space<vmem_shared>>
      %dma_wait3A_58 = arith.constant 0 : i32
      %dma_wait3A_59 = tpu.memref_slice %arg7[%add3A_21, %dma_wait3A_58] : memref<10000x128xf32, #tpu.memory_space<vmem_shared>> -> memref<48x128xf32, #tpu.memory_space<vmem_shared>>
      tpu.wait_dma2 semaphore(%run_scoped3A : memref<!tpu.dma_semaphore, #tpu.memory_space<semaphore_mem>>) src(%arg6 : memref<48x128xf32, #tpu.memory_space<vmem>>) dst(%dma_wait3A_59 : memref<48x128xf32, #tpu.memory_space<vmem_shared>>)
      tpu.yield
    }) : () -> ()
    %add3A_22 = arith.constant 336 : i32
    %add3A_23 = arith.addi %mul3A_2, %add3A_22 : i32
    "tpu.region"() ({
      %run_scoped3A = tpu.sem_alloc : memref<!tpu.dma_semaphore, #tpu.memory_space<semaphore_mem>>
      %dma_start3A = arith.constant 0 : i32
      %dma_start3A_54 = tpu.memref_slice %arg7[%add3A_23, %dma_start3A] : memref<10000x128xf32, #tpu.memory_space<vmem_shared>> -> memref<48x128xf32, #tpu.memory_space<vmem_shared>>
      %dma_start3A_55 = arith.constant 0 : i32
      %dma_start3A_56 = tpu.memref_slice %arg7[%add3A_23, %dma_start3A_55] : memref<10000x128xf32, #tpu.memory_space<vmem_shared>> -> memref<48x128xf32, #tpu.memory_space<vmem_shared>>
      tpu.enqueue_dma source(%arg6 : memref<48x128xf32, #tpu.memory_space<vmem>>) target(%dma_start3A_56 : memref<48x128xf32, #tpu.memory_space<vmem_shared>>) target_semaphore(%run_scoped3A : memref<!tpu.dma_semaphore, #tpu.memory_space<semaphore_mem>>)
      %dma_wait3A = arith.constant 0 : i32
      %dma_wait3A_57 = tpu.memref_slice %arg7[%add3A_23, %dma_wait3A] : memref<10000x128xf32, #tpu.memory_space<vmem_shared>> -> memref<48x128xf32, #tpu.memory_space<vmem_shared>>
      %dma_wait3A_58 = arith.constant 0 : i32
      %dma_wait3A_59 = tpu.memref_slice %arg7[%add3A_23, %dma_wait3A_58] : memref<10000x128xf32, #tpu.memory_space<vmem_shared>> -> memref<48x128xf32, #tpu.memory_space<vmem_shared>>
      tpu.wait_dma2 semaphore(%run_scoped3A : memref<!tpu.dma_semaphore, #tpu.memory_space<semaphore_mem>>) src(%arg6 : memref<48x128xf32, #tpu.memory_space<vmem>>) dst(%dma_wait3A_59 : memref<48x128xf32, #tpu.memory_space<vmem_shared>>)
      tpu.yield
    }) : () -> ()
    %add3A_24 = arith.constant 384 : i32
    %add3A_25 = arith.addi %mul3A_2, %add3A_24 : i32
    "tpu.region"() ({
      %run_scoped3A = tpu.sem_alloc : memref<!tpu.dma_semaphore, #tpu.memory_space<semaphore_mem>>
      %dma_start3A = arith.constant 0 : i32
      %dma_start3A_54 = tpu.memref_slice %arg7[%add3A_25, %dma_start3A] : memref<10000x128xf32, #tpu.memory_space<vmem_shared>> -> memref<48x128xf32, #tpu.memory_space<vmem_shared>>
      %dma_start3A_55 = arith.constant 0 : i32
      %dma_start3A_56 = tpu.memref_slice %arg7[%add3A_25, %dma_start3A_55] : memref<10000x128xf32, #tpu.memory_space<vmem_shared>> -> memref<48x128xf32, #tpu.memory_space<vmem_shared>>
      tpu.enqueue_dma source(%arg6 : memref<48x128xf32, #tpu.memory_space<vmem>>) target(%dma_start3A_56 : memref<48x128xf32, #tpu.memory_space<vmem_shared>>) target_semaphore(%run_scoped3A : memref<!tpu.dma_semaphore, #tpu.memory_space<semaphore_mem>>)
      %dma_wait3A = arith.constant 0 : i32
      %dma_wait3A_57 = tpu.memref_slice %arg7[%add3A_25, %dma_wait3A] : memref<10000x128xf32, #tpu.memory_space<vmem_shared>> -> memref<48x128xf32, #tpu.memory_space<vmem_shared>>
      %dma_wait3A_58 = arith.constant 0 : i32
      %dma_wait3A_59 = tpu.memref_slice %arg7[%add3A_25, %dma_wait3A_58] : memref<10000x128xf32, #tpu.memory_space<vmem_shared>> -> memref<48x128xf32, #tpu.memory_space<vmem_shared>>
      tpu.wait_dma2 semaphore(%run_scoped3A : memref<!tpu.dma_semaphore, #tpu.memory_space<semaphore_mem>>) src(%arg6 : memref<48x128xf32, #tpu.memory_space<vmem>>) dst(%dma_wait3A_59 : memref<48x128xf32, #tpu.memory_space<vmem_shared>>)
      tpu.yield
    }) : () -> ()
    %add3A_26 = arith.constant 432 : i32
    %add3A_27 = arith.addi %mul3A_2, %add3A_26 : i32
    "tpu.region"() ({
      %run_scoped3A = tpu.sem_alloc : memref<!tpu.dma_semaphore, #tpu.memory_space<semaphore_mem>>
      %dma_start3A = arith.constant 0 : i32
      %dma_start3A_54 = tpu.memref_slice %arg7[%add3A_27, %dma_start3A] : memref<10000x128xf32, #tpu.memory_space<vmem_shared>> -> memref<48x128xf32, #tpu.memory_space<vmem_shared>>
      %dma_start3A_55 = arith.constant 0 : i32
      %dma_start3A_56 = tpu.memref_slice %arg7[%add3A_27, %dma_start3A_55] : memref<10000x128xf32, #tpu.memory_space<vmem_shared>> -> memref<48x128xf32, #tpu.memory_space<vmem_shared>>
      tpu.enqueue_dma source(%arg6 : memref<48x128xf32, #tpu.memory_space<vmem>>) target(%dma_start3A_56 : memref<48x128xf32, #tpu.memory_space<vmem_shared>>) target_semaphore(%run_scoped3A : memref<!tpu.dma_semaphore, #tpu.memory_space<semaphore_mem>>)
      %dma_wait3A = arith.constant 0 : i32
      %dma_wait3A_57 = tpu.memref_slice %arg7[%add3A_27, %dma_wait3A] : memref<10000x128xf32, #tpu.memory_space<vmem_shared>> -> memref<48x128xf32, #tpu.memory_space<vmem_shared>>
      %dma_wait3A_58 = arith.constant 0 : i32
      %dma_wait3A_59 = tpu.memref_slice %arg7[%add3A_27, %dma_wait3A_58] : memref<10000x128xf32, #tpu.memory_space<vmem_shared>> -> memref<48x128xf32, #tpu.memory_space<vmem_shared>>
      tpu.wait_dma2 semaphore(%run_scoped3A : memref<!tpu.dma_semaphore, #tpu.memory_space<semaphore_mem>>) src(%arg6 : memref<48x128xf32, #tpu.memory_space<vmem>>) dst(%dma_wait3A_59 : memref<48x128xf32, #tpu.memory_space<vmem_shared>>)
      tpu.yield
    }) : () -> ()
    %add3A_28 = arith.constant 480 : i32
    %add3A_29 = arith.addi %mul3A_2, %add3A_28 : i32
    "tpu.region"() ({
      %run_scoped3A = tpu.sem_alloc : memref<!tpu.dma_semaphore, #tpu.memory_space<semaphore_mem>>
      %dma_start3A = arith.constant 0 : i32
      %dma_start3A_54 = tpu.memref_slice %arg7[%add3A_29, %dma_start3A] : memref<10000x128xf32, #tpu.memory_space<vmem_shared>> -> memref<48x128xf32, #tpu.memory_space<vmem_shared>>
      %dma_start3A_55 = arith.constant 0 : i32
      %dma_start3A_56 = tpu.memref_slice %arg7[%add3A_29, %dma_start3A_55] : memref<10000x128xf32, #tpu.memory_space<vmem_shared>> -> memref<48x128xf32, #tpu.memory_space<vmem_shared>>
      tpu.enqueue_dma source(%arg6 : memref<48x128xf32, #tpu.memory_space<vmem>>) target(%dma_start3A_56 : memref<48x128xf32, #tpu.memory_space<vmem_shared>>) target_semaphore(%run_scoped3A : memref<!tpu.dma_semaphore, #tpu.memory_space<semaphore_mem>>)
      %dma_wait3A = arith.constant 0 : i32
      %dma_wait3A_57 = tpu.memref_slice %arg7[%add3A_29, %dma_wait3A] : memref<10000x128xf32, #tpu.memory_space<vmem_shared>> -> memref<48x128xf32, #tpu.memory_space<vmem_shared>>
      %dma_wait3A_58 = arith.constant 0 : i32
      %dma_wait3A_59 = tpu.memref_slice %arg7[%add3A_29, %dma_wait3A_58] : memref<10000x128xf32, #tpu.memory_space<vmem_shared>> -> memref<48x128xf32, #tpu.memory_space<vmem_shared>>
      tpu.wait_dma2 semaphore(%run_scoped3A : memref<!tpu.dma_semaphore, #tpu.memory_space<semaphore_mem>>) src(%arg6 : memref<48x128xf32, #tpu.memory_space<vmem>>) dst(%dma_wait3A_59 : memref<48x128xf32, #tpu.memory_space<vmem_shared>>)
      tpu.yield
    }) : () -> ()
    %add3A_30 = arith.constant 528 : i32
    %add3A_31 = arith.addi %mul3A_2, %add3A_30 : i32
    "tpu.region"() ({
      %run_scoped3A = tpu.sem_alloc : memref<!tpu.dma_semaphore, #tpu.memory_space<semaphore_mem>>
      %dma_start3A = arith.constant 0 : i32
      %dma_start3A_54 = tpu.memref_slice %arg7[%add3A_31, %dma_start3A] : memref<10000x128xf32, #tpu.memory_space<vmem_shared>> -> memref<48x128xf32, #tpu.memory_space<vmem_shared>>
      %dma_start3A_55 = arith.constant 0 : i32
      %dma_start3A_56 = tpu.memref_slice %arg7[%add3A_31, %dma_start3A_55] : memref<10000x128xf32, #tpu.memory_space<vmem_shared>> -> memref<48x128xf32, #tpu.memory_space<vmem_shared>>
      tpu.enqueue_dma source(%arg6 : memref<48x128xf32, #tpu.memory_space<vmem>>) target(%dma_start3A_56 : memref<48x128xf32, #tpu.memory_space<vmem_shared>>) target_semaphore(%run_scoped3A : memref<!tpu.dma_semaphore, #tpu.memory_space<semaphore_mem>>)
      %dma_wait3A = arith.constant 0 : i32
      %dma_wait3A_57 = tpu.memref_slice %arg7[%add3A_31, %dma_wait3A] : memref<10000x128xf32, #tpu.memory_space<vmem_shared>> -> memref<48x128xf32, #tpu.memory_space<vmem_shared>>
      %dma_wait3A_58 = arith.constant 0 : i32
      %dma_wait3A_59 = tpu.memref_slice %arg7[%add3A_31, %dma_wait3A_58] : memref<10000x128xf32, #tpu.memory_space<vmem_shared>> -> memref<48x128xf32, #tpu.memory_space<vmem_shared>>
      tpu.wait_dma2 semaphore(%run_scoped3A : memref<!tpu.dma_semaphore, #tpu.memory_space<semaphore_mem>>) src(%arg6 : memref<48x128xf32, #tpu.memory_space<vmem>>) dst(%dma_wait3A_59 : memref<48x128xf32, #tpu.memory_space<vmem_shared>>)
      tpu.yield
    }) : () -> ()
    %add3A_32 = arith.constant 576 : i32
    %add3A_33 = arith.addi %mul3A_2, %add3A_32 : i32
    "tpu.region"() ({
      %run_scoped3A = tpu.sem_alloc : memref<!tpu.dma_semaphore, #tpu.memory_space<semaphore_mem>>
      %dma_start3A = arith.constant 0 : i32
      %dma_start3A_54 = tpu.memref_slice %arg7[%add3A_33, %dma_start3A] : memref<10000x128xf32, #tpu.memory_space<vmem_shared>> -> memref<48x128xf32, #tpu.memory_space<vmem_shared>>
      %dma_start3A_55 = arith.constant 0 : i32
      %dma_start3A_56 = tpu.memref_slice %arg7[%add3A_33, %dma_start3A_55] : memref<10000x128xf32, #tpu.memory_space<vmem_shared>> -> memref<48x128xf32, #tpu.memory_space<vmem_shared>>
      tpu.enqueue_dma source(%arg6 : memref<48x128xf32, #tpu.memory_space<vmem>>) target(%dma_start3A_56 : memref<48x128xf32, #tpu.memory_space<vmem_shared>>) target_semaphore(%run_scoped3A : memref<!tpu.dma_semaphore, #tpu.memory_space<semaphore_mem>>)
      %dma_wait3A = arith.constant 0 : i32
      %dma_wait3A_57 = tpu.memref_slice %arg7[%add3A_33, %dma_wait3A] : memref<10000x128xf32, #tpu.memory_space<vmem_shared>> -> memref<48x128xf32, #tpu.memory_space<vmem_shared>>
      %dma_wait3A_58 = arith.constant 0 : i32
      %dma_wait3A_59 = tpu.memref_slice %arg7[%add3A_33, %dma_wait3A_58] : memref<10000x128xf32, #tpu.memory_space<vmem_shared>> -> memref<48x128xf32, #tpu.memory_space<vmem_shared>>
      tpu.wait_dma2 semaphore(%run_scoped3A : memref<!tpu.dma_semaphore, #tpu.memory_space<semaphore_mem>>) src(%arg6 : memref<48x128xf32, #tpu.memory_space<vmem>>) dst(%dma_wait3A_59 : memref<48x128xf32, #tpu.memory_space<vmem_shared>>)
      tpu.yield
    }) : () -> ()
    %eq3A = arith.constant 15 : i32
    %eq3A_34 = arith.cmpi eq, %arg1, %eq3A : i32
    %convert_element_type3A = arith.extui %eq3A_34 : i1 to i32
    %cond3A = arith.constant 0 : i32
    %cond3A_35 = arith.cmpi ne, %convert_element_type3A, %cond3A : i32
    scf.if %cond3A_35 {
      "tpu.region"() ({
        %run_scoped3A = tpu.sem_alloc : memref<!tpu.dma_semaphore, #tpu.memory_space<semaphore_mem>>
        %dma_start3A = arith.constant 0 : i32
        %dma_start3A_54 = arith.constant 0 : i32
        %dma_start3A_55 = tpu.memref_slice %arg6[%dma_start3A, %dma_start3A_54] : memref<48x128xf32, #tpu.memory_space<vmem>> -> memref<16x128xf32, #tpu.memory_space<vmem>>
        %dma_start3A_56 = arith.constant 9984 : i32
        %dma_start3A_57 = arith.constant 0 : i32
        %dma_start3A_58 = tpu.memref_slice %arg7[%dma_start3A_56, %dma_start3A_57] : memref<10000x128xf32, #tpu.memory_space<vmem_shared>> -> memref<16x128xf32, #tpu.memory_space<vmem_shared>>
        %dma_start3A_59 = arith.constant 9984 : i32
        %dma_start3A_60 = arith.constant 0 : i32
        %dma_start3A_61 = tpu.memref_slice %arg7[%dma_start3A_59, %dma_start3A_60] : memref<10000x128xf32, #tpu.memory_space<vmem_shared>> -> memref<16x128xf32, #tpu.memory_space<vmem_shared>>
        %dma_start3A_62 = arith.constant 0 : i32
        %dma_start3A_63 = arith.constant 0 : i32
        %dma_start3A_64 = tpu.memref_slice %arg6[%dma_start3A_62, %dma_start3A_63] : memref<48x128xf32, #tpu.memory_space<vmem>> -> memref<16x128xf32, #tpu.memory_space<vmem>>
        tpu.enqueue_dma source(%dma_start3A_64 : memref<16x128xf32, #tpu.memory_space<vmem>>) target(%dma_start3A_61 : memref<16x128xf32, #tpu.memory_space<vmem_shared>>) target_semaphore(%run_scoped3A : memref<!tpu.dma_semaphore, #tpu.memory_space<semaphore_mem>>)
        %dma_wait3A = arith.constant 0 : i32
        %dma_wait3A_65 = arith.constant 0 : i32
        %dma_wait3A_66 = tpu.memref_slice %arg6[%dma_wait3A, %dma_wait3A_65] : memref<48x128xf32, #tpu.memory_space<vmem>> -> memref<16x128xf32, #tpu.memory_space<vmem>>
        %dma_wait3A_67 = arith.constant 9984 : i32
        %dma_wait3A_68 = arith.constant 0 : i32
        %dma_wait3A_69 = tpu.memref_slice %arg7[%dma_wait3A_67, %dma_wait3A_68] : memref<10000x128xf32, #tpu.memory_space<vmem_shared>> -> memref<16x128xf32, #tpu.memory_space<vmem_shared>>
        %dma_wait3A_70 = arith.constant 9984 : i32
        %dma_wait3A_71 = arith.constant 0 : i32
        %dma_wait3A_72 = tpu.memref_slice %arg7[%dma_wait3A_70, %dma_wait3A_71] : memref<10000x128xf32, #tpu.memory_space<vmem_shared>> -> memref<16x128xf32, #tpu.memory_space<vmem_shared>>
        %dma_wait3A_73 = arith.constant 0 : i32
        %dma_wait3A_74 = arith.constant 0 : i32
        %dma_wait3A_75 = tpu.memref_slice %arg6[%dma_wait3A_73, %dma_wait3A_74] : memref<48x128xf32, #tpu.memory_space<vmem>> -> memref<16x128xf32, #tpu.memory_space<vmem>>
        tpu.wait_dma2 semaphore(%run_scoped3A : memref<!tpu.dma_semaphore, #tpu.memory_space<semaphore_mem>>) src(%dma_wait3A_75 : memref<16x128xf32, #tpu.memory_space<vmem>>) dst(%dma_wait3A_72 : memref<16x128xf32, #tpu.memory_space<vmem_shared>>)
        tpu.yield
      }) : () -> ()
    } else {
    }
    %scan3A_36 = arith.constant 0 : i32
    %scan3A_37 = arith.constant 0 : i32
    %scan3A_38 = arith.constant 128 : i32
    %scan3A_39 = arith.addi %scan3A_37, %scan3A_38 : i32
    %scan3A_40 = arith.constant 1 : i32
    scf.for %scan3A_54 = %scan3A_37 to %scan3A_39 step %scan3A_40  : i32 {
      %broadcast_in_dim3A = arith.constant 1.000000e+00 : f32
      %broadcast_in_dim3A_55 = vector.broadcast %broadcast_in_dim3A : f32 to vector<16xf32>
      %swap3A = arith.index_cast %scan3A_54 : i32 to index
      %swap3A_56 = arith.constant 0 : index
      %swap3A_57 = tpu.vector_load %arg5[%swap3A, %swap3A_56] {strides = array<i32>} : memref<128x128xf32, #tpu.memory_space<vmem>>, vector<1x16xf32>,
      %swap3A_58 = vector.shape_cast %swap3A_57 : vector<1x16xf32> to vector<16xf32>
      %swap3A_59 = vector.shape_cast %broadcast_in_dim3A_55 : vector<16xf32> to vector<1x16xf32>
      tpu.vector_store %arg5[%swap3A, %swap3A_56], %swap3A_59 {strides = array<i32>} : memref<128x128xf32, #tpu.memory_space<vmem>>, vector<1x16xf32>,
      %broadcast_in_dim3A_60 = arith.constant 1.000000e+00 : f32
      %broadcast_in_dim3A_61 = vector.broadcast %broadcast_in_dim3A_60 : f32 to vector<16xf32>
      %swap3A_62 = arith.index_cast %scan3A_54 : i32 to index
      %swap3A_63 = arith.constant 16 : index
      %swap3A_64 = tpu.vector_load %arg5[%swap3A_62, %swap3A_63] {strides = array<i32>} : memref<128x128xf32, #tpu.memory_space<vmem>>, vector<1x16xf32>,
      %swap3A_65 = vector.shape_cast %swap3A_64 : vector<1x16xf32> to vector<16xf32>
      %swap3A_66 = vector.shape_cast %broadcast_in_dim3A_61 : vector<16xf32> to vector<1x16xf32>
      tpu.vector_store %arg5[%swap3A_62, %swap3A_63], %swap3A_66 {strides = array<i32>} : memref<128x128xf32, #tpu.memory_space<vmem>>, vector<1x16xf32>,
      %broadcast_in_dim3A_67 = arith.constant 1.000000e+00 : f32
      %broadcast_in_dim3A_68 = vector.broadcast %broadcast_in_dim3A_67 : f32 to vector<16xf32>
      %swap3A_69 = arith.index_cast %scan3A_54 : i32 to index
      %swap3A_70 = arith.constant 32 : index
      %swap3A_71 = tpu.vector_load %arg5[%swap3A_69, %swap3A_70] {strides = array<i32>} : memref<128x128xf32, #tpu.memory_space<vmem>>, vector<1x16xf32>,
      %swap3A_72 = vector.shape_cast %swap3A_71 : vector<1x16xf32> to vector<16xf32>
      %swap3A_73 = vector.shape_cast %broadcast_in_dim3A_68 : vector<16xf32> to vector<1x16xf32>
      tpu.vector_store %arg5[%swap3A_69, %swap3A_70], %swap3A_73 {strides = array<i32>} : memref<128x128xf32, #tpu.memory_space<vmem>>, vector<1x16xf32>,
      %broadcast_in_dim3A_74 = arith.constant 1.000000e+00 : f32
      %broadcast_in_dim3A_75 = vector.broadcast %broadcast_in_dim3A_74 : f32 to vector<16xf32>
      %swap3A_76 = arith.index_cast %scan3A_54 : i32 to index
      %swap3A_77 = arith.constant 48 : index
      %swap3A_78 = tpu.vector_load %arg5[%swap3A_76, %swap3A_77] {strides = array<i32>} : memref<128x128xf32, #tpu.memory_space<vmem>>, vector<1x16xf32>,
      %swap3A_79 = vector.shape_cast %swap3A_78 : vector<1x16xf32> to vector<16xf32>
      %swap3A_80 = vector.shape_cast %broadcast_in_dim3A_75 : vector<16xf32> to vector<1x16xf32>
      tpu.vector_store %arg5[%swap3A_76, %swap3A_77], %swap3A_80 {strides = array<i32>} : memref<128x128xf32, #tpu.memory_space<vmem>>, vector<1x16xf32>,
      %broadcast_in_dim3A_81 = arith.constant 1.000000e+00 : f32
      %broadcast_in_dim3A_82 = vector.broadcast %broadcast_in_dim3A_81 : f32 to vector<16xf32>
      %swap3A_83 = arith.index_cast %scan3A_54 : i32 to index
      %swap3A_84 = arith.constant 64 : index
      %swap3A_85 = tpu.vector_load %arg5[%swap3A_83, %swap3A_84] {strides = array<i32>} : memref<128x128xf32, #tpu.memory_space<vmem>>, vector<1x16xf32>,
      %swap3A_86 = vector.shape_cast %swap3A_85 : vector<1x16xf32> to vector<16xf32>
      %swap3A_87 = vector.shape_cast %broadcast_in_dim3A_82 : vector<16xf32> to vector<1x16xf32>
      tpu.vector_store %arg5[%swap3A_83, %swap3A_84], %swap3A_87 {strides = array<i32>} : memref<128x128xf32, #tpu.memory_space<vmem>>, vector<1x16xf32>,
      %broadcast_in_dim3A_88 = arith.constant 1.000000e+00 : f32
      %broadcast_in_dim3A_89 = vector.broadcast %broadcast_in_dim3A_88 : f32 to vector<16xf32>
      %swap3A_90 = arith.index_cast %scan3A_54 : i32 to index
      %swap3A_91 = arith.constant 80 : index
      %swap3A_92 = tpu.vector_load %arg5[%swap3A_90, %swap3A_91] {strides = array<i32>} : memref<128x128xf32, #tpu.memory_space<vmem>>, vector<1x16xf32>,
      %swap3A_93 = vector.shape_cast %swap3A_92 : vector<1x16xf32> to vector<16xf32>
      %swap3A_94 = vector.shape_cast %broadcast_in_dim3A_89 : vector<16xf32> to vector<1x16xf32>
      tpu.vector_store %arg5[%swap3A_90, %swap3A_91], %swap3A_94 {strides = array<i32>} : memref<128x128xf32, #tpu.memory_space<vmem>>, vector<1x16xf32>,
      %broadcast_in_dim3A_95 = arith.constant 1.000000e+00 : f32
      %broadcast_in_dim3A_96 = vector.broadcast %broadcast_in_dim3A_95 : f32 to vector<16xf32>
      %swap3A_97 = arith.index_cast %scan3A_54 : i32 to index
      %swap3A_98 = arith.constant 96 : index
      %swap3A_99 = tpu.vector_load %arg5[%swap3A_97, %swap3A_98] {strides = array<i32>} : memref<128x128xf32, #tpu.memory_space<vmem>>, vector<1x16xf32>,
      %swap3A_100 = vector.shape_cast %swap3A_99 : vector<1x16xf32> to vector<16xf32>
      %swap3A_101 = vector.shape_cast %broadcast_in_dim3A_96 : vector<16xf32> to vector<1x16xf32>
      tpu.vector_store %arg5[%swap3A_97, %swap3A_98], %swap3A_101 {strides = array<i32>} : memref<128x128xf32, #tpu.memory_space<vmem>>, vector<1x16xf32>,
      %broadcast_in_dim3A_102 = arith.constant 1.000000e+00 : f32
      %broadcast_in_dim3A_103 = vector.broadcast %broadcast_in_dim3A_102 : f32 to vector<16xf32>
      %swap3A_104 = arith.index_cast %scan3A_54 : i32 to index
      %swap3A_105 = arith.constant 112 : index
      %swap3A_106 = tpu.vector_load %arg5[%swap3A_104, %swap3A_105] {strides = array<i32>} : memref<128x128xf32, #tpu.memory_space<vmem>>, vector<1x16xf32>,
      %swap3A_107 = vector.shape_cast %swap3A_106 : vector<1x16xf32> to vector<16xf32>
      %swap3A_108 = vector.shape_cast %broadcast_in_dim3A_103 : vector<16xf32> to vector<1x16xf32>
      tpu.vector_store %arg5[%swap3A_104, %swap3A_105], %swap3A_108 {strides = array<i32>} : memref<128x128xf32, #tpu.memory_space<vmem>>, vector<1x16xf32>,
    }
    %scan3A_41 = arith.constant 128 : i32
    %barrier3A = arith.constant 0 : index
    tpu.barrier barrier_id(%barrier3A)
    %scan3A_42 = arith.constant 0 : i32
    %scan3A_43 = arith.constant 0 : i32
    %scan3A_44 = arith.constant 40 : i32
    %scan3A_45 = arith.addi %scan3A_43, %scan3A_44 : i32
    %scan3A_46 = arith.constant 1 : i32
    scf.for %scan3A_54 = %scan3A_43 to %scan3A_45 step %scan3A_46  : i32 {
      %mul3A_55 = arith.constant 32 : i32
      %mul3A_56 = arith.muli %mul3A_55, %scan3A_54 : i32
      %add3A_57 = arith.addi %add3A, %mul3A_56 : i32
      %lt3A = arith.constant 1250 : i32
      %lt3A_58 = arith.cmpi slt, %add3A_57, %lt3A : i32
      %convert_element_type3A_59 = arith.extui %lt3A_58 : i1 to i32
      %cond3A_60 = arith.constant 0 : i32
      %cond3A_61 = arith.cmpi ne, %convert_element_type3A_59, %cond3A_60 : i32
      scf.if %cond3A_61 {
        %mul3A_62 = arith.constant 128 : i32
        %mul3A_63 = arith.muli %add3A_57, %mul3A_62 : i32
        "tpu.region"() ({
          %run_scoped3A = tpu.sem_alloc : memref<!tpu.dma_semaphore, #tpu.memory_space<semaphore_mem>>
          %dma_start3A = tpu.memref_slice %arg2[%mul3A_63] : memref<160000xi32, #tpu.memory_space<hbm>> -> memref<128xi32, #tpu.memory_space<hbm>>
          %dma_start3A_64 = tpu.memref_slice %arg2[%mul3A_63] : memref<160000xi32, #tpu.memory_space<hbm>> -> memref<128xi32, #tpu.memory_space<hbm>>
          tpu.enqueue_dma source(%dma_start3A_64 : memref<128xi32, #tpu.memory_space<hbm>>) target(%arg4 : memref<128xi32, #tpu.memory_space<vmem>>) target_semaphore(%run_scoped3A : memref<!tpu.dma_semaphore, #tpu.memory_space<semaphore_mem>>)
          %dma_wait3A = tpu.memref_slice %arg2[%mul3A_63] : memref<160000xi32, #tpu.memory_space<hbm>> -> memref<128xi32, #tpu.memory_space<hbm>>
          %dma_wait3A_65 = tpu.memref_slice %arg2[%mul3A_63] : memref<160000xi32, #tpu.memory_space<hbm>> -> memref<128xi32, #tpu.memory_space<hbm>>
          tpu.wait_dma2 semaphore(%run_scoped3A : memref<!tpu.dma_semaphore, #tpu.memory_space<semaphore_mem>>) src(%dma_wait3A_65 : memref<128xi32, #tpu.memory_space<hbm>>) dst(%arg4 : memref<128xi32, #tpu.memory_space<vmem>>)
          tpu.yield
        }) : () -> ()
        "tpu.region"() ({
          %run_scoped3A = tpu.sem_alloc : memref<!tpu.dma_semaphore, #tpu.memory_space<semaphore_mem>>
          %dma_start3A = arith.constant 0 : i32
          %dma_start3A_64 = arith.constant 0 : i32
          %dma_start3A_65 = tpu.memref_slice %arg7[%dma_start3A, %dma_start3A_64] : memref<10000x128xf32, #tpu.memory_space<vmem_shared>> -> memref<10000x128xf32, #tpu.memory_space<vmem_shared>>
          tpu.enqueue_indirect_dma source(%arg5 : memref<128x128xf32, #tpu.memory_space<vmem>>) target(%dma_start3A_65 : memref<10000x128xf32, #tpu.memory_space<vmem_shared>>) offsets(%arg4 : memref<128xi32, #tpu.memory_space<vmem>>) semaphore(%run_scoped3A : memref<!tpu.dma_semaphore, #tpu.memory_space<semaphore_mem>>) {add = true}
          %dma_wait3A = arith.constant 0 : i32
          %dma_wait3A_66 = arith.constant 0 : i32
          %dma_wait3A_67 = tpu.memref_slice %arg7[%dma_wait3A, %dma_wait3A_66] : memref<10000x128xf32, #tpu.memory_space<vmem_shared>> -> memref<10000x128xf32, #tpu.memory_space<vmem_shared>>
          tpu.wait_indirect_dma semaphore(%run_scoped3A : memref<!tpu.dma_semaphore, #tpu.memory_space<semaphore_mem>>) src(%arg5 : memref<128x128xf32, #tpu.memory_space<vmem>>) dst(%dma_wait3A_67 : memref<10000x128xf32, #tpu.memory_space<vmem_shared>>)
          tpu.yield
        }) : () -> ()
      } else {
      }
    }
    %scan3A_47 = arith.constant 40 : i32
    %barrier3A_48 = arith.constant 0 : index
    tpu.barrier barrier_id(%barrier3A_48)
    "tpu.region"() ({
      %run_scoped3A = tpu.sem_alloc : memref<!tpu.dma_semaphore, #tpu.memory_space<semaphore_mem>>
      %dma_start3A = arith.constant 0 : i32
      %dma_start3A_54 = tpu.memref_slice %arg3[%arg0, %mul3A_2, %dma_start3A] : memref<2x10000x128xf32, #tpu.memory_space<hbm>> -> memref<1x624x128xf32, #tpu.memory_space<hbm>>
      %dma_start3A_55 = tpu.memref_squeeze %dma_start3A_54 : memref<1x624x128xf32, #tpu.memory_space<hbm>> -> memref<624x128xf32, #tpu.memory_space<hbm>>
      %dma_start3A_56 = arith.constant 0 : i32
      %dma_start3A_57 = tpu.memref_slice %arg7[%mul3A_2, %dma_start3A_56] : memref<10000x128xf32, #tpu.memory_space<vmem_shared>> -> memref<624x128xf32, #tpu.memory_space<vmem_shared>>
      tpu.enqueue_dma source(%dma_start3A_57 : memref<624x128xf32, #tpu.memory_space<vmem_shared>>) target(%dma_start3A_55 : memref<624x128xf32, #tpu.memory_space<hbm>>) target_semaphore(%run_scoped3A : memref<!tpu.dma_semaphore, #tpu.memory_space<semaphore_mem>>)
      %dma_wait3A = arith.constant 0 : i32
      %dma_wait3A_58 = tpu.memref_slice %arg3[%arg0, %mul3A_2, %dma_wait3A] : memref<2x10000x128xf32, #tpu.memory_space<hbm>> -> memref<1x624x128xf32, #tpu.memory_space<hbm>>
      %dma_wait3A_59 = tpu.memref_squeeze %dma_wait3A_58 : memref<1x624x128xf32, #tpu.memory_space<hbm>> -> memref<624x128xf32, #tpu.memory_space<hbm>>
      %dma_wait3A_60 = arith.constant 0 : i32
      %dma_wait3A_61 = tpu.memref_slice %arg7[%mul3A_2, %dma_wait3A_60] : memref<10000x128xf32, #tpu.memory_space<vmem_shared>> -> memref<624x128xf32, #tpu.memory_space<vmem_shared>>
      tpu.wait_dma2 semaphore(%run_scoped3A : memref<!tpu.dma_semaphore, #tpu.memory_space<semaphore_mem>>) src(%dma_wait3A_61 : memref<624x128xf32, #tpu.memory_space<vmem_shared>>) dst(%dma_wait3A_59 : memref<624x128xf32, #tpu.memory_space<hbm>>)
      tpu.yield
    }) : () -> ()
    %eq3A_49 = arith.constant 15 : i32
    %eq3A_50 = arith.cmpi eq, %arg1, %eq3A_49 : i32
    %convert_element_type3A_51 = arith.extui %eq3A_50 : i1 to i32
    %cond3A_52 = arith.constant 0 : i32
    %cond3A_53 = arith.cmpi ne, %convert_element_type3A_51, %cond3A_52 : i32
    scf.if %cond3A_53 {
      "tpu.region"() ({
        %run_scoped3A = tpu.sem_alloc : memref<!tpu.dma_semaphore, #tpu.memory_space<semaphore_mem>>
        %dma_start3A = arith.constant 9984 : i32
        %dma_start3A_54 = arith.constant 0 : i32
        %dma_start3A_55 = tpu.memref_slice %arg3[%arg0, %dma_start3A, %dma_start3A_54] : memref<2x10000x128xf32, #tpu.memory_space<hbm>> -> memref<1x16x128xf32, #tpu.memory_space<hbm>>
        %dma_start3A_56 = tpu.memref_squeeze %dma_start3A_55 : memref<1x16x128xf32, #tpu.memory_space<hbm>> -> memref<16x128xf32, #tpu.memory_space<hbm>>
        %dma_start3A_57 = arith.constant 9984 : i32
        %dma_start3A_58 = arith.constant 0 : i32
        %dma_start3A_59 = tpu.memref_slice %arg7[%dma_start3A_57, %dma_start3A_58] : memref<10000x128xf32, #tpu.memory_space<vmem_shared>> -> memref<16x128xf32, #tpu.memory_space<vmem_shared>>
        tpu.enqueue_dma source(%dma_start3A_59 : memref<16x128xf32, #tpu.memory_space<vmem_shared>>) target(%dma_start3A_56 : memref<16x128xf32, #tpu.memory_space<hbm>>) target_semaphore(%run_scoped3A : memref<!tpu.dma_semaphore, #tpu.memory_space<semaphore_mem>>)
        %dma_wait3A = arith.constant 9984 : i32
        %dma_wait3A_60 = arith.constant 0 : i32
        %dma_wait3A_61 = tpu.memref_slice %arg3[%arg0, %dma_wait3A, %dma_wait3A_60] : memref<2x10000x128xf32, #tpu.memory_space<hbm>> -> memref<1x16x128xf32, #tpu.memory_space<hbm>>
        %dma_wait3A_62 = tpu.memref_squeeze %dma_wait3A_61 : memref<1x16x128xf32, #tpu.memory_space<hbm>> -> memref<16x128xf32, #tpu.memory_space<hbm>>
        %dma_wait3A_63 = arith.constant 9984 : i32
        %dma_wait3A_64 = arith.constant 0 : i32
        %dma_wait3A_65 = tpu.memref_slice %arg7[%dma_wait3A_63, %dma_wait3A_64] : memref<10000x128xf32, #tpu.memory_space<vmem_shared>> -> memref<16x128xf32, #tpu.memory_space<vmem_shared>>
        tpu.wait_dma2 semaphore(%run_scoped3A : memref<!tpu.dma_semaphore, #tpu.memory_space<semaphore_mem>>) src(%dma_wait3A_65 : memref<16x128xf32, #tpu.memory_space<vmem_shared>>) dst(%dma_wait3A_62 : memref<16x128xf32, #tpu.memory_space<hbm>>)
        tpu.yield
      }) : () -> ()
    } else {
    }
    return
  }
}

module attributes {stable_mosaic.version = 14 : i64} {
  func.func @_edge_mlp_body(%arg0: i32, %arg1: memref<1000x256xf32, #tpu.memory_space<vmem>>, %arg2: memref<128x128xf32, #tpu.memory_space<vmem>>, %arg3: memref<128x128xf32, #tpu.memory_space<vmem>>, %arg4: memref<32x1xf32, #tpu.memory_space<vmem>>, %arg5: memref<128x1xf32, #tpu.memory_space<vmem>>, %arg6: memref<128x1xf32, #tpu.memory_space<vmem>>, %arg7: memref<128x128xf32, #tpu.memory_space<vmem>>, %arg8: memref<128x128xf32, #tpu.memory_space<vmem>>, %arg9: memref<2048x1xf32, #tpu.memory_space<vmem>>, %arg10: memref<32x1xf32, #tpu.memory_space<vmem>>, %arg11: memref<128x128xf32, #tpu.memory_space<vmem>>, %arg12: memref<128x128xf32, #tpu.memory_space<vmem>>, %arg13: memref<32x1xf32, #tpu.memory_space<vmem>>, %arg14: memref<128x1xf32, #tpu.memory_space<vmem>>, %arg15: memref<128x1xf32, #tpu.memory_space<vmem>>, %arg16: memref<128x128xf32, #tpu.memory_space<vmem>>, %arg17: memref<128x128xf32, #tpu.memory_space<vmem>>, %arg18: memref<2048x1xf32, #tpu.memory_space<vmem>>, %arg19: memref<32x1xf32, #tpu.memory_space<vmem>>, %arg20: memref<1000x256xf32, #tpu.memory_space<vmem>>) attributes {dimension_semantics = [#tpu.dimension_semantics<arbitrary>], iteration_bounds = array<i64: 160>, scalar_prefetch = 0 : i64, scratch_operands = 0 : i64, tpu.core_type = #tpu.core_type<tc>, window_params = [{transform_indices = @transform_0, window_bounds = array<i64: 1000, 256>}, {pipeline_mode = #tpu.pipeline_mode<synchronous>, transform_indices = @transform_1, window_bounds = array<i64: 128, 128>}, {pipeline_mode = #tpu.pipeline_mode<synchronous>, transform_indices = @transform_2, window_bounds = array<i64: 128, 128>}, {pipeline_mode = #tpu.pipeline_mode<synchronous>, transform_indices = @transform_3, window_bounds = array<i64: 32, 1>}, {pipeline_mode = #tpu.pipeline_mode<synchronous>, transform_indices = @transform_4, window_bounds = array<i64: 128, 1>}, {pipeline_mode = #tpu.pipeline_mode<synchronous>, transform_indices = @transform_5, window_bounds = array<i64: 128, 1>}, {pipeline_mode = #tpu.pipeline_mode<synchronous>, transform_indices = @transform_6, window_bounds = array<i64: 128, 128>}, {pipeline_mode = #tpu.pipeline_mode<synchronous>, transform_indices = @transform_7, window_bounds = array<i64: 128, 128>}, {pipeline_mode = #tpu.pipeline_mode<synchronous>, transform_indices = @transform_8, window_bounds = array<i64: 2048, 1>}, {pipeline_mode = #tpu.pipeline_mode<synchronous>, transform_indices = @transform_9, window_bounds = array<i64: 32, 1>}, {pipeline_mode = #tpu.pipeline_mode<synchronous>, transform_indices = @transform_10, window_bounds = array<i64: 128, 128>}, {pipeline_mode = #tpu.pipeline_mode<synchronous>, transform_indices = @transform_11, window_bounds = array<i64: 128, 128>}, {pipeline_mode = #tpu.pipeline_mode<synchronous>, transform_indices = @transform_12, window_bounds = array<i64: 32, 1>}, {pipeline_mode = #tpu.pipeline_mode<synchronous>, transform_indices = @transform_13, window_bounds = array<i64: 128, 1>}, {pipeline_mode = #tpu.pipeline_mode<synchronous>, transform_indices = @transform_14, window_bounds = array<i64: 128, 1>}, {pipeline_mode = #tpu.pipeline_mode<synchronous>, transform_indices = @transform_15, window_bounds = array<i64: 128, 128>}, {pipeline_mode = #tpu.pipeline_mode<synchronous>, transform_indices = @transform_16, window_bounds = array<i64: 128, 128>}, {pipeline_mode = #tpu.pipeline_mode<synchronous>, transform_indices = @transform_17, window_bounds = array<i64: 2048, 1>}, {pipeline_mode = #tpu.pipeline_mode<synchronous>, transform_indices = @transform_18, window_bounds = array<i64: 32, 1>}, {transform_indices = @transform_19, window_bounds = array<i64: 1000, 256>}]} {
    %get3A = arith.constant 0 : index
    %get3A_0 = arith.constant 0 : index
    %get3A_1 = vector.load %arg1[%get3A, %get3A_0] : memref<1000x256xf32, #tpu.memory_space<vmem>>, vector<1000x256xf32>
    %transpose3A = tpu.transpose %get3A_1, [1, 0] : vector<1000x256xf32> -> vector<256x1000xf32>
    %get3A_2 = arith.constant 0 : index
    %get3A_3 = arith.constant 0 : index
    %get3A_4 = vector.load %arg2[%get3A_2, %get3A_3] : memref<128x128xf32, #tpu.memory_space<vmem>>, vector<128x128xf32>
    %get3A_5 = arith.constant 0 : index
    %get3A_6 = arith.constant 0 : index
    %get3A_7 = vector.load %arg3[%get3A_5, %get3A_6] : memref<128x128xf32, #tpu.memory_space<vmem>>, vector<128x128xf32>
    %get3A_8 = arith.constant 0 : index
    %get3A_9 = arith.constant 0 : index
    %get3A_10 = vector.load %arg4[%get3A_8, %get3A_9] : memref<32x1xf32, #tpu.memory_space<vmem>>, vector<32x1xf32>
    %get3A_11 = arith.constant 0 : index
    %get3A_12 = arith.constant 0 : index
    %get3A_13 = vector.load %arg5[%get3A_11, %get3A_12] : memref<128x1xf32, #tpu.memory_space<vmem>>, vector<128x1xf32>
    %get3A_14 = arith.constant 0 : index
    %get3A_15 = arith.constant 0 : index
    %get3A_16 = vector.load %arg6[%get3A_14, %get3A_15] : memref<128x1xf32, #tpu.memory_space<vmem>>, vector<128x1xf32>
    %get3A_17 = arith.constant 0 : index
    %get3A_18 = arith.constant 0 : index
    %get3A_19 = vector.load %arg7[%get3A_17, %get3A_18] : memref<128x128xf32, #tpu.memory_space<vmem>>, vector<128x128xf32>
    %get3A_20 = arith.constant 0 : index
    %get3A_21 = arith.constant 0 : index
    %get3A_22 = vector.load %arg8[%get3A_20, %get3A_21] : memref<128x128xf32, #tpu.memory_space<vmem>>, vector<128x128xf32>
    %get3A_23 = arith.constant 0 : index
    %get3A_24 = arith.constant 0 : index
    %get3A_25 = vector.load %arg9[%get3A_23, %get3A_24] : memref<2048x1xf32, #tpu.memory_space<vmem>>, vector<2048x1xf32>
    %get3A_26 = arith.constant 0 : index
    %get3A_27 = arith.constant 0 : index
    %get3A_28 = vector.load %arg10[%get3A_26, %get3A_27] : memref<32x1xf32, #tpu.memory_space<vmem>>, vector<32x1xf32>
    %slice3A = vector.extract_strided_slice %transpose3A {offsets = [0, 0], sizes = [128, 1000], strides = [1, 1]} : vector<256x1000xf32> to vector<128x1000xf32>
    %dot_general3A = arith.constant dense<0.000000e+00> : vector<128x1000xf32>
    %dot_general3A_29 = tpu.matmul %get3A_4, %slice3A, %dot_general3A {dimension_numbers = #tpu.dot_dimension_numbers<[1], [0], [0], [1], [0, 0, 1, 1], [], []>, transpose_lhs_hint = false} : vector<128x128xf32>, vector<128x1000xf32>, vector<128x1000xf32> -> vector<128x1000xf32>
    %slice3A_30 = vector.extract_strided_slice %transpose3A {offsets = [128, 0], sizes = [128, 1000], strides = [1, 1]} : vector<256x1000xf32> to vector<128x1000xf32>
    %dot_general3A_31 = arith.constant dense<0.000000e+00> : vector<128x1000xf32>
    %dot_general3A_32 = tpu.matmul %get3A_7, %slice3A_30, %dot_general3A_31 {dimension_numbers = #tpu.dot_dimension_numbers<[1], [0], [0], [1], [0, 0, 1, 1], [], []>, transpose_lhs_hint = false} : vector<128x128xf32>, vector<128x1000xf32>, vector<128x1000xf32> -> vector<128x1000xf32>
    %slice3A_33 = vector.extract_strided_slice %dot_general3A_29 {offsets = [0, 0], sizes = [32, 1000], strides = [1, 1]} : vector<128x1000xf32> to vector<32x1000xf32>
    %slice3A_34 = vector.extract_strided_slice %dot_general3A_29 {offsets = [32, 0], sizes = [32, 1000], strides = [1, 1]} : vector<128x1000xf32> to vector<32x1000xf32>
    %slice3A_35 = vector.extract_strided_slice %dot_general3A_29 {offsets = [64, 0], sizes = [32, 1000], strides = [1, 1]} : vector<128x1000xf32> to vector<32x1000xf32>
    %slice3A_36 = vector.extract_strided_slice %dot_general3A_29 {offsets = [96, 0], sizes = [32, 1000], strides = [1, 1]} : vector<128x1000xf32> to vector<32x1000xf32>
    %slice3A_37 = vector.extract_strided_slice %dot_general3A_32 {offsets = [0, 0], sizes = [32, 1000], strides = [1, 1]} : vector<128x1000xf32> to vector<32x1000xf32>
    %slice3A_38 = vector.extract_strided_slice %dot_general3A_32 {offsets = [32, 0], sizes = [32, 1000], strides = [1, 1]} : vector<128x1000xf32> to vector<32x1000xf32>
    %slice3A_39 = vector.extract_strided_slice %dot_general3A_32 {offsets = [64, 0], sizes = [32, 1000], strides = [1, 1]} : vector<128x1000xf32> to vector<32x1000xf32>
    %slice3A_40 = vector.extract_strided_slice %dot_general3A_32 {offsets = [96, 0], sizes = [32, 1000], strides = [1, 1]} : vector<128x1000xf32> to vector<32x1000xf32>
    %add3A = vector.broadcast %get3A_10 : vector<32x1xf32> to vector<32x1000xf32>
    %add3A_41 = arith.addf %slice3A_33, %add3A : vector<32x1000xf32>
    %mul3A = arith.mulf %slice3A_34, %slice3A_34 : vector<32x1000xf32>
    %mul3A_42 = arith.mulf %slice3A_35, %slice3A_35 : vector<32x1000xf32>
    %add3A_43 = arith.addf %mul3A, %mul3A_42 : vector<32x1000xf32>
    %mul3A_44 = arith.mulf %slice3A_37, %slice3A_37 : vector<32x1000xf32>
    %add3A_45 = arith.addf %add3A_43, %mul3A_44 : vector<32x1000xf32>
    %mul3A_46 = arith.mulf %slice3A_36, %slice3A_36 : vector<32x1000xf32>
    %mul3A_47 = arith.mulf %slice3A_38, %slice3A_38 : vector<32x1000xf32>
    %add3A_48 = arith.addf %mul3A_46, %mul3A_47 : vector<32x1000xf32>
    %mul3A_49 = arith.mulf %slice3A_39, %slice3A_39 : vector<32x1000xf32>
    %add3A_50 = arith.addf %add3A_48, %mul3A_49 : vector<32x1000xf32>
    %mul3A_51 = arith.mulf %slice3A_40, %slice3A_40 : vector<32x1000xf32>
    %slice3A_52 = vector.extract_strided_slice %get3A_13 {offsets = [0, 0], sizes = [32, 1], strides = [1, 1]} : vector<128x1xf32> to vector<32x1xf32>
    %mul3A_53 = vector.broadcast %slice3A_52 : vector<32x1xf32> to vector<32x1000xf32>
    %mul3A_54 = arith.mulf %mul3A_53, %add3A_41 : vector<32x1000xf32>
    %slice3A_55 = vector.extract_strided_slice %get3A_16 {offsets = [0, 0], sizes = [32, 1], strides = [1, 1]} : vector<128x1xf32> to vector<32x1xf32>
    %add3A_56 = vector.broadcast %slice3A_55 : vector<32x1xf32> to vector<32x1000xf32>
    %add3A_57 = arith.addf %mul3A_54, %add3A_56 : vector<32x1000xf32>
    %logistic3A = arith.negf %add3A_57 : vector<32x1000xf32>
    %logistic3A_58 = math.exp %logistic3A : vector<32x1000xf32>
    %logistic3A_59 = arith.constant 1.000000e+00 : f32
    %logistic3A_60 = vector.broadcast %logistic3A_59 : f32 to vector<32x1000xf32>
    %logistic3A_61 = arith.addf %logistic3A_60, %logistic3A_58 : vector<32x1000xf32>
    %logistic3A_62 = arith.divf %logistic3A_60, %logistic3A_61 : vector<32x1000xf32>
    %slice3A_63 = vector.extract_strided_slice %get3A_13 {offsets = [32, 0], sizes = [32, 1], strides = [1, 1]} : vector<128x1xf32> to vector<32x1xf32>
    %add3A_64 = arith.constant 9.99999997E-7 : f32
    %add3A_65 = vector.broadcast %add3A_64 : f32 to vector<32x1000xf32>
    %add3A_66 = arith.addf %add3A_45, %add3A_65 : vector<32x1000xf32>
    %sqrt3A = math.sqrt %add3A_66 : vector<32x1000xf32>
    %mul3A_67 = vector.broadcast %slice3A_63 : vector<32x1xf32> to vector<32x1000xf32>
    %mul3A_68 = arith.mulf %mul3A_67, %sqrt3A : vector<32x1000xf32>
    %slice3A_69 = vector.extract_strided_slice %get3A_16 {offsets = [32, 0], sizes = [32, 1], strides = [1, 1]} : vector<128x1xf32> to vector<32x1xf32>
    %add3A_70 = vector.broadcast %slice3A_69 : vector<32x1xf32> to vector<32x1000xf32>
    %add3A_71 = arith.addf %mul3A_68, %add3A_70 : vector<32x1000xf32>
    %logistic3A_72 = arith.negf %add3A_71 : vector<32x1000xf32>
    %logistic3A_73 = math.exp %logistic3A_72 : vector<32x1000xf32>
    %logistic3A_74 = arith.constant 1.000000e+00 : f32
    %logistic3A_75 = vector.broadcast %logistic3A_74 : f32 to vector<32x1000xf32>
    %logistic3A_76 = arith.addf %logistic3A_75, %logistic3A_73 : vector<32x1000xf32>
    %logistic3A_77 = arith.divf %logistic3A_75, %logistic3A_76 : vector<32x1000xf32>
    %slice3A_78 = vector.extract_strided_slice %get3A_13 {offsets = [64, 0], sizes = [32, 1], strides = [1, 1]} : vector<128x1xf32> to vector<32x1xf32>
    %add3A_79 = arith.constant 9.99999997E-7 : f32
    %add3A_80 = vector.broadcast %add3A_79 : f32 to vector<32x1000xf32>
    %add3A_81 = arith.addf %add3A_50, %add3A_80 : vector<32x1000xf32>
    %sqrt3A_82 = math.sqrt %add3A_81 : vector<32x1000xf32>
    %mul3A_83 = vector.broadcast %slice3A_78 : vector<32x1xf32> to vector<32x1000xf32>
    %mul3A_84 = arith.mulf %mul3A_83, %sqrt3A_82 : vector<32x1000xf32>
    %slice3A_85 = vector.extract_strided_slice %get3A_16 {offsets = [64, 0], sizes = [32, 1], strides = [1, 1]} : vector<128x1xf32> to vector<32x1xf32>
    %add3A_86 = vector.broadcast %slice3A_85 : vector<32x1xf32> to vector<32x1000xf32>
    %add3A_87 = arith.addf %mul3A_84, %add3A_86 : vector<32x1000xf32>
    %logistic3A_88 = arith.negf %add3A_87 : vector<32x1000xf32>
    %logistic3A_89 = math.exp %logistic3A_88 : vector<32x1000xf32>
    %logistic3A_90 = arith.constant 1.000000e+00 : f32
    %logistic3A_91 = vector.broadcast %logistic3A_90 : f32 to vector<32x1000xf32>
    %logistic3A_92 = arith.addf %logistic3A_91, %logistic3A_89 : vector<32x1000xf32>
    %logistic3A_93 = arith.divf %logistic3A_91, %logistic3A_92 : vector<32x1000xf32>
    %slice3A_94 = vector.extract_strided_slice %get3A_13 {offsets = [96, 0], sizes = [32, 1], strides = [1, 1]} : vector<128x1xf32> to vector<32x1xf32>
    %add3A_95 = arith.constant 9.99999997E-7 : f32
    %add3A_96 = vector.broadcast %add3A_95 : f32 to vector<32x1000xf32>
    %add3A_97 = arith.addf %mul3A_51, %add3A_96 : vector<32x1000xf32>
    %sqrt3A_98 = math.sqrt %add3A_97 : vector<32x1000xf32>
    %mul3A_99 = vector.broadcast %slice3A_94 : vector<32x1xf32> to vector<32x1000xf32>
    %mul3A_100 = arith.mulf %mul3A_99, %sqrt3A_98 : vector<32x1000xf32>
    %slice3A_101 = vector.extract_strided_slice %get3A_16 {offsets = [96, 0], sizes = [32, 1], strides = [1, 1]} : vector<128x1xf32> to vector<32x1xf32>
    %add3A_102 = vector.broadcast %slice3A_101 : vector<32x1xf32> to vector<32x1000xf32>
    %add3A_103 = arith.addf %mul3A_100, %add3A_102 : vector<32x1000xf32>
    %logistic3A_104 = arith.negf %add3A_103 : vector<32x1000xf32>
    %logistic3A_105 = math.exp %logistic3A_104 : vector<32x1000xf32>
    %logistic3A_106 = arith.constant 1.000000e+00 : f32
    %logistic3A_107 = vector.broadcast %logistic3A_106 : f32 to vector<32x1000xf32>
    %logistic3A_108 = arith.addf %logistic3A_107, %logistic3A_105 : vector<32x1000xf32>
    %logistic3A_109 = arith.divf %logistic3A_107, %logistic3A_108 : vector<32x1000xf32>
    %mul3A_110 = arith.mulf %add3A_41, %logistic3A_62 : vector<32x1000xf32>
    %mul3A_111 = arith.mulf %slice3A_34, %logistic3A_77 : vector<32x1000xf32>
    %mul3A_112 = arith.mulf %slice3A_35, %logistic3A_77 : vector<32x1000xf32>
    %mul3A_113 = arith.mulf %slice3A_36, %logistic3A_93 : vector<32x1000xf32>
    %mul3A_114 = arith.mulf %slice3A_37, %logistic3A_77 : vector<32x1000xf32>
    %mul3A_115 = arith.mulf %slice3A_38, %logistic3A_93 : vector<32x1000xf32>
    %mul3A_116 = arith.mulf %slice3A_39, %logistic3A_93 : vector<32x1000xf32>
    %mul3A_117 = arith.mulf %slice3A_40, %logistic3A_109 : vector<32x1000xf32>
    %concatenate3A = tpu.concatenate %mul3A_110, %mul3A_111, %mul3A_112, %mul3A_113 in 0 : vector<32x1000xf32>, vector<32x1000xf32>, vector<32x1000xf32>, vector<32x1000xf32> -> vector<128x1000xf32>
    %concatenate3A_118 = tpu.concatenate %mul3A_114, %mul3A_115, %mul3A_116, %mul3A_117 in 0 : vector<32x1000xf32>, vector<32x1000xf32>, vector<32x1000xf32>, vector<32x1000xf32> -> vector<128x1000xf32>
    %dot_general3A_119 = arith.constant dense<0.000000e+00> : vector<128x1000xf32>
    %dot_general3A_120 = tpu.matmul %get3A_19, %concatenate3A, %dot_general3A_119 {dimension_numbers = #tpu.dot_dimension_numbers<[1], [0], [0], [1], [0, 0, 1, 1], [], []>, transpose_lhs_hint = false} : vector<128x128xf32>, vector<128x1000xf32>, vector<128x1000xf32> -> vector<128x1000xf32>
    %dot_general3A_121 = arith.constant dense<0.000000e+00> : vector<128x1000xf32>
    %dot_general3A_122 = tpu.matmul %get3A_22, %concatenate3A_118, %dot_general3A_121 {dimension_numbers = #tpu.dot_dimension_numbers<[1], [0], [0], [1], [0, 0, 1, 1], [], []>, transpose_lhs_hint = false} : vector<128x128xf32>, vector<128x1000xf32>, vector<128x1000xf32> -> vector<128x1000xf32>
    %slice3A_123 = vector.extract_strided_slice %dot_general3A_120 {offsets = [0, 0], sizes = [32, 1000], strides = [1, 1]} : vector<128x1000xf32> to vector<32x1000xf32>
    %slice3A_124 = vector.extract_strided_slice %dot_general3A_120 {offsets = [32, 0], sizes = [32, 1000], strides = [1, 1]} : vector<128x1000xf32> to vector<32x1000xf32>
    %slice3A_125 = vector.extract_strided_slice %dot_general3A_120 {offsets = [64, 0], sizes = [32, 1000], strides = [1, 1]} : vector<128x1000xf32> to vector<32x1000xf32>
    %slice3A_126 = vector.extract_strided_slice %dot_general3A_120 {offsets = [96, 0], sizes = [32, 1000], strides = [1, 1]} : vector<128x1000xf32> to vector<32x1000xf32>
    %slice3A_127 = vector.extract_strided_slice %dot_general3A_122 {offsets = [0, 0], sizes = [32, 1000], strides = [1, 1]} : vector<128x1000xf32> to vector<32x1000xf32>
    %slice3A_128 = vector.extract_strided_slice %dot_general3A_122 {offsets = [32, 0], sizes = [32, 1000], strides = [1, 1]} : vector<128x1000xf32> to vector<32x1000xf32>
    %slice3A_129 = vector.extract_strided_slice %dot_general3A_122 {offsets = [64, 0], sizes = [32, 1000], strides = [1, 1]} : vector<128x1000xf32> to vector<32x1000xf32>
    %slice3A_130 = vector.extract_strided_slice %dot_general3A_122 {offsets = [96, 0], sizes = [32, 1000], strides = [1, 1]} : vector<128x1000xf32> to vector<32x1000xf32>
    %mul3A_131 = arith.mulf %mul3A_110, %slice3A_123 : vector<32x1000xf32>
    %slice3A_132 = vector.extract_strided_slice %get3A_25 {offsets = [0, 0], sizes = [32, 1], strides = [1, 1]} : vector<2048x1xf32> to vector<32x1xf32>
    %mul3A_133 = vector.broadcast %slice3A_132 : vector<32x1xf32> to vector<32x1000xf32>
    %mul3A_134 = arith.mulf %mul3A_131, %mul3A_133 : vector<32x1000xf32>
    %mul3A_135 = arith.mulf %mul3A_110, %slice3A_124 : vector<32x1000xf32>
    %slice3A_136 = vector.extract_strided_slice %get3A_25 {offsets = [32, 0], sizes = [32, 1], strides = [1, 1]} : vector<2048x1xf32> to vector<32x1xf32>
    %mul3A_137 = vector.broadcast %slice3A_136 : vector<32x1xf32> to vector<32x1000xf32>
    %mul3A_138 = arith.mulf %mul3A_135, %mul3A_137 : vector<32x1000xf32>
    %mul3A_139 = arith.mulf %mul3A_110, %slice3A_125 : vector<32x1000xf32>
    %slice3A_140 = vector.extract_strided_slice %get3A_25 {offsets = [64, 0], sizes = [32, 1], strides = [1, 1]} : vector<2048x1xf32> to vector<32x1xf32>
    %mul3A_141 = vector.broadcast %slice3A_140 : vector<32x1xf32> to vector<32x1000xf32>
    %mul3A_142 = arith.mulf %mul3A_139, %mul3A_141 : vector<32x1000xf32>
    %mul3A_143 = arith.mulf %mul3A_110, %slice3A_126 : vector<32x1000xf32>
    %slice3A_144 = vector.extract_strided_slice %get3A_25 {offsets = [96, 0], sizes = [32, 1], strides = [1, 1]} : vector<2048x1xf32> to vector<32x1xf32>
    %mul3A_145 = vector.broadcast %slice3A_144 : vector<32x1xf32> to vector<32x1000xf32>
    %mul3A_146 = arith.mulf %mul3A_143, %mul3A_145 : vector<32x1000xf32>
    %mul3A_147 = arith.mulf %mul3A_110, %slice3A_127 : vector<32x1000xf32>
    %slice3A_148 = vector.extract_strided_slice %get3A_25 {offsets = [128, 0], sizes = [32, 1], strides = [1, 1]} : vector<2048x1xf32> to vector<32x1xf32>
    %mul3A_149 = vector.broadcast %slice3A_148 : vector<32x1xf32> to vector<32x1000xf32>
    %mul3A_150 = arith.mulf %mul3A_147, %mul3A_149 : vector<32x1000xf32>
    %mul3A_151 = arith.mulf %mul3A_110, %slice3A_128 : vector<32x1000xf32>
    %slice3A_152 = vector.extract_strided_slice %get3A_25 {offsets = [160, 0], sizes = [32, 1], strides = [1, 1]} : vector<2048x1xf32> to vector<32x1xf32>
    %mul3A_153 = vector.broadcast %slice3A_152 : vector<32x1xf32> to vector<32x1000xf32>
    %mul3A_154 = arith.mulf %mul3A_151, %mul3A_153 : vector<32x1000xf32>
    %mul3A_155 = arith.mulf %mul3A_110, %slice3A_129 : vector<32x1000xf32>
    %slice3A_156 = vector.extract_strided_slice %get3A_25 {offsets = [192, 0], sizes = [32, 1], strides = [1, 1]} : vector<2048x1xf32> to vector<32x1xf32>
    %mul3A_157 = vector.broadcast %slice3A_156 : vector<32x1xf32> to vector<32x1000xf32>
    %mul3A_158 = arith.mulf %mul3A_155, %mul3A_157 : vector<32x1000xf32>
    %mul3A_159 = arith.mulf %mul3A_110, %slice3A_130 : vector<32x1000xf32>
    %slice3A_160 = vector.extract_strided_slice %get3A_25 {offsets = [224, 0], sizes = [32, 1], strides = [1, 1]} : vector<2048x1xf32> to vector<32x1xf32>
    %mul3A_161 = vector.broadcast %slice3A_160 : vector<32x1xf32> to vector<32x1000xf32>
    %mul3A_162 = arith.mulf %mul3A_159, %mul3A_161 : vector<32x1000xf32>
    %mul3A_163 = arith.mulf %mul3A_111, %slice3A_123 : vector<32x1000xf32>
    %slice3A_164 = vector.extract_strided_slice %get3A_25 {offsets = [256, 0], sizes = [32, 1], strides = [1, 1]} : vector<2048x1xf32> to vector<32x1xf32>
    %mul3A_165 = vector.broadcast %slice3A_164 : vector<32x1xf32> to vector<32x1000xf32>
    %mul3A_166 = arith.mulf %mul3A_163, %mul3A_165 : vector<32x1000xf32>
    %add3A_167 = arith.addf %mul3A_138, %mul3A_166 : vector<32x1000xf32>
    %mul3A_168 = arith.mulf %mul3A_111, %slice3A_124 : vector<32x1000xf32>
    %slice3A_169 = vector.extract_strided_slice %get3A_25 {offsets = [288, 0], sizes = [32, 1], strides = [1, 1]} : vector<2048x1xf32> to vector<32x1xf32>
    %mul3A_170 = vector.broadcast %slice3A_169 : vector<32x1xf32> to vector<32x1000xf32>
    %mul3A_171 = arith.mulf %mul3A_168, %mul3A_170 : vector<32x1000xf32>
    %add3A_172 = arith.addf %mul3A_134, %mul3A_171 : vector<32x1000xf32>
    %mul3A_173 = arith.mulf %mul3A_111, %slice3A_125 : vector<32x1000xf32>
    %slice3A_174 = vector.extract_strided_slice %get3A_25 {offsets = [320, 0], sizes = [32, 1], strides = [1, 1]} : vector<2048x1xf32> to vector<32x1xf32>
    %mul3A_175 = vector.broadcast %slice3A_174 : vector<32x1xf32> to vector<32x1000xf32>
    %mul3A_176 = arith.mulf %mul3A_173, %mul3A_175 : vector<32x1000xf32>
    %add3A_177 = arith.addf %mul3A_146, %mul3A_176 : vector<32x1000xf32>
    %mul3A_178 = arith.mulf %mul3A_111, %slice3A_126 : vector<32x1000xf32>
    %slice3A_179 = vector.extract_strided_slice %get3A_25 {offsets = [352, 0], sizes = [32, 1], strides = [1, 1]} : vector<2048x1xf32> to vector<32x1xf32>
    %mul3A_180 = vector.broadcast %slice3A_179 : vector<32x1xf32> to vector<32x1000xf32>
    %mul3A_181 = arith.mulf %mul3A_178, %mul3A_180 : vector<32x1000xf32>
    %add3A_182 = arith.addf %mul3A_142, %mul3A_181 : vector<32x1000xf32>
    %mul3A_183 = arith.mulf %mul3A_111, %slice3A_127 : vector<32x1000xf32>
    %slice3A_184 = vector.extract_strided_slice %get3A_25 {offsets = [384, 0], sizes = [32, 1], strides = [1, 1]} : vector<2048x1xf32> to vector<32x1xf32>
    %mul3A_185 = vector.broadcast %slice3A_184 : vector<32x1xf32> to vector<32x1000xf32>
    %mul3A_186 = arith.mulf %mul3A_183, %mul3A_185 : vector<32x1000xf32>
    %add3A_187 = arith.addf %mul3A_154, %mul3A_186 : vector<32x1000xf32>
    %mul3A_188 = arith.mulf %mul3A_111, %slice3A_128 : vector<32x1000xf32>
    %slice3A_189 = vector.extract_strided_slice %get3A_25 {offsets = [416, 0], sizes = [32, 1], strides = [1, 1]} : vector<2048x1xf32> to vector<32x1xf32>
    %mul3A_190 = vector.broadcast %slice3A_189 : vector<32x1xf32> to vector<32x1000xf32>
    %mul3A_191 = arith.mulf %mul3A_188, %mul3A_190 : vector<32x1000xf32>
    %add3A_192 = arith.addf %mul3A_150, %mul3A_191 : vector<32x1000xf32>
    %mul3A_193 = arith.mulf %mul3A_111, %slice3A_129 : vector<32x1000xf32>
    %slice3A_194 = vector.extract_strided_slice %get3A_25 {offsets = [448, 0], sizes = [32, 1], strides = [1, 1]} : vector<2048x1xf32> to vector<32x1xf32>
    %mul3A_195 = vector.broadcast %slice3A_194 : vector<32x1xf32> to vector<32x1000xf32>
    %mul3A_196 = arith.mulf %mul3A_193, %mul3A_195 : vector<32x1000xf32>
    %add3A_197 = arith.addf %mul3A_162, %mul3A_196 : vector<32x1000xf32>
    %mul3A_198 = arith.mulf %mul3A_111, %slice3A_130 : vector<32x1000xf32>
    %slice3A_199 = vector.extract_strided_slice %get3A_25 {offsets = [480, 0], sizes = [32, 1], strides = [1, 1]} : vector<2048x1xf32> to vector<32x1xf32>
    %mul3A_200 = vector.broadcast %slice3A_199 : vector<32x1xf32> to vector<32x1000xf32>
    %mul3A_201 = arith.mulf %mul3A_198, %mul3A_200 : vector<32x1000xf32>
    %add3A_202 = arith.addf %mul3A_158, %mul3A_201 : vector<32x1000xf32>
    %mul3A_203 = arith.mulf %mul3A_112, %slice3A_123 : vector<32x1000xf32>
    %slice3A_204 = vector.extract_strided_slice %get3A_25 {offsets = [512, 0], sizes = [32, 1], strides = [1, 1]} : vector<2048x1xf32> to vector<32x1xf32>
    %mul3A_205 = vector.broadcast %slice3A_204 : vector<32x1xf32> to vector<32x1000xf32>
    %mul3A_206 = arith.mulf %mul3A_203, %mul3A_205 : vector<32x1000xf32>
    %add3A_207 = arith.addf %add3A_182, %mul3A_206 : vector<32x1000xf32>
    %mul3A_208 = arith.mulf %mul3A_112, %slice3A_124 : vector<32x1000xf32>
    %slice3A_209 = vector.extract_strided_slice %get3A_25 {offsets = [544, 0], sizes = [32, 1], strides = [1, 1]} : vector<2048x1xf32> to vector<32x1xf32>
    %mul3A_210 = vector.broadcast %slice3A_209 : vector<32x1xf32> to vector<32x1000xf32>
    %mul3A_211 = arith.mulf %mul3A_208, %mul3A_210 : vector<32x1000xf32>
    %add3A_212 = arith.addf %add3A_177, %mul3A_211 : vector<32x1000xf32>
    %mul3A_213 = arith.mulf %mul3A_112, %slice3A_125 : vector<32x1000xf32>
    %slice3A_214 = vector.extract_strided_slice %get3A_25 {offsets = [576, 0], sizes = [32, 1], strides = [1, 1]} : vector<2048x1xf32> to vector<32x1xf32>
    %mul3A_215 = vector.broadcast %slice3A_214 : vector<32x1xf32> to vector<32x1000xf32>
    %mul3A_216 = arith.mulf %mul3A_213, %mul3A_215 : vector<32x1000xf32>
    %add3A_217 = arith.addf %add3A_172, %mul3A_216 : vector<32x1000xf32>
    %mul3A_218 = arith.mulf %mul3A_112, %slice3A_126 : vector<32x1000xf32>
    %slice3A_219 = vector.extract_strided_slice %get3A_25 {offsets = [608, 0], sizes = [32, 1], strides = [1, 1]} : vector<2048x1xf32> to vector<32x1xf32>
    %mul3A_220 = vector.broadcast %slice3A_219 : vector<32x1xf32> to vector<32x1000xf32>
    %mul3A_221 = arith.mulf %mul3A_218, %mul3A_220 : vector<32x1000xf32>
    %add3A_222 = arith.addf %add3A_167, %mul3A_221 : vector<32x1000xf32>
    %mul3A_223 = arith.mulf %mul3A_112, %slice3A_127 : vector<32x1000xf32>
    %slice3A_224 = vector.extract_strided_slice %get3A_25 {offsets = [640, 0], sizes = [32, 1], strides = [1, 1]} : vector<2048x1xf32> to vector<32x1xf32>
    %mul3A_225 = vector.broadcast %slice3A_224 : vector<32x1xf32> to vector<32x1000xf32>
    %mul3A_226 = arith.mulf %mul3A_223, %mul3A_225 : vector<32x1000xf32>
    %add3A_227 = arith.addf %add3A_202, %mul3A_226 : vector<32x1000xf32>
    %mul3A_228 = arith.mulf %mul3A_112, %slice3A_128 : vector<32x1000xf32>
    %slice3A_229 = vector.extract_strided_slice %get3A_25 {offsets = [672, 0], sizes = [32, 1], strides = [1, 1]} : vector<2048x1xf32> to vector<32x1xf32>
    %mul3A_230 = vector.broadcast %slice3A_229 : vector<32x1xf32> to vector<32x1000xf32>
    %mul3A_231 = arith.mulf %mul3A_228, %mul3A_230 : vector<32x1000xf32>
    %add3A_232 = arith.addf %add3A_197, %mul3A_231 : vector<32x1000xf32>
    %mul3A_233 = arith.mulf %mul3A_112, %slice3A_129 : vector<32x1000xf32>
    %slice3A_234 = vector.extract_strided_slice %get3A_25 {offsets = [704, 0], sizes = [32, 1], strides = [1, 1]} : vector<2048x1xf32> to vector<32x1xf32>
    %mul3A_235 = vector.broadcast %slice3A_234 : vector<32x1xf32> to vector<32x1000xf32>
    %mul3A_236 = arith.mulf %mul3A_233, %mul3A_235 : vector<32x1000xf32>
    %add3A_237 = arith.addf %add3A_192, %mul3A_236 : vector<32x1000xf32>
    %mul3A_238 = arith.mulf %mul3A_112, %slice3A_130 : vector<32x1000xf32>
    %slice3A_239 = vector.extract_strided_slice %get3A_25 {offsets = [736, 0], sizes = [32, 1], strides = [1, 1]} : vector<2048x1xf32> to vector<32x1xf32>
    %mul3A_240 = vector.broadcast %slice3A_239 : vector<32x1xf32> to vector<32x1000xf32>
    %mul3A_241 = arith.mulf %mul3A_238, %mul3A_240 : vector<32x1000xf32>
    %add3A_242 = arith.addf %add3A_187, %mul3A_241 : vector<32x1000xf32>
    %mul3A_243 = arith.mulf %mul3A_113, %slice3A_123 : vector<32x1000xf32>
    %slice3A_244 = vector.extract_strided_slice %get3A_25 {offsets = [768, 0], sizes = [32, 1], strides = [1, 1]} : vector<2048x1xf32> to vector<32x1xf32>
    %mul3A_245 = vector.broadcast %slice3A_244 : vector<32x1xf32> to vector<32x1000xf32>
    %mul3A_246 = arith.mulf %mul3A_243, %mul3A_245 : vector<32x1000xf32>
    %add3A_247 = arith.addf %add3A_212, %mul3A_246 : vector<32x1000xf32>
    %mul3A_248 = arith.mulf %mul3A_113, %slice3A_124 : vector<32x1000xf32>
    %slice3A_249 = vector.extract_strided_slice %get3A_25 {offsets = [800, 0], sizes = [32, 1], strides = [1, 1]} : vector<2048x1xf32> to vector<32x1xf32>
    %mul3A_250 = vector.broadcast %slice3A_249 : vector<32x1xf32> to vector<32x1000xf32>
    %mul3A_251 = arith.mulf %mul3A_248, %mul3A_250 : vector<32x1000xf32>
    %add3A_252 = arith.addf %add3A_207, %mul3A_251 : vector<32x1000xf32>
    %mul3A_253 = arith.mulf %mul3A_113, %slice3A_125 : vector<32x1000xf32>
    %slice3A_254 = vector.extract_strided_slice %get3A_25 {offsets = [832, 0], sizes = [32, 1], strides = [1, 1]} : vector<2048x1xf32> to vector<32x1xf32>
    %mul3A_255 = vector.broadcast %slice3A_254 : vector<32x1xf32> to vector<32x1000xf32>
    %mul3A_256 = arith.mulf %mul3A_253, %mul3A_255 : vector<32x1000xf32>
    %add3A_257 = arith.addf %add3A_222, %mul3A_256 : vector<32x1000xf32>
    %mul3A_258 = arith.mulf %mul3A_113, %slice3A_126 : vector<32x1000xf32>
    %slice3A_259 = vector.extract_strided_slice %get3A_25 {offsets = [864, 0], sizes = [32, 1], strides = [1, 1]} : vector<2048x1xf32> to vector<32x1xf32>
    %mul3A_260 = vector.broadcast %slice3A_259 : vector<32x1xf32> to vector<32x1000xf32>
    %mul3A_261 = arith.mulf %mul3A_258, %mul3A_260 : vector<32x1000xf32>
    %add3A_262 = arith.addf %add3A_217, %mul3A_261 : vector<32x1000xf32>
    %mul3A_263 = arith.mulf %mul3A_113, %slice3A_127 : vector<32x1000xf32>
    %slice3A_264 = vector.extract_strided_slice %get3A_25 {offsets = [896, 0], sizes = [32, 1], strides = [1, 1]} : vector<2048x1xf32> to vector<32x1xf32>
    %mul3A_265 = vector.broadcast %slice3A_264 : vector<32x1xf32> to vector<32x1000xf32>
    %mul3A_266 = arith.mulf %mul3A_263, %mul3A_265 : vector<32x1000xf32>
    %add3A_267 = arith.addf %add3A_232, %mul3A_266 : vector<32x1000xf32>
    %mul3A_268 = arith.mulf %mul3A_113, %slice3A_128 : vector<32x1000xf32>
    %slice3A_269 = vector.extract_strided_slice %get3A_25 {offsets = [928, 0], sizes = [32, 1], strides = [1, 1]} : vector<2048x1xf32> to vector<32x1xf32>
    %mul3A_270 = vector.broadcast %slice3A_269 : vector<32x1xf32> to vector<32x1000xf32>
    %mul3A_271 = arith.mulf %mul3A_268, %mul3A_270 : vector<32x1000xf32>
    %add3A_272 = arith.addf %add3A_227, %mul3A_271 : vector<32x1000xf32>
    %mul3A_273 = arith.mulf %mul3A_113, %slice3A_129 : vector<32x1000xf32>
    %slice3A_274 = vector.extract_strided_slice %get3A_25 {offsets = [960, 0], sizes = [32, 1], strides = [1, 1]} : vector<2048x1xf32> to vector<32x1xf32>
    %mul3A_275 = vector.broadcast %slice3A_274 : vector<32x1xf32> to vector<32x1000xf32>
    %mul3A_276 = arith.mulf %mul3A_273, %mul3A_275 : vector<32x1000xf32>
    %add3A_277 = arith.addf %add3A_242, %mul3A_276 : vector<32x1000xf32>
    %mul3A_278 = arith.mulf %mul3A_113, %slice3A_130 : vector<32x1000xf32>
    %slice3A_279 = vector.extract_strided_slice %get3A_25 {offsets = [992, 0], sizes = [32, 1], strides = [1, 1]} : vector<2048x1xf32> to vector<32x1xf32>
    %mul3A_280 = vector.broadcast %slice3A_279 : vector<32x1xf32> to vector<32x1000xf32>
    %mul3A_281 = arith.mulf %mul3A_278, %mul3A_280 : vector<32x1000xf32>
    %add3A_282 = arith.addf %add3A_237, %mul3A_281 : vector<32x1000xf32>
    %mul3A_283 = arith.mulf %mul3A_114, %slice3A_123 : vector<32x1000xf32>
    %slice3A_284 = vector.extract_strided_slice %get3A_25 {offsets = [1024, 0], sizes = [32, 1], strides = [1, 1]} : vector<2048x1xf32> to vector<32x1xf32>
    %mul3A_285 = vector.broadcast %slice3A_284 : vector<32x1xf32> to vector<32x1000xf32>
    %mul3A_286 = arith.mulf %mul3A_283, %mul3A_285 : vector<32x1000xf32>
    %add3A_287 = arith.addf %add3A_282, %mul3A_286 : vector<32x1000xf32>
    %mul3A_288 = arith.mulf %mul3A_114, %slice3A_124 : vector<32x1000xf32>
    %slice3A_289 = vector.extract_strided_slice %get3A_25 {offsets = [1056, 0], sizes = [32, 1], strides = [1, 1]} : vector<2048x1xf32> to vector<32x1xf32>
    %mul3A_290 = vector.broadcast %slice3A_289 : vector<32x1xf32> to vector<32x1000xf32>
    %mul3A_291 = arith.mulf %mul3A_288, %mul3A_290 : vector<32x1000xf32>
    %add3A_292 = arith.addf %add3A_277, %mul3A_291 : vector<32x1000xf32>
    %mul3A_293 = arith.mulf %mul3A_114, %slice3A_125 : vector<32x1000xf32>
    %slice3A_294 = vector.extract_strided_slice %get3A_25 {offsets = [1088, 0], sizes = [32, 1], strides = [1, 1]} : vector<2048x1xf32> to vector<32x1xf32>
    %mul3A_295 = vector.broadcast %slice3A_294 : vector<32x1xf32> to vector<32x1000xf32>
    %mul3A_296 = arith.mulf %mul3A_293, %mul3A_295 : vector<32x1000xf32>
    %add3A_297 = arith.addf %add3A_272, %mul3A_296 : vector<32x1000xf32>
    %mul3A_298 = arith.mulf %mul3A_114, %slice3A_126 : vector<32x1000xf32>
    %slice3A_299 = vector.extract_strided_slice %get3A_25 {offsets = [1120, 0], sizes = [32, 1], strides = [1, 1]} : vector<2048x1xf32> to vector<32x1xf32>
    %mul3A_300 = vector.broadcast %slice3A_299 : vector<32x1xf32> to vector<32x1000xf32>
    %mul3A_301 = arith.mulf %mul3A_298, %mul3A_300 : vector<32x1000xf32>
    %add3A_302 = arith.addf %add3A_267, %mul3A_301 : vector<32x1000xf32>
    %mul3A_303 = arith.mulf %mul3A_114, %slice3A_127 : vector<32x1000xf32>
    %slice3A_304 = vector.extract_strided_slice %get3A_25 {offsets = [1152, 0], sizes = [32, 1], strides = [1, 1]} : vector<2048x1xf32> to vector<32x1xf32>
    %mul3A_305 = vector.broadcast %slice3A_304 : vector<32x1xf32> to vector<32x1000xf32>
    %mul3A_306 = arith.mulf %mul3A_303, %mul3A_305 : vector<32x1000xf32>
    %add3A_307 = arith.addf %add3A_262, %mul3A_306 : vector<32x1000xf32>
    %mul3A_308 = arith.mulf %mul3A_114, %slice3A_128 : vector<32x1000xf32>
    %slice3A_309 = vector.extract_strided_slice %get3A_25 {offsets = [1184, 0], sizes = [32, 1], strides = [1, 1]} : vector<2048x1xf32> to vector<32x1xf32>
    %mul3A_310 = vector.broadcast %slice3A_309 : vector<32x1xf32> to vector<32x1000xf32>
    %mul3A_311 = arith.mulf %mul3A_308, %mul3A_310 : vector<32x1000xf32>
    %add3A_312 = arith.addf %add3A_257, %mul3A_311 : vector<32x1000xf32>
    %mul3A_313 = arith.mulf %mul3A_114, %slice3A_129 : vector<32x1000xf32>
    %slice3A_314 = vector.extract_strided_slice %get3A_25 {offsets = [1216, 0], sizes = [32, 1], strides = [1, 1]} : vector<2048x1xf32> to vector<32x1xf32>
    %mul3A_315 = vector.broadcast %slice3A_314 : vector<32x1xf32> to vector<32x1000xf32>
    %mul3A_316 = arith.mulf %mul3A_313, %mul3A_315 : vector<32x1000xf32>
    %add3A_317 = arith.addf %add3A_252, %mul3A_316 : vector<32x1000xf32>
    %mul3A_318 = arith.mulf %mul3A_114, %slice3A_130 : vector<32x1000xf32>
    %slice3A_319 = vector.extract_strided_slice %get3A_25 {offsets = [1248, 0], sizes = [32, 1], strides = [1, 1]} : vector<2048x1xf32> to vector<32x1xf32>
    %mul3A_320 = vector.broadcast %slice3A_319 : vector<32x1xf32> to vector<32x1000xf32>
    %mul3A_321 = arith.mulf %mul3A_318, %mul3A_320 : vector<32x1000xf32>
    %add3A_322 = arith.addf %add3A_247, %mul3A_321 : vector<32x1000xf32>
    %mul3A_323 = arith.mulf %mul3A_115, %slice3A_123 : vector<32x1000xf32>
    %slice3A_324 = vector.extract_strided_slice %get3A_25 {offsets = [1280, 0], sizes = [32, 1], strides = [1, 1]} : vector<2048x1xf32> to vector<32x1xf32>
    %mul3A_325 = vector.broadcast %slice3A_324 : vector<32x1xf32> to vector<32x1000xf32>
    %mul3A_326 = arith.mulf %mul3A_323, %mul3A_325 : vector<32x1000xf32>
    %add3A_327 = arith.addf %add3A_292, %mul3A_326 : vector<32x1000xf32>
    %mul3A_328 = arith.mulf %mul3A_115, %slice3A_124 : vector<32x1000xf32>
    %slice3A_329 = vector.extract_strided_slice %get3A_25 {offsets = [1312, 0], sizes = [32, 1], strides = [1, 1]} : vector<2048x1xf32> to vector<32x1xf32>
    %mul3A_330 = vector.broadcast %slice3A_329 : vector<32x1xf32> to vector<32x1000xf32>
    %mul3A_331 = arith.mulf %mul3A_328, %mul3A_330 : vector<32x1000xf32>
    %add3A_332 = arith.addf %add3A_287, %mul3A_331 : vector<32x1000xf32>
    %mul3A_333 = arith.mulf %mul3A_115, %slice3A_125 : vector<32x1000xf32>
    %slice3A_334 = vector.extract_strided_slice %get3A_25 {offsets = [1344, 0], sizes = [32, 1], strides = [1, 1]} : vector<2048x1xf32> to vector<32x1xf32>
    %mul3A_335 = vector.broadcast %slice3A_334 : vector<32x1xf32> to vector<32x1000xf32>
    %mul3A_336 = arith.mulf %mul3A_333, %mul3A_335 : vector<32x1000xf32>
    %add3A_337 = arith.addf %add3A_302, %mul3A_336 : vector<32x1000xf32>
    %mul3A_338 = arith.mulf %mul3A_115, %slice3A_126 : vector<32x1000xf32>
    %slice3A_339 = vector.extract_strided_slice %get3A_25 {offsets = [1376, 0], sizes = [32, 1], strides = [1, 1]} : vector<2048x1xf32> to vector<32x1xf32>
    %mul3A_340 = vector.broadcast %slice3A_339 : vector<32x1xf32> to vector<32x1000xf32>
    %mul3A_341 = arith.mulf %mul3A_338, %mul3A_340 : vector<32x1000xf32>
    %add3A_342 = arith.addf %add3A_297, %mul3A_341 : vector<32x1000xf32>
    %mul3A_343 = arith.mulf %mul3A_115, %slice3A_127 : vector<32x1000xf32>
    %slice3A_344 = vector.extract_strided_slice %get3A_25 {offsets = [1408, 0], sizes = [32, 1], strides = [1, 1]} : vector<2048x1xf32> to vector<32x1xf32>
    %mul3A_345 = vector.broadcast %slice3A_344 : vector<32x1xf32> to vector<32x1000xf32>
    %mul3A_346 = arith.mulf %mul3A_343, %mul3A_345 : vector<32x1000xf32>
    %add3A_347 = arith.addf %add3A_312, %mul3A_346 : vector<32x1000xf32>
    %mul3A_348 = arith.mulf %mul3A_115, %slice3A_128 : vector<32x1000xf32>
    %slice3A_349 = vector.extract_strided_slice %get3A_25 {offsets = [1440, 0], sizes = [32, 1], strides = [1, 1]} : vector<2048x1xf32> to vector<32x1xf32>
    %mul3A_350 = vector.broadcast %slice3A_349 : vector<32x1xf32> to vector<32x1000xf32>
    %mul3A_351 = arith.mulf %mul3A_348, %mul3A_350 : vector<32x1000xf32>
    %add3A_352 = arith.addf %add3A_307, %mul3A_351 : vector<32x1000xf32>
    %mul3A_353 = arith.mulf %mul3A_115, %slice3A_129 : vector<32x1000xf32>
    %slice3A_354 = vector.extract_strided_slice %get3A_25 {offsets = [1472, 0], sizes = [32, 1], strides = [1, 1]} : vector<2048x1xf32> to vector<32x1xf32>
    %mul3A_355 = vector.broadcast %slice3A_354 : vector<32x1xf32> to vector<32x1000xf32>
    %mul3A_356 = arith.mulf %mul3A_353, %mul3A_355 : vector<32x1000xf32>
    %add3A_357 = arith.addf %add3A_322, %mul3A_356 : vector<32x1000xf32>
    %mul3A_358 = arith.mulf %mul3A_115, %slice3A_130 : vector<32x1000xf32>
    %slice3A_359 = vector.extract_strided_slice %get3A_25 {offsets = [1504, 0], sizes = [32, 1], strides = [1, 1]} : vector<2048x1xf32> to vector<32x1xf32>
    %mul3A_360 = vector.broadcast %slice3A_359 : vector<32x1xf32> to vector<32x1000xf32>
    %mul3A_361 = arith.mulf %mul3A_358, %mul3A_360 : vector<32x1000xf32>
    %add3A_362 = arith.addf %add3A_317, %mul3A_361 : vector<32x1000xf32>
    %mul3A_363 = arith.mulf %mul3A_116, %slice3A_123 : vector<32x1000xf32>
    %slice3A_364 = vector.extract_strided_slice %get3A_25 {offsets = [1536, 0], sizes = [32, 1], strides = [1, 1]} : vector<2048x1xf32> to vector<32x1xf32>
    %mul3A_365 = vector.broadcast %slice3A_364 : vector<32x1xf32> to vector<32x1000xf32>
    %mul3A_366 = arith.mulf %mul3A_363, %mul3A_365 : vector<32x1000xf32>
    %add3A_367 = arith.addf %add3A_342, %mul3A_366 : vector<32x1000xf32>
    %mul3A_368 = arith.mulf %mul3A_116, %slice3A_124 : vector<32x1000xf32>
    %slice3A_369 = vector.extract_strided_slice %get3A_25 {offsets = [1568, 0], sizes = [32, 1], strides = [1, 1]} : vector<2048x1xf32> to vector<32x1xf32>
    %mul3A_370 = vector.broadcast %slice3A_369 : vector<32x1xf32> to vector<32x1000xf32>
    %mul3A_371 = arith.mulf %mul3A_368, %mul3A_370 : vector<32x1000xf32>
    %add3A_372 = arith.addf %add3A_337, %mul3A_371 : vector<32x1000xf32>
    %mul3A_373 = arith.mulf %mul3A_116, %slice3A_125 : vector<32x1000xf32>
    %slice3A_374 = vector.extract_strided_slice %get3A_25 {offsets = [1600, 0], sizes = [32, 1], strides = [1, 1]} : vector<2048x1xf32> to vector<32x1xf32>
    %mul3A_375 = vector.broadcast %slice3A_374 : vector<32x1xf32> to vector<32x1000xf32>
    %mul3A_376 = arith.mulf %mul3A_373, %mul3A_375 : vector<32x1000xf32>
    %add3A_377 = arith.addf %add3A_332, %mul3A_376 : vector<32x1000xf32>
    %mul3A_378 = arith.mulf %mul3A_116, %slice3A_126 : vector<32x1000xf32>
    %slice3A_379 = vector.extract_strided_slice %get3A_25 {offsets = [1632, 0], sizes = [32, 1], strides = [1, 1]} : vector<2048x1xf32> to vector<32x1xf32>
    %mul3A_380 = vector.broadcast %slice3A_379 : vector<32x1xf32> to vector<32x1000xf32>
    %mul3A_381 = arith.mulf %mul3A_378, %mul3A_380 : vector<32x1000xf32>
    %add3A_382 = arith.addf %add3A_327, %mul3A_381 : vector<32x1000xf32>
    %mul3A_383 = arith.mulf %mul3A_116, %slice3A_127 : vector<32x1000xf32>
    %slice3A_384 = vector.extract_strided_slice %get3A_25 {offsets = [1664, 0], sizes = [32, 1], strides = [1, 1]} : vector<2048x1xf32> to vector<32x1xf32>
    %mul3A_385 = vector.broadcast %slice3A_384 : vector<32x1xf32> to vector<32x1000xf32>
    %mul3A_386 = arith.mulf %mul3A_383, %mul3A_385 : vector<32x1000xf32>
    %add3A_387 = arith.addf %add3A_362, %mul3A_386 : vector<32x1000xf32>
    %mul3A_388 = arith.mulf %mul3A_116, %slice3A_128 : vector<32x1000xf32>
    %slice3A_389 = vector.extract_strided_slice %get3A_25 {offsets = [1696, 0], sizes = [32, 1], strides = [1, 1]} : vector<2048x1xf32> to vector<32x1xf32>
    %mul3A_390 = vector.broadcast %slice3A_389 : vector<32x1xf32> to vector<32x1000xf32>
    %mul3A_391 = arith.mulf %mul3A_388, %mul3A_390 : vector<32x1000xf32>
    %add3A_392 = arith.addf %add3A_357, %mul3A_391 : vector<32x1000xf32>
    %mul3A_393 = arith.mulf %mul3A_116, %slice3A_129 : vector<32x1000xf32>
    %slice3A_394 = vector.extract_strided_slice %get3A_25 {offsets = [1728, 0], sizes = [32, 1], strides = [1, 1]} : vector<2048x1xf32> to vector<32x1xf32>
    %mul3A_395 = vector.broadcast %slice3A_394 : vector<32x1xf32> to vector<32x1000xf32>
    %mul3A_396 = arith.mulf %mul3A_393, %mul3A_395 : vector<32x1000xf32>
    %add3A_397 = arith.addf %add3A_352, %mul3A_396 : vector<32x1000xf32>
    %mul3A_398 = arith.mulf %mul3A_116, %slice3A_130 : vector<32x1000xf32>
    %slice3A_399 = vector.extract_strided_slice %get3A_25 {offsets = [1760, 0], sizes = [32, 1], strides = [1, 1]} : vector<2048x1xf32> to vector<32x1xf32>
    %mul3A_400 = vector.broadcast %slice3A_399 : vector<32x1xf32> to vector<32x1000xf32>
    %mul3A_401 = arith.mulf %mul3A_398, %mul3A_400 : vector<32x1000xf32>
    %add3A_402 = arith.addf %add3A_347, %mul3A_401 : vector<32x1000xf32>
    %mul3A_403 = arith.mulf %mul3A_117, %slice3A_123 : vector<32x1000xf32>
    %slice3A_404 = vector.extract_strided_slice %get3A_25 {offsets = [1792, 0], sizes = [32, 1], strides = [1, 1]} : vector<2048x1xf32> to vector<32x1xf32>
    %mul3A_405 = vector.broadcast %slice3A_404 : vector<32x1xf32> to vector<32x1000xf32>
    %mul3A_406 = arith.mulf %mul3A_403, %mul3A_405 : vector<32x1000xf32>
    %add3A_407 = arith.addf %add3A_372, %mul3A_406 : vector<32x1000xf32>
    %mul3A_408 = arith.mulf %mul3A_117, %slice3A_124 : vector<32x1000xf32>
    %slice3A_409 = vector.extract_strided_slice %get3A_25 {offsets = [1824, 0], sizes = [32, 1], strides = [1, 1]} : vector<2048x1xf32> to vector<32x1xf32>
    %mul3A_410 = vector.broadcast %slice3A_409 : vector<32x1xf32> to vector<32x1000xf32>
    %mul3A_411 = arith.mulf %mul3A_408, %mul3A_410 : vector<32x1000xf32>
    %add3A_412 = arith.addf %add3A_367, %mul3A_411 : vector<32x1000xf32>
    %mul3A_413 = arith.mulf %mul3A_117, %slice3A_125 : vector<32x1000xf32>
    %slice3A_414 = vector.extract_strided_slice %get3A_25 {offsets = [1856, 0], sizes = [32, 1], strides = [1, 1]} : vector<2048x1xf32> to vector<32x1xf32>
    %mul3A_415 = vector.broadcast %slice3A_414 : vector<32x1xf32> to vector<32x1000xf32>
    %mul3A_416 = arith.mulf %mul3A_413, %mul3A_415 : vector<32x1000xf32>
    %add3A_417 = arith.addf %add3A_382, %mul3A_416 : vector<32x1000xf32>
    %mul3A_418 = arith.mulf %mul3A_117, %slice3A_126 : vector<32x1000xf32>
    %slice3A_419 = vector.extract_strided_slice %get3A_25 {offsets = [1888, 0], sizes = [32, 1], strides = [1, 1]} : vector<2048x1xf32> to vector<32x1xf32>
    %mul3A_420 = vector.broadcast %slice3A_419 : vector<32x1xf32> to vector<32x1000xf32>
    %mul3A_421 = arith.mulf %mul3A_418, %mul3A_420 : vector<32x1000xf32>
    %add3A_422 = arith.addf %add3A_377, %mul3A_421 : vector<32x1000xf32>
    %mul3A_423 = arith.mulf %mul3A_117, %slice3A_127 : vector<32x1000xf32>
    %slice3A_424 = vector.extract_strided_slice %get3A_25 {offsets = [1920, 0], sizes = [32, 1], strides = [1, 1]} : vector<2048x1xf32> to vector<32x1xf32>
    %mul3A_425 = vector.broadcast %slice3A_424 : vector<32x1xf32> to vector<32x1000xf32>
    %mul3A_426 = arith.mulf %mul3A_423, %mul3A_425 : vector<32x1000xf32>
    %add3A_427 = arith.addf %add3A_392, %mul3A_426 : vector<32x1000xf32>
    %mul3A_428 = arith.mulf %mul3A_117, %slice3A_128 : vector<32x1000xf32>
    %slice3A_429 = vector.extract_strided_slice %get3A_25 {offsets = [1952, 0], sizes = [32, 1], strides = [1, 1]} : vector<2048x1xf32> to vector<32x1xf32>
    %mul3A_430 = vector.broadcast %slice3A_429 : vector<32x1xf32> to vector<32x1000xf32>
    %mul3A_431 = arith.mulf %mul3A_428, %mul3A_430 : vector<32x1000xf32>
    %add3A_432 = arith.addf %add3A_387, %mul3A_431 : vector<32x1000xf32>
    %mul3A_433 = arith.mulf %mul3A_117, %slice3A_129 : vector<32x1000xf32>
    %slice3A_434 = vector.extract_strided_slice %get3A_25 {offsets = [1984, 0], sizes = [32, 1], strides = [1, 1]} : vector<2048x1xf32> to vector<32x1xf32>
    %mul3A_435 = vector.broadcast %slice3A_434 : vector<32x1xf32> to vector<32x1000xf32>
    %mul3A_436 = arith.mulf %mul3A_433, %mul3A_435 : vector<32x1000xf32>
    %add3A_437 = arith.addf %add3A_402, %mul3A_436 : vector<32x1000xf32>
    %mul3A_438 = arith.mulf %mul3A_117, %slice3A_130 : vector<32x1000xf32>
    %slice3A_439 = vector.extract_strided_slice %get3A_25 {offsets = [2016, 0], sizes = [32, 1], strides = [1, 1]} : vector<2048x1xf32> to vector<32x1xf32>
    %mul3A_440 = vector.broadcast %slice3A_439 : vector<32x1xf32> to vector<32x1000xf32>
    %mul3A_441 = arith.mulf %mul3A_438, %mul3A_440 : vector<32x1000xf32>
    %add3A_442 = arith.addf %add3A_397, %mul3A_441 : vector<32x1000xf32>
    %mul3A_443 = arith.mulf %add3A_442, %add3A_442 : vector<32x1000xf32>
    %mul3A_444 = arith.mulf %add3A_437, %add3A_437 : vector<32x1000xf32>
    %add3A_445 = arith.addf %mul3A_443, %mul3A_444 : vector<32x1000xf32>
    %mul3A_446 = arith.mulf %add3A_432, %add3A_432 : vector<32x1000xf32>
    %add3A_447 = arith.addf %add3A_445, %mul3A_446 : vector<32x1000xf32>
    %mul3A_448 = arith.mulf %add3A_427, %add3A_427 : vector<32x1000xf32>
    %add3A_449 = arith.addf %add3A_447, %mul3A_448 : vector<32x1000xf32>
    %mul3A_450 = arith.mulf %add3A_422, %add3A_422 : vector<32x1000xf32>
    %add3A_451 = arith.addf %add3A_449, %mul3A_450 : vector<32x1000xf32>
    %mul3A_452 = arith.mulf %add3A_417, %add3A_417 : vector<32x1000xf32>
    %add3A_453 = arith.addf %add3A_451, %mul3A_452 : vector<32x1000xf32>
    %mul3A_454 = arith.mulf %add3A_412, %add3A_412 : vector<32x1000xf32>
    %add3A_455 = arith.addf %add3A_453, %mul3A_454 : vector<32x1000xf32>
    %mul3A_456 = arith.mulf %add3A_407, %add3A_407 : vector<32x1000xf32>
    %add3A_457 = arith.addf %add3A_455, %mul3A_456 : vector<32x1000xf32>
    %add3A_458 = arith.constant 9.99999997E-7 : f32
    %add3A_459 = vector.broadcast %add3A_458 : f32 to vector<32x1000xf32>
    %add3A_460 = arith.addf %add3A_457, %add3A_459 : vector<32x1000xf32>
    %sqrt3A_461 = math.sqrt %add3A_460 : vector<32x1000xf32>
    %reduce_sum3A = arith.constant dense<0.000000e+00> : vector<1000xf32>
    %reduce_sum3A_462 = vector.multi_reduction <add>, %sqrt3A_461, %reduce_sum3A [0] : vector<32x1000xf32> to vector<1000xf32>
    %broadcast_in_dim3A = vector.shape_cast %reduce_sum3A_462 : vector<1000xf32> to vector<1x1000xf32>
    %div3A = arith.constant 3.200000e+01 : f32
    %div3A_463 = vector.broadcast %div3A : f32 to vector<1x1000xf32>
    %div3A_464 = arith.divf %broadcast_in_dim3A, %div3A_463 : vector<1x1000xf32>
    %div3A_465 = arith.constant 1.000000e+00 : f32
    %div3A_466 = vector.broadcast %div3A_465 : f32 to vector<1x1000xf32>
    %div3A_467 = arith.divf %div3A_466, %div3A_464 : vector<1x1000xf32>
    %mul3A_468 = vector.broadcast %get3A_28 : vector<32x1xf32> to vector<32x1000xf32>
    %mul3A_469 = arith.mulf %add3A_442, %mul3A_468 : vector<32x1000xf32>
    %mul3A_470 = vector.broadcast %div3A_467 : vector<1x1000xf32> to vector<32x1000xf32>
    %mul3A_471 = arith.mulf %mul3A_469, %mul3A_470 : vector<32x1000xf32>
    %mul3A_472 = vector.broadcast %get3A_28 : vector<32x1xf32> to vector<32x1000xf32>
    %mul3A_473 = arith.mulf %add3A_437, %mul3A_472 : vector<32x1000xf32>
    %mul3A_474 = vector.broadcast %div3A_467 : vector<1x1000xf32> to vector<32x1000xf32>
    %mul3A_475 = arith.mulf %mul3A_473, %mul3A_474 : vector<32x1000xf32>
    %mul3A_476 = vector.broadcast %get3A_28 : vector<32x1xf32> to vector<32x1000xf32>
    %mul3A_477 = arith.mulf %add3A_432, %mul3A_476 : vector<32x1000xf32>
    %mul3A_478 = vector.broadcast %div3A_467 : vector<1x1000xf32> to vector<32x1000xf32>
    %mul3A_479 = arith.mulf %mul3A_477, %mul3A_478 : vector<32x1000xf32>
    %mul3A_480 = vector.broadcast %get3A_28 : vector<32x1xf32> to vector<32x1000xf32>
    %mul3A_481 = arith.mulf %add3A_427, %mul3A_480 : vector<32x1000xf32>
    %mul3A_482 = vector.broadcast %div3A_467 : vector<1x1000xf32> to vector<32x1000xf32>
    %mul3A_483 = arith.mulf %mul3A_481, %mul3A_482 : vector<32x1000xf32>
    %mul3A_484 = vector.broadcast %get3A_28 : vector<32x1xf32> to vector<32x1000xf32>
    %mul3A_485 = arith.mulf %add3A_422, %mul3A_484 : vector<32x1000xf32>
    %mul3A_486 = vector.broadcast %div3A_467 : vector<1x1000xf32> to vector<32x1000xf32>
    %mul3A_487 = arith.mulf %mul3A_485, %mul3A_486 : vector<32x1000xf32>
    %mul3A_488 = vector.broadcast %get3A_28 : vector<32x1xf32> to vector<32x1000xf32>
    %mul3A_489 = arith.mulf %add3A_417, %mul3A_488 : vector<32x1000xf32>
    %mul3A_490 = vector.broadcast %div3A_467 : vector<1x1000xf32> to vector<32x1000xf32>
    %mul3A_491 = arith.mulf %mul3A_489, %mul3A_490 : vector<32x1000xf32>
    %mul3A_492 = vector.broadcast %get3A_28 : vector<32x1xf32> to vector<32x1000xf32>
    %mul3A_493 = arith.mulf %add3A_412, %mul3A_492 : vector<32x1000xf32>
    %mul3A_494 = vector.broadcast %div3A_467 : vector<1x1000xf32> to vector<32x1000xf32>
    %mul3A_495 = arith.mulf %mul3A_493, %mul3A_494 : vector<32x1000xf32>
    %mul3A_496 = vector.broadcast %get3A_28 : vector<32x1xf32> to vector<32x1000xf32>
    %mul3A_497 = arith.mulf %add3A_407, %mul3A_496 : vector<32x1000xf32>
    %mul3A_498 = vector.broadcast %div3A_467 : vector<1x1000xf32> to vector<32x1000xf32>
    %mul3A_499 = arith.mulf %mul3A_497, %mul3A_498 : vector<32x1000xf32>
    %concatenate3A_500 = tpu.concatenate %mul3A_471, %mul3A_475, %mul3A_479, %mul3A_483, %mul3A_487, %mul3A_491, %mul3A_495, %mul3A_499 in 0 : vector<32x1000xf32>, vector<32x1000xf32>, vector<32x1000xf32>, vector<32x1000xf32>, vector<32x1000xf32>, vector<32x1000xf32>, vector<32x1000xf32>, vector<32x1000xf32> -> vector<256x1000xf32>
    %get3A_501 = arith.constant 0 : index
    %get3A_502 = arith.constant 0 : index
    %get3A_503 = vector.load %arg11[%get3A_501, %get3A_502] : memref<128x128xf32, #tpu.memory_space<vmem>>, vector<128x128xf32>
    %get3A_504 = arith.constant 0 : index
    %get3A_505 = arith.constant 0 : index
    %get3A_506 = vector.load %arg12[%get3A_504, %get3A_505] : memref<128x128xf32, #tpu.memory_space<vmem>>, vector<128x128xf32>
    %get3A_507 = arith.constant 0 : index
    %get3A_508 = arith.constant 0 : index
    %get3A_509 = vector.load %arg13[%get3A_507, %get3A_508] : memref<32x1xf32, #tpu.memory_space<vmem>>, vector<32x1xf32>
    %get3A_510 = arith.constant 0 : index
    %get3A_511 = arith.constant 0 : index
    %get3A_512 = vector.load %arg14[%get3A_510, %get3A_511] : memref<128x1xf32, #tpu.memory_space<vmem>>, vector<128x1xf32>
    %get3A_513 = arith.constant 0 : index
    %get3A_514 = arith.constant 0 : index
    %get3A_515 = vector.load %arg15[%get3A_513, %get3A_514] : memref<128x1xf32, #tpu.memory_space<vmem>>, vector<128x1xf32>
    %get3A_516 = arith.constant 0 : index
    %get3A_517 = arith.constant 0 : index
    %get3A_518 = vector.load %arg16[%get3A_516, %get3A_517] : memref<128x128xf32, #tpu.memory_space<vmem>>, vector<128x128xf32>
    %get3A_519 = arith.constant 0 : index
    %get3A_520 = arith.constant 0 : index
    %get3A_521 = vector.load %arg17[%get3A_519, %get3A_520] : memref<128x128xf32, #tpu.memory_space<vmem>>, vector<128x128xf32>
    %get3A_522 = arith.constant 0 : index
    %get3A_523 = arith.constant 0 : index
    %get3A_524 = vector.load %arg18[%get3A_522, %get3A_523] : memref<2048x1xf32, #tpu.memory_space<vmem>>, vector<2048x1xf32>
    %get3A_525 = arith.constant 0 : index
    %get3A_526 = arith.constant 0 : index
    %get3A_527 = vector.load %arg19[%get3A_525, %get3A_526] : memref<32x1xf32, #tpu.memory_space<vmem>>, vector<32x1xf32>
    %slice3A_528 = vector.extract_strided_slice %concatenate3A_500 {offsets = [0, 0], sizes = [128, 1000], strides = [1, 1]} : vector<256x1000xf32> to vector<128x1000xf32>
    %dot_general3A_529 = arith.constant dense<0.000000e+00> : vector<128x1000xf32>
    %dot_general3A_530 = tpu.matmul %get3A_503, %slice3A_528, %dot_general3A_529 {dimension_numbers = #tpu.dot_dimension_numbers<[1], [0], [0], [1], [0, 0, 1, 1], [], []>, transpose_lhs_hint = false} : vector<128x128xf32>, vector<128x1000xf32>, vector<128x1000xf32> -> vector<128x1000xf32>
    %slice3A_531 = vector.extract_strided_slice %concatenate3A_500 {offsets = [128, 0], sizes = [128, 1000], strides = [1, 1]} : vector<256x1000xf32> to vector<128x1000xf32>
    %dot_general3A_532 = arith.constant dense<0.000000e+00> : vector<128x1000xf32>
    %dot_general3A_533 = tpu.matmul %get3A_506, %slice3A_531, %dot_general3A_532 {dimension_numbers = #tpu.dot_dimension_numbers<[1], [0], [0], [1], [0, 0, 1, 1], [], []>, transpose_lhs_hint = false} : vector<128x128xf32>, vector<128x1000xf32>, vector<128x1000xf32> -> vector<128x1000xf32>
    %slice3A_534 = vector.extract_strided_slice %dot_general3A_530 {offsets = [0, 0], sizes = [32, 1000], strides = [1, 1]} : vector<128x1000xf32> to vector<32x1000xf32>
    %slice3A_535 = vector.extract_strided_slice %dot_general3A_530 {offsets = [32, 0], sizes = [32, 1000], strides = [1, 1]} : vector<128x1000xf32> to vector<32x1000xf32>
    %slice3A_536 = vector.extract_strided_slice %dot_general3A_530 {offsets = [64, 0], sizes = [32, 1000], strides = [1, 1]} : vector<128x1000xf32> to vector<32x1000xf32>
    %slice3A_537 = vector.extract_strided_slice %dot_general3A_530 {offsets = [96, 0], sizes = [32, 1000], strides = [1, 1]} : vector<128x1000xf32> to vector<32x1000xf32>
    %slice3A_538 = vector.extract_strided_slice %dot_general3A_533 {offsets = [0, 0], sizes = [32, 1000], strides = [1, 1]} : vector<128x1000xf32> to vector<32x1000xf32>
    %slice3A_539 = vector.extract_strided_slice %dot_general3A_533 {offsets = [32, 0], sizes = [32, 1000], strides = [1, 1]} : vector<128x1000xf32> to vector<32x1000xf32>
    %slice3A_540 = vector.extract_strided_slice %dot_general3A_533 {offsets = [64, 0], sizes = [32, 1000], strides = [1, 1]} : vector<128x1000xf32> to vector<32x1000xf32>
    %slice3A_541 = vector.extract_strided_slice %dot_general3A_533 {offsets = [96, 0], sizes = [32, 1000], strides = [1, 1]} : vector<128x1000xf32> to vector<32x1000xf32>
    %add3A_542 = vector.broadcast %get3A_509 : vector<32x1xf32> to vector<32x1000xf32>
    %add3A_543 = arith.addf %slice3A_534, %add3A_542 : vector<32x1000xf32>
    %mul3A_544 = arith.mulf %slice3A_535, %slice3A_535 : vector<32x1000xf32>
    %mul3A_545 = arith.mulf %slice3A_536, %slice3A_536 : vector<32x1000xf32>
    %add3A_546 = arith.addf %mul3A_544, %mul3A_545 : vector<32x1000xf32>
    %mul3A_547 = arith.mulf %slice3A_538, %slice3A_538 : vector<32x1000xf32>
    %add3A_548 = arith.addf %add3A_546, %mul3A_547 : vector<32x1000xf32>
    %mul3A_549 = arith.mulf %slice3A_537, %slice3A_537 : vector<32x1000xf32>
    %mul3A_550 = arith.mulf %slice3A_539, %slice3A_539 : vector<32x1000xf32>
    %add3A_551 = arith.addf %mul3A_549, %mul3A_550 : vector<32x1000xf32>
    %mul3A_552 = arith.mulf %slice3A_540, %slice3A_540 : vector<32x1000xf32>
    %add3A_553 = arith.addf %add3A_551, %mul3A_552 : vector<32x1000xf32>
    %mul3A_554 = arith.mulf %slice3A_541, %slice3A_541 : vector<32x1000xf32>
    %slice3A_555 = vector.extract_strided_slice %get3A_512 {offsets = [0, 0], sizes = [32, 1], strides = [1, 1]} : vector<128x1xf32> to vector<32x1xf32>
    %mul3A_556 = vector.broadcast %slice3A_555 : vector<32x1xf32> to vector<32x1000xf32>
    %mul3A_557 = arith.mulf %mul3A_556, %add3A_543 : vector<32x1000xf32>
    %slice3A_558 = vector.extract_strided_slice %get3A_515 {offsets = [0, 0], sizes = [32, 1], strides = [1, 1]} : vector<128x1xf32> to vector<32x1xf32>
    %add3A_559 = vector.broadcast %slice3A_558 : vector<32x1xf32> to vector<32x1000xf32>
    %add3A_560 = arith.addf %mul3A_557, %add3A_559 : vector<32x1000xf32>
    %logistic3A_561 = arith.negf %add3A_560 : vector<32x1000xf32>
    %logistic3A_562 = math.exp %logistic3A_561 : vector<32x1000xf32>
    %logistic3A_563 = arith.constant 1.000000e+00 : f32
    %logistic3A_564 = vector.broadcast %logistic3A_563 : f32 to vector<32x1000xf32>
    %logistic3A_565 = arith.addf %logistic3A_564, %logistic3A_562 : vector<32x1000xf32>
    %logistic3A_566 = arith.divf %logistic3A_564, %logistic3A_565 : vector<32x1000xf32>
    %slice3A_567 = vector.extract_strided_slice %get3A_512 {offsets = [32, 0], sizes = [32, 1], strides = [1, 1]} : vector<128x1xf32> to vector<32x1xf32>
    %add3A_568 = arith.constant 9.99999997E-7 : f32
    %add3A_569 = vector.broadcast %add3A_568 : f32 to vector<32x1000xf32>
    %add3A_570 = arith.addf %add3A_548, %add3A_569 : vector<32x1000xf32>
    %sqrt3A_571 = math.sqrt %add3A_570 : vector<32x1000xf32>
    %mul3A_572 = vector.broadcast %slice3A_567 : vector<32x1xf32> to vector<32x1000xf32>
    %mul3A_573 = arith.mulf %mul3A_572, %sqrt3A_571 : vector<32x1000xf32>
    %slice3A_574 = vector.extract_strided_slice %get3A_515 {offsets = [32, 0], sizes = [32, 1], strides = [1, 1]} : vector<128x1xf32> to vector<32x1xf32>
    %add3A_575 = vector.broadcast %slice3A_574 : vector<32x1xf32> to vector<32x1000xf32>
    %add3A_576 = arith.addf %mul3A_573, %add3A_575 : vector<32x1000xf32>
    %logistic3A_577 = arith.negf %add3A_576 : vector<32x1000xf32>
    %logistic3A_578 = math.exp %logistic3A_577 : vector<32x1000xf32>
    %logistic3A_579 = arith.constant 1.000000e+00 : f32
    %logistic3A_580 = vector.broadcast %logistic3A_579 : f32 to vector<32x1000xf32>
    %logistic3A_581 = arith.addf %logistic3A_580, %logistic3A_578 : vector<32x1000xf32>
    %logistic3A_582 = arith.divf %logistic3A_580, %logistic3A_581 : vector<32x1000xf32>
    %slice3A_583 = vector.extract_strided_slice %get3A_512 {offsets = [64, 0], sizes = [32, 1], strides = [1, 1]} : vector<128x1xf32> to vector<32x1xf32>
    %add3A_584 = arith.constant 9.99999997E-7 : f32
    %add3A_585 = vector.broadcast %add3A_584 : f32 to vector<32x1000xf32>
    %add3A_586 = arith.addf %add3A_553, %add3A_585 : vector<32x1000xf32>
    %sqrt3A_587 = math.sqrt %add3A_586 : vector<32x1000xf32>
    %mul3A_588 = vector.broadcast %slice3A_583 : vector<32x1xf32> to vector<32x1000xf32>
    %mul3A_589 = arith.mulf %mul3A_588, %sqrt3A_587 : vector<32x1000xf32>
    %slice3A_590 = vector.extract_strided_slice %get3A_515 {offsets = [64, 0], sizes = [32, 1], strides = [1, 1]} : vector<128x1xf32> to vector<32x1xf32>
    %add3A_591 = vector.broadcast %slice3A_590 : vector<32x1xf32> to vector<32x1000xf32>
    %add3A_592 = arith.addf %mul3A_589, %add3A_591 : vector<32x1000xf32>
    %logistic3A_593 = arith.negf %add3A_592 : vector<32x1000xf32>
    %logistic3A_594 = math.exp %logistic3A_593 : vector<32x1000xf32>
    %logistic3A_595 = arith.constant 1.000000e+00 : f32
    %logistic3A_596 = vector.broadcast %logistic3A_595 : f32 to vector<32x1000xf32>
    %logistic3A_597 = arith.addf %logistic3A_596, %logistic3A_594 : vector<32x1000xf32>
    %logistic3A_598 = arith.divf %logistic3A_596, %logistic3A_597 : vector<32x1000xf32>
    %slice3A_599 = vector.extract_strided_slice %get3A_512 {offsets = [96, 0], sizes = [32, 1], strides = [1, 1]} : vector<128x1xf32> to vector<32x1xf32>
    %add3A_600 = arith.constant 9.99999997E-7 : f32
    %add3A_601 = vector.broadcast %add3A_600 : f32 to vector<32x1000xf32>
    %add3A_602 = arith.addf %mul3A_554, %add3A_601 : vector<32x1000xf32>
    %sqrt3A_603 = math.sqrt %add3A_602 : vector<32x1000xf32>
    %mul3A_604 = vector.broadcast %slice3A_599 : vector<32x1xf32> to vector<32x1000xf32>
    %mul3A_605 = arith.mulf %mul3A_604, %sqrt3A_603 : vector<32x1000xf32>
    %slice3A_606 = vector.extract_strided_slice %get3A_515 {offsets = [96, 0], sizes = [32, 1], strides = [1, 1]} : vector<128x1xf32> to vector<32x1xf32>
    %add3A_607 = vector.broadcast %slice3A_606 : vector<32x1xf32> to vector<32x1000xf32>
    %add3A_608 = arith.addf %mul3A_605, %add3A_607 : vector<32x1000xf32>
    %logistic3A_609 = arith.negf %add3A_608 : vector<32x1000xf32>
    %logistic3A_610 = math.exp %logistic3A_609 : vector<32x1000xf32>
    %logistic3A_611 = arith.constant 1.000000e+00 : f32
    %logistic3A_612 = vector.broadcast %logistic3A_611 : f32 to vector<32x1000xf32>
    %logistic3A_613 = arith.addf %logistic3A_612, %logistic3A_610 : vector<32x1000xf32>
    %logistic3A_614 = arith.divf %logistic3A_612, %logistic3A_613 : vector<32x1000xf32>
    %mul3A_615 = arith.mulf %add3A_543, %logistic3A_566 : vector<32x1000xf32>
    %mul3A_616 = arith.mulf %slice3A_535, %logistic3A_582 : vector<32x1000xf32>
    %mul3A_617 = arith.mulf %slice3A_536, %logistic3A_582 : vector<32x1000xf32>
    %mul3A_618 = arith.mulf %slice3A_537, %logistic3A_598 : vector<32x1000xf32>
    %mul3A_619 = arith.mulf %slice3A_538, %logistic3A_582 : vector<32x1000xf32>
    %mul3A_620 = arith.mulf %slice3A_539, %logistic3A_598 : vector<32x1000xf32>
    %mul3A_621 = arith.mulf %slice3A_540, %logistic3A_598 : vector<32x1000xf32>
    %mul3A_622 = arith.mulf %slice3A_541, %logistic3A_614 : vector<32x1000xf32>
    %concatenate3A_623 = tpu.concatenate %mul3A_615, %mul3A_616, %mul3A_617, %mul3A_618 in 0 : vector<32x1000xf32>, vector<32x1000xf32>, vector<32x1000xf32>, vector<32x1000xf32> -> vector<128x1000xf32>
    %concatenate3A_624 = tpu.concatenate %mul3A_619, %mul3A_620, %mul3A_621, %mul3A_622 in 0 : vector<32x1000xf32>, vector<32x1000xf32>, vector<32x1000xf32>, vector<32x1000xf32> -> vector<128x1000xf32>
    %dot_general3A_625 = arith.constant dense<0.000000e+00> : vector<128x1000xf32>
    %dot_general3A_626 = tpu.matmul %get3A_518, %concatenate3A_623, %dot_general3A_625 {dimension_numbers = #tpu.dot_dimension_numbers<[1], [0], [0], [1], [0, 0, 1, 1], [], []>, transpose_lhs_hint = false} : vector<128x128xf32>, vector<128x1000xf32>, vector<128x1000xf32> -> vector<128x1000xf32>
    %dot_general3A_627 = arith.constant dense<0.000000e+00> : vector<128x1000xf32>
    %dot_general3A_628 = tpu.matmul %get3A_521, %concatenate3A_624, %dot_general3A_627 {dimension_numbers = #tpu.dot_dimension_numbers<[1], [0], [0], [1], [0, 0, 1, 1], [], []>, transpose_lhs_hint = false} : vector<128x128xf32>, vector<128x1000xf32>, vector<128x1000xf32> -> vector<128x1000xf32>
    %slice3A_629 = vector.extract_strided_slice %dot_general3A_626 {offsets = [0, 0], sizes = [32, 1000], strides = [1, 1]} : vector<128x1000xf32> to vector<32x1000xf32>
    %slice3A_630 = vector.extract_strided_slice %dot_general3A_626 {offsets = [32, 0], sizes = [32, 1000], strides = [1, 1]} : vector<128x1000xf32> to vector<32x1000xf32>
    %slice3A_631 = vector.extract_strided_slice %dot_general3A_626 {offsets = [64, 0], sizes = [32, 1000], strides = [1, 1]} : vector<128x1000xf32> to vector<32x1000xf32>
    %slice3A_632 = vector.extract_strided_slice %dot_general3A_626 {offsets = [96, 0], sizes = [32, 1000], strides = [1, 1]} : vector<128x1000xf32> to vector<32x1000xf32>
    %slice3A_633 = vector.extract_strided_slice %dot_general3A_628 {offsets = [0, 0], sizes = [32, 1000], strides = [1, 1]} : vector<128x1000xf32> to vector<32x1000xf32>
    %slice3A_634 = vector.extract_strided_slice %dot_general3A_628 {offsets = [32, 0], sizes = [32, 1000], strides = [1, 1]} : vector<128x1000xf32> to vector<32x1000xf32>
    %slice3A_635 = vector.extract_strided_slice %dot_general3A_628 {offsets = [64, 0], sizes = [32, 1000], strides = [1, 1]} : vector<128x1000xf32> to vector<32x1000xf32>
    %slice3A_636 = vector.extract_strided_slice %dot_general3A_628 {offsets = [96, 0], sizes = [32, 1000], strides = [1, 1]} : vector<128x1000xf32> to vector<32x1000xf32>
    %mul3A_637 = arith.mulf %mul3A_615, %slice3A_629 : vector<32x1000xf32>
    %slice3A_638 = vector.extract_strided_slice %get3A_524 {offsets = [0, 0], sizes = [32, 1], strides = [1, 1]} : vector<2048x1xf32> to vector<32x1xf32>
    %mul3A_639 = vector.broadcast %slice3A_638 : vector<32x1xf32> to vector<32x1000xf32>
    %mul3A_640 = arith.mulf %mul3A_637, %mul3A_639 : vector<32x1000xf32>
    %mul3A_641 = arith.mulf %mul3A_615, %slice3A_630 : vector<32x1000xf32>
    %slice3A_642 = vector.extract_strided_slice %get3A_524 {offsets = [32, 0], sizes = [32, 1], strides = [1, 1]} : vector<2048x1xf32> to vector<32x1xf32>
    %mul3A_643 = vector.broadcast %slice3A_642 : vector<32x1xf32> to vector<32x1000xf32>
    %mul3A_644 = arith.mulf %mul3A_641, %mul3A_643 : vector<32x1000xf32>
    %mul3A_645 = arith.mulf %mul3A_615, %slice3A_631 : vector<32x1000xf32>
    %slice3A_646 = vector.extract_strided_slice %get3A_524 {offsets = [64, 0], sizes = [32, 1], strides = [1, 1]} : vector<2048x1xf32> to vector<32x1xf32>
    %mul3A_647 = vector.broadcast %slice3A_646 : vector<32x1xf32> to vector<32x1000xf32>
    %mul3A_648 = arith.mulf %mul3A_645, %mul3A_647 : vector<32x1000xf32>
    %mul3A_649 = arith.mulf %mul3A_615, %slice3A_632 : vector<32x1000xf32>
    %slice3A_650 = vector.extract_strided_slice %get3A_524 {offsets = [96, 0], sizes = [32, 1], strides = [1, 1]} : vector<2048x1xf32> to vector<32x1xf32>
    %mul3A_651 = vector.broadcast %slice3A_650 : vector<32x1xf32> to vector<32x1000xf32>
    %mul3A_652 = arith.mulf %mul3A_649, %mul3A_651 : vector<32x1000xf32>
    %mul3A_653 = arith.mulf %mul3A_615, %slice3A_633 : vector<32x1000xf32>
    %slice3A_654 = vector.extract_strided_slice %get3A_524 {offsets = [128, 0], sizes = [32, 1], strides = [1, 1]} : vector<2048x1xf32> to vector<32x1xf32>
    %mul3A_655 = vector.broadcast %slice3A_654 : vector<32x1xf32> to vector<32x1000xf32>
    %mul3A_656 = arith.mulf %mul3A_653, %mul3A_655 : vector<32x1000xf32>
    %mul3A_657 = arith.mulf %mul3A_615, %slice3A_634 : vector<32x1000xf32>
    %slice3A_658 = vector.extract_strided_slice %get3A_524 {offsets = [160, 0], sizes = [32, 1], strides = [1, 1]} : vector<2048x1xf32> to vector<32x1xf32>
    %mul3A_659 = vector.broadcast %slice3A_658 : vector<32x1xf32> to vector<32x1000xf32>
    %mul3A_660 = arith.mulf %mul3A_657, %mul3A_659 : vector<32x1000xf32>
    %mul3A_661 = arith.mulf %mul3A_615, %slice3A_635 : vector<32x1000xf32>
    %slice3A_662 = vector.extract_strided_slice %get3A_524 {offsets = [192, 0], sizes = [32, 1], strides = [1, 1]} : vector<2048x1xf32> to vector<32x1xf32>
    %mul3A_663 = vector.broadcast %slice3A_662 : vector<32x1xf32> to vector<32x1000xf32>
    %mul3A_664 = arith.mulf %mul3A_661, %mul3A_663 : vector<32x1000xf32>
    %mul3A_665 = arith.mulf %mul3A_615, %slice3A_636 : vector<32x1000xf32>
    %slice3A_666 = vector.extract_strided_slice %get3A_524 {offsets = [224, 0], sizes = [32, 1], strides = [1, 1]} : vector<2048x1xf32> to vector<32x1xf32>
    %mul3A_667 = vector.broadcast %slice3A_666 : vector<32x1xf32> to vector<32x1000xf32>
    %mul3A_668 = arith.mulf %mul3A_665, %mul3A_667 : vector<32x1000xf32>
    %mul3A_669 = arith.mulf %mul3A_616, %slice3A_629 : vector<32x1000xf32>
    %slice3A_670 = vector.extract_strided_slice %get3A_524 {offsets = [256, 0], sizes = [32, 1], strides = [1, 1]} : vector<2048x1xf32> to vector<32x1xf32>
    %mul3A_671 = vector.broadcast %slice3A_670 : vector<32x1xf32> to vector<32x1000xf32>
    %mul3A_672 = arith.mulf %mul3A_669, %mul3A_671 : vector<32x1000xf32>
    %add3A_673 = arith.addf %mul3A_644, %mul3A_672 : vector<32x1000xf32>
    %mul3A_674 = arith.mulf %mul3A_616, %slice3A_630 : vector<32x1000xf32>
    %slice3A_675 = vector.extract_strided_slice %get3A_524 {offsets = [288, 0], sizes = [32, 1], strides = [1, 1]} : vector<2048x1xf32> to vector<32x1xf32>
    %mul3A_676 = vector.broadcast %slice3A_675 : vector<32x1xf32> to vector<32x1000xf32>
    %mul3A_677 = arith.mulf %mul3A_674, %mul3A_676 : vector<32x1000xf32>
    %add3A_678 = arith.addf %mul3A_640, %mul3A_677 : vector<32x1000xf32>
    %mul3A_679 = arith.mulf %mul3A_616, %slice3A_631 : vector<32x1000xf32>
    %slice3A_680 = vector.extract_strided_slice %get3A_524 {offsets = [320, 0], sizes = [32, 1], strides = [1, 1]} : vector<2048x1xf32> to vector<32x1xf32>
    %mul3A_681 = vector.broadcast %slice3A_680 : vector<32x1xf32> to vector<32x1000xf32>
    %mul3A_682 = arith.mulf %mul3A_679, %mul3A_681 : vector<32x1000xf32>
    %add3A_683 = arith.addf %mul3A_652, %mul3A_682 : vector<32x1000xf32>
    %mul3A_684 = arith.mulf %mul3A_616, %slice3A_632 : vector<32x1000xf32>
    %slice3A_685 = vector.extract_strided_slice %get3A_524 {offsets = [352, 0], sizes = [32, 1], strides = [1, 1]} : vector<2048x1xf32> to vector<32x1xf32>
    %mul3A_686 = vector.broadcast %slice3A_685 : vector<32x1xf32> to vector<32x1000xf32>
    %mul3A_687 = arith.mulf %mul3A_684, %mul3A_686 : vector<32x1000xf32>
    %add3A_688 = arith.addf %mul3A_648, %mul3A_687 : vector<32x1000xf32>
    %mul3A_689 = arith.mulf %mul3A_616, %slice3A_633 : vector<32x1000xf32>
    %slice3A_690 = vector.extract_strided_slice %get3A_524 {offsets = [384, 0], sizes = [32, 1], strides = [1, 1]} : vector<2048x1xf32> to vector<32x1xf32>
    %mul3A_691 = vector.broadcast %slice3A_690 : vector<32x1xf32> to vector<32x1000xf32>
    %mul3A_692 = arith.mulf %mul3A_689, %mul3A_691 : vector<32x1000xf32>
    %add3A_693 = arith.addf %mul3A_660, %mul3A_692 : vector<32x1000xf32>
    %mul3A_694 = arith.mulf %mul3A_616, %slice3A_634 : vector<32x1000xf32>
    %slice3A_695 = vector.extract_strided_slice %get3A_524 {offsets = [416, 0], sizes = [32, 1], strides = [1, 1]} : vector<2048x1xf32> to vector<32x1xf32>
    %mul3A_696 = vector.broadcast %slice3A_695 : vector<32x1xf32> to vector<32x1000xf32>
    %mul3A_697 = arith.mulf %mul3A_694, %mul3A_696 : vector<32x1000xf32>
    %add3A_698 = arith.addf %mul3A_656, %mul3A_697 : vector<32x1000xf32>
    %mul3A_699 = arith.mulf %mul3A_616, %slice3A_635 : vector<32x1000xf32>
    %slice3A_700 = vector.extract_strided_slice %get3A_524 {offsets = [448, 0], sizes = [32, 1], strides = [1, 1]} : vector<2048x1xf32> to vector<32x1xf32>
    %mul3A_701 = vector.broadcast %slice3A_700 : vector<32x1xf32> to vector<32x1000xf32>
    %mul3A_702 = arith.mulf %mul3A_699, %mul3A_701 : vector<32x1000xf32>
    %add3A_703 = arith.addf %mul3A_668, %mul3A_702 : vector<32x1000xf32>
    %mul3A_704 = arith.mulf %mul3A_616, %slice3A_636 : vector<32x1000xf32>
    %slice3A_705 = vector.extract_strided_slice %get3A_524 {offsets = [480, 0], sizes = [32, 1], strides = [1, 1]} : vector<2048x1xf32> to vector<32x1xf32>
    %mul3A_706 = vector.broadcast %slice3A_705 : vector<32x1xf32> to vector<32x1000xf32>
    %mul3A_707 = arith.mulf %mul3A_704, %mul3A_706 : vector<32x1000xf32>
    %add3A_708 = arith.addf %mul3A_664, %mul3A_707 : vector<32x1000xf32>
    %mul3A_709 = arith.mulf %mul3A_617, %slice3A_629 : vector<32x1000xf32>
    %slice3A_710 = vector.extract_strided_slice %get3A_524 {offsets = [512, 0], sizes = [32, 1], strides = [1, 1]} : vector<2048x1xf32> to vector<32x1xf32>
    %mul3A_711 = vector.broadcast %slice3A_710 : vector<32x1xf32> to vector<32x1000xf32>
    %mul3A_712 = arith.mulf %mul3A_709, %mul3A_711 : vector<32x1000xf32>
    %add3A_713 = arith.addf %add3A_688, %mul3A_712 : vector<32x1000xf32>
    %mul3A_714 = arith.mulf %mul3A_617, %slice3A_630 : vector<32x1000xf32>
    %slice3A_715 = vector.extract_strided_slice %get3A_524 {offsets = [544, 0], sizes = [32, 1], strides = [1, 1]} : vector<2048x1xf32> to vector<32x1xf32>
    %mul3A_716 = vector.broadcast %slice3A_715 : vector<32x1xf32> to vector<32x1000xf32>
    %mul3A_717 = arith.mulf %mul3A_714, %mul3A_716 : vector<32x1000xf32>
    %add3A_718 = arith.addf %add3A_683, %mul3A_717 : vector<32x1000xf32>
    %mul3A_719 = arith.mulf %mul3A_617, %slice3A_631 : vector<32x1000xf32>
    %slice3A_720 = vector.extract_strided_slice %get3A_524 {offsets = [576, 0], sizes = [32, 1], strides = [1, 1]} : vector<2048x1xf32> to vector<32x1xf32>
    %mul3A_721 = vector.broadcast %slice3A_720 : vector<32x1xf32> to vector<32x1000xf32>
    %mul3A_722 = arith.mulf %mul3A_719, %mul3A_721 : vector<32x1000xf32>
    %add3A_723 = arith.addf %add3A_678, %mul3A_722 : vector<32x1000xf32>
    %mul3A_724 = arith.mulf %mul3A_617, %slice3A_632 : vector<32x1000xf32>
    %slice3A_725 = vector.extract_strided_slice %get3A_524 {offsets = [608, 0], sizes = [32, 1], strides = [1, 1]} : vector<2048x1xf32> to vector<32x1xf32>
    %mul3A_726 = vector.broadcast %slice3A_725 : vector<32x1xf32> to vector<32x1000xf32>
    %mul3A_727 = arith.mulf %mul3A_724, %mul3A_726 : vector<32x1000xf32>
    %add3A_728 = arith.addf %add3A_673, %mul3A_727 : vector<32x1000xf32>
    %mul3A_729 = arith.mulf %mul3A_617, %slice3A_633 : vector<32x1000xf32>
    %slice3A_730 = vector.extract_strided_slice %get3A_524 {offsets = [640, 0], sizes = [32, 1], strides = [1, 1]} : vector<2048x1xf32> to vector<32x1xf32>
    %mul3A_731 = vector.broadcast %slice3A_730 : vector<32x1xf32> to vector<32x1000xf32>
    %mul3A_732 = arith.mulf %mul3A_729, %mul3A_731 : vector<32x1000xf32>
    %add3A_733 = arith.addf %add3A_708, %mul3A_732 : vector<32x1000xf32>
    %mul3A_734 = arith.mulf %mul3A_617, %slice3A_634 : vector<32x1000xf32>
    %slice3A_735 = vector.extract_strided_slice %get3A_524 {offsets = [672, 0], sizes = [32, 1], strides = [1, 1]} : vector<2048x1xf32> to vector<32x1xf32>
    %mul3A_736 = vector.broadcast %slice3A_735 : vector<32x1xf32> to vector<32x1000xf32>
    %mul3A_737 = arith.mulf %mul3A_734, %mul3A_736 : vector<32x1000xf32>
    %add3A_738 = arith.addf %add3A_703, %mul3A_737 : vector<32x1000xf32>
    %mul3A_739 = arith.mulf %mul3A_617, %slice3A_635 : vector<32x1000xf32>
    %slice3A_740 = vector.extract_strided_slice %get3A_524 {offsets = [704, 0], sizes = [32, 1], strides = [1, 1]} : vector<2048x1xf32> to vector<32x1xf32>
    %mul3A_741 = vector.broadcast %slice3A_740 : vector<32x1xf32> to vector<32x1000xf32>
    %mul3A_742 = arith.mulf %mul3A_739, %mul3A_741 : vector<32x1000xf32>
    %add3A_743 = arith.addf %add3A_698, %mul3A_742 : vector<32x1000xf32>
    %mul3A_744 = arith.mulf %mul3A_617, %slice3A_636 : vector<32x1000xf32>
    %slice3A_745 = vector.extract_strided_slice %get3A_524 {offsets = [736, 0], sizes = [32, 1], strides = [1, 1]} : vector<2048x1xf32> to vector<32x1xf32>
    %mul3A_746 = vector.broadcast %slice3A_745 : vector<32x1xf32> to vector<32x1000xf32>
    %mul3A_747 = arith.mulf %mul3A_744, %mul3A_746 : vector<32x1000xf32>
    %add3A_748 = arith.addf %add3A_693, %mul3A_747 : vector<32x1000xf32>
    %mul3A_749 = arith.mulf %mul3A_618, %slice3A_629 : vector<32x1000xf32>
    %slice3A_750 = vector.extract_strided_slice %get3A_524 {offsets = [768, 0], sizes = [32, 1], strides = [1, 1]} : vector<2048x1xf32> to vector<32x1xf32>
    %mul3A_751 = vector.broadcast %slice3A_750 : vector<32x1xf32> to vector<32x1000xf32>
    %mul3A_752 = arith.mulf %mul3A_749, %mul3A_751 : vector<32x1000xf32>
    %add3A_753 = arith.addf %add3A_718, %mul3A_752 : vector<32x1000xf32>
    %mul3A_754 = arith.mulf %mul3A_618, %slice3A_630 : vector<32x1000xf32>
    %slice3A_755 = vector.extract_strided_slice %get3A_524 {offsets = [800, 0], sizes = [32, 1], strides = [1, 1]} : vector<2048x1xf32> to vector<32x1xf32>
    %mul3A_756 = vector.broadcast %slice3A_755 : vector<32x1xf32> to vector<32x1000xf32>
    %mul3A_757 = arith.mulf %mul3A_754, %mul3A_756 : vector<32x1000xf32>
    %add3A_758 = arith.addf %add3A_713, %mul3A_757 : vector<32x1000xf32>
    %mul3A_759 = arith.mulf %mul3A_618, %slice3A_631 : vector<32x1000xf32>
    %slice3A_760 = vector.extract_strided_slice %get3A_524 {offsets = [832, 0], sizes = [32, 1], strides = [1, 1]} : vector<2048x1xf32> to vector<32x1xf32>
    %mul3A_761 = vector.broadcast %slice3A_760 : vector<32x1xf32> to vector<32x1000xf32>
    %mul3A_762 = arith.mulf %mul3A_759, %mul3A_761 : vector<32x1000xf32>
    %add3A_763 = arith.addf %add3A_728, %mul3A_762 : vector<32x1000xf32>
    %mul3A_764 = arith.mulf %mul3A_618, %slice3A_632 : vector<32x1000xf32>
    %slice3A_765 = vector.extract_strided_slice %get3A_524 {offsets = [864, 0], sizes = [32, 1], strides = [1, 1]} : vector<2048x1xf32> to vector<32x1xf32>
    %mul3A_766 = vector.broadcast %slice3A_765 : vector<32x1xf32> to vector<32x1000xf32>
    %mul3A_767 = arith.mulf %mul3A_764, %mul3A_766 : vector<32x1000xf32>
    %add3A_768 = arith.addf %add3A_723, %mul3A_767 : vector<32x1000xf32>
    %mul3A_769 = arith.mulf %mul3A_618, %slice3A_633 : vector<32x1000xf32>
    %slice3A_770 = vector.extract_strided_slice %get3A_524 {offsets = [896, 0], sizes = [32, 1], strides = [1, 1]} : vector<2048x1xf32> to vector<32x1xf32>
    %mul3A_771 = vector.broadcast %slice3A_770 : vector<32x1xf32> to vector<32x1000xf32>
    %mul3A_772 = arith.mulf %mul3A_769, %mul3A_771 : vector<32x1000xf32>
    %add3A_773 = arith.addf %add3A_738, %mul3A_772 : vector<32x1000xf32>
    %mul3A_774 = arith.mulf %mul3A_618, %slice3A_634 : vector<32x1000xf32>
    %slice3A_775 = vector.extract_strided_slice %get3A_524 {offsets = [928, 0], sizes = [32, 1], strides = [1, 1]} : vector<2048x1xf32> to vector<32x1xf32>
    %mul3A_776 = vector.broadcast %slice3A_775 : vector<32x1xf32> to vector<32x1000xf32>
    %mul3A_777 = arith.mulf %mul3A_774, %mul3A_776 : vector<32x1000xf32>
    %add3A_778 = arith.addf %add3A_733, %mul3A_777 : vector<32x1000xf32>
    %mul3A_779 = arith.mulf %mul3A_618, %slice3A_635 : vector<32x1000xf32>
    %slice3A_780 = vector.extract_strided_slice %get3A_524 {offsets = [960, 0], sizes = [32, 1], strides = [1, 1]} : vector<2048x1xf32> to vector<32x1xf32>
    %mul3A_781 = vector.broadcast %slice3A_780 : vector<32x1xf32> to vector<32x1000xf32>
    %mul3A_782 = arith.mulf %mul3A_779, %mul3A_781 : vector<32x1000xf32>
    %add3A_783 = arith.addf %add3A_748, %mul3A_782 : vector<32x1000xf32>
    %mul3A_784 = arith.mulf %mul3A_618, %slice3A_636 : vector<32x1000xf32>
    %slice3A_785 = vector.extract_strided_slice %get3A_524 {offsets = [992, 0], sizes = [32, 1], strides = [1, 1]} : vector<2048x1xf32> to vector<32x1xf32>
    %mul3A_786 = vector.broadcast %slice3A_785 : vector<32x1xf32> to vector<32x1000xf32>
    %mul3A_787 = arith.mulf %mul3A_784, %mul3A_786 : vector<32x1000xf32>
    %add3A_788 = arith.addf %add3A_743, %mul3A_787 : vector<32x1000xf32>
    %mul3A_789 = arith.mulf %mul3A_619, %slice3A_629 : vector<32x1000xf32>
    %slice3A_790 = vector.extract_strided_slice %get3A_524 {offsets = [1024, 0], sizes = [32, 1], strides = [1, 1]} : vector<2048x1xf32> to vector<32x1xf32>
    %mul3A_791 = vector.broadcast %slice3A_790 : vector<32x1xf32> to vector<32x1000xf32>
    %mul3A_792 = arith.mulf %mul3A_789, %mul3A_791 : vector<32x1000xf32>
    %add3A_793 = arith.addf %add3A_788, %mul3A_792 : vector<32x1000xf32>
    %mul3A_794 = arith.mulf %mul3A_619, %slice3A_630 : vector<32x1000xf32>
    %slice3A_795 = vector.extract_strided_slice %get3A_524 {offsets = [1056, 0], sizes = [32, 1], strides = [1, 1]} : vector<2048x1xf32> to vector<32x1xf32>
    %mul3A_796 = vector.broadcast %slice3A_795 : vector<32x1xf32> to vector<32x1000xf32>
    %mul3A_797 = arith.mulf %mul3A_794, %mul3A_796 : vector<32x1000xf32>
    %add3A_798 = arith.addf %add3A_783, %mul3A_797 : vector<32x1000xf32>
    %mul3A_799 = arith.mulf %mul3A_619, %slice3A_631 : vector<32x1000xf32>
    %slice3A_800 = vector.extract_strided_slice %get3A_524 {offsets = [1088, 0], sizes = [32, 1], strides = [1, 1]} : vector<2048x1xf32> to vector<32x1xf32>
    %mul3A_801 = vector.broadcast %slice3A_800 : vector<32x1xf32> to vector<32x1000xf32>
    %mul3A_802 = arith.mulf %mul3A_799, %mul3A_801 : vector<32x1000xf32>
    %add3A_803 = arith.addf %add3A_778, %mul3A_802 : vector<32x1000xf32>
    %mul3A_804 = arith.mulf %mul3A_619, %slice3A_632 : vector<32x1000xf32>
    %slice3A_805 = vector.extract_strided_slice %get3A_524 {offsets = [1120, 0], sizes = [32, 1], strides = [1, 1]} : vector<2048x1xf32> to vector<32x1xf32>
    %mul3A_806 = vector.broadcast %slice3A_805 : vector<32x1xf32> to vector<32x1000xf32>
    %mul3A_807 = arith.mulf %mul3A_804, %mul3A_806 : vector<32x1000xf32>
    %add3A_808 = arith.addf %add3A_773, %mul3A_807 : vector<32x1000xf32>
    %mul3A_809 = arith.mulf %mul3A_619, %slice3A_633 : vector<32x1000xf32>
    %slice3A_810 = vector.extract_strided_slice %get3A_524 {offsets = [1152, 0], sizes = [32, 1], strides = [1, 1]} : vector<2048x1xf32> to vector<32x1xf32>
    %mul3A_811 = vector.broadcast %slice3A_810 : vector<32x1xf32> to vector<32x1000xf32>
    %mul3A_812 = arith.mulf %mul3A_809, %mul3A_811 : vector<32x1000xf32>
    %add3A_813 = arith.addf %add3A_768, %mul3A_812 : vector<32x1000xf32>
    %mul3A_814 = arith.mulf %mul3A_619, %slice3A_634 : vector<32x1000xf32>
    %slice3A_815 = vector.extract_strided_slice %get3A_524 {offsets = [1184, 0], sizes = [32, 1], strides = [1, 1]} : vector<2048x1xf32> to vector<32x1xf32>
    %mul3A_816 = vector.broadcast %slice3A_815 : vector<32x1xf32> to vector<32x1000xf32>
    %mul3A_817 = arith.mulf %mul3A_814, %mul3A_816 : vector<32x1000xf32>
    %add3A_818 = arith.addf %add3A_763, %mul3A_817 : vector<32x1000xf32>
    %mul3A_819 = arith.mulf %mul3A_619, %slice3A_635 : vector<32x1000xf32>
    %slice3A_820 = vector.extract_strided_slice %get3A_524 {offsets = [1216, 0], sizes = [32, 1], strides = [1, 1]} : vector<2048x1xf32> to vector<32x1xf32>
    %mul3A_821 = vector.broadcast %slice3A_820 : vector<32x1xf32> to vector<32x1000xf32>
    %mul3A_822 = arith.mulf %mul3A_819, %mul3A_821 : vector<32x1000xf32>
    %add3A_823 = arith.addf %add3A_758, %mul3A_822 : vector<32x1000xf32>
    %mul3A_824 = arith.mulf %mul3A_619, %slice3A_636 : vector<32x1000xf32>
    %slice3A_825 = vector.extract_strided_slice %get3A_524 {offsets = [1248, 0], sizes = [32, 1], strides = [1, 1]} : vector<2048x1xf32> to vector<32x1xf32>
    %mul3A_826 = vector.broadcast %slice3A_825 : vector<32x1xf32> to vector<32x1000xf32>
    %mul3A_827 = arith.mulf %mul3A_824, %mul3A_826 : vector<32x1000xf32>
    %add3A_828 = arith.addf %add3A_753, %mul3A_827 : vector<32x1000xf32>
    %mul3A_829 = arith.mulf %mul3A_620, %slice3A_629 : vector<32x1000xf32>
    %slice3A_830 = vector.extract_strided_slice %get3A_524 {offsets = [1280, 0], sizes = [32, 1], strides = [1, 1]} : vector<2048x1xf32> to vector<32x1xf32>
    %mul3A_831 = vector.broadcast %slice3A_830 : vector<32x1xf32> to vector<32x1000xf32>
    %mul3A_832 = arith.mulf %mul3A_829, %mul3A_831 : vector<32x1000xf32>
    %add3A_833 = arith.addf %add3A_798, %mul3A_832 : vector<32x1000xf32>
    %mul3A_834 = arith.mulf %mul3A_620, %slice3A_630 : vector<32x1000xf32>
    %slice3A_835 = vector.extract_strided_slice %get3A_524 {offsets = [1312, 0], sizes = [32, 1], strides = [1, 1]} : vector<2048x1xf32> to vector<32x1xf32>
    %mul3A_836 = vector.broadcast %slice3A_835 : vector<32x1xf32> to vector<32x1000xf32>
    %mul3A_837 = arith.mulf %mul3A_834, %mul3A_836 : vector<32x1000xf32>
    %add3A_838 = arith.addf %add3A_793, %mul3A_837 : vector<32x1000xf32>
    %mul3A_839 = arith.mulf %mul3A_620, %slice3A_631 : vector<32x1000xf32>
    %slice3A_840 = vector.extract_strided_slice %get3A_524 {offsets = [1344, 0], sizes = [32, 1], strides = [1, 1]} : vector<2048x1xf32> to vector<32x1xf32>
    %mul3A_841 = vector.broadcast %slice3A_840 : vector<32x1xf32> to vector<32x1000xf32>
    %mul3A_842 = arith.mulf %mul3A_839, %mul3A_841 : vector<32x1000xf32>
    %add3A_843 = arith.addf %add3A_808, %mul3A_842 : vector<32x1000xf32>
    %mul3A_844 = arith.mulf %mul3A_620, %slice3A_632 : vector<32x1000xf32>
    %slice3A_845 = vector.extract_strided_slice %get3A_524 {offsets = [1376, 0], sizes = [32, 1], strides = [1, 1]} : vector<2048x1xf32> to vector<32x1xf32>
    %mul3A_846 = vector.broadcast %slice3A_845 : vector<32x1xf32> to vector<32x1000xf32>
    %mul3A_847 = arith.mulf %mul3A_844, %mul3A_846 : vector<32x1000xf32>
    %add3A_848 = arith.addf %add3A_803, %mul3A_847 : vector<32x1000xf32>
    %mul3A_849 = arith.mulf %mul3A_620, %slice3A_633 : vector<32x1000xf32>
    %slice3A_850 = vector.extract_strided_slice %get3A_524 {offsets = [1408, 0], sizes = [32, 1], strides = [1, 1]} : vector<2048x1xf32> to vector<32x1xf32>
    %mul3A_851 = vector.broadcast %slice3A_850 : vector<32x1xf32> to vector<32x1000xf32>
    %mul3A_852 = arith.mulf %mul3A_849, %mul3A_851 : vector<32x1000xf32>
    %add3A_853 = arith.addf %add3A_818, %mul3A_852 : vector<32x1000xf32>
    %mul3A_854 = arith.mulf %mul3A_620, %slice3A_634 : vector<32x1000xf32>
    %slice3A_855 = vector.extract_strided_slice %get3A_524 {offsets = [1440, 0], sizes = [32, 1], strides = [1, 1]} : vector<2048x1xf32> to vector<32x1xf32>
    %mul3A_856 = vector.broadcast %slice3A_855 : vector<32x1xf32> to vector<32x1000xf32>
    %mul3A_857 = arith.mulf %mul3A_854, %mul3A_856 : vector<32x1000xf32>
    %add3A_858 = arith.addf %add3A_813, %mul3A_857 : vector<32x1000xf32>
    %mul3A_859 = arith.mulf %mul3A_620, %slice3A_635 : vector<32x1000xf32>
    %slice3A_860 = vector.extract_strided_slice %get3A_524 {offsets = [1472, 0], sizes = [32, 1], strides = [1, 1]} : vector<2048x1xf32> to vector<32x1xf32>
    %mul3A_861 = vector.broadcast %slice3A_860 : vector<32x1xf32> to vector<32x1000xf32>
    %mul3A_862 = arith.mulf %mul3A_859, %mul3A_861 : vector<32x1000xf32>
    %add3A_863 = arith.addf %add3A_828, %mul3A_862 : vector<32x1000xf32>
    %mul3A_864 = arith.mulf %mul3A_620, %slice3A_636 : vector<32x1000xf32>
    %slice3A_865 = vector.extract_strided_slice %get3A_524 {offsets = [1504, 0], sizes = [32, 1], strides = [1, 1]} : vector<2048x1xf32> to vector<32x1xf32>
    %mul3A_866 = vector.broadcast %slice3A_865 : vector<32x1xf32> to vector<32x1000xf32>
    %mul3A_867 = arith.mulf %mul3A_864, %mul3A_866 : vector<32x1000xf32>
    %add3A_868 = arith.addf %add3A_823, %mul3A_867 : vector<32x1000xf32>
    %mul3A_869 = arith.mulf %mul3A_621, %slice3A_629 : vector<32x1000xf32>
    %slice3A_870 = vector.extract_strided_slice %get3A_524 {offsets = [1536, 0], sizes = [32, 1], strides = [1, 1]} : vector<2048x1xf32> to vector<32x1xf32>
    %mul3A_871 = vector.broadcast %slice3A_870 : vector<32x1xf32> to vector<32x1000xf32>
    %mul3A_872 = arith.mulf %mul3A_869, %mul3A_871 : vector<32x1000xf32>
    %add3A_873 = arith.addf %add3A_848, %mul3A_872 : vector<32x1000xf32>
    %mul3A_874 = arith.mulf %mul3A_621, %slice3A_630 : vector<32x1000xf32>
    %slice3A_875 = vector.extract_strided_slice %get3A_524 {offsets = [1568, 0], sizes = [32, 1], strides = [1, 1]} : vector<2048x1xf32> to vector<32x1xf32>
    %mul3A_876 = vector.broadcast %slice3A_875 : vector<32x1xf32> to vector<32x1000xf32>
    %mul3A_877 = arith.mulf %mul3A_874, %mul3A_876 : vector<32x1000xf32>
    %add3A_878 = arith.addf %add3A_843, %mul3A_877 : vector<32x1000xf32>
    %mul3A_879 = arith.mulf %mul3A_621, %slice3A_631 : vector<32x1000xf32>
    %slice3A_880 = vector.extract_strided_slice %get3A_524 {offsets = [1600, 0], sizes = [32, 1], strides = [1, 1]} : vector<2048x1xf32> to vector<32x1xf32>
    %mul3A_881 = vector.broadcast %slice3A_880 : vector<32x1xf32> to vector<32x1000xf32>
    %mul3A_882 = arith.mulf %mul3A_879, %mul3A_881 : vector<32x1000xf32>
    %add3A_883 = arith.addf %add3A_838, %mul3A_882 : vector<32x1000xf32>
    %mul3A_884 = arith.mulf %mul3A_621, %slice3A_632 : vector<32x1000xf32>
    %slice3A_885 = vector.extract_strided_slice %get3A_524 {offsets = [1632, 0], sizes = [32, 1], strides = [1, 1]} : vector<2048x1xf32> to vector<32x1xf32>
    %mul3A_886 = vector.broadcast %slice3A_885 : vector<32x1xf32> to vector<32x1000xf32>
    %mul3A_887 = arith.mulf %mul3A_884, %mul3A_886 : vector<32x1000xf32>
    %add3A_888 = arith.addf %add3A_833, %mul3A_887 : vector<32x1000xf32>
    %mul3A_889 = arith.mulf %mul3A_621, %slice3A_633 : vector<32x1000xf32>
    %slice3A_890 = vector.extract_strided_slice %get3A_524 {offsets = [1664, 0], sizes = [32, 1], strides = [1, 1]} : vector<2048x1xf32> to vector<32x1xf32>
    %mul3A_891 = vector.broadcast %slice3A_890 : vector<32x1xf32> to vector<32x1000xf32>
    %mul3A_892 = arith.mulf %mul3A_889, %mul3A_891 : vector<32x1000xf32>
    %add3A_893 = arith.addf %add3A_868, %mul3A_892 : vector<32x1000xf32>
    %mul3A_894 = arith.mulf %mul3A_621, %slice3A_634 : vector<32x1000xf32>
    %slice3A_895 = vector.extract_strided_slice %get3A_524 {offsets = [1696, 0], sizes = [32, 1], strides = [1, 1]} : vector<2048x1xf32> to vector<32x1xf32>
    %mul3A_896 = vector.broadcast %slice3A_895 : vector<32x1xf32> to vector<32x1000xf32>
    %mul3A_897 = arith.mulf %mul3A_894, %mul3A_896 : vector<32x1000xf32>
    %add3A_898 = arith.addf %add3A_863, %mul3A_897 : vector<32x1000xf32>
    %mul3A_899 = arith.mulf %mul3A_621, %slice3A_635 : vector<32x1000xf32>
    %slice3A_900 = vector.extract_strided_slice %get3A_524 {offsets = [1728, 0], sizes = [32, 1], strides = [1, 1]} : vector<2048x1xf32> to vector<32x1xf32>
    %mul3A_901 = vector.broadcast %slice3A_900 : vector<32x1xf32> to vector<32x1000xf32>
    %mul3A_902 = arith.mulf %mul3A_899, %mul3A_901 : vector<32x1000xf32>
    %add3A_903 = arith.addf %add3A_858, %mul3A_902 : vector<32x1000xf32>
    %mul3A_904 = arith.mulf %mul3A_621, %slice3A_636 : vector<32x1000xf32>
    %slice3A_905 = vector.extract_strided_slice %get3A_524 {offsets = [1760, 0], sizes = [32, 1], strides = [1, 1]} : vector<2048x1xf32> to vector<32x1xf32>
    %mul3A_906 = vector.broadcast %slice3A_905 : vector<32x1xf32> to vector<32x1000xf32>
    %mul3A_907 = arith.mulf %mul3A_904, %mul3A_906 : vector<32x1000xf32>
    %add3A_908 = arith.addf %add3A_853, %mul3A_907 : vector<32x1000xf32>
    %mul3A_909 = arith.mulf %mul3A_622, %slice3A_629 : vector<32x1000xf32>
    %slice3A_910 = vector.extract_strided_slice %get3A_524 {offsets = [1792, 0], sizes = [32, 1], strides = [1, 1]} : vector<2048x1xf32> to vector<32x1xf32>
    %mul3A_911 = vector.broadcast %slice3A_910 : vector<32x1xf32> to vector<32x1000xf32>
    %mul3A_912 = arith.mulf %mul3A_909, %mul3A_911 : vector<32x1000xf32>
    %add3A_913 = arith.addf %add3A_878, %mul3A_912 : vector<32x1000xf32>
    %mul3A_914 = arith.mulf %mul3A_622, %slice3A_630 : vector<32x1000xf32>
    %slice3A_915 = vector.extract_strided_slice %get3A_524 {offsets = [1824, 0], sizes = [32, 1], strides = [1, 1]} : vector<2048x1xf32> to vector<32x1xf32>
    %mul3A_916 = vector.broadcast %slice3A_915 : vector<32x1xf32> to vector<32x1000xf32>
    %mul3A_917 = arith.mulf %mul3A_914, %mul3A_916 : vector<32x1000xf32>
    %add3A_918 = arith.addf %add3A_873, %mul3A_917 : vector<32x1000xf32>
    %mul3A_919 = arith.mulf %mul3A_622, %slice3A_631 : vector<32x1000xf32>
    %slice3A_920 = vector.extract_strided_slice %get3A_524 {offsets = [1856, 0], sizes = [32, 1], strides = [1, 1]} : vector<2048x1xf32> to vector<32x1xf32>
    %mul3A_921 = vector.broadcast %slice3A_920 : vector<32x1xf32> to vector<32x1000xf32>
    %mul3A_922 = arith.mulf %mul3A_919, %mul3A_921 : vector<32x1000xf32>
    %add3A_923 = arith.addf %add3A_888, %mul3A_922 : vector<32x1000xf32>
    %mul3A_924 = arith.mulf %mul3A_622, %slice3A_632 : vector<32x1000xf32>
    %slice3A_925 = vector.extract_strided_slice %get3A_524 {offsets = [1888, 0], sizes = [32, 1], strides = [1, 1]} : vector<2048x1xf32> to vector<32x1xf32>
    %mul3A_926 = vector.broadcast %slice3A_925 : vector<32x1xf32> to vector<32x1000xf32>
    %mul3A_927 = arith.mulf %mul3A_924, %mul3A_926 : vector<32x1000xf32>
    %add3A_928 = arith.addf %add3A_883, %mul3A_927 : vector<32x1000xf32>
    %mul3A_929 = arith.mulf %mul3A_622, %slice3A_633 : vector<32x1000xf32>
    %slice3A_930 = vector.extract_strided_slice %get3A_524 {offsets = [1920, 0], sizes = [32, 1], strides = [1, 1]} : vector<2048x1xf32> to vector<32x1xf32>
    %mul3A_931 = vector.broadcast %slice3A_930 : vector<32x1xf32> to vector<32x1000xf32>
    %mul3A_932 = arith.mulf %mul3A_929, %mul3A_931 : vector<32x1000xf32>
    %add3A_933 = arith.addf %add3A_898, %mul3A_932 : vector<32x1000xf32>
    %mul3A_934 = arith.mulf %mul3A_622, %slice3A_634 : vector<32x1000xf32>
    %slice3A_935 = vector.extract_strided_slice %get3A_524 {offsets = [1952, 0], sizes = [32, 1], strides = [1, 1]} : vector<2048x1xf32> to vector<32x1xf32>
    %mul3A_936 = vector.broadcast %slice3A_935 : vector<32x1xf32> to vector<32x1000xf32>
    %mul3A_937 = arith.mulf %mul3A_934, %mul3A_936 : vector<32x1000xf32>
    %add3A_938 = arith.addf %add3A_893, %mul3A_937 : vector<32x1000xf32>
    %mul3A_939 = arith.mulf %mul3A_622, %slice3A_635 : vector<32x1000xf32>
    %slice3A_940 = vector.extract_strided_slice %get3A_524 {offsets = [1984, 0], sizes = [32, 1], strides = [1, 1]} : vector<2048x1xf32> to vector<32x1xf32>
    %mul3A_941 = vector.broadcast %slice3A_940 : vector<32x1xf32> to vector<32x1000xf32>
    %mul3A_942 = arith.mulf %mul3A_939, %mul3A_941 : vector<32x1000xf32>
    %add3A_943 = arith.addf %add3A_908, %mul3A_942 : vector<32x1000xf32>
    %mul3A_944 = arith.mulf %mul3A_622, %slice3A_636 : vector<32x1000xf32>
    %slice3A_945 = vector.extract_strided_slice %get3A_524 {offsets = [2016, 0], sizes = [32, 1], strides = [1, 1]} : vector<2048x1xf32> to vector<32x1xf32>
    %mul3A_946 = vector.broadcast %slice3A_945 : vector<32x1xf32> to vector<32x1000xf32>
    %mul3A_947 = arith.mulf %mul3A_944, %mul3A_946 : vector<32x1000xf32>
    %add3A_948 = arith.addf %add3A_903, %mul3A_947 : vector<32x1000xf32>
    %mul3A_949 = arith.mulf %add3A_948, %add3A_948 : vector<32x1000xf32>
    %mul3A_950 = arith.mulf %add3A_943, %add3A_943 : vector<32x1000xf32>
    %add3A_951 = arith.addf %mul3A_949, %mul3A_950 : vector<32x1000xf32>
    %mul3A_952 = arith.mulf %add3A_938, %add3A_938 : vector<32x1000xf32>
    %add3A_953 = arith.addf %add3A_951, %mul3A_952 : vector<32x1000xf32>
    %mul3A_954 = arith.mulf %add3A_933, %add3A_933 : vector<32x1000xf32>
    %add3A_955 = arith.addf %add3A_953, %mul3A_954 : vector<32x1000xf32>
    %mul3A_956 = arith.mulf %add3A_928, %add3A_928 : vector<32x1000xf32>
    %add3A_957 = arith.addf %add3A_955, %mul3A_956 : vector<32x1000xf32>
    %mul3A_958 = arith.mulf %add3A_923, %add3A_923 : vector<32x1000xf32>
    %add3A_959 = arith.addf %add3A_957, %mul3A_958 : vector<32x1000xf32>
    %mul3A_960 = arith.mulf %add3A_918, %add3A_918 : vector<32x1000xf32>
    %add3A_961 = arith.addf %add3A_959, %mul3A_960 : vector<32x1000xf32>
    %mul3A_962 = arith.mulf %add3A_913, %add3A_913 : vector<32x1000xf32>
    %add3A_963 = arith.addf %add3A_961, %mul3A_962 : vector<32x1000xf32>
    %add3A_964 = arith.constant 9.99999997E-7 : f32
    %add3A_965 = vector.broadcast %add3A_964 : f32 to vector<32x1000xf32>
    %add3A_966 = arith.addf %add3A_963, %add3A_965 : vector<32x1000xf32>
    %sqrt3A_967 = math.sqrt %add3A_966 : vector<32x1000xf32>
    %reduce_sum3A_968 = arith.constant dense<0.000000e+00> : vector<1000xf32>
    %reduce_sum3A_969 = vector.multi_reduction <add>, %sqrt3A_967, %reduce_sum3A_968 [0] : vector<32x1000xf32> to vector<1000xf32>
    %broadcast_in_dim3A_970 = vector.shape_cast %reduce_sum3A_969 : vector<1000xf32> to vector<1x1000xf32>
    %div3A_971 = arith.constant 3.200000e+01 : f32
    %div3A_972 = vector.broadcast %div3A_971 : f32 to vector<1x1000xf32>
    %div3A_973 = arith.divf %broadcast_in_dim3A_970, %div3A_972 : vector<1x1000xf32>
    %div3A_974 = arith.constant 1.000000e+00 : f32
    %div3A_975 = vector.broadcast %div3A_974 : f32 to vector<1x1000xf32>
    %div3A_976 = arith.divf %div3A_975, %div3A_973 : vector<1x1000xf32>
    %mul3A_977 = vector.broadcast %get3A_527 : vector<32x1xf32> to vector<32x1000xf32>
    %mul3A_978 = arith.mulf %add3A_948, %mul3A_977 : vector<32x1000xf32>
    %mul3A_979 = vector.broadcast %div3A_976 : vector<1x1000xf32> to vector<32x1000xf32>
    %mul3A_980 = arith.mulf %mul3A_978, %mul3A_979 : vector<32x1000xf32>
    %mul3A_981 = vector.broadcast %get3A_527 : vector<32x1xf32> to vector<32x1000xf32>
    %mul3A_982 = arith.mulf %add3A_943, %mul3A_981 : vector<32x1000xf32>
    %mul3A_983 = vector.broadcast %div3A_976 : vector<1x1000xf32> to vector<32x1000xf32>
    %mul3A_984 = arith.mulf %mul3A_982, %mul3A_983 : vector<32x1000xf32>
    %mul3A_985 = vector.broadcast %get3A_527 : vector<32x1xf32> to vector<32x1000xf32>
    %mul3A_986 = arith.mulf %add3A_938, %mul3A_985 : vector<32x1000xf32>
    %mul3A_987 = vector.broadcast %div3A_976 : vector<1x1000xf32> to vector<32x1000xf32>
    %mul3A_988 = arith.mulf %mul3A_986, %mul3A_987 : vector<32x1000xf32>
    %mul3A_989 = vector.broadcast %get3A_527 : vector<32x1xf32> to vector<32x1000xf32>
    %mul3A_990 = arith.mulf %add3A_933, %mul3A_989 : vector<32x1000xf32>
    %mul3A_991 = vector.broadcast %div3A_976 : vector<1x1000xf32> to vector<32x1000xf32>
    %mul3A_992 = arith.mulf %mul3A_990, %mul3A_991 : vector<32x1000xf32>
    %mul3A_993 = vector.broadcast %get3A_527 : vector<32x1xf32> to vector<32x1000xf32>
    %mul3A_994 = arith.mulf %add3A_928, %mul3A_993 : vector<32x1000xf32>
    %mul3A_995 = vector.broadcast %div3A_976 : vector<1x1000xf32> to vector<32x1000xf32>
    %mul3A_996 = arith.mulf %mul3A_994, %mul3A_995 : vector<32x1000xf32>
    %mul3A_997 = vector.broadcast %get3A_527 : vector<32x1xf32> to vector<32x1000xf32>
    %mul3A_998 = arith.mulf %add3A_923, %mul3A_997 : vector<32x1000xf32>
    %mul3A_999 = vector.broadcast %div3A_976 : vector<1x1000xf32> to vector<32x1000xf32>
    %mul3A_1000 = arith.mulf %mul3A_998, %mul3A_999 : vector<32x1000xf32>
    %mul3A_1001 = vector.broadcast %get3A_527 : vector<32x1xf32> to vector<32x1000xf32>
    %mul3A_1002 = arith.mulf %add3A_918, %mul3A_1001 : vector<32x1000xf32>
    %mul3A_1003 = vector.broadcast %div3A_976 : vector<1x1000xf32> to vector<32x1000xf32>
    %mul3A_1004 = arith.mulf %mul3A_1002, %mul3A_1003 : vector<32x1000xf32>
    %mul3A_1005 = vector.broadcast %get3A_527 : vector<32x1xf32> to vector<32x1000xf32>
    %mul3A_1006 = arith.mulf %add3A_913, %mul3A_1005 : vector<32x1000xf32>
    %mul3A_1007 = vector.broadcast %div3A_976 : vector<1x1000xf32> to vector<32x1000xf32>
    %mul3A_1008 = arith.mulf %mul3A_1006, %mul3A_1007 : vector<32x1000xf32>
    %concatenate3A_1009 = tpu.concatenate %mul3A_980, %mul3A_984, %mul3A_988, %mul3A_992, %mul3A_996, %mul3A_1000, %mul3A_1004, %mul3A_1008 in 0 : vector<32x1000xf32>, vector<32x1000xf32>, vector<32x1000xf32>, vector<32x1000xf32>, vector<32x1000xf32>, vector<32x1000xf32>, vector<32x1000xf32>, vector<32x1000xf32> -> vector<256x1000xf32>
    %transpose3A_1010 = tpu.transpose %concatenate3A_1009, [1, 0] : vector<256x1000xf32> -> vector<1000x256xf32>
    %swap3A = arith.constant 0 : index
    %swap3A_1011 = arith.constant 0 : index
    %swap3A_1012 = vector.load %arg20[%swap3A, %swap3A_1011] : memref<1000x256xf32, #tpu.memory_space<vmem>>, vector<1000x256xf32>
    tpu.vector_store %arg20[%swap3A, %swap3A_1011], %transpose3A_1010 {strides = array<i32>} : memref<1000x256xf32, #tpu.memory_space<vmem>>, vector<1000x256xf32>,
    return
  }
  func.func @transform_0(%arg0: i32) -> (i32, i32) {
    %c0_i32 = arith.constant 0 : i32
    %c0_i32_0 = arith.constant 0 : i32
    return %arg0, %c0_i32 : i32, i32
  }
  func.func @transform_1(%arg0: i32) -> (i32, i32) {
    %c0_i32 = arith.constant 0 : i32
    %c0_i32_0 = arith.constant 0 : i32
    %c0_i32_1 = arith.constant 0 : i32
    return %c0_i32, %c0_i32_0 : i32, i32
  }
  func.func @transform_2(%arg0: i32) -> (i32, i32) {
    %c0_i32 = arith.constant 0 : i32
    %c0_i32_0 = arith.constant 0 : i32
    %c0_i32_1 = arith.constant 0 : i32
    return %c0_i32, %c0_i32_0 : i32, i32
  }
  func.func @transform_3(%arg0: i32) -> (i32, i32) {
    %c0_i32 = arith.constant 0 : i32
    %c0_i32_0 = arith.constant 0 : i32
    %c0_i32_1 = arith.constant 0 : i32
    return %c0_i32, %c0_i32_0 : i32, i32
  }
  func.func @transform_4(%arg0: i32) -> (i32, i32) {
    %c0_i32 = arith.constant 0 : i32
    %c0_i32_0 = arith.constant 0 : i32
    %c0_i32_1 = arith.constant 0 : i32
    return %c0_i32, %c0_i32_0 : i32, i32
  }
  func.func @transform_5(%arg0: i32) -> (i32, i32) {
    %c0_i32 = arith.constant 0 : i32
    %c0_i32_0 = arith.constant 0 : i32
    %c0_i32_1 = arith.constant 0 : i32
    return %c0_i32, %c0_i32_0 : i32, i32
  }
  func.func @transform_6(%arg0: i32) -> (i32, i32) {
    %c0_i32 = arith.constant 0 : i32
    %c0_i32_0 = arith.constant 0 : i32
    %c0_i32_1 = arith.constant 0 : i32
    return %c0_i32, %c0_i32_0 : i32, i32
  }
  func.func @transform_7(%arg0: i32) -> (i32, i32) {
    %c0_i32 = arith.constant 0 : i32
    %c0_i32_0 = arith.constant 0 : i32
    %c0_i32_1 = arith.constant 0 : i32
    return %c0_i32, %c0_i32_0 : i32, i32
  }
  func.func @transform_8(%arg0: i32) -> (i32, i32) {
    %c0_i32 = arith.constant 0 : i32
    %c0_i32_0 = arith.constant 0 : i32
    %c0_i32_1 = arith.constant 0 : i32
    return %c0_i32, %c0_i32_0 : i32, i32
  }
  func.func @transform_9(%arg0: i32) -> (i32, i32) {
    %c0_i32 = arith.constant 0 : i32
    %c0_i32_0 = arith.constant 0 : i32
    %c0_i32_1 = arith.constant 0 : i32
    return %c0_i32, %c0_i32_0 : i32, i32
  }
  func.func @transform_10(%arg0: i32) -> (i32, i32) {
    %c0_i32 = arith.constant 0 : i32
    %c0_i32_0 = arith.constant 0 : i32
    %c0_i32_1 = arith.constant 0 : i32
    return %c0_i32, %c0_i32_0 : i32, i32
  }
  func.func @transform_11(%arg0: i32) -> (i32, i32) {
    %c0_i32 = arith.constant 0 : i32
    %c0_i32_0 = arith.constant 0 : i32
    %c0_i32_1 = arith.constant 0 : i32
    return %c0_i32, %c0_i32_0 : i32, i32
  }
  func.func @transform_12(%arg0: i32) -> (i32, i32) {
    %c0_i32 = arith.constant 0 : i32
    %c0_i32_0 = arith.constant 0 : i32
    %c0_i32_1 = arith.constant 0 : i32
    return %c0_i32, %c0_i32_0 : i32, i32
  }
  func.func @transform_13(%arg0: i32) -> (i32, i32) {
    %c0_i32 = arith.constant 0 : i32
    %c0_i32_0 = arith.constant 0 : i32
    %c0_i32_1 = arith.constant 0 : i32
    return %c0_i32, %c0_i32_0 : i32, i32
  }
  func.func @transform_14(%arg0: i32) -> (i32, i32) {
    %c0_i32 = arith.constant 0 : i32
    %c0_i32_0 = arith.constant 0 : i32
    %c0_i32_1 = arith.constant 0 : i32
    return %c0_i32, %c0_i32_0 : i32, i32
  }
  func.func @transform_15(%arg0: i32) -> (i32, i32) {
    %c0_i32 = arith.constant 0 : i32
    %c0_i32_0 = arith.constant 0 : i32
    %c0_i32_1 = arith.constant 0 : i32
    return %c0_i32, %c0_i32_0 : i32, i32
  }
  func.func @transform_16(%arg0: i32) -> (i32, i32) {
    %c0_i32 = arith.constant 0 : i32
    %c0_i32_0 = arith.constant 0 : i32
    %c0_i32_1 = arith.constant 0 : i32
    return %c0_i32, %c0_i32_0 : i32, i32
  }
  func.func @transform_17(%arg0: i32) -> (i32, i32) {
    %c0_i32 = arith.constant 0 : i32
    %c0_i32_0 = arith.constant 0 : i32
    %c0_i32_1 = arith.constant 0 : i32
    return %c0_i32, %c0_i32_0 : i32, i32
  }
  func.func @transform_18(%arg0: i32) -> (i32, i32) {
    %c0_i32 = arith.constant 0 : i32
    %c0_i32_0 = arith.constant 0 : i32
    %c0_i32_1 = arith.constant 0 : i32
    return %c0_i32, %c0_i32_0 : i32, i32
  }
  func.func @transform_19(%arg0: i32) -> (i32, i32) {
    %c0_i32 = arith.constant 0 : i32
    %c0_i32_0 = arith.constant 0 : i32
    return %arg0, %c0_i32 : i32, i32
  }
}

module attributes {stable_mosaic.version = 14 : i64} {
  func.func @_node_mlp_body(%arg0: i32, %arg1: memref<1000x256xf32, #tpu.memory_space<vmem>>, %arg2: memref<1000x256xf32, #tpu.memory_space<vmem>>, %arg3: memref<1000x128xf32, #tpu.memory_space<vmem>>, %arg4: memref<1000x128xf32, #tpu.memory_space<vmem>>, %arg5: memref<128x256xf32, #tpu.memory_space<vmem>>, %arg6: memref<128x256xf32, #tpu.memory_space<vmem>>, %arg7: memref<32x1xf32, #tpu.memory_space<vmem>>, %arg8: memref<128x1xf32, #tpu.memory_space<vmem>>, %arg9: memref<128x1xf32, #tpu.memory_space<vmem>>, %arg10: memref<128x128xf32, #tpu.memory_space<vmem>>, %arg11: memref<128x128xf32, #tpu.memory_space<vmem>>, %arg12: memref<2048x1xf32, #tpu.memory_space<vmem>>, %arg13: memref<32x1xf32, #tpu.memory_space<vmem>>, %arg14: memref<128x128xf32, #tpu.memory_space<vmem>>, %arg15: memref<128x128xf32, #tpu.memory_space<vmem>>, %arg16: memref<32x1xf32, #tpu.memory_space<vmem>>, %arg17: memref<128x1xf32, #tpu.memory_space<vmem>>, %arg18: memref<128x1xf32, #tpu.memory_space<vmem>>, %arg19: memref<128x128xf32, #tpu.memory_space<vmem>>, %arg20: memref<128x128xf32, #tpu.memory_space<vmem>>, %arg21: memref<2048x1xf32, #tpu.memory_space<vmem>>, %arg22: memref<32x1xf32, #tpu.memory_space<vmem>>, %arg23: memref<1000x256xf32, #tpu.memory_space<vmem>>) attributes {dimension_semantics = [#tpu.dimension_semantics<arbitrary>], iteration_bounds = array<i64: 10>, scalar_prefetch = 0 : i64, scratch_operands = 0 : i64, tpu.core_type = #tpu.core_type<tc>, window_params = [{transform_indices = @transform_0, window_bounds = array<i64: 1000, 256>}, {transform_indices = @transform_1, window_bounds = array<i64: 1000, 256>}, {transform_indices = @transform_2, window_bounds = array<i64: 1000, 128>}, {transform_indices = @transform_3, window_bounds = array<i64: 1000, 128>}, {pipeline_mode = #tpu.pipeline_mode<synchronous>, transform_indices = @transform_4, window_bounds = array<i64: 128, 256>}, {pipeline_mode = #tpu.pipeline_mode<synchronous>, transform_indices = @transform_5, window_bounds = array<i64: 128, 256>}, {pipeline_mode = #tpu.pipeline_mode<synchronous>, transform_indices = @transform_6, window_bounds = array<i64: 32, 1>}, {pipeline_mode = #tpu.pipeline_mode<synchronous>, transform_indices = @transform_7, window_bounds = array<i64: 128, 1>}, {pipeline_mode = #tpu.pipeline_mode<synchronous>, transform_indices = @transform_8, window_bounds = array<i64: 128, 1>}, {pipeline_mode = #tpu.pipeline_mode<synchronous>, transform_indices = @transform_9, window_bounds = array<i64: 128, 128>}, {pipeline_mode = #tpu.pipeline_mode<synchronous>, transform_indices = @transform_10, window_bounds = array<i64: 128, 128>}, {pipeline_mode = #tpu.pipeline_mode<synchronous>, transform_indices = @transform_11, window_bounds = array<i64: 2048, 1>}, {pipeline_mode = #tpu.pipeline_mode<synchronous>, transform_indices = @transform_12, window_bounds = array<i64: 32, 1>}, {pipeline_mode = #tpu.pipeline_mode<synchronous>, transform_indices = @transform_13, window_bounds = array<i64: 128, 128>}, {pipeline_mode = #tpu.pipeline_mode<synchronous>, transform_indices = @transform_14, window_bounds = array<i64: 128, 128>}, {pipeline_mode = #tpu.pipeline_mode<synchronous>, transform_indices = @transform_15, window_bounds = array<i64: 32, 1>}, {pipeline_mode = #tpu.pipeline_mode<synchronous>, transform_indices = @transform_16, window_bounds = array<i64: 128, 1>}, {pipeline_mode = #tpu.pipeline_mode<synchronous>, transform_indices = @transform_17, window_bounds = array<i64: 128, 1>}, {pipeline_mode = #tpu.pipeline_mode<synchronous>, transform_indices = @transform_18, window_bounds = array<i64: 128, 128>}, {pipeline_mode = #tpu.pipeline_mode<synchronous>, transform_indices = @transform_19, window_bounds = array<i64: 128, 128>}, {pipeline_mode = #tpu.pipeline_mode<synchronous>, transform_indices = @transform_20, window_bounds = array<i64: 2048, 1>}, {pipeline_mode = #tpu.pipeline_mode<synchronous>, transform_indices = @transform_21, window_bounds = array<i64: 32, 1>}, {transform_indices = @transform_22, window_bounds = array<i64: 1000, 256>}]} {
    %get3A = arith.constant 0 : index
    %get3A_0 = arith.constant 0 : index
    %get3A_1 = vector.load %arg1[%get3A, %get3A_0] : memref<1000x256xf32, #tpu.memory_space<vmem>>, vector<1000x256xf32>
    %transpose3A = tpu.transpose %get3A_1, [1, 0] : vector<1000x256xf32> -> vector<256x1000xf32>
    %get3A_2 = arith.constant 0 : index
    %get3A_3 = arith.constant 0 : index
    %get3A_4 = vector.load %arg3[%get3A_2, %get3A_3] : memref<1000x128xf32, #tpu.memory_space<vmem>>, vector<1000x128xf32>
    %slice3A = vector.extract_strided_slice %get3A_4 {offsets = [0, 0], sizes = [1000, 1], strides = [1, 1]} : vector<1000x128xf32> to vector<1000x1xf32>
    %get3A_5 = arith.constant 0 : index
    %get3A_6 = arith.constant 0 : index
    %get3A_7 = vector.load %arg4[%get3A_5, %get3A_6] : memref<1000x128xf32, #tpu.memory_space<vmem>>, vector<1000x128xf32>
    %slice3A_8 = vector.extract_strided_slice %get3A_7 {offsets = [0, 0], sizes = [1000, 1], strides = [1, 1]} : vector<1000x128xf32> to vector<1000x1xf32>
    %add3A = arith.addf %slice3A, %slice3A_8 : vector<1000x1xf32>
    %max3A = arith.constant 1.000000e+00 : f32
    %max3A_9 = vector.broadcast %max3A : f32 to vector<1000x1xf32>
    %max3A_10 = arith.maximumf %add3A, %max3A_9 : vector<1000x1xf32>
    %div3A = arith.constant 1.000000e+00 : f32
    %div3A_11 = vector.broadcast %div3A : f32 to vector<1000x1xf32>
    %div3A_12 = arith.divf %div3A_11, %max3A_10 : vector<1000x1xf32>
    %transpose3A_13 = tpu.transpose %div3A_12, [1, 0] : vector<1000x1xf32> -> vector<1x1000xf32>
    %get3A_14 = arith.constant 0 : index
    %get3A_15 = arith.constant 0 : index
    %get3A_16 = vector.load %arg2[%get3A_14, %get3A_15] : memref<1000x256xf32, #tpu.memory_space<vmem>>, vector<1000x256xf32>
    %transpose3A_17 = tpu.transpose %get3A_16, [1, 0] : vector<1000x256xf32> -> vector<256x1000xf32>
    %mul3A = vector.broadcast %transpose3A_13 : vector<1x1000xf32> to vector<256x1000xf32>
    %mul3A_18 = arith.mulf %transpose3A_17, %mul3A : vector<256x1000xf32>
    %slice3A_19 = vector.extract_strided_slice %transpose3A {offsets = [0, 0], sizes = [32, 1000], strides = [1, 1]} : vector<256x1000xf32> to vector<32x1000xf32>
    %slice3A_20 = vector.extract_strided_slice %mul3A_18 {offsets = [0, 0], sizes = [32, 1000], strides = [1, 1]} : vector<256x1000xf32> to vector<32x1000xf32>
    %slice3A_21 = vector.extract_strided_slice %transpose3A {offsets = [32, 0], sizes = [32, 1000], strides = [1, 1]} : vector<256x1000xf32> to vector<32x1000xf32>
    %slice3A_22 = vector.extract_strided_slice %mul3A_18 {offsets = [32, 0], sizes = [32, 1000], strides = [1, 1]} : vector<256x1000xf32> to vector<32x1000xf32>
    %slice3A_23 = vector.extract_strided_slice %transpose3A {offsets = [64, 0], sizes = [32, 1000], strides = [1, 1]} : vector<256x1000xf32> to vector<32x1000xf32>
    %slice3A_24 = vector.extract_strided_slice %mul3A_18 {offsets = [64, 0], sizes = [32, 1000], strides = [1, 1]} : vector<256x1000xf32> to vector<32x1000xf32>
    %slice3A_25 = vector.extract_strided_slice %transpose3A {offsets = [96, 0], sizes = [32, 1000], strides = [1, 1]} : vector<256x1000xf32> to vector<32x1000xf32>
    %slice3A_26 = vector.extract_strided_slice %mul3A_18 {offsets = [96, 0], sizes = [32, 1000], strides = [1, 1]} : vector<256x1000xf32> to vector<32x1000xf32>
    %slice3A_27 = vector.extract_strided_slice %transpose3A {offsets = [128, 0], sizes = [32, 1000], strides = [1, 1]} : vector<256x1000xf32> to vector<32x1000xf32>
    %slice3A_28 = vector.extract_strided_slice %mul3A_18 {offsets = [128, 0], sizes = [32, 1000], strides = [1, 1]} : vector<256x1000xf32> to vector<32x1000xf32>
    %slice3A_29 = vector.extract_strided_slice %transpose3A {offsets = [160, 0], sizes = [32, 1000], strides = [1, 1]} : vector<256x1000xf32> to vector<32x1000xf32>
    %slice3A_30 = vector.extract_strided_slice %mul3A_18 {offsets = [160, 0], sizes = [32, 1000], strides = [1, 1]} : vector<256x1000xf32> to vector<32x1000xf32>
    %slice3A_31 = vector.extract_strided_slice %transpose3A {offsets = [192, 0], sizes = [32, 1000], strides = [1, 1]} : vector<256x1000xf32> to vector<32x1000xf32>
    %slice3A_32 = vector.extract_strided_slice %mul3A_18 {offsets = [192, 0], sizes = [32, 1000], strides = [1, 1]} : vector<256x1000xf32> to vector<32x1000xf32>
    %slice3A_33 = vector.extract_strided_slice %transpose3A {offsets = [224, 0], sizes = [32, 1000], strides = [1, 1]} : vector<256x1000xf32> to vector<32x1000xf32>
    %slice3A_34 = vector.extract_strided_slice %mul3A_18 {offsets = [224, 0], sizes = [32, 1000], strides = [1, 1]} : vector<256x1000xf32> to vector<32x1000xf32>
    %concatenate3A = tpu.concatenate %slice3A_19, %slice3A_20, %slice3A_21, %slice3A_22, %slice3A_23, %slice3A_24, %slice3A_25, %slice3A_26, %slice3A_27, %slice3A_28, %slice3A_29, %slice3A_30, %slice3A_31, %slice3A_32, %slice3A_33, %slice3A_34 in 0 : vector<32x1000xf32>, vector<32x1000xf32>, vector<32x1000xf32>, vector<32x1000xf32>, vector<32x1000xf32>, vector<32x1000xf32>, vector<32x1000xf32>, vector<32x1000xf32>, vector<32x1000xf32>, vector<32x1000xf32>, vector<32x1000xf32>, vector<32x1000xf32>, vector<32x1000xf32>, vector<32x1000xf32>, vector<32x1000xf32>, vector<32x1000xf32> -> vector<512x1000xf32>
    %get3A_35 = arith.constant 0 : index
    %get3A_36 = arith.constant 0 : index
    %get3A_37 = vector.load %arg5[%get3A_35, %get3A_36] : memref<128x256xf32, #tpu.memory_space<vmem>>, vector<128x256xf32>
    %get3A_38 = arith.constant 0 : index
    %get3A_39 = arith.constant 0 : index
    %get3A_40 = vector.load %arg6[%get3A_38, %get3A_39] : memref<128x256xf32, #tpu.memory_space<vmem>>, vector<128x256xf32>
    %get3A_41 = arith.constant 0 : index
    %get3A_42 = arith.constant 0 : index
    %get3A_43 = vector.load %arg7[%get3A_41, %get3A_42] : memref<32x1xf32, #tpu.memory_space<vmem>>, vector<32x1xf32>
    %get3A_44 = arith.constant 0 : index
    %get3A_45 = arith.constant 0 : index
    %get3A_46 = vector.load %arg8[%get3A_44, %get3A_45] : memref<128x1xf32, #tpu.memory_space<vmem>>, vector<128x1xf32>
    %get3A_47 = arith.constant 0 : index
    %get3A_48 = arith.constant 0 : index
    %get3A_49 = vector.load %arg9[%get3A_47, %get3A_48] : memref<128x1xf32, #tpu.memory_space<vmem>>, vector<128x1xf32>
    %get3A_50 = arith.constant 0 : index
    %get3A_51 = arith.constant 0 : index
    %get3A_52 = vector.load %arg10[%get3A_50, %get3A_51] : memref<128x128xf32, #tpu.memory_space<vmem>>, vector<128x128xf32>
    %get3A_53 = arith.constant 0 : index
    %get3A_54 = arith.constant 0 : index
    %get3A_55 = vector.load %arg11[%get3A_53, %get3A_54] : memref<128x128xf32, #tpu.memory_space<vmem>>, vector<128x128xf32>
    %get3A_56 = arith.constant 0 : index
    %get3A_57 = arith.constant 0 : index
    %get3A_58 = vector.load %arg12[%get3A_56, %get3A_57] : memref<2048x1xf32, #tpu.memory_space<vmem>>, vector<2048x1xf32>
    %get3A_59 = arith.constant 0 : index
    %get3A_60 = arith.constant 0 : index
    %get3A_61 = vector.load %arg13[%get3A_59, %get3A_60] : memref<32x1xf32, #tpu.memory_space<vmem>>, vector<32x1xf32>
    %slice3A_62 = vector.extract_strided_slice %concatenate3A {offsets = [0, 0], sizes = [256, 1000], strides = [1, 1]} : vector<512x1000xf32> to vector<256x1000xf32>
    %dot_general3A = arith.constant dense<0.000000e+00> : vector<128x1000xf32>
    %dot_general3A_63 = tpu.matmul %get3A_37, %slice3A_62, %dot_general3A {dimension_numbers = #tpu.dot_dimension_numbers<[1], [0], [0], [1], [0, 0, 1, 1], [], []>, transpose_lhs_hint = false} : vector<128x256xf32>, vector<256x1000xf32>, vector<128x1000xf32> -> vector<128x1000xf32>
    %slice3A_64 = vector.extract_strided_slice %concatenate3A {offsets = [256, 0], sizes = [256, 1000], strides = [1, 1]} : vector<512x1000xf32> to vector<256x1000xf32>
    %dot_general3A_65 = arith.constant dense<0.000000e+00> : vector<128x1000xf32>
    %dot_general3A_66 = tpu.matmul %get3A_40, %slice3A_64, %dot_general3A_65 {dimension_numbers = #tpu.dot_dimension_numbers<[1], [0], [0], [1], [0, 0, 1, 1], [], []>, transpose_lhs_hint = false} : vector<128x256xf32>, vector<256x1000xf32>, vector<128x1000xf32> -> vector<128x1000xf32>
    %slice3A_67 = vector.extract_strided_slice %dot_general3A_63 {offsets = [0, 0], sizes = [32, 1000], strides = [1, 1]} : vector<128x1000xf32> to vector<32x1000xf32>
    %slice3A_68 = vector.extract_strided_slice %dot_general3A_63 {offsets = [32, 0], sizes = [32, 1000], strides = [1, 1]} : vector<128x1000xf32> to vector<32x1000xf32>
    %slice3A_69 = vector.extract_strided_slice %dot_general3A_63 {offsets = [64, 0], sizes = [32, 1000], strides = [1, 1]} : vector<128x1000xf32> to vector<32x1000xf32>
    %slice3A_70 = vector.extract_strided_slice %dot_general3A_63 {offsets = [96, 0], sizes = [32, 1000], strides = [1, 1]} : vector<128x1000xf32> to vector<32x1000xf32>
    %slice3A_71 = vector.extract_strided_slice %dot_general3A_66 {offsets = [0, 0], sizes = [32, 1000], strides = [1, 1]} : vector<128x1000xf32> to vector<32x1000xf32>
    %slice3A_72 = vector.extract_strided_slice %dot_general3A_66 {offsets = [32, 0], sizes = [32, 1000], strides = [1, 1]} : vector<128x1000xf32> to vector<32x1000xf32>
    %slice3A_73 = vector.extract_strided_slice %dot_general3A_66 {offsets = [64, 0], sizes = [32, 1000], strides = [1, 1]} : vector<128x1000xf32> to vector<32x1000xf32>
    %slice3A_74 = vector.extract_strided_slice %dot_general3A_66 {offsets = [96, 0], sizes = [32, 1000], strides = [1, 1]} : vector<128x1000xf32> to vector<32x1000xf32>
    %add3A_75 = vector.broadcast %get3A_43 : vector<32x1xf32> to vector<32x1000xf32>
    %add3A_76 = arith.addf %slice3A_67, %add3A_75 : vector<32x1000xf32>
    %mul3A_77 = arith.mulf %slice3A_68, %slice3A_68 : vector<32x1000xf32>
    %mul3A_78 = arith.mulf %slice3A_69, %slice3A_69 : vector<32x1000xf32>
    %add3A_79 = arith.addf %mul3A_77, %mul3A_78 : vector<32x1000xf32>
    %mul3A_80 = arith.mulf %slice3A_71, %slice3A_71 : vector<32x1000xf32>
    %add3A_81 = arith.addf %add3A_79, %mul3A_80 : vector<32x1000xf32>
    %mul3A_82 = arith.mulf %slice3A_70, %slice3A_70 : vector<32x1000xf32>
    %mul3A_83 = arith.mulf %slice3A_72, %slice3A_72 : vector<32x1000xf32>
    %add3A_84 = arith.addf %mul3A_82, %mul3A_83 : vector<32x1000xf32>
    %mul3A_85 = arith.mulf %slice3A_73, %slice3A_73 : vector<32x1000xf32>
    %add3A_86 = arith.addf %add3A_84, %mul3A_85 : vector<32x1000xf32>
    %mul3A_87 = arith.mulf %slice3A_74, %slice3A_74 : vector<32x1000xf32>
    %slice3A_88 = vector.extract_strided_slice %get3A_46 {offsets = [0, 0], sizes = [32, 1], strides = [1, 1]} : vector<128x1xf32> to vector<32x1xf32>
    %mul3A_89 = vector.broadcast %slice3A_88 : vector<32x1xf32> to vector<32x1000xf32>
    %mul3A_90 = arith.mulf %mul3A_89, %add3A_76 : vector<32x1000xf32>
    %slice3A_91 = vector.extract_strided_slice %get3A_49 {offsets = [0, 0], sizes = [32, 1], strides = [1, 1]} : vector<128x1xf32> to vector<32x1xf32>
    %add3A_92 = vector.broadcast %slice3A_91 : vector<32x1xf32> to vector<32x1000xf32>
    %add3A_93 = arith.addf %mul3A_90, %add3A_92 : vector<32x1000xf32>
    %logistic3A = arith.negf %add3A_93 : vector<32x1000xf32>
    %logistic3A_94 = math.exp %logistic3A : vector<32x1000xf32>
    %logistic3A_95 = arith.constant 1.000000e+00 : f32
    %logistic3A_96 = vector.broadcast %logistic3A_95 : f32 to vector<32x1000xf32>
    %logistic3A_97 = arith.addf %logistic3A_96, %logistic3A_94 : vector<32x1000xf32>
    %logistic3A_98 = arith.divf %logistic3A_96, %logistic3A_97 : vector<32x1000xf32>
    %slice3A_99 = vector.extract_strided_slice %get3A_46 {offsets = [32, 0], sizes = [32, 1], strides = [1, 1]} : vector<128x1xf32> to vector<32x1xf32>
    %add3A_100 = arith.constant 9.99999997E-7 : f32
    %add3A_101 = vector.broadcast %add3A_100 : f32 to vector<32x1000xf32>
    %add3A_102 = arith.addf %add3A_81, %add3A_101 : vector<32x1000xf32>
    %sqrt3A = math.sqrt %add3A_102 : vector<32x1000xf32>
    %mul3A_103 = vector.broadcast %slice3A_99 : vector<32x1xf32> to vector<32x1000xf32>
    %mul3A_104 = arith.mulf %mul3A_103, %sqrt3A : vector<32x1000xf32>
    %slice3A_105 = vector.extract_strided_slice %get3A_49 {offsets = [32, 0], sizes = [32, 1], strides = [1, 1]} : vector<128x1xf32> to vector<32x1xf32>
    %add3A_106 = vector.broadcast %slice3A_105 : vector<32x1xf32> to vector<32x1000xf32>
    %add3A_107 = arith.addf %mul3A_104, %add3A_106 : vector<32x1000xf32>
    %logistic3A_108 = arith.negf %add3A_107 : vector<32x1000xf32>
    %logistic3A_109 = math.exp %logistic3A_108 : vector<32x1000xf32>
    %logistic3A_110 = arith.constant 1.000000e+00 : f32
    %logistic3A_111 = vector.broadcast %logistic3A_110 : f32 to vector<32x1000xf32>
    %logistic3A_112 = arith.addf %logistic3A_111, %logistic3A_109 : vector<32x1000xf32>
    %logistic3A_113 = arith.divf %logistic3A_111, %logistic3A_112 : vector<32x1000xf32>
    %slice3A_114 = vector.extract_strided_slice %get3A_46 {offsets = [64, 0], sizes = [32, 1], strides = [1, 1]} : vector<128x1xf32> to vector<32x1xf32>
    %add3A_115 = arith.constant 9.99999997E-7 : f32
    %add3A_116 = vector.broadcast %add3A_115 : f32 to vector<32x1000xf32>
    %add3A_117 = arith.addf %add3A_86, %add3A_116 : vector<32x1000xf32>
    %sqrt3A_118 = math.sqrt %add3A_117 : vector<32x1000xf32>
    %mul3A_119 = vector.broadcast %slice3A_114 : vector<32x1xf32> to vector<32x1000xf32>
    %mul3A_120 = arith.mulf %mul3A_119, %sqrt3A_118 : vector<32x1000xf32>
    %slice3A_121 = vector.extract_strided_slice %get3A_49 {offsets = [64, 0], sizes = [32, 1], strides = [1, 1]} : vector<128x1xf32> to vector<32x1xf32>
    %add3A_122 = vector.broadcast %slice3A_121 : vector<32x1xf32> to vector<32x1000xf32>
    %add3A_123 = arith.addf %mul3A_120, %add3A_122 : vector<32x1000xf32>
    %logistic3A_124 = arith.negf %add3A_123 : vector<32x1000xf32>
    %logistic3A_125 = math.exp %logistic3A_124 : vector<32x1000xf32>
    %logistic3A_126 = arith.constant 1.000000e+00 : f32
    %logistic3A_127 = vector.broadcast %logistic3A_126 : f32 to vector<32x1000xf32>
    %logistic3A_128 = arith.addf %logistic3A_127, %logistic3A_125 : vector<32x1000xf32>
    %logistic3A_129 = arith.divf %logistic3A_127, %logistic3A_128 : vector<32x1000xf32>
    %slice3A_130 = vector.extract_strided_slice %get3A_46 {offsets = [96, 0], sizes = [32, 1], strides = [1, 1]} : vector<128x1xf32> to vector<32x1xf32>
    %add3A_131 = arith.constant 9.99999997E-7 : f32
    %add3A_132 = vector.broadcast %add3A_131 : f32 to vector<32x1000xf32>
    %add3A_133 = arith.addf %mul3A_87, %add3A_132 : vector<32x1000xf32>
    %sqrt3A_134 = math.sqrt %add3A_133 : vector<32x1000xf32>
    %mul3A_135 = vector.broadcast %slice3A_130 : vector<32x1xf32> to vector<32x1000xf32>
    %mul3A_136 = arith.mulf %mul3A_135, %sqrt3A_134 : vector<32x1000xf32>
    %slice3A_137 = vector.extract_strided_slice %get3A_49 {offsets = [96, 0], sizes = [32, 1], strides = [1, 1]} : vector<128x1xf32> to vector<32x1xf32>
    %add3A_138 = vector.broadcast %slice3A_137 : vector<32x1xf32> to vector<32x1000xf32>
    %add3A_139 = arith.addf %mul3A_136, %add3A_138 : vector<32x1000xf32>
    %logistic3A_140 = arith.negf %add3A_139 : vector<32x1000xf32>
    %logistic3A_141 = math.exp %logistic3A_140 : vector<32x1000xf32>
    %logistic3A_142 = arith.constant 1.000000e+00 : f32
    %logistic3A_143 = vector.broadcast %logistic3A_142 : f32 to vector<32x1000xf32>
    %logistic3A_144 = arith.addf %logistic3A_143, %logistic3A_141 : vector<32x1000xf32>
    %logistic3A_145 = arith.divf %logistic3A_143, %logistic3A_144 : vector<32x1000xf32>
    %mul3A_146 = arith.mulf %add3A_76, %logistic3A_98 : vector<32x1000xf32>
    %mul3A_147 = arith.mulf %slice3A_68, %logistic3A_113 : vector<32x1000xf32>
    %mul3A_148 = arith.mulf %slice3A_69, %logistic3A_113 : vector<32x1000xf32>
    %mul3A_149 = arith.mulf %slice3A_70, %logistic3A_129 : vector<32x1000xf32>
    %mul3A_150 = arith.mulf %slice3A_71, %logistic3A_113 : vector<32x1000xf32>
    %mul3A_151 = arith.mulf %slice3A_72, %logistic3A_129 : vector<32x1000xf32>
    %mul3A_152 = arith.mulf %slice3A_73, %logistic3A_129 : vector<32x1000xf32>
    %mul3A_153 = arith.mulf %slice3A_74, %logistic3A_145 : vector<32x1000xf32>
    %concatenate3A_154 = tpu.concatenate %mul3A_146, %mul3A_147, %mul3A_148, %mul3A_149 in 0 : vector<32x1000xf32>, vector<32x1000xf32>, vector<32x1000xf32>, vector<32x1000xf32> -> vector<128x1000xf32>
    %concatenate3A_155 = tpu.concatenate %mul3A_150, %mul3A_151, %mul3A_152, %mul3A_153 in 0 : vector<32x1000xf32>, vector<32x1000xf32>, vector<32x1000xf32>, vector<32x1000xf32> -> vector<128x1000xf32>
    %dot_general3A_156 = arith.constant dense<0.000000e+00> : vector<128x1000xf32>
    %dot_general3A_157 = tpu.matmul %get3A_52, %concatenate3A_154, %dot_general3A_156 {dimension_numbers = #tpu.dot_dimension_numbers<[1], [0], [0], [1], [0, 0, 1, 1], [], []>, transpose_lhs_hint = false} : vector<128x128xf32>, vector<128x1000xf32>, vector<128x1000xf32> -> vector<128x1000xf32>
    %dot_general3A_158 = arith.constant dense<0.000000e+00> : vector<128x1000xf32>
    %dot_general3A_159 = tpu.matmul %get3A_55, %concatenate3A_155, %dot_general3A_158 {dimension_numbers = #tpu.dot_dimension_numbers<[1], [0], [0], [1], [0, 0, 1, 1], [], []>, transpose_lhs_hint = false} : vector<128x128xf32>, vector<128x1000xf32>, vector<128x1000xf32> -> vector<128x1000xf32>
    %slice3A_160 = vector.extract_strided_slice %dot_general3A_157 {offsets = [0, 0], sizes = [32, 1000], strides = [1, 1]} : vector<128x1000xf32> to vector<32x1000xf32>
    %slice3A_161 = vector.extract_strided_slice %dot_general3A_157 {offsets = [32, 0], sizes = [32, 1000], strides = [1, 1]} : vector<128x1000xf32> to vector<32x1000xf32>
    %slice3A_162 = vector.extract_strided_slice %dot_general3A_157 {offsets = [64, 0], sizes = [32, 1000], strides = [1, 1]} : vector<128x1000xf32> to vector<32x1000xf32>
    %slice3A_163 = vector.extract_strided_slice %dot_general3A_157 {offsets = [96, 0], sizes = [32, 1000], strides = [1, 1]} : vector<128x1000xf32> to vector<32x1000xf32>
    %slice3A_164 = vector.extract_strided_slice %dot_general3A_159 {offsets = [0, 0], sizes = [32, 1000], strides = [1, 1]} : vector<128x1000xf32> to vector<32x1000xf32>
    %slice3A_165 = vector.extract_strided_slice %dot_general3A_159 {offsets = [32, 0], sizes = [32, 1000], strides = [1, 1]} : vector<128x1000xf32> to vector<32x1000xf32>
    %slice3A_166 = vector.extract_strided_slice %dot_general3A_159 {offsets = [64, 0], sizes = [32, 1000], strides = [1, 1]} : vector<128x1000xf32> to vector<32x1000xf32>
    %slice3A_167 = vector.extract_strided_slice %dot_general3A_159 {offsets = [96, 0], sizes = [32, 1000], strides = [1, 1]} : vector<128x1000xf32> to vector<32x1000xf32>
    %mul3A_168 = arith.mulf %mul3A_146, %slice3A_160 : vector<32x1000xf32>
    %slice3A_169 = vector.extract_strided_slice %get3A_58 {offsets = [0, 0], sizes = [32, 1], strides = [1, 1]} : vector<2048x1xf32> to vector<32x1xf32>
    %mul3A_170 = vector.broadcast %slice3A_169 : vector<32x1xf32> to vector<32x1000xf32>
    %mul3A_171 = arith.mulf %mul3A_168, %mul3A_170 : vector<32x1000xf32>
    %mul3A_172 = arith.mulf %mul3A_146, %slice3A_161 : vector<32x1000xf32>
    %slice3A_173 = vector.extract_strided_slice %get3A_58 {offsets = [32, 0], sizes = [32, 1], strides = [1, 1]} : vector<2048x1xf32> to vector<32x1xf32>
    %mul3A_174 = vector.broadcast %slice3A_173 : vector<32x1xf32> to vector<32x1000xf32>
    %mul3A_175 = arith.mulf %mul3A_172, %mul3A_174 : vector<32x1000xf32>
    %mul3A_176 = arith.mulf %mul3A_146, %slice3A_162 : vector<32x1000xf32>
    %slice3A_177 = vector.extract_strided_slice %get3A_58 {offsets = [64, 0], sizes = [32, 1], strides = [1, 1]} : vector<2048x1xf32> to vector<32x1xf32>
    %mul3A_178 = vector.broadcast %slice3A_177 : vector<32x1xf32> to vector<32x1000xf32>
    %mul3A_179 = arith.mulf %mul3A_176, %mul3A_178 : vector<32x1000xf32>
    %mul3A_180 = arith.mulf %mul3A_146, %slice3A_163 : vector<32x1000xf32>
    %slice3A_181 = vector.extract_strided_slice %get3A_58 {offsets = [96, 0], sizes = [32, 1], strides = [1, 1]} : vector<2048x1xf32> to vector<32x1xf32>
    %mul3A_182 = vector.broadcast %slice3A_181 : vector<32x1xf32> to vector<32x1000xf32>
    %mul3A_183 = arith.mulf %mul3A_180, %mul3A_182 : vector<32x1000xf32>
    %mul3A_184 = arith.mulf %mul3A_146, %slice3A_164 : vector<32x1000xf32>
    %slice3A_185 = vector.extract_strided_slice %get3A_58 {offsets = [128, 0], sizes = [32, 1], strides = [1, 1]} : vector<2048x1xf32> to vector<32x1xf32>
    %mul3A_186 = vector.broadcast %slice3A_185 : vector<32x1xf32> to vector<32x1000xf32>
    %mul3A_187 = arith.mulf %mul3A_184, %mul3A_186 : vector<32x1000xf32>
    %mul3A_188 = arith.mulf %mul3A_146, %slice3A_165 : vector<32x1000xf32>
    %slice3A_189 = vector.extract_strided_slice %get3A_58 {offsets = [160, 0], sizes = [32, 1], strides = [1, 1]} : vector<2048x1xf32> to vector<32x1xf32>
    %mul3A_190 = vector.broadcast %slice3A_189 : vector<32x1xf32> to vector<32x1000xf32>
    %mul3A_191 = arith.mulf %mul3A_188, %mul3A_190 : vector<32x1000xf32>
    %mul3A_192 = arith.mulf %mul3A_146, %slice3A_166 : vector<32x1000xf32>
    %slice3A_193 = vector.extract_strided_slice %get3A_58 {offsets = [192, 0], sizes = [32, 1], strides = [1, 1]} : vector<2048x1xf32> to vector<32x1xf32>
    %mul3A_194 = vector.broadcast %slice3A_193 : vector<32x1xf32> to vector<32x1000xf32>
    %mul3A_195 = arith.mulf %mul3A_192, %mul3A_194 : vector<32x1000xf32>
    %mul3A_196 = arith.mulf %mul3A_146, %slice3A_167 : vector<32x1000xf32>
    %slice3A_197 = vector.extract_strided_slice %get3A_58 {offsets = [224, 0], sizes = [32, 1], strides = [1, 1]} : vector<2048x1xf32> to vector<32x1xf32>
    %mul3A_198 = vector.broadcast %slice3A_197 : vector<32x1xf32> to vector<32x1000xf32>
    %mul3A_199 = arith.mulf %mul3A_196, %mul3A_198 : vector<32x1000xf32>
    %mul3A_200 = arith.mulf %mul3A_147, %slice3A_160 : vector<32x1000xf32>
    %slice3A_201 = vector.extract_strided_slice %get3A_58 {offsets = [256, 0], sizes = [32, 1], strides = [1, 1]} : vector<2048x1xf32> to vector<32x1xf32>
    %mul3A_202 = vector.broadcast %slice3A_201 : vector<32x1xf32> to vector<32x1000xf32>
    %mul3A_203 = arith.mulf %mul3A_200, %mul3A_202 : vector<32x1000xf32>
    %add3A_204 = arith.addf %mul3A_175, %mul3A_203 : vector<32x1000xf32>
    %mul3A_205 = arith.mulf %mul3A_147, %slice3A_161 : vector<32x1000xf32>
    %slice3A_206 = vector.extract_strided_slice %get3A_58 {offsets = [288, 0], sizes = [32, 1], strides = [1, 1]} : vector<2048x1xf32> to vector<32x1xf32>
    %mul3A_207 = vector.broadcast %slice3A_206 : vector<32x1xf32> to vector<32x1000xf32>
    %mul3A_208 = arith.mulf %mul3A_205, %mul3A_207 : vector<32x1000xf32>
    %add3A_209 = arith.addf %mul3A_171, %mul3A_208 : vector<32x1000xf32>
    %mul3A_210 = arith.mulf %mul3A_147, %slice3A_162 : vector<32x1000xf32>
    %slice3A_211 = vector.extract_strided_slice %get3A_58 {offsets = [320, 0], sizes = [32, 1], strides = [1, 1]} : vector<2048x1xf32> to vector<32x1xf32>
    %mul3A_212 = vector.broadcast %slice3A_211 : vector<32x1xf32> to vector<32x1000xf32>
    %mul3A_213 = arith.mulf %mul3A_210, %mul3A_212 : vector<32x1000xf32>
    %add3A_214 = arith.addf %mul3A_183, %mul3A_213 : vector<32x1000xf32>
    %mul3A_215 = arith.mulf %mul3A_147, %slice3A_163 : vector<32x1000xf32>
    %slice3A_216 = vector.extract_strided_slice %get3A_58 {offsets = [352, 0], sizes = [32, 1], strides = [1, 1]} : vector<2048x1xf32> to vector<32x1xf32>
    %mul3A_217 = vector.broadcast %slice3A_216 : vector<32x1xf32> to vector<32x1000xf32>
    %mul3A_218 = arith.mulf %mul3A_215, %mul3A_217 : vector<32x1000xf32>
    %add3A_219 = arith.addf %mul3A_179, %mul3A_218 : vector<32x1000xf32>
    %mul3A_220 = arith.mulf %mul3A_147, %slice3A_164 : vector<32x1000xf32>
    %slice3A_221 = vector.extract_strided_slice %get3A_58 {offsets = [384, 0], sizes = [32, 1], strides = [1, 1]} : vector<2048x1xf32> to vector<32x1xf32>
    %mul3A_222 = vector.broadcast %slice3A_221 : vector<32x1xf32> to vector<32x1000xf32>
    %mul3A_223 = arith.mulf %mul3A_220, %mul3A_222 : vector<32x1000xf32>
    %add3A_224 = arith.addf %mul3A_191, %mul3A_223 : vector<32x1000xf32>
    %mul3A_225 = arith.mulf %mul3A_147, %slice3A_165 : vector<32x1000xf32>
    %slice3A_226 = vector.extract_strided_slice %get3A_58 {offsets = [416, 0], sizes = [32, 1], strides = [1, 1]} : vector<2048x1xf32> to vector<32x1xf32>
    %mul3A_227 = vector.broadcast %slice3A_226 : vector<32x1xf32> to vector<32x1000xf32>
    %mul3A_228 = arith.mulf %mul3A_225, %mul3A_227 : vector<32x1000xf32>
    %add3A_229 = arith.addf %mul3A_187, %mul3A_228 : vector<32x1000xf32>
    %mul3A_230 = arith.mulf %mul3A_147, %slice3A_166 : vector<32x1000xf32>
    %slice3A_231 = vector.extract_strided_slice %get3A_58 {offsets = [448, 0], sizes = [32, 1], strides = [1, 1]} : vector<2048x1xf32> to vector<32x1xf32>
    %mul3A_232 = vector.broadcast %slice3A_231 : vector<32x1xf32> to vector<32x1000xf32>
    %mul3A_233 = arith.mulf %mul3A_230, %mul3A_232 : vector<32x1000xf32>
    %add3A_234 = arith.addf %mul3A_199, %mul3A_233 : vector<32x1000xf32>
    %mul3A_235 = arith.mulf %mul3A_147, %slice3A_167 : vector<32x1000xf32>
    %slice3A_236 = vector.extract_strided_slice %get3A_58 {offsets = [480, 0], sizes = [32, 1], strides = [1, 1]} : vector<2048x1xf32> to vector<32x1xf32>
    %mul3A_237 = vector.broadcast %slice3A_236 : vector<32x1xf32> to vector<32x1000xf32>
    %mul3A_238 = arith.mulf %mul3A_235, %mul3A_237 : vector<32x1000xf32>
    %add3A_239 = arith.addf %mul3A_195, %mul3A_238 : vector<32x1000xf32>
    %mul3A_240 = arith.mulf %mul3A_148, %slice3A_160 : vector<32x1000xf32>
    %slice3A_241 = vector.extract_strided_slice %get3A_58 {offsets = [512, 0], sizes = [32, 1], strides = [1, 1]} : vector<2048x1xf32> to vector<32x1xf32>
    %mul3A_242 = vector.broadcast %slice3A_241 : vector<32x1xf32> to vector<32x1000xf32>
    %mul3A_243 = arith.mulf %mul3A_240, %mul3A_242 : vector<32x1000xf32>
    %add3A_244 = arith.addf %add3A_219, %mul3A_243 : vector<32x1000xf32>
    %mul3A_245 = arith.mulf %mul3A_148, %slice3A_161 : vector<32x1000xf32>
    %slice3A_246 = vector.extract_strided_slice %get3A_58 {offsets = [544, 0], sizes = [32, 1], strides = [1, 1]} : vector<2048x1xf32> to vector<32x1xf32>
    %mul3A_247 = vector.broadcast %slice3A_246 : vector<32x1xf32> to vector<32x1000xf32>
    %mul3A_248 = arith.mulf %mul3A_245, %mul3A_247 : vector<32x1000xf32>
    %add3A_249 = arith.addf %add3A_214, %mul3A_248 : vector<32x1000xf32>
    %mul3A_250 = arith.mulf %mul3A_148, %slice3A_162 : vector<32x1000xf32>
    %slice3A_251 = vector.extract_strided_slice %get3A_58 {offsets = [576, 0], sizes = [32, 1], strides = [1, 1]} : vector<2048x1xf32> to vector<32x1xf32>
    %mul3A_252 = vector.broadcast %slice3A_251 : vector<32x1xf32> to vector<32x1000xf32>
    %mul3A_253 = arith.mulf %mul3A_250, %mul3A_252 : vector<32x1000xf32>
    %add3A_254 = arith.addf %add3A_209, %mul3A_253 : vector<32x1000xf32>
    %mul3A_255 = arith.mulf %mul3A_148, %slice3A_163 : vector<32x1000xf32>
    %slice3A_256 = vector.extract_strided_slice %get3A_58 {offsets = [608, 0], sizes = [32, 1], strides = [1, 1]} : vector<2048x1xf32> to vector<32x1xf32>
    %mul3A_257 = vector.broadcast %slice3A_256 : vector<32x1xf32> to vector<32x1000xf32>
    %mul3A_258 = arith.mulf %mul3A_255, %mul3A_257 : vector<32x1000xf32>
    %add3A_259 = arith.addf %add3A_204, %mul3A_258 : vector<32x1000xf32>
    %mul3A_260 = arith.mulf %mul3A_148, %slice3A_164 : vector<32x1000xf32>
    %slice3A_261 = vector.extract_strided_slice %get3A_58 {offsets = [640, 0], sizes = [32, 1], strides = [1, 1]} : vector<2048x1xf32> to vector<32x1xf32>
    %mul3A_262 = vector.broadcast %slice3A_261 : vector<32x1xf32> to vector<32x1000xf32>
    %mul3A_263 = arith.mulf %mul3A_260, %mul3A_262 : vector<32x1000xf32>
    %add3A_264 = arith.addf %add3A_239, %mul3A_263 : vector<32x1000xf32>
    %mul3A_265 = arith.mulf %mul3A_148, %slice3A_165 : vector<32x1000xf32>
    %slice3A_266 = vector.extract_strided_slice %get3A_58 {offsets = [672, 0], sizes = [32, 1], strides = [1, 1]} : vector<2048x1xf32> to vector<32x1xf32>
    %mul3A_267 = vector.broadcast %slice3A_266 : vector<32x1xf32> to vector<32x1000xf32>
    %mul3A_268 = arith.mulf %mul3A_265, %mul3A_267 : vector<32x1000xf32>
    %add3A_269 = arith.addf %add3A_234, %mul3A_268 : vector<32x1000xf32>
    %mul3A_270 = arith.mulf %mul3A_148, %slice3A_166 : vector<32x1000xf32>
    %slice3A_271 = vector.extract_strided_slice %get3A_58 {offsets = [704, 0], sizes = [32, 1], strides = [1, 1]} : vector<2048x1xf32> to vector<32x1xf32>
    %mul3A_272 = vector.broadcast %slice3A_271 : vector<32x1xf32> to vector<32x1000xf32>
    %mul3A_273 = arith.mulf %mul3A_270, %mul3A_272 : vector<32x1000xf32>
    %add3A_274 = arith.addf %add3A_229, %mul3A_273 : vector<32x1000xf32>
    %mul3A_275 = arith.mulf %mul3A_148, %slice3A_167 : vector<32x1000xf32>
    %slice3A_276 = vector.extract_strided_slice %get3A_58 {offsets = [736, 0], sizes = [32, 1], strides = [1, 1]} : vector<2048x1xf32> to vector<32x1xf32>
    %mul3A_277 = vector.broadcast %slice3A_276 : vector<32x1xf32> to vector<32x1000xf32>
    %mul3A_278 = arith.mulf %mul3A_275, %mul3A_277 : vector<32x1000xf32>
    %add3A_279 = arith.addf %add3A_224, %mul3A_278 : vector<32x1000xf32>
    %mul3A_280 = arith.mulf %mul3A_149, %slice3A_160 : vector<32x1000xf32>
    %slice3A_281 = vector.extract_strided_slice %get3A_58 {offsets = [768, 0], sizes = [32, 1], strides = [1, 1]} : vector<2048x1xf32> to vector<32x1xf32>
    %mul3A_282 = vector.broadcast %slice3A_281 : vector<32x1xf32> to vector<32x1000xf32>
    %mul3A_283 = arith.mulf %mul3A_280, %mul3A_282 : vector<32x1000xf32>
    %add3A_284 = arith.addf %add3A_249, %mul3A_283 : vector<32x1000xf32>
    %mul3A_285 = arith.mulf %mul3A_149, %slice3A_161 : vector<32x1000xf32>
    %slice3A_286 = vector.extract_strided_slice %get3A_58 {offsets = [800, 0], sizes = [32, 1], strides = [1, 1]} : vector<2048x1xf32> to vector<32x1xf32>
    %mul3A_287 = vector.broadcast %slice3A_286 : vector<32x1xf32> to vector<32x1000xf32>
    %mul3A_288 = arith.mulf %mul3A_285, %mul3A_287 : vector<32x1000xf32>
    %add3A_289 = arith.addf %add3A_244, %mul3A_288 : vector<32x1000xf32>
    %mul3A_290 = arith.mulf %mul3A_149, %slice3A_162 : vector<32x1000xf32>
    %slice3A_291 = vector.extract_strided_slice %get3A_58 {offsets = [832, 0], sizes = [32, 1], strides = [1, 1]} : vector<2048x1xf32> to vector<32x1xf32>
    %mul3A_292 = vector.broadcast %slice3A_291 : vector<32x1xf32> to vector<32x1000xf32>
    %mul3A_293 = arith.mulf %mul3A_290, %mul3A_292 : vector<32x1000xf32>
    %add3A_294 = arith.addf %add3A_259, %mul3A_293 : vector<32x1000xf32>
    %mul3A_295 = arith.mulf %mul3A_149, %slice3A_163 : vector<32x1000xf32>
    %slice3A_296 = vector.extract_strided_slice %get3A_58 {offsets = [864, 0], sizes = [32, 1], strides = [1, 1]} : vector<2048x1xf32> to vector<32x1xf32>
    %mul3A_297 = vector.broadcast %slice3A_296 : vector<32x1xf32> to vector<32x1000xf32>
    %mul3A_298 = arith.mulf %mul3A_295, %mul3A_297 : vector<32x1000xf32>
    %add3A_299 = arith.addf %add3A_254, %mul3A_298 : vector<32x1000xf32>
    %mul3A_300 = arith.mulf %mul3A_149, %slice3A_164 : vector<32x1000xf32>
    %slice3A_301 = vector.extract_strided_slice %get3A_58 {offsets = [896, 0], sizes = [32, 1], strides = [1, 1]} : vector<2048x1xf32> to vector<32x1xf32>
    %mul3A_302 = vector.broadcast %slice3A_301 : vector<32x1xf32> to vector<32x1000xf32>
    %mul3A_303 = arith.mulf %mul3A_300, %mul3A_302 : vector<32x1000xf32>
    %add3A_304 = arith.addf %add3A_269, %mul3A_303 : vector<32x1000xf32>
    %mul3A_305 = arith.mulf %mul3A_149, %slice3A_165 : vector<32x1000xf32>
    %slice3A_306 = vector.extract_strided_slice %get3A_58 {offsets = [928, 0], sizes = [32, 1], strides = [1, 1]} : vector<2048x1xf32> to vector<32x1xf32>
    %mul3A_307 = vector.broadcast %slice3A_306 : vector<32x1xf32> to vector<32x1000xf32>
    %mul3A_308 = arith.mulf %mul3A_305, %mul3A_307 : vector<32x1000xf32>
    %add3A_309 = arith.addf %add3A_264, %mul3A_308 : vector<32x1000xf32>
    %mul3A_310 = arith.mulf %mul3A_149, %slice3A_166 : vector<32x1000xf32>
    %slice3A_311 = vector.extract_strided_slice %get3A_58 {offsets = [960, 0], sizes = [32, 1], strides = [1, 1]} : vector<2048x1xf32> to vector<32x1xf32>
    %mul3A_312 = vector.broadcast %slice3A_311 : vector<32x1xf32> to vector<32x1000xf32>
    %mul3A_313 = arith.mulf %mul3A_310, %mul3A_312 : vector<32x1000xf32>
    %add3A_314 = arith.addf %add3A_279, %mul3A_313 : vector<32x1000xf32>
    %mul3A_315 = arith.mulf %mul3A_149, %slice3A_167 : vector<32x1000xf32>
    %slice3A_316 = vector.extract_strided_slice %get3A_58 {offsets = [992, 0], sizes = [32, 1], strides = [1, 1]} : vector<2048x1xf32> to vector<32x1xf32>
    %mul3A_317 = vector.broadcast %slice3A_316 : vector<32x1xf32> to vector<32x1000xf32>
    %mul3A_318 = arith.mulf %mul3A_315, %mul3A_317 : vector<32x1000xf32>
    %add3A_319 = arith.addf %add3A_274, %mul3A_318 : vector<32x1000xf32>
    %mul3A_320 = arith.mulf %mul3A_150, %slice3A_160 : vector<32x1000xf32>
    %slice3A_321 = vector.extract_strided_slice %get3A_58 {offsets = [1024, 0], sizes = [32, 1], strides = [1, 1]} : vector<2048x1xf32> to vector<32x1xf32>
    %mul3A_322 = vector.broadcast %slice3A_321 : vector<32x1xf32> to vector<32x1000xf32>
    %mul3A_323 = arith.mulf %mul3A_320, %mul3A_322 : vector<32x1000xf32>
    %add3A_324 = arith.addf %add3A_319, %mul3A_323 : vector<32x1000xf32>
    %mul3A_325 = arith.mulf %mul3A_150, %slice3A_161 : vector<32x1000xf32>
    %slice3A_326 = vector.extract_strided_slice %get3A_58 {offsets = [1056, 0], sizes = [32, 1], strides = [1, 1]} : vector<2048x1xf32> to vector<32x1xf32>
    %mul3A_327 = vector.broadcast %slice3A_326 : vector<32x1xf32> to vector<32x1000xf32>
    %mul3A_328 = arith.mulf %mul3A_325, %mul3A_327 : vector<32x1000xf32>
    %add3A_329 = arith.addf %add3A_314, %mul3A_328 : vector<32x1000xf32>
    %mul3A_330 = arith.mulf %mul3A_150, %slice3A_162 : vector<32x1000xf32>
    %slice3A_331 = vector.extract_strided_slice %get3A_58 {offsets = [1088, 0], sizes = [32, 1], strides = [1, 1]} : vector<2048x1xf32> to vector<32x1xf32>
    %mul3A_332 = vector.broadcast %slice3A_331 : vector<32x1xf32> to vector<32x1000xf32>
    %mul3A_333 = arith.mulf %mul3A_330, %mul3A_332 : vector<32x1000xf32>
    %add3A_334 = arith.addf %add3A_309, %mul3A_333 : vector<32x1000xf32>
    %mul3A_335 = arith.mulf %mul3A_150, %slice3A_163 : vector<32x1000xf32>
    %slice3A_336 = vector.extract_strided_slice %get3A_58 {offsets = [1120, 0], sizes = [32, 1], strides = [1, 1]} : vector<2048x1xf32> to vector<32x1xf32>
    %mul3A_337 = vector.broadcast %slice3A_336 : vector<32x1xf32> to vector<32x1000xf32>
    %mul3A_338 = arith.mulf %mul3A_335, %mul3A_337 : vector<32x1000xf32>
    %add3A_339 = arith.addf %add3A_304, %mul3A_338 : vector<32x1000xf32>
    %mul3A_340 = arith.mulf %mul3A_150, %slice3A_164 : vector<32x1000xf32>
    %slice3A_341 = vector.extract_strided_slice %get3A_58 {offsets = [1152, 0], sizes = [32, 1], strides = [1, 1]} : vector<2048x1xf32> to vector<32x1xf32>
    %mul3A_342 = vector.broadcast %slice3A_341 : vector<32x1xf32> to vector<32x1000xf32>
    %mul3A_343 = arith.mulf %mul3A_340, %mul3A_342 : vector<32x1000xf32>
    %add3A_344 = arith.addf %add3A_299, %mul3A_343 : vector<32x1000xf32>
    %mul3A_345 = arith.mulf %mul3A_150, %slice3A_165 : vector<32x1000xf32>
    %slice3A_346 = vector.extract_strided_slice %get3A_58 {offsets = [1184, 0], sizes = [32, 1], strides = [1, 1]} : vector<2048x1xf32> to vector<32x1xf32>
    %mul3A_347 = vector.broadcast %slice3A_346 : vector<32x1xf32> to vector<32x1000xf32>
    %mul3A_348 = arith.mulf %mul3A_345, %mul3A_347 : vector<32x1000xf32>
    %add3A_349 = arith.addf %add3A_294, %mul3A_348 : vector<32x1000xf32>
    %mul3A_350 = arith.mulf %mul3A_150, %slice3A_166 : vector<32x1000xf32>
    %slice3A_351 = vector.extract_strided_slice %get3A_58 {offsets = [1216, 0], sizes = [32, 1], strides = [1, 1]} : vector<2048x1xf32> to vector<32x1xf32>
    %mul3A_352 = vector.broadcast %slice3A_351 : vector<32x1xf32> to vector<32x1000xf32>
    %mul3A_353 = arith.mulf %mul3A_350, %mul3A_352 : vector<32x1000xf32>
    %add3A_354 = arith.addf %add3A_289, %mul3A_353 : vector<32x1000xf32>
    %mul3A_355 = arith.mulf %mul3A_150, %slice3A_167 : vector<32x1000xf32>
    %slice3A_356 = vector.extract_strided_slice %get3A_58 {offsets = [1248, 0], sizes = [32, 1], strides = [1, 1]} : vector<2048x1xf32> to vector<32x1xf32>
    %mul3A_357 = vector.broadcast %slice3A_356 : vector<32x1xf32> to vector<32x1000xf32>
    %mul3A_358 = arith.mulf %mul3A_355, %mul3A_357 : vector<32x1000xf32>
    %add3A_359 = arith.addf %add3A_284, %mul3A_358 : vector<32x1000xf32>
    %mul3A_360 = arith.mulf %mul3A_151, %slice3A_160 : vector<32x1000xf32>
    %slice3A_361 = vector.extract_strided_slice %get3A_58 {offsets = [1280, 0], sizes = [32, 1], strides = [1, 1]} : vector<2048x1xf32> to vector<32x1xf32>
    %mul3A_362 = vector.broadcast %slice3A_361 : vector<32x1xf32> to vector<32x1000xf32>
    %mul3A_363 = arith.mulf %mul3A_360, %mul3A_362 : vector<32x1000xf32>
    %add3A_364 = arith.addf %add3A_329, %mul3A_363 : vector<32x1000xf32>
    %mul3A_365 = arith.mulf %mul3A_151, %slice3A_161 : vector<32x1000xf32>
    %slice3A_366 = vector.extract_strided_slice %get3A_58 {offsets = [1312, 0], sizes = [32, 1], strides = [1, 1]} : vector<2048x1xf32> to vector<32x1xf32>
    %mul3A_367 = vector.broadcast %slice3A_366 : vector<32x1xf32> to vector<32x1000xf32>
    %mul3A_368 = arith.mulf %mul3A_365, %mul3A_367 : vector<32x1000xf32>
    %add3A_369 = arith.addf %add3A_324, %mul3A_368 : vector<32x1000xf32>
    %mul3A_370 = arith.mulf %mul3A_151, %slice3A_162 : vector<32x1000xf32>
    %slice3A_371 = vector.extract_strided_slice %get3A_58 {offsets = [1344, 0], sizes = [32, 1], strides = [1, 1]} : vector<2048x1xf32> to vector<32x1xf32>
    %mul3A_372 = vector.broadcast %slice3A_371 : vector<32x1xf32> to vector<32x1000xf32>
    %mul3A_373 = arith.mulf %mul3A_370, %mul3A_372 : vector<32x1000xf32>
    %add3A_374 = arith.addf %add3A_339, %mul3A_373 : vector<32x1000xf32>
    %mul3A_375 = arith.mulf %mul3A_151, %slice3A_163 : vector<32x1000xf32>
    %slice3A_376 = vector.extract_strided_slice %get3A_58 {offsets = [1376, 0], sizes = [32, 1], strides = [1, 1]} : vector<2048x1xf32> to vector<32x1xf32>
    %mul3A_377 = vector.broadcast %slice3A_376 : vector<32x1xf32> to vector<32x1000xf32>
    %mul3A_378 = arith.mulf %mul3A_375, %mul3A_377 : vector<32x1000xf32>
    %add3A_379 = arith.addf %add3A_334, %mul3A_378 : vector<32x1000xf32>
    %mul3A_380 = arith.mulf %mul3A_151, %slice3A_164 : vector<32x1000xf32>
    %slice3A_381 = vector.extract_strided_slice %get3A_58 {offsets = [1408, 0], sizes = [32, 1], strides = [1, 1]} : vector<2048x1xf32> to vector<32x1xf32>
    %mul3A_382 = vector.broadcast %slice3A_381 : vector<32x1xf32> to vector<32x1000xf32>
    %mul3A_383 = arith.mulf %mul3A_380, %mul3A_382 : vector<32x1000xf32>
    %add3A_384 = arith.addf %add3A_349, %mul3A_383 : vector<32x1000xf32>
    %mul3A_385 = arith.mulf %mul3A_151, %slice3A_165 : vector<32x1000xf32>
    %slice3A_386 = vector.extract_strided_slice %get3A_58 {offsets = [1440, 0], sizes = [32, 1], strides = [1, 1]} : vector<2048x1xf32> to vector<32x1xf32>
    %mul3A_387 = vector.broadcast %slice3A_386 : vector<32x1xf32> to vector<32x1000xf32>
    %mul3A_388 = arith.mulf %mul3A_385, %mul3A_387 : vector<32x1000xf32>
    %add3A_389 = arith.addf %add3A_344, %mul3A_388 : vector<32x1000xf32>
    %mul3A_390 = arith.mulf %mul3A_151, %slice3A_166 : vector<32x1000xf32>
    %slice3A_391 = vector.extract_strided_slice %get3A_58 {offsets = [1472, 0], sizes = [32, 1], strides = [1, 1]} : vector<2048x1xf32> to vector<32x1xf32>
    %mul3A_392 = vector.broadcast %slice3A_391 : vector<32x1xf32> to vector<32x1000xf32>
    %mul3A_393 = arith.mulf %mul3A_390, %mul3A_392 : vector<32x1000xf32>
    %add3A_394 = arith.addf %add3A_359, %mul3A_393 : vector<32x1000xf32>
    %mul3A_395 = arith.mulf %mul3A_151, %slice3A_167 : vector<32x1000xf32>
    %slice3A_396 = vector.extract_strided_slice %get3A_58 {offsets = [1504, 0], sizes = [32, 1], strides = [1, 1]} : vector<2048x1xf32> to vector<32x1xf32>
    %mul3A_397 = vector.broadcast %slice3A_396 : vector<32x1xf32> to vector<32x1000xf32>
    %mul3A_398 = arith.mulf %mul3A_395, %mul3A_397 : vector<32x1000xf32>
    %add3A_399 = arith.addf %add3A_354, %mul3A_398 : vector<32x1000xf32>
    %mul3A_400 = arith.mulf %mul3A_152, %slice3A_160 : vector<32x1000xf32>
    %slice3A_401 = vector.extract_strided_slice %get3A_58 {offsets = [1536, 0], sizes = [32, 1], strides = [1, 1]} : vector<2048x1xf32> to vector<32x1xf32>
    %mul3A_402 = vector.broadcast %slice3A_401 : vector<32x1xf32> to vector<32x1000xf32>
    %mul3A_403 = arith.mulf %mul3A_400, %mul3A_402 : vector<32x1000xf32>
    %add3A_404 = arith.addf %add3A_379, %mul3A_403 : vector<32x1000xf32>
    %mul3A_405 = arith.mulf %mul3A_152, %slice3A_161 : vector<32x1000xf32>
    %slice3A_406 = vector.extract_strided_slice %get3A_58 {offsets = [1568, 0], sizes = [32, 1], strides = [1, 1]} : vector<2048x1xf32> to vector<32x1xf32>
    %mul3A_407 = vector.broadcast %slice3A_406 : vector<32x1xf32> to vector<32x1000xf32>
    %mul3A_408 = arith.mulf %mul3A_405, %mul3A_407 : vector<32x1000xf32>
    %add3A_409 = arith.addf %add3A_374, %mul3A_408 : vector<32x1000xf32>
    %mul3A_410 = arith.mulf %mul3A_152, %slice3A_162 : vector<32x1000xf32>
    %slice3A_411 = vector.extract_strided_slice %get3A_58 {offsets = [1600, 0], sizes = [32, 1], strides = [1, 1]} : vector<2048x1xf32> to vector<32x1xf32>
    %mul3A_412 = vector.broadcast %slice3A_411 : vector<32x1xf32> to vector<32x1000xf32>
    %mul3A_413 = arith.mulf %mul3A_410, %mul3A_412 : vector<32x1000xf32>
    %add3A_414 = arith.addf %add3A_369, %mul3A_413 : vector<32x1000xf32>
    %mul3A_415 = arith.mulf %mul3A_152, %slice3A_163 : vector<32x1000xf32>
    %slice3A_416 = vector.extract_strided_slice %get3A_58 {offsets = [1632, 0], sizes = [32, 1], strides = [1, 1]} : vector<2048x1xf32> to vector<32x1xf32>
    %mul3A_417 = vector.broadcast %slice3A_416 : vector<32x1xf32> to vector<32x1000xf32>
    %mul3A_418 = arith.mulf %mul3A_415, %mul3A_417 : vector<32x1000xf32>
    %add3A_419 = arith.addf %add3A_364, %mul3A_418 : vector<32x1000xf32>
    %mul3A_420 = arith.mulf %mul3A_152, %slice3A_164 : vector<32x1000xf32>
    %slice3A_421 = vector.extract_strided_slice %get3A_58 {offsets = [1664, 0], sizes = [32, 1], strides = [1, 1]} : vector<2048x1xf32> to vector<32x1xf32>
    %mul3A_422 = vector.broadcast %slice3A_421 : vector<32x1xf32> to vector<32x1000xf32>
    %mul3A_423 = arith.mulf %mul3A_420, %mul3A_422 : vector<32x1000xf32>
    %add3A_424 = arith.addf %add3A_399, %mul3A_423 : vector<32x1000xf32>
    %mul3A_425 = arith.mulf %mul3A_152, %slice3A_165 : vector<32x1000xf32>
    %slice3A_426 = vector.extract_strided_slice %get3A_58 {offsets = [1696, 0], sizes = [32, 1], strides = [1, 1]} : vector<2048x1xf32> to vector<32x1xf32>
    %mul3A_427 = vector.broadcast %slice3A_426 : vector<32x1xf32> to vector<32x1000xf32>
    %mul3A_428 = arith.mulf %mul3A_425, %mul3A_427 : vector<32x1000xf32>
    %add3A_429 = arith.addf %add3A_394, %mul3A_428 : vector<32x1000xf32>
    %mul3A_430 = arith.mulf %mul3A_152, %slice3A_166 : vector<32x1000xf32>
    %slice3A_431 = vector.extract_strided_slice %get3A_58 {offsets = [1728, 0], sizes = [32, 1], strides = [1, 1]} : vector<2048x1xf32> to vector<32x1xf32>
    %mul3A_432 = vector.broadcast %slice3A_431 : vector<32x1xf32> to vector<32x1000xf32>
    %mul3A_433 = arith.mulf %mul3A_430, %mul3A_432 : vector<32x1000xf32>
    %add3A_434 = arith.addf %add3A_389, %mul3A_433 : vector<32x1000xf32>
    %mul3A_435 = arith.mulf %mul3A_152, %slice3A_167 : vector<32x1000xf32>
    %slice3A_436 = vector.extract_strided_slice %get3A_58 {offsets = [1760, 0], sizes = [32, 1], strides = [1, 1]} : vector<2048x1xf32> to vector<32x1xf32>
    %mul3A_437 = vector.broadcast %slice3A_436 : vector<32x1xf32> to vector<32x1000xf32>
    %mul3A_438 = arith.mulf %mul3A_435, %mul3A_437 : vector<32x1000xf32>
    %add3A_439 = arith.addf %add3A_384, %mul3A_438 : vector<32x1000xf32>
    %mul3A_440 = arith.mulf %mul3A_153, %slice3A_160 : vector<32x1000xf32>
    %slice3A_441 = vector.extract_strided_slice %get3A_58 {offsets = [1792, 0], sizes = [32, 1], strides = [1, 1]} : vector<2048x1xf32> to vector<32x1xf32>
    %mul3A_442 = vector.broadcast %slice3A_441 : vector<32x1xf32> to vector<32x1000xf32>
    %mul3A_443 = arith.mulf %mul3A_440, %mul3A_442 : vector<32x1000xf32>
    %add3A_444 = arith.addf %add3A_409, %mul3A_443 : vector<32x1000xf32>
    %mul3A_445 = arith.mulf %mul3A_153, %slice3A_161 : vector<32x1000xf32>
    %slice3A_446 = vector.extract_strided_slice %get3A_58 {offsets = [1824, 0], sizes = [32, 1], strides = [1, 1]} : vector<2048x1xf32> to vector<32x1xf32>
    %mul3A_447 = vector.broadcast %slice3A_446 : vector<32x1xf32> to vector<32x1000xf32>
    %mul3A_448 = arith.mulf %mul3A_445, %mul3A_447 : vector<32x1000xf32>
    %add3A_449 = arith.addf %add3A_404, %mul3A_448 : vector<32x1000xf32>
    %mul3A_450 = arith.mulf %mul3A_153, %slice3A_162 : vector<32x1000xf32>
    %slice3A_451 = vector.extract_strided_slice %get3A_58 {offsets = [1856, 0], sizes = [32, 1], strides = [1, 1]} : vector<2048x1xf32> to vector<32x1xf32>
    %mul3A_452 = vector.broadcast %slice3A_451 : vector<32x1xf32> to vector<32x1000xf32>
    %mul3A_453 = arith.mulf %mul3A_450, %mul3A_452 : vector<32x1000xf32>
    %add3A_454 = arith.addf %add3A_419, %mul3A_453 : vector<32x1000xf32>
    %mul3A_455 = arith.mulf %mul3A_153, %slice3A_163 : vector<32x1000xf32>
    %slice3A_456 = vector.extract_strided_slice %get3A_58 {offsets = [1888, 0], sizes = [32, 1], strides = [1, 1]} : vector<2048x1xf32> to vector<32x1xf32>
    %mul3A_457 = vector.broadcast %slice3A_456 : vector<32x1xf32> to vector<32x1000xf32>
    %mul3A_458 = arith.mulf %mul3A_455, %mul3A_457 : vector<32x1000xf32>
    %add3A_459 = arith.addf %add3A_414, %mul3A_458 : vector<32x1000xf32>
    %mul3A_460 = arith.mulf %mul3A_153, %slice3A_164 : vector<32x1000xf32>
    %slice3A_461 = vector.extract_strided_slice %get3A_58 {offsets = [1920, 0], sizes = [32, 1], strides = [1, 1]} : vector<2048x1xf32> to vector<32x1xf32>
    %mul3A_462 = vector.broadcast %slice3A_461 : vector<32x1xf32> to vector<32x1000xf32>
    %mul3A_463 = arith.mulf %mul3A_460, %mul3A_462 : vector<32x1000xf32>
    %add3A_464 = arith.addf %add3A_429, %mul3A_463 : vector<32x1000xf32>
    %mul3A_465 = arith.mulf %mul3A_153, %slice3A_165 : vector<32x1000xf32>
    %slice3A_466 = vector.extract_strided_slice %get3A_58 {offsets = [1952, 0], sizes = [32, 1], strides = [1, 1]} : vector<2048x1xf32> to vector<32x1xf32>
    %mul3A_467 = vector.broadcast %slice3A_466 : vector<32x1xf32> to vector<32x1000xf32>
    %mul3A_468 = arith.mulf %mul3A_465, %mul3A_467 : vector<32x1000xf32>
    %add3A_469 = arith.addf %add3A_424, %mul3A_468 : vector<32x1000xf32>
    %mul3A_470 = arith.mulf %mul3A_153, %slice3A_166 : vector<32x1000xf32>
    %slice3A_471 = vector.extract_strided_slice %get3A_58 {offsets = [1984, 0], sizes = [32, 1], strides = [1, 1]} : vector<2048x1xf32> to vector<32x1xf32>
    %mul3A_472 = vector.broadcast %slice3A_471 : vector<32x1xf32> to vector<32x1000xf32>
    %mul3A_473 = arith.mulf %mul3A_470, %mul3A_472 : vector<32x1000xf32>
    %add3A_474 = arith.addf %add3A_439, %mul3A_473 : vector<32x1000xf32>
    %mul3A_475 = arith.mulf %mul3A_153, %slice3A_167 : vector<32x1000xf32>
    %slice3A_476 = vector.extract_strided_slice %get3A_58 {offsets = [2016, 0], sizes = [32, 1], strides = [1, 1]} : vector<2048x1xf32> to vector<32x1xf32>
    %mul3A_477 = vector.broadcast %slice3A_476 : vector<32x1xf32> to vector<32x1000xf32>
    %mul3A_478 = arith.mulf %mul3A_475, %mul3A_477 : vector<32x1000xf32>
    %add3A_479 = arith.addf %add3A_434, %mul3A_478 : vector<32x1000xf32>
    %mul3A_480 = arith.mulf %add3A_479, %add3A_479 : vector<32x1000xf32>
    %mul3A_481 = arith.mulf %add3A_474, %add3A_474 : vector<32x1000xf32>
    %add3A_482 = arith.addf %mul3A_480, %mul3A_481 : vector<32x1000xf32>
    %mul3A_483 = arith.mulf %add3A_469, %add3A_469 : vector<32x1000xf32>
    %add3A_484 = arith.addf %add3A_482, %mul3A_483 : vector<32x1000xf32>
    %mul3A_485 = arith.mulf %add3A_464, %add3A_464 : vector<32x1000xf32>
    %add3A_486 = arith.addf %add3A_484, %mul3A_485 : vector<32x1000xf32>
    %mul3A_487 = arith.mulf %add3A_459, %add3A_459 : vector<32x1000xf32>
    %add3A_488 = arith.addf %add3A_486, %mul3A_487 : vector<32x1000xf32>
    %mul3A_489 = arith.mulf %add3A_454, %add3A_454 : vector<32x1000xf32>
    %add3A_490 = arith.addf %add3A_488, %mul3A_489 : vector<32x1000xf32>
    %mul3A_491 = arith.mulf %add3A_449, %add3A_449 : vector<32x1000xf32>
    %add3A_492 = arith.addf %add3A_490, %mul3A_491 : vector<32x1000xf32>
    %mul3A_493 = arith.mulf %add3A_444, %add3A_444 : vector<32x1000xf32>
    %add3A_494 = arith.addf %add3A_492, %mul3A_493 : vector<32x1000xf32>
    %add3A_495 = arith.constant 9.99999997E-7 : f32
    %add3A_496 = vector.broadcast %add3A_495 : f32 to vector<32x1000xf32>
    %add3A_497 = arith.addf %add3A_494, %add3A_496 : vector<32x1000xf32>
    %sqrt3A_498 = math.sqrt %add3A_497 : vector<32x1000xf32>
    %reduce_sum3A = arith.constant dense<0.000000e+00> : vector<1000xf32>
    %reduce_sum3A_499 = vector.multi_reduction <add>, %sqrt3A_498, %reduce_sum3A [0] : vector<32x1000xf32> to vector<1000xf32>
    %broadcast_in_dim3A = vector.shape_cast %reduce_sum3A_499 : vector<1000xf32> to vector<1x1000xf32>
    %div3A_500 = arith.constant 3.200000e+01 : f32
    %div3A_501 = vector.broadcast %div3A_500 : f32 to vector<1x1000xf32>
    %div3A_502 = arith.divf %broadcast_in_dim3A, %div3A_501 : vector<1x1000xf32>
    %div3A_503 = arith.constant 1.000000e+00 : f32
    %div3A_504 = vector.broadcast %div3A_503 : f32 to vector<1x1000xf32>
    %div3A_505 = arith.divf %div3A_504, %div3A_502 : vector<1x1000xf32>
    %mul3A_506 = vector.broadcast %get3A_61 : vector<32x1xf32> to vector<32x1000xf32>
    %mul3A_507 = arith.mulf %add3A_479, %mul3A_506 : vector<32x1000xf32>
    %mul3A_508 = vector.broadcast %div3A_505 : vector<1x1000xf32> to vector<32x1000xf32>
    %mul3A_509 = arith.mulf %mul3A_507, %mul3A_508 : vector<32x1000xf32>
    %mul3A_510 = vector.broadcast %get3A_61 : vector<32x1xf32> to vector<32x1000xf32>
    %mul3A_511 = arith.mulf %add3A_474, %mul3A_510 : vector<32x1000xf32>
    %mul3A_512 = vector.broadcast %div3A_505 : vector<1x1000xf32> to vector<32x1000xf32>
    %mul3A_513 = arith.mulf %mul3A_511, %mul3A_512 : vector<32x1000xf32>
    %mul3A_514 = vector.broadcast %get3A_61 : vector<32x1xf32> to vector<32x1000xf32>
    %mul3A_515 = arith.mulf %add3A_469, %mul3A_514 : vector<32x1000xf32>
    %mul3A_516 = vector.broadcast %div3A_505 : vector<1x1000xf32> to vector<32x1000xf32>
    %mul3A_517 = arith.mulf %mul3A_515, %mul3A_516 : vector<32x1000xf32>
    %mul3A_518 = vector.broadcast %get3A_61 : vector<32x1xf32> to vector<32x1000xf32>
    %mul3A_519 = arith.mulf %add3A_464, %mul3A_518 : vector<32x1000xf32>
    %mul3A_520 = vector.broadcast %div3A_505 : vector<1x1000xf32> to vector<32x1000xf32>
    %mul3A_521 = arith.mulf %mul3A_519, %mul3A_520 : vector<32x1000xf32>
    %mul3A_522 = vector.broadcast %get3A_61 : vector<32x1xf32> to vector<32x1000xf32>
    %mul3A_523 = arith.mulf %add3A_459, %mul3A_522 : vector<32x1000xf32>
    %mul3A_524 = vector.broadcast %div3A_505 : vector<1x1000xf32> to vector<32x1000xf32>
    %mul3A_525 = arith.mulf %mul3A_523, %mul3A_524 : vector<32x1000xf32>
    %mul3A_526 = vector.broadcast %get3A_61 : vector<32x1xf32> to vector<32x1000xf32>
    %mul3A_527 = arith.mulf %add3A_454, %mul3A_526 : vector<32x1000xf32>
    %mul3A_528 = vector.broadcast %div3A_505 : vector<1x1000xf32> to vector<32x1000xf32>
    %mul3A_529 = arith.mulf %mul3A_527, %mul3A_528 : vector<32x1000xf32>
    %mul3A_530 = vector.broadcast %get3A_61 : vector<32x1xf32> to vector<32x1000xf32>
    %mul3A_531 = arith.mulf %add3A_449, %mul3A_530 : vector<32x1000xf32>
    %mul3A_532 = vector.broadcast %div3A_505 : vector<1x1000xf32> to vector<32x1000xf32>
    %mul3A_533 = arith.mulf %mul3A_531, %mul3A_532 : vector<32x1000xf32>
    %mul3A_534 = vector.broadcast %get3A_61 : vector<32x1xf32> to vector<32x1000xf32>
    %mul3A_535 = arith.mulf %add3A_444, %mul3A_534 : vector<32x1000xf32>
    %mul3A_536 = vector.broadcast %div3A_505 : vector<1x1000xf32> to vector<32x1000xf32>
    %mul3A_537 = arith.mulf %mul3A_535, %mul3A_536 : vector<32x1000xf32>
    %concatenate3A_538 = tpu.concatenate %mul3A_509, %mul3A_513, %mul3A_517, %mul3A_521, %mul3A_525, %mul3A_529, %mul3A_533, %mul3A_537 in 0 : vector<32x1000xf32>, vector<32x1000xf32>, vector<32x1000xf32>, vector<32x1000xf32>, vector<32x1000xf32>, vector<32x1000xf32>, vector<32x1000xf32>, vector<32x1000xf32> -> vector<256x1000xf32>
    %get3A_539 = arith.constant 0 : index
    %get3A_540 = arith.constant 0 : index
    %get3A_541 = vector.load %arg14[%get3A_539, %get3A_540] : memref<128x128xf32, #tpu.memory_space<vmem>>, vector<128x128xf32>
    %get3A_542 = arith.constant 0 : index
    %get3A_543 = arith.constant 0 : index
    %get3A_544 = vector.load %arg15[%get3A_542, %get3A_543] : memref<128x128xf32, #tpu.memory_space<vmem>>, vector<128x128xf32>
    %get3A_545 = arith.constant 0 : index
    %get3A_546 = arith.constant 0 : index
    %get3A_547 = vector.load %arg16[%get3A_545, %get3A_546] : memref<32x1xf32, #tpu.memory_space<vmem>>, vector<32x1xf32>
    %get3A_548 = arith.constant 0 : index
    %get3A_549 = arith.constant 0 : index
    %get3A_550 = vector.load %arg17[%get3A_548, %get3A_549] : memref<128x1xf32, #tpu.memory_space<vmem>>, vector<128x1xf32>
    %get3A_551 = arith.constant 0 : index
    %get3A_552 = arith.constant 0 : index
    %get3A_553 = vector.load %arg18[%get3A_551, %get3A_552] : memref<128x1xf32, #tpu.memory_space<vmem>>, vector<128x1xf32>
    %get3A_554 = arith.constant 0 : index
    %get3A_555 = arith.constant 0 : index
    %get3A_556 = vector.load %arg19[%get3A_554, %get3A_555] : memref<128x128xf32, #tpu.memory_space<vmem>>, vector<128x128xf32>
    %get3A_557 = arith.constant 0 : index
    %get3A_558 = arith.constant 0 : index
    %get3A_559 = vector.load %arg20[%get3A_557, %get3A_558] : memref<128x128xf32, #tpu.memory_space<vmem>>, vector<128x128xf32>
    %get3A_560 = arith.constant 0 : index
    %get3A_561 = arith.constant 0 : index
    %get3A_562 = vector.load %arg21[%get3A_560, %get3A_561] : memref<2048x1xf32, #tpu.memory_space<vmem>>, vector<2048x1xf32>
    %get3A_563 = arith.constant 0 : index
    %get3A_564 = arith.constant 0 : index
    %get3A_565 = vector.load %arg22[%get3A_563, %get3A_564] : memref<32x1xf32, #tpu.memory_space<vmem>>, vector<32x1xf32>
    %slice3A_566 = vector.extract_strided_slice %concatenate3A_538 {offsets = [0, 0], sizes = [128, 1000], strides = [1, 1]} : vector<256x1000xf32> to vector<128x1000xf32>
    %dot_general3A_567 = arith.constant dense<0.000000e+00> : vector<128x1000xf32>
    %dot_general3A_568 = tpu.matmul %get3A_541, %slice3A_566, %dot_general3A_567 {dimension_numbers = #tpu.dot_dimension_numbers<[1], [0], [0], [1], [0, 0, 1, 1], [], []>, transpose_lhs_hint = false} : vector<128x128xf32>, vector<128x1000xf32>, vector<128x1000xf32> -> vector<128x1000xf32>
    %slice3A_569 = vector.extract_strided_slice %concatenate3A_538 {offsets = [128, 0], sizes = [128, 1000], strides = [1, 1]} : vector<256x1000xf32> to vector<128x1000xf32>
    %dot_general3A_570 = arith.constant dense<0.000000e+00> : vector<128x1000xf32>
    %dot_general3A_571 = tpu.matmul %get3A_544, %slice3A_569, %dot_general3A_570 {dimension_numbers = #tpu.dot_dimension_numbers<[1], [0], [0], [1], [0, 0, 1, 1], [], []>, transpose_lhs_hint = false} : vector<128x128xf32>, vector<128x1000xf32>, vector<128x1000xf32> -> vector<128x1000xf32>
    %slice3A_572 = vector.extract_strided_slice %dot_general3A_568 {offsets = [0, 0], sizes = [32, 1000], strides = [1, 1]} : vector<128x1000xf32> to vector<32x1000xf32>
    %slice3A_573 = vector.extract_strided_slice %dot_general3A_568 {offsets = [32, 0], sizes = [32, 1000], strides = [1, 1]} : vector<128x1000xf32> to vector<32x1000xf32>
    %slice3A_574 = vector.extract_strided_slice %dot_general3A_568 {offsets = [64, 0], sizes = [32, 1000], strides = [1, 1]} : vector<128x1000xf32> to vector<32x1000xf32>
    %slice3A_575 = vector.extract_strided_slice %dot_general3A_568 {offsets = [96, 0], sizes = [32, 1000], strides = [1, 1]} : vector<128x1000xf32> to vector<32x1000xf32>
    %slice3A_576 = vector.extract_strided_slice %dot_general3A_571 {offsets = [0, 0], sizes = [32, 1000], strides = [1, 1]} : vector<128x1000xf32> to vector<32x1000xf32>
    %slice3A_577 = vector.extract_strided_slice %dot_general3A_571 {offsets = [32, 0], sizes = [32, 1000], strides = [1, 1]} : vector<128x1000xf32> to vector<32x1000xf32>
    %slice3A_578 = vector.extract_strided_slice %dot_general3A_571 {offsets = [64, 0], sizes = [32, 1000], strides = [1, 1]} : vector<128x1000xf32> to vector<32x1000xf32>
    %slice3A_579 = vector.extract_strided_slice %dot_general3A_571 {offsets = [96, 0], sizes = [32, 1000], strides = [1, 1]} : vector<128x1000xf32> to vector<32x1000xf32>
    %add3A_580 = vector.broadcast %get3A_547 : vector<32x1xf32> to vector<32x1000xf32>
    %add3A_581 = arith.addf %slice3A_572, %add3A_580 : vector<32x1000xf32>
    %mul3A_582 = arith.mulf %slice3A_573, %slice3A_573 : vector<32x1000xf32>
    %mul3A_583 = arith.mulf %slice3A_574, %slice3A_574 : vector<32x1000xf32>
    %add3A_584 = arith.addf %mul3A_582, %mul3A_583 : vector<32x1000xf32>
    %mul3A_585 = arith.mulf %slice3A_576, %slice3A_576 : vector<32x1000xf32>
    %add3A_586 = arith.addf %add3A_584, %mul3A_585 : vector<32x1000xf32>
    %mul3A_587 = arith.mulf %slice3A_575, %slice3A_575 : vector<32x1000xf32>
    %mul3A_588 = arith.mulf %slice3A_577, %slice3A_577 : vector<32x1000xf32>
    %add3A_589 = arith.addf %mul3A_587, %mul3A_588 : vector<32x1000xf32>
    %mul3A_590 = arith.mulf %slice3A_578, %slice3A_578 : vector<32x1000xf32>
    %add3A_591 = arith.addf %add3A_589, %mul3A_590 : vector<32x1000xf32>
    %mul3A_592 = arith.mulf %slice3A_579, %slice3A_579 : vector<32x1000xf32>
    %slice3A_593 = vector.extract_strided_slice %get3A_550 {offsets = [0, 0], sizes = [32, 1], strides = [1, 1]} : vector<128x1xf32> to vector<32x1xf32>
    %mul3A_594 = vector.broadcast %slice3A_593 : vector<32x1xf32> to vector<32x1000xf32>
    %mul3A_595 = arith.mulf %mul3A_594, %add3A_581 : vector<32x1000xf32>
    %slice3A_596 = vector.extract_strided_slice %get3A_553 {offsets = [0, 0], sizes = [32, 1], strides = [1, 1]} : vector<128x1xf32> to vector<32x1xf32>
    %add3A_597 = vector.broadcast %slice3A_596 : vector<32x1xf32> to vector<32x1000xf32>
    %add3A_598 = arith.addf %mul3A_595, %add3A_597 : vector<32x1000xf32>
    %logistic3A_599 = arith.negf %add3A_598 : vector<32x1000xf32>
    %logistic3A_600 = math.exp %logistic3A_599 : vector<32x1000xf32>
    %logistic3A_601 = arith.constant 1.000000e+00 : f32
    %logistic3A_602 = vector.broadcast %logistic3A_601 : f32 to vector<32x1000xf32>
    %logistic3A_603 = arith.addf %logistic3A_602, %logistic3A_600 : vector<32x1000xf32>
    %logistic3A_604 = arith.divf %logistic3A_602, %logistic3A_603 : vector<32x1000xf32>
    %slice3A_605 = vector.extract_strided_slice %get3A_550 {offsets = [32, 0], sizes = [32, 1], strides = [1, 1]} : vector<128x1xf32> to vector<32x1xf32>
    %add3A_606 = arith.constant 9.99999997E-7 : f32
    %add3A_607 = vector.broadcast %add3A_606 : f32 to vector<32x1000xf32>
    %add3A_608 = arith.addf %add3A_586, %add3A_607 : vector<32x1000xf32>
    %sqrt3A_609 = math.sqrt %add3A_608 : vector<32x1000xf32>
    %mul3A_610 = vector.broadcast %slice3A_605 : vector<32x1xf32> to vector<32x1000xf32>
    %mul3A_611 = arith.mulf %mul3A_610, %sqrt3A_609 : vector<32x1000xf32>
    %slice3A_612 = vector.extract_strided_slice %get3A_553 {offsets = [32, 0], sizes = [32, 1], strides = [1, 1]} : vector<128x1xf32> to vector<32x1xf32>
    %add3A_613 = vector.broadcast %slice3A_612 : vector<32x1xf32> to vector<32x1000xf32>
    %add3A_614 = arith.addf %mul3A_611, %add3A_613 : vector<32x1000xf32>
    %logistic3A_615 = arith.negf %add3A_614 : vector<32x1000xf32>
    %logistic3A_616 = math.exp %logistic3A_615 : vector<32x1000xf32>
    %logistic3A_617 = arith.constant 1.000000e+00 : f32
    %logistic3A_618 = vector.broadcast %logistic3A_617 : f32 to vector<32x1000xf32>
    %logistic3A_619 = arith.addf %logistic3A_618, %logistic3A_616 : vector<32x1000xf32>
    %logistic3A_620 = arith.divf %logistic3A_618, %logistic3A_619 : vector<32x1000xf32>
    %slice3A_621 = vector.extract_strided_slice %get3A_550 {offsets = [64, 0], sizes = [32, 1], strides = [1, 1]} : vector<128x1xf32> to vector<32x1xf32>
    %add3A_622 = arith.constant 9.99999997E-7 : f32
    %add3A_623 = vector.broadcast %add3A_622 : f32 to vector<32x1000xf32>
    %add3A_624 = arith.addf %add3A_591, %add3A_623 : vector<32x1000xf32>
    %sqrt3A_625 = math.sqrt %add3A_624 : vector<32x1000xf32>
    %mul3A_626 = vector.broadcast %slice3A_621 : vector<32x1xf32> to vector<32x1000xf32>
    %mul3A_627 = arith.mulf %mul3A_626, %sqrt3A_625 : vector<32x1000xf32>
    %slice3A_628 = vector.extract_strided_slice %get3A_553 {offsets = [64, 0], sizes = [32, 1], strides = [1, 1]} : vector<128x1xf32> to vector<32x1xf32>
    %add3A_629 = vector.broadcast %slice3A_628 : vector<32x1xf32> to vector<32x1000xf32>
    %add3A_630 = arith.addf %mul3A_627, %add3A_629 : vector<32x1000xf32>
    %logistic3A_631 = arith.negf %add3A_630 : vector<32x1000xf32>
    %logistic3A_632 = math.exp %logistic3A_631 : vector<32x1000xf32>
    %logistic3A_633 = arith.constant 1.000000e+00 : f32
    %logistic3A_634 = vector.broadcast %logistic3A_633 : f32 to vector<32x1000xf32>
    %logistic3A_635 = arith.addf %logistic3A_634, %logistic3A_632 : vector<32x1000xf32>
    %logistic3A_636 = arith.divf %logistic3A_634, %logistic3A_635 : vector<32x1000xf32>
    %slice3A_637 = vector.extract_strided_slice %get3A_550 {offsets = [96, 0], sizes = [32, 1], strides = [1, 1]} : vector<128x1xf32> to vector<32x1xf32>
    %add3A_638 = arith.constant 9.99999997E-7 : f32
    %add3A_639 = vector.broadcast %add3A_638 : f32 to vector<32x1000xf32>
    %add3A_640 = arith.addf %mul3A_592, %add3A_639 : vector<32x1000xf32>
    %sqrt3A_641 = math.sqrt %add3A_640 : vector<32x1000xf32>
    %mul3A_642 = vector.broadcast %slice3A_637 : vector<32x1xf32> to vector<32x1000xf32>
    %mul3A_643 = arith.mulf %mul3A_642, %sqrt3A_641 : vector<32x1000xf32>
    %slice3A_644 = vector.extract_strided_slice %get3A_553 {offsets = [96, 0], sizes = [32, 1], strides = [1, 1]} : vector<128x1xf32> to vector<32x1xf32>
    %add3A_645 = vector.broadcast %slice3A_644 : vector<32x1xf32> to vector<32x1000xf32>
    %add3A_646 = arith.addf %mul3A_643, %add3A_645 : vector<32x1000xf32>
    %logistic3A_647 = arith.negf %add3A_646 : vector<32x1000xf32>
    %logistic3A_648 = math.exp %logistic3A_647 : vector<32x1000xf32>
    %logistic3A_649 = arith.constant 1.000000e+00 : f32
    %logistic3A_650 = vector.broadcast %logistic3A_649 : f32 to vector<32x1000xf32>
    %logistic3A_651 = arith.addf %logistic3A_650, %logistic3A_648 : vector<32x1000xf32>
    %logistic3A_652 = arith.divf %logistic3A_650, %logistic3A_651 : vector<32x1000xf32>
    %mul3A_653 = arith.mulf %add3A_581, %logistic3A_604 : vector<32x1000xf32>
    %mul3A_654 = arith.mulf %slice3A_573, %logistic3A_620 : vector<32x1000xf32>
    %mul3A_655 = arith.mulf %slice3A_574, %logistic3A_620 : vector<32x1000xf32>
    %mul3A_656 = arith.mulf %slice3A_575, %logistic3A_636 : vector<32x1000xf32>
    %mul3A_657 = arith.mulf %slice3A_576, %logistic3A_620 : vector<32x1000xf32>
    %mul3A_658 = arith.mulf %slice3A_577, %logistic3A_636 : vector<32x1000xf32>
    %mul3A_659 = arith.mulf %slice3A_578, %logistic3A_636 : vector<32x1000xf32>
    %mul3A_660 = arith.mulf %slice3A_579, %logistic3A_652 : vector<32x1000xf32>
    %concatenate3A_661 = tpu.concatenate %mul3A_653, %mul3A_654, %mul3A_655, %mul3A_656 in 0 : vector<32x1000xf32>, vector<32x1000xf32>, vector<32x1000xf32>, vector<32x1000xf32> -> vector<128x1000xf32>
    %concatenate3A_662 = tpu.concatenate %mul3A_657, %mul3A_658, %mul3A_659, %mul3A_660 in 0 : vector<32x1000xf32>, vector<32x1000xf32>, vector<32x1000xf32>, vector<32x1000xf32> -> vector<128x1000xf32>
    %dot_general3A_663 = arith.constant dense<0.000000e+00> : vector<128x1000xf32>
    %dot_general3A_664 = tpu.matmul %get3A_556, %concatenate3A_661, %dot_general3A_663 {dimension_numbers = #tpu.dot_dimension_numbers<[1], [0], [0], [1], [0, 0, 1, 1], [], []>, transpose_lhs_hint = false} : vector<128x128xf32>, vector<128x1000xf32>, vector<128x1000xf32> -> vector<128x1000xf32>
    %dot_general3A_665 = arith.constant dense<0.000000e+00> : vector<128x1000xf32>
    %dot_general3A_666 = tpu.matmul %get3A_559, %concatenate3A_662, %dot_general3A_665 {dimension_numbers = #tpu.dot_dimension_numbers<[1], [0], [0], [1], [0, 0, 1, 1], [], []>, transpose_lhs_hint = false} : vector<128x128xf32>, vector<128x1000xf32>, vector<128x1000xf32> -> vector<128x1000xf32>
    %slice3A_667 = vector.extract_strided_slice %dot_general3A_664 {offsets = [0, 0], sizes = [32, 1000], strides = [1, 1]} : vector<128x1000xf32> to vector<32x1000xf32>
    %slice3A_668 = vector.extract_strided_slice %dot_general3A_664 {offsets = [32, 0], sizes = [32, 1000], strides = [1, 1]} : vector<128x1000xf32> to vector<32x1000xf32>
    %slice3A_669 = vector.extract_strided_slice %dot_general3A_664 {offsets = [64, 0], sizes = [32, 1000], strides = [1, 1]} : vector<128x1000xf32> to vector<32x1000xf32>
    %slice3A_670 = vector.extract_strided_slice %dot_general3A_664 {offsets = [96, 0], sizes = [32, 1000], strides = [1, 1]} : vector<128x1000xf32> to vector<32x1000xf32>
    %slice3A_671 = vector.extract_strided_slice %dot_general3A_666 {offsets = [0, 0], sizes = [32, 1000], strides = [1, 1]} : vector<128x1000xf32> to vector<32x1000xf32>
    %slice3A_672 = vector.extract_strided_slice %dot_general3A_666 {offsets = [32, 0], sizes = [32, 1000], strides = [1, 1]} : vector<128x1000xf32> to vector<32x1000xf32>
    %slice3A_673 = vector.extract_strided_slice %dot_general3A_666 {offsets = [64, 0], sizes = [32, 1000], strides = [1, 1]} : vector<128x1000xf32> to vector<32x1000xf32>
    %slice3A_674 = vector.extract_strided_slice %dot_general3A_666 {offsets = [96, 0], sizes = [32, 1000], strides = [1, 1]} : vector<128x1000xf32> to vector<32x1000xf32>
    %mul3A_675 = arith.mulf %mul3A_653, %slice3A_667 : vector<32x1000xf32>
    %slice3A_676 = vector.extract_strided_slice %get3A_562 {offsets = [0, 0], sizes = [32, 1], strides = [1, 1]} : vector<2048x1xf32> to vector<32x1xf32>
    %mul3A_677 = vector.broadcast %slice3A_676 : vector<32x1xf32> to vector<32x1000xf32>
    %mul3A_678 = arith.mulf %mul3A_675, %mul3A_677 : vector<32x1000xf32>
    %mul3A_679 = arith.mulf %mul3A_653, %slice3A_668 : vector<32x1000xf32>
    %slice3A_680 = vector.extract_strided_slice %get3A_562 {offsets = [32, 0], sizes = [32, 1], strides = [1, 1]} : vector<2048x1xf32> to vector<32x1xf32>
    %mul3A_681 = vector.broadcast %slice3A_680 : vector<32x1xf32> to vector<32x1000xf32>
    %mul3A_682 = arith.mulf %mul3A_679, %mul3A_681 : vector<32x1000xf32>
    %mul3A_683 = arith.mulf %mul3A_653, %slice3A_669 : vector<32x1000xf32>
    %slice3A_684 = vector.extract_strided_slice %get3A_562 {offsets = [64, 0], sizes = [32, 1], strides = [1, 1]} : vector<2048x1xf32> to vector<32x1xf32>
    %mul3A_685 = vector.broadcast %slice3A_684 : vector<32x1xf32> to vector<32x1000xf32>
    %mul3A_686 = arith.mulf %mul3A_683, %mul3A_685 : vector<32x1000xf32>
    %mul3A_687 = arith.mulf %mul3A_653, %slice3A_670 : vector<32x1000xf32>
    %slice3A_688 = vector.extract_strided_slice %get3A_562 {offsets = [96, 0], sizes = [32, 1], strides = [1, 1]} : vector<2048x1xf32> to vector<32x1xf32>
    %mul3A_689 = vector.broadcast %slice3A_688 : vector<32x1xf32> to vector<32x1000xf32>
    %mul3A_690 = arith.mulf %mul3A_687, %mul3A_689 : vector<32x1000xf32>
    %mul3A_691 = arith.mulf %mul3A_653, %slice3A_671 : vector<32x1000xf32>
    %slice3A_692 = vector.extract_strided_slice %get3A_562 {offsets = [128, 0], sizes = [32, 1], strides = [1, 1]} : vector<2048x1xf32> to vector<32x1xf32>
    %mul3A_693 = vector.broadcast %slice3A_692 : vector<32x1xf32> to vector<32x1000xf32>
    %mul3A_694 = arith.mulf %mul3A_691, %mul3A_693 : vector<32x1000xf32>
    %mul3A_695 = arith.mulf %mul3A_653, %slice3A_672 : vector<32x1000xf32>
    %slice3A_696 = vector.extract_strided_slice %get3A_562 {offsets = [160, 0], sizes = [32, 1], strides = [1, 1]} : vector<2048x1xf32> to vector<32x1xf32>
    %mul3A_697 = vector.broadcast %slice3A_696 : vector<32x1xf32> to vector<32x1000xf32>
    %mul3A_698 = arith.mulf %mul3A_695, %mul3A_697 : vector<32x1000xf32>
    %mul3A_699 = arith.mulf %mul3A_653, %slice3A_673 : vector<32x1000xf32>
    %slice3A_700 = vector.extract_strided_slice %get3A_562 {offsets = [192, 0], sizes = [32, 1], strides = [1, 1]} : vector<2048x1xf32> to vector<32x1xf32>
    %mul3A_701 = vector.broadcast %slice3A_700 : vector<32x1xf32> to vector<32x1000xf32>
    %mul3A_702 = arith.mulf %mul3A_699, %mul3A_701 : vector<32x1000xf32>
    %mul3A_703 = arith.mulf %mul3A_653, %slice3A_674 : vector<32x1000xf32>
    %slice3A_704 = vector.extract_strided_slice %get3A_562 {offsets = [224, 0], sizes = [32, 1], strides = [1, 1]} : vector<2048x1xf32> to vector<32x1xf32>
    %mul3A_705 = vector.broadcast %slice3A_704 : vector<32x1xf32> to vector<32x1000xf32>
    %mul3A_706 = arith.mulf %mul3A_703, %mul3A_705 : vector<32x1000xf32>
    %mul3A_707 = arith.mulf %mul3A_654, %slice3A_667 : vector<32x1000xf32>
    %slice3A_708 = vector.extract_strided_slice %get3A_562 {offsets = [256, 0], sizes = [32, 1], strides = [1, 1]} : vector<2048x1xf32> to vector<32x1xf32>
    %mul3A_709 = vector.broadcast %slice3A_708 : vector<32x1xf32> to vector<32x1000xf32>
    %mul3A_710 = arith.mulf %mul3A_707, %mul3A_709 : vector<32x1000xf32>
    %add3A_711 = arith.addf %mul3A_682, %mul3A_710 : vector<32x1000xf32>
    %mul3A_712 = arith.mulf %mul3A_654, %slice3A_668 : vector<32x1000xf32>
    %slice3A_713 = vector.extract_strided_slice %get3A_562 {offsets = [288, 0], sizes = [32, 1], strides = [1, 1]} : vector<2048x1xf32> to vector<32x1xf32>
    %mul3A_714 = vector.broadcast %slice3A_713 : vector<32x1xf32> to vector<32x1000xf32>
    %mul3A_715 = arith.mulf %mul3A_712, %mul3A_714 : vector<32x1000xf32>
    %add3A_716 = arith.addf %mul3A_678, %mul3A_715 : vector<32x1000xf32>
    %mul3A_717 = arith.mulf %mul3A_654, %slice3A_669 : vector<32x1000xf32>
    %slice3A_718 = vector.extract_strided_slice %get3A_562 {offsets = [320, 0], sizes = [32, 1], strides = [1, 1]} : vector<2048x1xf32> to vector<32x1xf32>
    %mul3A_719 = vector.broadcast %slice3A_718 : vector<32x1xf32> to vector<32x1000xf32>
    %mul3A_720 = arith.mulf %mul3A_717, %mul3A_719 : vector<32x1000xf32>
    %add3A_721 = arith.addf %mul3A_690, %mul3A_720 : vector<32x1000xf32>
    %mul3A_722 = arith.mulf %mul3A_654, %slice3A_670 : vector<32x1000xf32>
    %slice3A_723 = vector.extract_strided_slice %get3A_562 {offsets = [352, 0], sizes = [32, 1], strides = [1, 1]} : vector<2048x1xf32> to vector<32x1xf32>
    %mul3A_724 = vector.broadcast %slice3A_723 : vector<32x1xf32> to vector<32x1000xf32>
    %mul3A_725 = arith.mulf %mul3A_722, %mul3A_724 : vector<32x1000xf32>
    %add3A_726 = arith.addf %mul3A_686, %mul3A_725 : vector<32x1000xf32>
    %mul3A_727 = arith.mulf %mul3A_654, %slice3A_671 : vector<32x1000xf32>
    %slice3A_728 = vector.extract_strided_slice %get3A_562 {offsets = [384, 0], sizes = [32, 1], strides = [1, 1]} : vector<2048x1xf32> to vector<32x1xf32>
    %mul3A_729 = vector.broadcast %slice3A_728 : vector<32x1xf32> to vector<32x1000xf32>
    %mul3A_730 = arith.mulf %mul3A_727, %mul3A_729 : vector<32x1000xf32>
    %add3A_731 = arith.addf %mul3A_698, %mul3A_730 : vector<32x1000xf32>
    %mul3A_732 = arith.mulf %mul3A_654, %slice3A_672 : vector<32x1000xf32>
    %slice3A_733 = vector.extract_strided_slice %get3A_562 {offsets = [416, 0], sizes = [32, 1], strides = [1, 1]} : vector<2048x1xf32> to vector<32x1xf32>
    %mul3A_734 = vector.broadcast %slice3A_733 : vector<32x1xf32> to vector<32x1000xf32>
    %mul3A_735 = arith.mulf %mul3A_732, %mul3A_734 : vector<32x1000xf32>
    %add3A_736 = arith.addf %mul3A_694, %mul3A_735 : vector<32x1000xf32>
    %mul3A_737 = arith.mulf %mul3A_654, %slice3A_673 : vector<32x1000xf32>
    %slice3A_738 = vector.extract_strided_slice %get3A_562 {offsets = [448, 0], sizes = [32, 1], strides = [1, 1]} : vector<2048x1xf32> to vector<32x1xf32>
    %mul3A_739 = vector.broadcast %slice3A_738 : vector<32x1xf32> to vector<32x1000xf32>
    %mul3A_740 = arith.mulf %mul3A_737, %mul3A_739 : vector<32x1000xf32>
    %add3A_741 = arith.addf %mul3A_706, %mul3A_740 : vector<32x1000xf32>
    %mul3A_742 = arith.mulf %mul3A_654, %slice3A_674 : vector<32x1000xf32>
    %slice3A_743 = vector.extract_strided_slice %get3A_562 {offsets = [480, 0], sizes = [32, 1], strides = [1, 1]} : vector<2048x1xf32> to vector<32x1xf32>
    %mul3A_744 = vector.broadcast %slice3A_743 : vector<32x1xf32> to vector<32x1000xf32>
    %mul3A_745 = arith.mulf %mul3A_742, %mul3A_744 : vector<32x1000xf32>
    %add3A_746 = arith.addf %mul3A_702, %mul3A_745 : vector<32x1000xf32>
    %mul3A_747 = arith.mulf %mul3A_655, %slice3A_667 : vector<32x1000xf32>
    %slice3A_748 = vector.extract_strided_slice %get3A_562 {offsets = [512, 0], sizes = [32, 1], strides = [1, 1]} : vector<2048x1xf32> to vector<32x1xf32>
    %mul3A_749 = vector.broadcast %slice3A_748 : vector<32x1xf32> to vector<32x1000xf32>
    %mul3A_750 = arith.mulf %mul3A_747, %mul3A_749 : vector<32x1000xf32>
    %add3A_751 = arith.addf %add3A_726, %mul3A_750 : vector<32x1000xf32>
    %mul3A_752 = arith.mulf %mul3A_655, %slice3A_668 : vector<32x1000xf32>
    %slice3A_753 = vector.extract_strided_slice %get3A_562 {offsets = [544, 0], sizes = [32, 1], strides = [1, 1]} : vector<2048x1xf32> to vector<32x1xf32>
    %mul3A_754 = vector.broadcast %slice3A_753 : vector<32x1xf32> to vector<32x1000xf32>
    %mul3A_755 = arith.mulf %mul3A_752, %mul3A_754 : vector<32x1000xf32>
    %add3A_756 = arith.addf %add3A_721, %mul3A_755 : vector<32x1000xf32>
    %mul3A_757 = arith.mulf %mul3A_655, %slice3A_669 : vector<32x1000xf32>
    %slice3A_758 = vector.extract_strided_slice %get3A_562 {offsets = [576, 0], sizes = [32, 1], strides = [1, 1]} : vector<2048x1xf32> to vector<32x1xf32>
    %mul3A_759 = vector.broadcast %slice3A_758 : vector<32x1xf32> to vector<32x1000xf32>
    %mul3A_760 = arith.mulf %mul3A_757, %mul3A_759 : vector<32x1000xf32>
    %add3A_761 = arith.addf %add3A_716, %mul3A_760 : vector<32x1000xf32>
    %mul3A_762 = arith.mulf %mul3A_655, %slice3A_670 : vector<32x1000xf32>
    %slice3A_763 = vector.extract_strided_slice %get3A_562 {offsets = [608, 0], sizes = [32, 1], strides = [1, 1]} : vector<2048x1xf32> to vector<32x1xf32>
    %mul3A_764 = vector.broadcast %slice3A_763 : vector<32x1xf32> to vector<32x1000xf32>
    %mul3A_765 = arith.mulf %mul3A_762, %mul3A_764 : vector<32x1000xf32>
    %add3A_766 = arith.addf %add3A_711, %mul3A_765 : vector<32x1000xf32>
    %mul3A_767 = arith.mulf %mul3A_655, %slice3A_671 : vector<32x1000xf32>
    %slice3A_768 = vector.extract_strided_slice %get3A_562 {offsets = [640, 0], sizes = [32, 1], strides = [1, 1]} : vector<2048x1xf32> to vector<32x1xf32>
    %mul3A_769 = vector.broadcast %slice3A_768 : vector<32x1xf32> to vector<32x1000xf32>
    %mul3A_770 = arith.mulf %mul3A_767, %mul3A_769 : vector<32x1000xf32>
    %add3A_771 = arith.addf %add3A_746, %mul3A_770 : vector<32x1000xf32>
    %mul3A_772 = arith.mulf %mul3A_655, %slice3A_672 : vector<32x1000xf32>
    %slice3A_773 = vector.extract_strided_slice %get3A_562 {offsets = [672, 0], sizes = [32, 1], strides = [1, 1]} : vector<2048x1xf32> to vector<32x1xf32>
    %mul3A_774 = vector.broadcast %slice3A_773 : vector<32x1xf32> to vector<32x1000xf32>
    %mul3A_775 = arith.mulf %mul3A_772, %mul3A_774 : vector<32x1000xf32>
    %add3A_776 = arith.addf %add3A_741, %mul3A_775 : vector<32x1000xf32>
    %mul3A_777 = arith.mulf %mul3A_655, %slice3A_673 : vector<32x1000xf32>
    %slice3A_778 = vector.extract_strided_slice %get3A_562 {offsets = [704, 0], sizes = [32, 1], strides = [1, 1]} : vector<2048x1xf32> to vector<32x1xf32>
    %mul3A_779 = vector.broadcast %slice3A_778 : vector<32x1xf32> to vector<32x1000xf32>
    %mul3A_780 = arith.mulf %mul3A_777, %mul3A_779 : vector<32x1000xf32>
    %add3A_781 = arith.addf %add3A_736, %mul3A_780 : vector<32x1000xf32>
    %mul3A_782 = arith.mulf %mul3A_655, %slice3A_674 : vector<32x1000xf32>
    %slice3A_783 = vector.extract_strided_slice %get3A_562 {offsets = [736, 0], sizes = [32, 1], strides = [1, 1]} : vector<2048x1xf32> to vector<32x1xf32>
    %mul3A_784 = vector.broadcast %slice3A_783 : vector<32x1xf32> to vector<32x1000xf32>
    %mul3A_785 = arith.mulf %mul3A_782, %mul3A_784 : vector<32x1000xf32>
    %add3A_786 = arith.addf %add3A_731, %mul3A_785 : vector<32x1000xf32>
    %mul3A_787 = arith.mulf %mul3A_656, %slice3A_667 : vector<32x1000xf32>
    %slice3A_788 = vector.extract_strided_slice %get3A_562 {offsets = [768, 0], sizes = [32, 1], strides = [1, 1]} : vector<2048x1xf32> to vector<32x1xf32>
    %mul3A_789 = vector.broadcast %slice3A_788 : vector<32x1xf32> to vector<32x1000xf32>
    %mul3A_790 = arith.mulf %mul3A_787, %mul3A_789 : vector<32x1000xf32>
    %add3A_791 = arith.addf %add3A_756, %mul3A_790 : vector<32x1000xf32>
    %mul3A_792 = arith.mulf %mul3A_656, %slice3A_668 : vector<32x1000xf32>
    %slice3A_793 = vector.extract_strided_slice %get3A_562 {offsets = [800, 0], sizes = [32, 1], strides = [1, 1]} : vector<2048x1xf32> to vector<32x1xf32>
    %mul3A_794 = vector.broadcast %slice3A_793 : vector<32x1xf32> to vector<32x1000xf32>
    %mul3A_795 = arith.mulf %mul3A_792, %mul3A_794 : vector<32x1000xf32>
    %add3A_796 = arith.addf %add3A_751, %mul3A_795 : vector<32x1000xf32>
    %mul3A_797 = arith.mulf %mul3A_656, %slice3A_669 : vector<32x1000xf32>
    %slice3A_798 = vector.extract_strided_slice %get3A_562 {offsets = [832, 0], sizes = [32, 1], strides = [1, 1]} : vector<2048x1xf32> to vector<32x1xf32>
    %mul3A_799 = vector.broadcast %slice3A_798 : vector<32x1xf32> to vector<32x1000xf32>
    %mul3A_800 = arith.mulf %mul3A_797, %mul3A_799 : vector<32x1000xf32>
    %add3A_801 = arith.addf %add3A_766, %mul3A_800 : vector<32x1000xf32>
    %mul3A_802 = arith.mulf %mul3A_656, %slice3A_670 : vector<32x1000xf32>
    %slice3A_803 = vector.extract_strided_slice %get3A_562 {offsets = [864, 0], sizes = [32, 1], strides = [1, 1]} : vector<2048x1xf32> to vector<32x1xf32>
    %mul3A_804 = vector.broadcast %slice3A_803 : vector<32x1xf32> to vector<32x1000xf32>
    %mul3A_805 = arith.mulf %mul3A_802, %mul3A_804 : vector<32x1000xf32>
    %add3A_806 = arith.addf %add3A_761, %mul3A_805 : vector<32x1000xf32>
    %mul3A_807 = arith.mulf %mul3A_656, %slice3A_671 : vector<32x1000xf32>
    %slice3A_808 = vector.extract_strided_slice %get3A_562 {offsets = [896, 0], sizes = [32, 1], strides = [1, 1]} : vector<2048x1xf32> to vector<32x1xf32>
    %mul3A_809 = vector.broadcast %slice3A_808 : vector<32x1xf32> to vector<32x1000xf32>
    %mul3A_810 = arith.mulf %mul3A_807, %mul3A_809 : vector<32x1000xf32>
    %add3A_811 = arith.addf %add3A_776, %mul3A_810 : vector<32x1000xf32>
    %mul3A_812 = arith.mulf %mul3A_656, %slice3A_672 : vector<32x1000xf32>
    %slice3A_813 = vector.extract_strided_slice %get3A_562 {offsets = [928, 0], sizes = [32, 1], strides = [1, 1]} : vector<2048x1xf32> to vector<32x1xf32>
    %mul3A_814 = vector.broadcast %slice3A_813 : vector<32x1xf32> to vector<32x1000xf32>
    %mul3A_815 = arith.mulf %mul3A_812, %mul3A_814 : vector<32x1000xf32>
    %add3A_816 = arith.addf %add3A_771, %mul3A_815 : vector<32x1000xf32>
    %mul3A_817 = arith.mulf %mul3A_656, %slice3A_673 : vector<32x1000xf32>
    %slice3A_818 = vector.extract_strided_slice %get3A_562 {offsets = [960, 0], sizes = [32, 1], strides = [1, 1]} : vector<2048x1xf32> to vector<32x1xf32>
    %mul3A_819 = vector.broadcast %slice3A_818 : vector<32x1xf32> to vector<32x1000xf32>
    %mul3A_820 = arith.mulf %mul3A_817, %mul3A_819 : vector<32x1000xf32>
    %add3A_821 = arith.addf %add3A_786, %mul3A_820 : vector<32x1000xf32>
    %mul3A_822 = arith.mulf %mul3A_656, %slice3A_674 : vector<32x1000xf32>
    %slice3A_823 = vector.extract_strided_slice %get3A_562 {offsets = [992, 0], sizes = [32, 1], strides = [1, 1]} : vector<2048x1xf32> to vector<32x1xf32>
    %mul3A_824 = vector.broadcast %slice3A_823 : vector<32x1xf32> to vector<32x1000xf32>
    %mul3A_825 = arith.mulf %mul3A_822, %mul3A_824 : vector<32x1000xf32>
    %add3A_826 = arith.addf %add3A_781, %mul3A_825 : vector<32x1000xf32>
    %mul3A_827 = arith.mulf %mul3A_657, %slice3A_667 : vector<32x1000xf32>
    %slice3A_828 = vector.extract_strided_slice %get3A_562 {offsets = [1024, 0], sizes = [32, 1], strides = [1, 1]} : vector<2048x1xf32> to vector<32x1xf32>
    %mul3A_829 = vector.broadcast %slice3A_828 : vector<32x1xf32> to vector<32x1000xf32>
    %mul3A_830 = arith.mulf %mul3A_827, %mul3A_829 : vector<32x1000xf32>
    %add3A_831 = arith.addf %add3A_826, %mul3A_830 : vector<32x1000xf32>
    %mul3A_832 = arith.mulf %mul3A_657, %slice3A_668 : vector<32x1000xf32>
    %slice3A_833 = vector.extract_strided_slice %get3A_562 {offsets = [1056, 0], sizes = [32, 1], strides = [1, 1]} : vector<2048x1xf32> to vector<32x1xf32>
    %mul3A_834 = vector.broadcast %slice3A_833 : vector<32x1xf32> to vector<32x1000xf32>
    %mul3A_835 = arith.mulf %mul3A_832, %mul3A_834 : vector<32x1000xf32>
    %add3A_836 = arith.addf %add3A_821, %mul3A_835 : vector<32x1000xf32>
    %mul3A_837 = arith.mulf %mul3A_657, %slice3A_669 : vector<32x1000xf32>
    %slice3A_838 = vector.extract_strided_slice %get3A_562 {offsets = [1088, 0], sizes = [32, 1], strides = [1, 1]} : vector<2048x1xf32> to vector<32x1xf32>
    %mul3A_839 = vector.broadcast %slice3A_838 : vector<32x1xf32> to vector<32x1000xf32>
    %mul3A_840 = arith.mulf %mul3A_837, %mul3A_839 : vector<32x1000xf32>
    %add3A_841 = arith.addf %add3A_816, %mul3A_840 : vector<32x1000xf32>
    %mul3A_842 = arith.mulf %mul3A_657, %slice3A_670 : vector<32x1000xf32>
    %slice3A_843 = vector.extract_strided_slice %get3A_562 {offsets = [1120, 0], sizes = [32, 1], strides = [1, 1]} : vector<2048x1xf32> to vector<32x1xf32>
    %mul3A_844 = vector.broadcast %slice3A_843 : vector<32x1xf32> to vector<32x1000xf32>
    %mul3A_845 = arith.mulf %mul3A_842, %mul3A_844 : vector<32x1000xf32>
    %add3A_846 = arith.addf %add3A_811, %mul3A_845 : vector<32x1000xf32>
    %mul3A_847 = arith.mulf %mul3A_657, %slice3A_671 : vector<32x1000xf32>
    %slice3A_848 = vector.extract_strided_slice %get3A_562 {offsets = [1152, 0], sizes = [32, 1], strides = [1, 1]} : vector<2048x1xf32> to vector<32x1xf32>
    %mul3A_849 = vector.broadcast %slice3A_848 : vector<32x1xf32> to vector<32x1000xf32>
    %mul3A_850 = arith.mulf %mul3A_847, %mul3A_849 : vector<32x1000xf32>
    %add3A_851 = arith.addf %add3A_806, %mul3A_850 : vector<32x1000xf32>
    %mul3A_852 = arith.mulf %mul3A_657, %slice3A_672 : vector<32x1000xf32>
    %slice3A_853 = vector.extract_strided_slice %get3A_562 {offsets = [1184, 0], sizes = [32, 1], strides = [1, 1]} : vector<2048x1xf32> to vector<32x1xf32>
    %mul3A_854 = vector.broadcast %slice3A_853 : vector<32x1xf32> to vector<32x1000xf32>
    %mul3A_855 = arith.mulf %mul3A_852, %mul3A_854 : vector<32x1000xf32>
    %add3A_856 = arith.addf %add3A_801, %mul3A_855 : vector<32x1000xf32>
    %mul3A_857 = arith.mulf %mul3A_657, %slice3A_673 : vector<32x1000xf32>
    %slice3A_858 = vector.extract_strided_slice %get3A_562 {offsets = [1216, 0], sizes = [32, 1], strides = [1, 1]} : vector<2048x1xf32> to vector<32x1xf32>
    %mul3A_859 = vector.broadcast %slice3A_858 : vector<32x1xf32> to vector<32x1000xf32>
    %mul3A_860 = arith.mulf %mul3A_857, %mul3A_859 : vector<32x1000xf32>
    %add3A_861 = arith.addf %add3A_796, %mul3A_860 : vector<32x1000xf32>
    %mul3A_862 = arith.mulf %mul3A_657, %slice3A_674 : vector<32x1000xf32>
    %slice3A_863 = vector.extract_strided_slice %get3A_562 {offsets = [1248, 0], sizes = [32, 1], strides = [1, 1]} : vector<2048x1xf32> to vector<32x1xf32>
    %mul3A_864 = vector.broadcast %slice3A_863 : vector<32x1xf32> to vector<32x1000xf32>
    %mul3A_865 = arith.mulf %mul3A_862, %mul3A_864 : vector<32x1000xf32>
    %add3A_866 = arith.addf %add3A_791, %mul3A_865 : vector<32x1000xf32>
    %mul3A_867 = arith.mulf %mul3A_658, %slice3A_667 : vector<32x1000xf32>
    %slice3A_868 = vector.extract_strided_slice %get3A_562 {offsets = [1280, 0], sizes = [32, 1], strides = [1, 1]} : vector<2048x1xf32> to vector<32x1xf32>
    %mul3A_869 = vector.broadcast %slice3A_868 : vector<32x1xf32> to vector<32x1000xf32>
    %mul3A_870 = arith.mulf %mul3A_867, %mul3A_869 : vector<32x1000xf32>
    %add3A_871 = arith.addf %add3A_836, %mul3A_870 : vector<32x1000xf32>
    %mul3A_872 = arith.mulf %mul3A_658, %slice3A_668 : vector<32x1000xf32>
    %slice3A_873 = vector.extract_strided_slice %get3A_562 {offsets = [1312, 0], sizes = [32, 1], strides = [1, 1]} : vector<2048x1xf32> to vector<32x1xf32>
    %mul3A_874 = vector.broadcast %slice3A_873 : vector<32x1xf32> to vector<32x1000xf32>
    %mul3A_875 = arith.mulf %mul3A_872, %mul3A_874 : vector<32x1000xf32>
    %add3A_876 = arith.addf %add3A_831, %mul3A_875 : vector<32x1000xf32>
    %mul3A_877 = arith.mulf %mul3A_658, %slice3A_669 : vector<32x1000xf32>
    %slice3A_878 = vector.extract_strided_slice %get3A_562 {offsets = [1344, 0], sizes = [32, 1], strides = [1, 1]} : vector<2048x1xf32> to vector<32x1xf32>
    %mul3A_879 = vector.broadcast %slice3A_878 : vector<32x1xf32> to vector<32x1000xf32>
    %mul3A_880 = arith.mulf %mul3A_877, %mul3A_879 : vector<32x1000xf32>
    %add3A_881 = arith.addf %add3A_846, %mul3A_880 : vector<32x1000xf32>
    %mul3A_882 = arith.mulf %mul3A_658, %slice3A_670 : vector<32x1000xf32>
    %slice3A_883 = vector.extract_strided_slice %get3A_562 {offsets = [1376, 0], sizes = [32, 1], strides = [1, 1]} : vector<2048x1xf32> to vector<32x1xf32>
    %mul3A_884 = vector.broadcast %slice3A_883 : vector<32x1xf32> to vector<32x1000xf32>
    %mul3A_885 = arith.mulf %mul3A_882, %mul3A_884 : vector<32x1000xf32>
    %add3A_886 = arith.addf %add3A_841, %mul3A_885 : vector<32x1000xf32>
    %mul3A_887 = arith.mulf %mul3A_658, %slice3A_671 : vector<32x1000xf32>
    %slice3A_888 = vector.extract_strided_slice %get3A_562 {offsets = [1408, 0], sizes = [32, 1], strides = [1, 1]} : vector<2048x1xf32> to vector<32x1xf32>
    %mul3A_889 = vector.broadcast %slice3A_888 : vector<32x1xf32> to vector<32x1000xf32>
    %mul3A_890 = arith.mulf %mul3A_887, %mul3A_889 : vector<32x1000xf32>
    %add3A_891 = arith.addf %add3A_856, %mul3A_890 : vector<32x1000xf32>
    %mul3A_892 = arith.mulf %mul3A_658, %slice3A_672 : vector<32x1000xf32>
    %slice3A_893 = vector.extract_strided_slice %get3A_562 {offsets = [1440, 0], sizes = [32, 1], strides = [1, 1]} : vector<2048x1xf32> to vector<32x1xf32>
    %mul3A_894 = vector.broadcast %slice3A_893 : vector<32x1xf32> to vector<32x1000xf32>
    %mul3A_895 = arith.mulf %mul3A_892, %mul3A_894 : vector<32x1000xf32>
    %add3A_896 = arith.addf %add3A_851, %mul3A_895 : vector<32x1000xf32>
    %mul3A_897 = arith.mulf %mul3A_658, %slice3A_673 : vector<32x1000xf32>
    %slice3A_898 = vector.extract_strided_slice %get3A_562 {offsets = [1472, 0], sizes = [32, 1], strides = [1, 1]} : vector<2048x1xf32> to vector<32x1xf32>
    %mul3A_899 = vector.broadcast %slice3A_898 : vector<32x1xf32> to vector<32x1000xf32>
    %mul3A_900 = arith.mulf %mul3A_897, %mul3A_899 : vector<32x1000xf32>
    %add3A_901 = arith.addf %add3A_866, %mul3A_900 : vector<32x1000xf32>
    %mul3A_902 = arith.mulf %mul3A_658, %slice3A_674 : vector<32x1000xf32>
    %slice3A_903 = vector.extract_strided_slice %get3A_562 {offsets = [1504, 0], sizes = [32, 1], strides = [1, 1]} : vector<2048x1xf32> to vector<32x1xf32>
    %mul3A_904 = vector.broadcast %slice3A_903 : vector<32x1xf32> to vector<32x1000xf32>
    %mul3A_905 = arith.mulf %mul3A_902, %mul3A_904 : vector<32x1000xf32>
    %add3A_906 = arith.addf %add3A_861, %mul3A_905 : vector<32x1000xf32>
    %mul3A_907 = arith.mulf %mul3A_659, %slice3A_667 : vector<32x1000xf32>
    %slice3A_908 = vector.extract_strided_slice %get3A_562 {offsets = [1536, 0], sizes = [32, 1], strides = [1, 1]} : vector<2048x1xf32> to vector<32x1xf32>
    %mul3A_909 = vector.broadcast %slice3A_908 : vector<32x1xf32> to vector<32x1000xf32>
    %mul3A_910 = arith.mulf %mul3A_907, %mul3A_909 : vector<32x1000xf32>
    %add3A_911 = arith.addf %add3A_886, %mul3A_910 : vector<32x1000xf32>
    %mul3A_912 = arith.mulf %mul3A_659, %slice3A_668 : vector<32x1000xf32>
    %slice3A_913 = vector.extract_strided_slice %get3A_562 {offsets = [1568, 0], sizes = [32, 1], strides = [1, 1]} : vector<2048x1xf32> to vector<32x1xf32>
    %mul3A_914 = vector.broadcast %slice3A_913 : vector<32x1xf32> to vector<32x1000xf32>
    %mul3A_915 = arith.mulf %mul3A_912, %mul3A_914 : vector<32x1000xf32>
    %add3A_916 = arith.addf %add3A_881, %mul3A_915 : vector<32x1000xf32>
    %mul3A_917 = arith.mulf %mul3A_659, %slice3A_669 : vector<32x1000xf32>
    %slice3A_918 = vector.extract_strided_slice %get3A_562 {offsets = [1600, 0], sizes = [32, 1], strides = [1, 1]} : vector<2048x1xf32> to vector<32x1xf32>
    %mul3A_919 = vector.broadcast %slice3A_918 : vector<32x1xf32> to vector<32x1000xf32>
    %mul3A_920 = arith.mulf %mul3A_917, %mul3A_919 : vector<32x1000xf32>
    %add3A_921 = arith.addf %add3A_876, %mul3A_920 : vector<32x1000xf32>
    %mul3A_922 = arith.mulf %mul3A_659, %slice3A_670 : vector<32x1000xf32>
    %slice3A_923 = vector.extract_strided_slice %get3A_562 {offsets = [1632, 0], sizes = [32, 1], strides = [1, 1]} : vector<2048x1xf32> to vector<32x1xf32>
    %mul3A_924 = vector.broadcast %slice3A_923 : vector<32x1xf32> to vector<32x1000xf32>
    %mul3A_925 = arith.mulf %mul3A_922, %mul3A_924 : vector<32x1000xf32>
    %add3A_926 = arith.addf %add3A_871, %mul3A_925 : vector<32x1000xf32>
    %mul3A_927 = arith.mulf %mul3A_659, %slice3A_671 : vector<32x1000xf32>
    %slice3A_928 = vector.extract_strided_slice %get3A_562 {offsets = [1664, 0], sizes = [32, 1], strides = [1, 1]} : vector<2048x1xf32> to vector<32x1xf32>
    %mul3A_929 = vector.broadcast %slice3A_928 : vector<32x1xf32> to vector<32x1000xf32>
    %mul3A_930 = arith.mulf %mul3A_927, %mul3A_929 : vector<32x1000xf32>
    %add3A_931 = arith.addf %add3A_906, %mul3A_930 : vector<32x1000xf32>
    %mul3A_932 = arith.mulf %mul3A_659, %slice3A_672 : vector<32x1000xf32>
    %slice3A_933 = vector.extract_strided_slice %get3A_562 {offsets = [1696, 0], sizes = [32, 1], strides = [1, 1]} : vector<2048x1xf32> to vector<32x1xf32>
    %mul3A_934 = vector.broadcast %slice3A_933 : vector<32x1xf32> to vector<32x1000xf32>
    %mul3A_935 = arith.mulf %mul3A_932, %mul3A_934 : vector<32x1000xf32>
    %add3A_936 = arith.addf %add3A_901, %mul3A_935 : vector<32x1000xf32>
    %mul3A_937 = arith.mulf %mul3A_659, %slice3A_673 : vector<32x1000xf32>
    %slice3A_938 = vector.extract_strided_slice %get3A_562 {offsets = [1728, 0], sizes = [32, 1], strides = [1, 1]} : vector<2048x1xf32> to vector<32x1xf32>
    %mul3A_939 = vector.broadcast %slice3A_938 : vector<32x1xf32> to vector<32x1000xf32>
    %mul3A_940 = arith.mulf %mul3A_937, %mul3A_939 : vector<32x1000xf32>
    %add3A_941 = arith.addf %add3A_896, %mul3A_940 : vector<32x1000xf32>
    %mul3A_942 = arith.mulf %mul3A_659, %slice3A_674 : vector<32x1000xf32>
    %slice3A_943 = vector.extract_strided_slice %get3A_562 {offsets = [1760, 0], sizes = [32, 1], strides = [1, 1]} : vector<2048x1xf32> to vector<32x1xf32>
    %mul3A_944 = vector.broadcast %slice3A_943 : vector<32x1xf32> to vector<32x1000xf32>
    %mul3A_945 = arith.mulf %mul3A_942, %mul3A_944 : vector<32x1000xf32>
    %add3A_946 = arith.addf %add3A_891, %mul3A_945 : vector<32x1000xf32>
    %mul3A_947 = arith.mulf %mul3A_660, %slice3A_667 : vector<32x1000xf32>
    %slice3A_948 = vector.extract_strided_slice %get3A_562 {offsets = [1792, 0], sizes = [32, 1], strides = [1, 1]} : vector<2048x1xf32> to vector<32x1xf32>
    %mul3A_949 = vector.broadcast %slice3A_948 : vector<32x1xf32> to vector<32x1000xf32>
    %mul3A_950 = arith.mulf %mul3A_947, %mul3A_949 : vector<32x1000xf32>
    %add3A_951 = arith.addf %add3A_916, %mul3A_950 : vector<32x1000xf32>
    %mul3A_952 = arith.mulf %mul3A_660, %slice3A_668 : vector<32x1000xf32>
    %slice3A_953 = vector.extract_strided_slice %get3A_562 {offsets = [1824, 0], sizes = [32, 1], strides = [1, 1]} : vector<2048x1xf32> to vector<32x1xf32>
    %mul3A_954 = vector.broadcast %slice3A_953 : vector<32x1xf32> to vector<32x1000xf32>
    %mul3A_955 = arith.mulf %mul3A_952, %mul3A_954 : vector<32x1000xf32>
    %add3A_956 = arith.addf %add3A_911, %mul3A_955 : vector<32x1000xf32>
    %mul3A_957 = arith.mulf %mul3A_660, %slice3A_669 : vector<32x1000xf32>
    %slice3A_958 = vector.extract_strided_slice %get3A_562 {offsets = [1856, 0], sizes = [32, 1], strides = [1, 1]} : vector<2048x1xf32> to vector<32x1xf32>
    %mul3A_959 = vector.broadcast %slice3A_958 : vector<32x1xf32> to vector<32x1000xf32>
    %mul3A_960 = arith.mulf %mul3A_957, %mul3A_959 : vector<32x1000xf32>
    %add3A_961 = arith.addf %add3A_926, %mul3A_960 : vector<32x1000xf32>
    %mul3A_962 = arith.mulf %mul3A_660, %slice3A_670 : vector<32x1000xf32>
    %slice3A_963 = vector.extract_strided_slice %get3A_562 {offsets = [1888, 0], sizes = [32, 1], strides = [1, 1]} : vector<2048x1xf32> to vector<32x1xf32>
    %mul3A_964 = vector.broadcast %slice3A_963 : vector<32x1xf32> to vector<32x1000xf32>
    %mul3A_965 = arith.mulf %mul3A_962, %mul3A_964 : vector<32x1000xf32>
    %add3A_966 = arith.addf %add3A_921, %mul3A_965 : vector<32x1000xf32>
    %mul3A_967 = arith.mulf %mul3A_660, %slice3A_671 : vector<32x1000xf32>
    %slice3A_968 = vector.extract_strided_slice %get3A_562 {offsets = [1920, 0], sizes = [32, 1], strides = [1, 1]} : vector<2048x1xf32> to vector<32x1xf32>
    %mul3A_969 = vector.broadcast %slice3A_968 : vector<32x1xf32> to vector<32x1000xf32>
    %mul3A_970 = arith.mulf %mul3A_967, %mul3A_969 : vector<32x1000xf32>
    %add3A_971 = arith.addf %add3A_936, %mul3A_970 : vector<32x1000xf32>
    %mul3A_972 = arith.mulf %mul3A_660, %slice3A_672 : vector<32x1000xf32>
    %slice3A_973 = vector.extract_strided_slice %get3A_562 {offsets = [1952, 0], sizes = [32, 1], strides = [1, 1]} : vector<2048x1xf32> to vector<32x1xf32>
    %mul3A_974 = vector.broadcast %slice3A_973 : vector<32x1xf32> to vector<32x1000xf32>
    %mul3A_975 = arith.mulf %mul3A_972, %mul3A_974 : vector<32x1000xf32>
    %add3A_976 = arith.addf %add3A_931, %mul3A_975 : vector<32x1000xf32>
    %mul3A_977 = arith.mulf %mul3A_660, %slice3A_673 : vector<32x1000xf32>
    %slice3A_978 = vector.extract_strided_slice %get3A_562 {offsets = [1984, 0], sizes = [32, 1], strides = [1, 1]} : vector<2048x1xf32> to vector<32x1xf32>
    %mul3A_979 = vector.broadcast %slice3A_978 : vector<32x1xf32> to vector<32x1000xf32>
    %mul3A_980 = arith.mulf %mul3A_977, %mul3A_979 : vector<32x1000xf32>
    %add3A_981 = arith.addf %add3A_946, %mul3A_980 : vector<32x1000xf32>
    %mul3A_982 = arith.mulf %mul3A_660, %slice3A_674 : vector<32x1000xf32>
    %slice3A_983 = vector.extract_strided_slice %get3A_562 {offsets = [2016, 0], sizes = [32, 1], strides = [1, 1]} : vector<2048x1xf32> to vector<32x1xf32>
    %mul3A_984 = vector.broadcast %slice3A_983 : vector<32x1xf32> to vector<32x1000xf32>
    %mul3A_985 = arith.mulf %mul3A_982, %mul3A_984 : vector<32x1000xf32>
    %add3A_986 = arith.addf %add3A_941, %mul3A_985 : vector<32x1000xf32>
    %mul3A_987 = arith.mulf %add3A_986, %add3A_986 : vector<32x1000xf32>
    %mul3A_988 = arith.mulf %add3A_981, %add3A_981 : vector<32x1000xf32>
    %add3A_989 = arith.addf %mul3A_987, %mul3A_988 : vector<32x1000xf32>
    %mul3A_990 = arith.mulf %add3A_976, %add3A_976 : vector<32x1000xf32>
    %add3A_991 = arith.addf %add3A_989, %mul3A_990 : vector<32x1000xf32>
    %mul3A_992 = arith.mulf %add3A_971, %add3A_971 : vector<32x1000xf32>
    %add3A_993 = arith.addf %add3A_991, %mul3A_992 : vector<32x1000xf32>
    %mul3A_994 = arith.mulf %add3A_966, %add3A_966 : vector<32x1000xf32>
    %add3A_995 = arith.addf %add3A_993, %mul3A_994 : vector<32x1000xf32>
    %mul3A_996 = arith.mulf %add3A_961, %add3A_961 : vector<32x1000xf32>
    %add3A_997 = arith.addf %add3A_995, %mul3A_996 : vector<32x1000xf32>
    %mul3A_998 = arith.mulf %add3A_956, %add3A_956 : vector<32x1000xf32>
    %add3A_999 = arith.addf %add3A_997, %mul3A_998 : vector<32x1000xf32>
    %mul3A_1000 = arith.mulf %add3A_951, %add3A_951 : vector<32x1000xf32>
    %add3A_1001 = arith.addf %add3A_999, %mul3A_1000 : vector<32x1000xf32>
    %add3A_1002 = arith.constant 9.99999997E-7 : f32
    %add3A_1003 = vector.broadcast %add3A_1002 : f32 to vector<32x1000xf32>
    %add3A_1004 = arith.addf %add3A_1001, %add3A_1003 : vector<32x1000xf32>
    %sqrt3A_1005 = math.sqrt %add3A_1004 : vector<32x1000xf32>
    %reduce_sum3A_1006 = arith.constant dense<0.000000e+00> : vector<1000xf32>
    %reduce_sum3A_1007 = vector.multi_reduction <add>, %sqrt3A_1005, %reduce_sum3A_1006 [0] : vector<32x1000xf32> to vector<1000xf32>
    %broadcast_in_dim3A_1008 = vector.shape_cast %reduce_sum3A_1007 : vector<1000xf32> to vector<1x1000xf32>
    %div3A_1009 = arith.constant 3.200000e+01 : f32
    %div3A_1010 = vector.broadcast %div3A_1009 : f32 to vector<1x1000xf32>
    %div3A_1011 = arith.divf %broadcast_in_dim3A_1008, %div3A_1010 : vector<1x1000xf32>
    %div3A_1012 = arith.constant 1.000000e+00 : f32
    %div3A_1013 = vector.broadcast %div3A_1012 : f32 to vector<1x1000xf32>
    %div3A_1014 = arith.divf %div3A_1013, %div3A_1011 : vector<1x1000xf32>
    %mul3A_1015 = vector.broadcast %get3A_565 : vector<32x1xf32> to vector<32x1000xf32>
    %mul3A_1016 = arith.mulf %add3A_986, %mul3A_1015 : vector<32x1000xf32>
    %mul3A_1017 = vector.broadcast %div3A_1014 : vector<1x1000xf32> to vector<32x1000xf32>
    %mul3A_1018 = arith.mulf %mul3A_1016, %mul3A_1017 : vector<32x1000xf32>
    %mul3A_1019 = vector.broadcast %get3A_565 : vector<32x1xf32> to vector<32x1000xf32>
    %mul3A_1020 = arith.mulf %add3A_981, %mul3A_1019 : vector<32x1000xf32>
    %mul3A_1021 = vector.broadcast %div3A_1014 : vector<1x1000xf32> to vector<32x1000xf32>
    %mul3A_1022 = arith.mulf %mul3A_1020, %mul3A_1021 : vector<32x1000xf32>
    %mul3A_1023 = vector.broadcast %get3A_565 : vector<32x1xf32> to vector<32x1000xf32>
    %mul3A_1024 = arith.mulf %add3A_976, %mul3A_1023 : vector<32x1000xf32>
    %mul3A_1025 = vector.broadcast %div3A_1014 : vector<1x1000xf32> to vector<32x1000xf32>
    %mul3A_1026 = arith.mulf %mul3A_1024, %mul3A_1025 : vector<32x1000xf32>
    %mul3A_1027 = vector.broadcast %get3A_565 : vector<32x1xf32> to vector<32x1000xf32>
    %mul3A_1028 = arith.mulf %add3A_971, %mul3A_1027 : vector<32x1000xf32>
    %mul3A_1029 = vector.broadcast %div3A_1014 : vector<1x1000xf32> to vector<32x1000xf32>
    %mul3A_1030 = arith.mulf %mul3A_1028, %mul3A_1029 : vector<32x1000xf32>
    %mul3A_1031 = vector.broadcast %get3A_565 : vector<32x1xf32> to vector<32x1000xf32>
    %mul3A_1032 = arith.mulf %add3A_966, %mul3A_1031 : vector<32x1000xf32>
    %mul3A_1033 = vector.broadcast %div3A_1014 : vector<1x1000xf32> to vector<32x1000xf32>
    %mul3A_1034 = arith.mulf %mul3A_1032, %mul3A_1033 : vector<32x1000xf32>
    %mul3A_1035 = vector.broadcast %get3A_565 : vector<32x1xf32> to vector<32x1000xf32>
    %mul3A_1036 = arith.mulf %add3A_961, %mul3A_1035 : vector<32x1000xf32>
    %mul3A_1037 = vector.broadcast %div3A_1014 : vector<1x1000xf32> to vector<32x1000xf32>
    %mul3A_1038 = arith.mulf %mul3A_1036, %mul3A_1037 : vector<32x1000xf32>
    %mul3A_1039 = vector.broadcast %get3A_565 : vector<32x1xf32> to vector<32x1000xf32>
    %mul3A_1040 = arith.mulf %add3A_956, %mul3A_1039 : vector<32x1000xf32>
    %mul3A_1041 = vector.broadcast %div3A_1014 : vector<1x1000xf32> to vector<32x1000xf32>
    %mul3A_1042 = arith.mulf %mul3A_1040, %mul3A_1041 : vector<32x1000xf32>
    %mul3A_1043 = vector.broadcast %get3A_565 : vector<32x1xf32> to vector<32x1000xf32>
    %mul3A_1044 = arith.mulf %add3A_951, %mul3A_1043 : vector<32x1000xf32>
    %mul3A_1045 = vector.broadcast %div3A_1014 : vector<1x1000xf32> to vector<32x1000xf32>
    %mul3A_1046 = arith.mulf %mul3A_1044, %mul3A_1045 : vector<32x1000xf32>
    %concatenate3A_1047 = tpu.concatenate %mul3A_1018, %mul3A_1022, %mul3A_1026, %mul3A_1030, %mul3A_1034, %mul3A_1038, %mul3A_1042, %mul3A_1046 in 0 : vector<32x1000xf32>, vector<32x1000xf32>, vector<32x1000xf32>, vector<32x1000xf32>, vector<32x1000xf32>, vector<32x1000xf32>, vector<32x1000xf32>, vector<32x1000xf32> -> vector<256x1000xf32>
    %add3A_1048 = arith.addf %transpose3A, %concatenate3A_1047 : vector<256x1000xf32>
    %transpose3A_1049 = tpu.transpose %add3A_1048, [1, 0] : vector<256x1000xf32> -> vector<1000x256xf32>
    %swap3A = arith.constant 0 : index
    %swap3A_1050 = arith.constant 0 : index
    %swap3A_1051 = vector.load %arg23[%swap3A, %swap3A_1050] : memref<1000x256xf32, #tpu.memory_space<vmem>>, vector<1000x256xf32>
    tpu.vector_store %arg23[%swap3A, %swap3A_1050], %transpose3A_1049 {strides = array<i32>} : memref<1000x256xf32, #tpu.memory_space<vmem>>, vector<1000x256xf32>,
    return
  }
  func.func @transform_0(%arg0: i32) -> (i32, i32) {
    %c0_i32 = arith.constant 0 : i32
    %c0_i32_0 = arith.constant 0 : i32
    return %arg0, %c0_i32 : i32, i32
  }
  func.func @transform_1(%arg0: i32) -> (i32, i32) {
    %c0_i32 = arith.constant 0 : i32
    %c0_i32_0 = arith.constant 0 : i32
    return %arg0, %c0_i32 : i32, i32
  }
  func.func @transform_2(%arg0: i32) -> (i32, i32) {
    %c0_i32 = arith.constant 0 : i32
    %c0_i32_0 = arith.constant 0 : i32
    return %arg0, %c0_i32 : i32, i32
  }
  func.func @transform_3(%arg0: i32) -> (i32, i32) {
    %c0_i32 = arith.constant 0 : i32
    %c0_i32_0 = arith.constant 0 : i32
    return %arg0, %c0_i32 : i32, i32
  }
  func.func @transform_4(%arg0: i32) -> (i32, i32) {
    %c0_i32 = arith.constant 0 : i32
    %c0_i32_0 = arith.constant 0 : i32
    %c0_i32_1 = arith.constant 0 : i32
    return %c0_i32, %c0_i32_0 : i32, i32
  }
  func.func @transform_5(%arg0: i32) -> (i32, i32) {
    %c0_i32 = arith.constant 0 : i32
    %c0_i32_0 = arith.constant 0 : i32
    %c0_i32_1 = arith.constant 0 : i32
    return %c0_i32, %c0_i32_0 : i32, i32
  }
  func.func @transform_6(%arg0: i32) -> (i32, i32) {
    %c0_i32 = arith.constant 0 : i32
    %c0_i32_0 = arith.constant 0 : i32
    %c0_i32_1 = arith.constant 0 : i32
    return %c0_i32, %c0_i32_0 : i32, i32
  }
  func.func @transform_7(%arg0: i32) -> (i32, i32) {
    %c0_i32 = arith.constant 0 : i32
    %c0_i32_0 = arith.constant 0 : i32
    %c0_i32_1 = arith.constant 0 : i32
    return %c0_i32, %c0_i32_0 : i32, i32
  }
  func.func @transform_8(%arg0: i32) -> (i32, i32) {
    %c0_i32 = arith.constant 0 : i32
    %c0_i32_0 = arith.constant 0 : i32
    %c0_i32_1 = arith.constant 0 : i32
    return %c0_i32, %c0_i32_0 : i32, i32
  }
  func.func @transform_9(%arg0: i32) -> (i32, i32) {
    %c0_i32 = arith.constant 0 : i32
    %c0_i32_0 = arith.constant 0 : i32
    %c0_i32_1 = arith.constant 0 : i32
    return %c0_i32, %c0_i32_0 : i32, i32
  }
  func.func @transform_10(%arg0: i32) -> (i32, i32) {
    %c0_i32 = arith.constant 0 : i32
    %c0_i32_0 = arith.constant 0 : i32
    %c0_i32_1 = arith.constant 0 : i32
    return %c0_i32, %c0_i32_0 : i32, i32
  }
  func.func @transform_11(%arg0: i32) -> (i32, i32) {
    %c0_i32 = arith.constant 0 : i32
    %c0_i32_0 = arith.constant 0 : i32
    %c0_i32_1 = arith.constant 0 : i32
    return %c0_i32, %c0_i32_0 : i32, i32
  }
  func.func @transform_12(%arg0: i32) -> (i32, i32) {
    %c0_i32 = arith.constant 0 : i32
    %c0_i32_0 = arith.constant 0 : i32
    %c0_i32_1 = arith.constant 0 : i32
    return %c0_i32, %c0_i32_0 : i32, i32
  }
  func.func @transform_13(%arg0: i32) -> (i32, i32) {
    %c0_i32 = arith.constant 0 : i32
    %c0_i32_0 = arith.constant 0 : i32
    %c0_i32_1 = arith.constant 0 : i32
    return %c0_i32, %c0_i32_0 : i32, i32
  }
  func.func @transform_14(%arg0: i32) -> (i32, i32) {
    %c0_i32 = arith.constant 0 : i32
    %c0_i32_0 = arith.constant 0 : i32
    %c0_i32_1 = arith.constant 0 : i32
    return %c0_i32, %c0_i32_0 : i32, i32
  }
  func.func @transform_15(%arg0: i32) -> (i32, i32) {
    %c0_i32 = arith.constant 0 : i32
    %c0_i32_0 = arith.constant 0 : i32
    %c0_i32_1 = arith.constant 0 : i32
    return %c0_i32, %c0_i32_0 : i32, i32
  }
  func.func @transform_16(%arg0: i32) -> (i32, i32) {
    %c0_i32 = arith.constant 0 : i32
    %c0_i32_0 = arith.constant 0 : i32
    %c0_i32_1 = arith.constant 0 : i32
    return %c0_i32, %c0_i32_0 : i32, i32
  }
  func.func @transform_17(%arg0: i32) -> (i32, i32) {
    %c0_i32 = arith.constant 0 : i32
    %c0_i32_0 = arith.constant 0 : i32
    %c0_i32_1 = arith.constant 0 : i32
    return %c0_i32, %c0_i32_0 : i32, i32
  }
  func.func @transform_18(%arg0: i32) -> (i32, i32) {
    %c0_i32 = arith.constant 0 : i32
    %c0_i32_0 = arith.constant 0 : i32
    %c0_i32_1 = arith.constant 0 : i32
    return %c0_i32, %c0_i32_0 : i32, i32
  }
  func.func @transform_19(%arg0: i32) -> (i32, i32) {
    %c0_i32 = arith.constant 0 : i32
    %c0_i32_0 = arith.constant 0 : i32
    %c0_i32_1 = arith.constant 0 : i32
    return %c0_i32, %c0_i32_0 : i32, i32
  }
  func.func @transform_20(%arg0: i32) -> (i32, i32) {
    %c0_i32 = arith.constant 0 : i32
    %c0_i32_0 = arith.constant 0 : i32
    %c0_i32_1 = arith.constant 0 : i32
    return %c0_i32, %c0_i32_0 : i32, i32
  }
  func.func @transform_21(%arg0: i32) -> (i32, i32) {
    %c0_i32 = arith.constant 0 : i32
    %c0_i32_0 = arith.constant 0 : i32
    %c0_i32_1 = arith.constant 0 : i32
    return %c0_i32, %c0_i32_0 : i32, i32
  }
  func.func @transform_22(%arg0: i32) -> (i32, i32) {
    %c0_i32 = arith.constant 0 : i32
    %c0_i32_0 = arith.constant 0 : i32
    return %arg0, %c0_i32 : i32, i32
  }
}

</mosaic_0001>

<sc_bundles>
// kernel: kernel.10.cloned.1.call-start
scs
__scs_entry_jumppad:
0x0: {  	(pc) =	sbr.rel $0x88, $3  }
0x1: {  	(tag) =	ssettag $0x0;
	lr =	simm.s32 $0x1  }
0x2: {  	[smem:$0x3F83] =	sst lr;
	_ =	strace $0xD0000000  }
0x3: {  	_ = 	snop  }
0x4: {  	_ = 	snop  }
0x5: {  	_ = 	snop  }
0x6: {  	_ = 	snop  }
0x7: {  	_ = 	snop  }
__scs_overlays_trampoline_lowered:
0x8: {  	[smem:$0x3F92] =	sst s0  }
0x9: {  	[smem:$0x3F93] =	sst s1  }
0xa: {  	[smem:$0x3F94] =	sst s2  }
0xb: {  	[smem:$0x3F95] =	sst s3  }
0xc: {  	[smem:$0x3F96] =	sst s4  }
0xd: {  	[smem:$0x3F97] =	sst s5  }
0xe: {  	[smem:$0x3F98] =	sst s6  }
0xf: {  	[smem:$0x3F99] =	sst s7  }
0x10: {  	[smem:$0x3F9A] =	sst s8  }
0x11: {  	[smem:$0x3F9B] =	sst s9;
	s0 =	simm.s32 @!p0 $0x0  }
0x12: {  	s1 =	sld [smem:$0x3F81];
	s0 =	simm.s32 @p0 $0x1  }
0x13: {  	[smem:$0x3F9C] =	sst s0;
	s0 =	simm.s32 @!p1 $0x0  }
0x14: {  	s2 =	sld [smem:$0x3F80];
	s0 =	simm.s32 @p1 $0x1  }
0x15: {  	[smem:$0x3F9D] =	sst s0;
	s0 =	simm.s32 @!p2 $0x0  }
0x16: {  	s3 =	sld [smem:$0x3FDB];
	s0 =	simm.s32 @p2 $0x1  }
0x17: {  	s4 =	simm.s32 $0x1BF5;
	[smem:$0x3F9F] =	sst s0  }
0x18: {  	s0 =	sld [smem:$0x3F82];
	_ =	swait.ge [sflag:s4], $0x0  }
0x19: {  	s7 =	sld [smem:$0x3F83]  }
0x1a: {  	s8 =	sadd.s32 $0xFFFFE003, lr  }
0x1b: {  	s9 =	sadd.s32 $0xFFFFFEF7, lr;
	s5 =	simm.s32 $0xFFFFFFFF;
	p2 =	slt.u32 s8, $0xFFFFF086  }
0x1c: {  	p1 =	slt.u32 s9, $0xF7A;
	s5 =	simm.s32 @!p2 $0x0  }
0x1d: {  	s5 =	simm.s32 @p1 $0x1;
	p0 =	seq.s32 s7, s2  }
0x1e: {  	s7 =	smul.u32 @!p0 $0xF7A, s2;
	p2 =	seq.s32 @!p0 s5, $0x0  }
0x1f: {  	s9 =	smul.u32 $0xF7A, s1;
	s8 =	simm.s32 @!p0 $0x1BF5;
	p2 =	por !p2, p0  }
0x20: {  	[sflag:s8] =	ssyncset.s32 @!p0 $0xFFFFF086;
	s6 =	sadd.s32 @!p0 s3, s7;
	s7 =	simm.s32 @!p0 $0x108  }
0x21: {  	s3 =	sadd.s32 s3, s9;
	s6 =	sadd.s32 @!p0 $0x88, s6;
	s7 =	simm.s32 @p2 $0x1082  }
0x22: {  	[simem:s7], [sflag:s8] =	dma.local @!p0 [hbm:s6], $0xF7A  }
0x23: {  	s9 =	sor.u32 $0xD0000000, s2;
	s6 =	simm.s32 $0x108;
	_ =	swait.ge @!p0 [sflag:s8], $0x0  }
0x24: {  	s3 =	sadd.s32 $0x88, s3;
	s6 =	simm.s32 @!p1 $0x1082;
	[sflag:s4] =	ssyncset.s32 $0xFFFFF086  }
0x25: {  	[simem:s6], [sflag:s4] =	dma.local [hbm:s3], $0xF7A  }
0x26: {  	[smem:$0x3F83] =	sst s1;
	(tag) =	ssettag s2;
	_ =	strace s9  }
0x27: {  	s1 =	sld [smem:$0x3F93]  }
0x28: {  	s2 =	sld [smem:$0x3F94]  }
0x29: {  	s4 =	sld [smem:$0x3F96]  }
0x2a: {  	p0 =	seq.s32 s5, $0x0;
	s5 =	sld [smem:$0x3F97]  }
0x2b: {  	s6 =	sld [smem:$0x3F98]  }
0x2c: {  	s7 =	sld [smem:$0x3F99]  }
0x2d: {  	s3 =	simm.s32 $0x108;
	s8 =	sld [smem:$0x3F9A]  }
0x2e: {  	s3 =	simm.s32 @!p0 $0x1082;
	s9 =	sld [smem:$0x3F9B]  }
0x2f: {  	lr =	sadd.s32 s0, s3;
	s0 =	sld [smem:$0x3F92]  }
0x30: {  	s3 =	sld [smem:$0x3F95]  }
0x31: {  	[smem:$0x3F9E] =	sst s10  }
0x32: {  	s10 =	sld [smem:$0x3F9C];
	_ =	sdelay $0x3  }
0x33: {  	p0 =	seq.s32 s10, $0x1;
	s10 =	sld [smem:$0x3F9E];
	_ =	sdelay $0x3  }
0x34: {  	[smem:$0x3F9E] =	sst s10  }
0x35: {  	s10 =	sld [smem:$0x3F9D];
	_ =	sdelay $0x3  }
0x36: {  	p1 =	seq.s32 s10, $0x1;
	s10 =	sld [smem:$0x3F9E];
	_ =	sdelay $0x3  }
0x37: {  	[smem:$0x3F9E] =	sst s10  }
0x38: {  	s10 =	sld [smem:$0x3F9F]  }
0x39: {  	_ = 	snop;
	(pc) =	sbr.ind lr, $3  }
0x3a: {  	_ = 	snop  }
0x3b: {  	_ = 	snop  }
0x3c: {  	p2 =	seq.s32 s10, $0x1;
	s10 =	sld [smem:$0x3F9E]  }
0x3d: {  	_ =	shalt  }
0x3e: {  	_ =	shalt  }
0x3f: {  	_ =	shalt  }
0x40: {  	_ =	shalt  }
0x41: {  	_ =	shalt  }
0x42: {  	_ =	shalt  }
0x43: {  	_ =	shalt  }
0x44: {  	_ =	shalt  }
0x45: {  	_ =	shalt  }
0x46: {  	_ =	shalt  }
0x47: {  	_ =	shalt  }
0x48: {  	_ =	shalt  }
0x49: {  	_ =	shalt  }
0x4a: {  	_ =	shalt  }
0x4b: {  	_ =	shalt  }
0x4c: {  	_ =	shalt  }
0x4d: {  	_ =	shalt  }
0x4e: {  	_ =	shalt  }
0x4f: {  	_ =	shalt  }
0x50: {  	_ =	shalt  }
0x51: {  	_ =	shalt  }
0x52: {  	_ =	shalt  }
0x53: {  	_ =	shalt  }
0x54: {  	_ =	shalt  }
0x55: {  	_ =	shalt  }
0x56: {  	_ =	shalt  }
0x57: {  	_ =	shalt  }
0x58: {  	_ =	shalt  }
0x59: {  	_ =	shalt  }
0x5a: {  	_ =	shalt  }
0x5b: {  	_ =	shalt  }
0x5c: {  	_ =	shalt  }
0x5d: {  	_ =	shalt  }
0x5e: {  	_ =	shalt  }
0x5f: {  	_ =	shalt  }
0x60: {  	_ =	shalt  }
0x61: {  	_ =	shalt  }
0x62: {  	_ =	shalt  }
0x63: {  	_ =	shalt  }
0x64: {  	_ =	shalt  }
0x65: {  	_ =	shalt  }
0x66: {  	_ =	shalt  }
0x67: {  	_ =	shalt  }
0x68: {  	_ =	shalt  }
0x69: {  	_ =	shalt  }
0x6a: {  	_ =	shalt  }
0x6b: {  	_ =	shalt  }
0x6c: {  	_ =	shalt  }
0x6d: {  	_ =	shalt  }
0x6e: {  	_ =	shalt  }
0x6f: {  	_ =	shalt  }
0x70: {  	_ =	shalt  }
0x71: {  	_ =	shalt  }
0x72: {  	_ =	shalt  }
0x73: {  	_ =	shalt  }
0x74: {  	_ =	shalt  }
0x75: {  	_ =	shalt  }
0x76: {  	_ =	shalt  }
0x77: {  	_ =	shalt  }
0x78: {  	_ =	shalt  }
0x79: {  	_ =	shalt  }
0x7a: {  	_ =	shalt  }
0x7b: {  	_ =	shalt  }
0x7c: {  	_ =	shalt  }
0x7d: {  	_ =	shalt  }
0x7e: {  	_ =	shalt  }
0x7f: {  	_ =	shalt  }
0x80: {  	_ =	shalt  }
0x81: {  	_ =	shalt  }
0x82: {  	_ =	shalt  }
0x83: {  	_ =	shalt  }
0x84: {  	_ =	shalt  }
0x85: {  	_ =	shalt  }
0x86: {  	_ =	shalt  }
0x87: {  	_ =	shalt  }
.Lfunc_end0:
.L_simem_size_0:
called_computation.1_lowered:
.L_overlay_start_0:
0x88: {  	s2 =	sld [smem:$0x3FD9]  }
0x89: {  	s3 =	sld [smem:$0x3FFE];
	_ =	sdelay $0x1  }
0x8a: {  	s1 =	srdreg.scid  }
0x8b: {  	s0 =	sand.u32 $0x1, s1  }
0x8c: {  	s17 =	sshll.u32 s0, $0xA;
	s2 =	sadd.s32 s3, s2  }
0x8d: {  	s2 =	sadd.s32 s2, s17  }
0x8e: {  	[smem:$0x3FAA] =	sst s2  }
0x8f: {  	_ = 	snop  }
0x90: {  	(tm) =	ssettm $0x1  }
0x91: {  	s18 =	sld [smem:$0x3FFB];
	_ =	sdelay $0x3  }
0x92: {  	_ =	strace s18  }
0x93: {  	s2 =	sld [smem:$0x3FFC];
	_ =	sdelay $0x3  }
0x94: {  	_ =	strace s2  }
0x95: {  	s2 =	sld [smem:$0x3FFD];
	_ =	sdelay $0x3  }
0x96: {  	_ =	strace s2  }
0x97: {  	_ =	strace $0x8FFFFFFF  }
0x98: {  	s19 =	sld [smem:$0x3FDB];
	_ =	sdelay $0x1  }
0x99: {  	s20 =	simm.s32 $_scs_section_size  }
0x9a: {  	s4 =	simm.s32 $_size__tile_overlayer_lowered;
	s5 =	simm.s32 $_tile_overlayer_lowered  }
0x9b: {  	s6 =	simm.s32 $0x1BFF;
	s21 =	sshll.u32 s5, $0x1;
	s3 =	sadd.s32 s20, s19  }
0x9c: {  	s22 =	simm.s32 $0x0;
	s4 =	sshll.u32 s4, $0x1;
	s5 =	sadd.s32 s21, s3  }
0x9d: {  	[timem:s22], [sflag:s6] =	dma.local [hbm:s5], s4  }
0x9e: {  	_ =	swait.ge [sflag:s6], s4  }
0x9f: {  	s4 =	ssub.s32 $0x0, s4;
	[sflag:s6] =	ssyncset.done $0x0  }
0xa0: {  	[sflag:s6] =	ssyncadd.s32 s4;
	_ =	sdelay $0x1  }
0xa1: {  	s23 =	simm.s32 $0x1B8B  }
0xa2: {  	_ =	swait.ge [sflag:s23], $0x1  }
0xa3: {  	[sflag:s23] =	ssyncset.done $0x0  }
0xa4: {  	[sflag:s23] =	ssyncadd.s32 $0xFFFFFFFF  }
0xa5: {  	s4 =	sld [smem:$0x0]  }
0xa6: {  	s5 =	sand.u32 $0xFFFFFFFE, s1  }
0xa7: {  	p0 =	sne.s32 s1, s5  }
0xa8: {  	s5 =	sshll.u32 @p0 s5, $0xE  }
0xa9: {  	s5 =	sadd.s32 @p0 $0x11B8D, s5;
	s6 =	sshll.u32 @p0 s4, $0x11  }
0xaa: {  	s5 =	sor.u32 @p0 s6, s5  }
0xab: {  	[sflag:s5] =	ssyncadd.remote.s32 @p0 $0x1;
	_ =	sdelay $0x1  }
0xac: {  	s5 =	simm.s32 @p0 $0x1B8D  }
0xad: {  	_ =	swait.eq @p0 [sflag:s5], $0x1  }
0xae: {  	[sflag:s5] =	ssyncadd.s32 @p0 $0xFFFFFFFF  }
0xaf: {  	s6 =	sshll.u32 @!p0 s1, $0xE  }
0xb0: {  	s6 =	sor.u32 @!p0 $0x4000, s6;
	s5 =	simm.s32 @!p0 $0x1B8D  }
0xb1: {  	s4 =	sshll.u32 @!p0 s4, $0x11;
	s6 =	sadd.s32 @!p0 $0x11B8D, s6;
	_ =	swait.eq @!p0 [sflag:s5], $0x1  }
0xb2: {  	s4 =	sor.u32 @!p0 s4, s6;
	[sflag:s5] =	ssyncadd.s32 @!p0 $0xFFFFFFFF  }
0xb3: {  	s25 =	simm.s32 $0x1B8E;
	s24 =	sld [smem:$0x3FFE];
	[sflag:s4] =	ssyncadd.remote.s32 @!p0 $0x1  }
0xb4: {  	s26 =	simm.s32 $execute0_lowered;
	[smem:$0x3FD2] =	sst s25  }
0xb5: {  	s5 =	sshll.u32 s26, $0x1;
	_ =	strace $0x80000049;
	[dreg:$0x1] =	wrdreg $0xFFFFFFFF  }
0xb6: {  	s28 =	simm.s32 $_size_execute0_lowered;
	s3 =	sadd.s32 s3, s5;
	[dreg:$0x0] =	wrdreg $0x0  }
0xb7: {  	s5 =	sshll.u32 s28, $0x1;
	[dreg:$0x2] =	wrdreg s3  }
0xb8: {  	[dreg:$0x3] =	wrdreg s5  }
0xb9: {  	[dreg:$0x4] =	wrdreg $0xC0  }
0xba: {  	_ =	task [dreg:s22], $0x5FFFF  }
0xbb: {  	[dreg:$0x1] =	wrdreg $0xFFFFFFFF  }
0xbc: {  	[dreg:$0x0] =	wrdreg $0x60  }
0xbd: {  	[dreg:$0x2] =	wrdreg s24  }
0xbe: {  	[dreg:$0x3] =	wrdreg $0x58800  }
0xbf: {  	[dreg:$0x4] =	wrdreg $0x9  }
0xc0: {  	_ =	task.clear_ibuf [dreg:s22], $0x5FFFF;
	_ =	strace $0x90000049  }
0xc1: {  	s29 =	simm.s32 $0x9;
	_ =	strace $0x8000004B  }
0xc2: {  	_ =	swait.ge [sflag:s29], $0x1  }
0xc3: {  	[sflag:s29] =	ssyncadd.s32 $0xFFFFFFFF  }
0xc4: {  	_ =	strace $0x9000004B  }
0xc5: {  	_ =	sfence  }
0xc6: {  	s30 =	sld [smem:$0x0];
	_ =	sdelay $0x2  }
0xc7: {  	s31 =	sshll.u32 s1, $0xD;
	s1 =	sshrl.u32 s1, $0x2  }
0xc8: {  	s4 =	sand.u32 $0x4000, s31;
	s1 =	sadd.s32 s1, s30  }
0xc9: {  	s0 =	sor.u32 s4, s0;
	s1 =	sshll.u32 s1, $0x11  }
0xca: {  	s0 =	sor.u32 s1, s0  }
0xcb: {  	s0 =	sadd.s32 $0x8F2B, s0  }
0xcc: {  	[sflag:s0] =	ssyncadd.remote.s32 $0x1  }
0xcd: {  	_ =	sfence.sel $0xFFFF  }
0xce: {  	[dreg:$0x0] =	wrdreg $0xFFFFFFFF;
	(pc) =	sbr.abs _section_cstart, $3  }
0xcf: {  	[dreg:$0x1] =	wrdreg $0xFFFFFFFF  }
0xd0: {  	_ =	task.clear_ibuf [dreg:s22], $0x2FFFF;
	_ =	strace $0x9FFFFFFF  }
0xd1: {  	(tm) =	ssettm $0x7FFFFFFF  }
tec
execute0_lowered:
.L_overlay_start_1:
0x0: {  	(tag) =	ssettag $0x1  }
0x1: {  	s4 =	rddreg [dreg:$0x0]  }
0x2: {  	s2 =	rddreg [dreg:$0x1]  }
0x3: {  	s0 =	rddreg [dreg:$0x2]  }
0x4: {  	s3 =	simm.s32 $0x0;
	s1 =	stileid.u32;
	s5 =	srdreg.scid  }
0x5: {  	[smem:$0x7FF] =	sst s3;
	s6 =	smul.u32 $0x4E000, s1  }
0x6: {  	s7 =	sshll.u32 s1, $0x5;
	s19 =	sand.u32 $0x1, s5;
	s21 =	sadd.s32 $0x4F1600, s4  }
0x7: {  	s24 =	smul.u32 $0x13800, s1;
	s18 =	sadd.s32 $0x138000, s2;
	p0 =	sne.s32 s1, $0xF  }
0x8: {  	_ =	strace $0x8000004A;
	s20 =	sadd.s32 s7, s4;
	s5 =	ssub.s32 $0x2, s19  }
0x9: {  	s23 =	smul.u32 $0x138800, s19;
	s25 =	sshll.u32 s19, $0x4;
	s6 =	sshrl.u32 s6, $0x2  }
0xa: {  	s30 =	sshrl.u32 s5, $0x1;
	s31 =	sadd.s32 s25, s20;
	s4 =	sadd.s32 s6, s2  }
0xb: {  	s22 =	ssub.s32 s5, s30;
	s5 =	sshll.u32 s1, $0x1;
	s24 =	sadd.s32 s24, s23  }
0xc: {  	s23 =	sshrl.u32 s23, $0x3;
	s6 =	sadd.s32 $0x1800, s4;
	s7 =	sadd.s32 $0x3000, s4  }
0xd: {  	s8 =	sadd.s32 $0x4800, s4;
	s9 =	sadd.s32 $0x6000, s4;
	s10 =	sadd.s32 $0x7800, s4  }
0xe: {  	s11 =	sadd.s32 $0x9000, s4;
	s12 =	sadd.s32 $0xA800, s4;
	s13 =	sadd.s32 $0xC000, s4  }
0xf: {  	s14 =	sadd.s32 $0xD800, s4;
	s15 =	sadd.s32 $0xF000, s4;
	s24 =	sshrl.u32 s24, $0x3  }
0x10: {  	s16 =	sadd.s32 $0x10800, s4;
	s17 =	sadd.s32 $0x12000, s4;
	s19 =	sadd.s32 s21, s24  }
0x11: {  	s21 =	sadd.s32 s21, s23;
	s23 =	simm.s32 $0x4080;
	s24 =	simm.s32 $0x1  }
0x12: {  	v0 =	vimm.f32 $0.0e+00;
	v1 =	vimm.f32 $1.000000000e+00;
	s20 =	sadd.s32 $0x27000, s21;
	s21 =	smax.u32 s22, $0x1;
	s22 =	sadd.s32 $0xA600, s31  }
.LBB2_1:
0x13: {  	s25 =	simm.s32 $0x0;
	s26 =	simm.s32 $0x200  }
.LBB2_2:
0x14: {  	p1 =	sne.s32 s26, $0x5E00;
	[tilespmem:s25+$0x40F0] =	vst v0  }
0x15: {  	[tilespmem:s25+$0x4080] =	vst v0  }
0x16: {  	[tilespmem:s25+$0x4090] =	vst v0  }
.Ltmp0:
0x17: {  	[tilespmem:s25+$0x40A0] =	vst v0;
	(pc) =	sbr.rel @p1 .LBB2_2-.Ltmp0, $4  }
0x18: {  	[tilespmem:s25+$0x40B0] =	vst v0  }
0x19: {  	[tilespmem:s25+$0x40C0] =	vst v0  }
0x1a: {  	[tilespmem:s25+$0x40D0] =	vst v0  }
0x1b: {  	[tilespmem:s25+$0x40E0] =	vst v0;
	s25 =	sshra.s32 s26, $0x2;
	s26 =	sadd.s32 $0x200, s26  }
0x1c: {  	[tilespmem:s25+$0x40F0] =	vst v0  }
0x1d: {  	[tilespmem:s25+$0x4080] =	vst v0  }
0x1e: {  	[tilespmem:s25+$0x4090] =	vst v0  }
0x1f: {  	[tilespmem:s25+$0x40A0] =	vst v0  }
0x20: {  	[tilespmem:s25+$0x40B0] =	vst v0  }
0x21: {  	[tilespmem:s25+$0x40C0] =	vst v0  }
0x22: {  	[tilespmem:s25+$0x40D0] =	vst v0  }
0x23: {  	[tilespmem:s25+$0x40E0] =	vst v0  }
0x24: {  	[spmem:s4] =	stream.linear.scatter [tilespmem:s23], [sflag:$0x1], $0x1800, $0x38;
	[tilespmem:$0x19100] =	vst v63  }
0x25: {  	_ =	swait.ge [sflag:s24], $0x1800  }
0x26: {  	[sflag:s24] =	ssyncset.done $0x0  }
0x27: {  	[sflag:s24] =	ssyncadd.s32 $0xFFFFE800  }
0x28: {  	[spmem:s6] =	stream.linear.scatter [tilespmem:s23], [sflag:$0x1], $0x1800, $0x38;
	[tilespmem:$0x19100] =	vst v63  }
0x29: {  	_ =	swait.ge [sflag:s24], $0x1800  }
0x2a: {  	[sflag:s24] =	ssyncset.done $0x0  }
0x2b: {  	[sflag:s24] =	ssyncadd.s32 $0xFFFFE800  }
0x2c: {  	[spmem:s7] =	stream.linear.scatter [tilespmem:s23], [sflag:$0x1], $0x1800, $0x38;
	[tilespmem:$0x19100] =	vst v63  }
0x2d: {  	_ =	swait.ge [sflag:s24], $0x1800  }
0x2e: {  	[sflag:s24] =	ssyncset.done $0x0  }
0x2f: {  	[sflag:s24] =	ssyncadd.s32 $0xFFFFE800  }
0x30: {  	[spmem:s8] =	stream.linear.scatter [tilespmem:s23], [sflag:$0x1], $0x1800, $0x38;
	[tilespmem:$0x19100] =	vst v63  }
0x31: {  	_ =	swait.ge [sflag:s24], $0x1800  }
0x32: {  	[sflag:s24] =	ssyncset.done $0x0  }
0x33: {  	[sflag:s24] =	ssyncadd.s32 $0xFFFFE800  }
0x34: {  	[spmem:s9] =	stream.linear.scatter [tilespmem:s23], [sflag:$0x1], $0x1800, $0x38;
	[tilespmem:$0x19100] =	vst v63  }
0x35: {  	_ =	swait.ge [sflag:s24], $0x1800  }
0x36: {  	[sflag:s24] =	ssyncset.done $0x0  }
0x37: {  	[sflag:s24] =	ssyncadd.s32 $0xFFFFE800  }
0x38: {  	[spmem:s10] =	stream.linear.scatter [tilespmem:s23], [sflag:$0x1], $0x1800, $0x38;
	[tilespmem:$0x19100] =	vst v63  }
0x39: {  	_ =	swait.ge [sflag:s24], $0x1800  }
0x3a: {  	[sflag:s24] =	ssyncset.done $0x0  }
0x3b: {  	[sflag:s24] =	ssyncadd.s32 $0xFFFFE800  }
0x3c: {  	[spmem:s11] =	stream.linear.scatter [tilespmem:s23], [sflag:$0x1], $0x1800, $0x38;
	[tilespmem:$0x19100] =	vst v63  }
0x3d: {  	_ =	swait.ge [sflag:s24], $0x1800  }
0x3e: {  	[sflag:s24] =	ssyncset.done $0x0  }
0x3f: {  	[sflag:s24] =	ssyncadd.s32 $0xFFFFE800  }
0x40: {  	[spmem:s12] =	stream.linear.scatter [tilespmem:s23], [sflag:$0x1], $0x1800, $0x38;
	[tilespmem:$0x19100] =	vst v63  }
0x41: {  	_ =	swait.ge [sflag:s24], $0x1800  }
0x42: {  	[sflag:s24] =	ssyncset.done $0x0  }
0x43: {  	[sflag:s24] =	ssyncadd.s32 $0xFFFFE800  }
0x44: {  	[spmem:s13] =	stream.linear.scatter [tilespmem:s23], [sflag:$0x1], $0x1800, $0x38;
	[tilespmem:$0x19100] =	vst v63  }
0x45: {  	_ =	swait.ge [sflag:s24], $0x1800  }
0x46: {  	[sflag:s24] =	ssyncset.done $0x0  }
0x47: {  	[sflag:s24] =	ssyncadd.s32 $0xFFFFE800  }
0x48: {  	[spmem:s14] =	stream.linear.scatter [tilespmem:s23], [sflag:$0x1], $0x1800, $0x38;
	[tilespmem:$0x19100] =	vst v63  }
0x49: {  	_ =	swait.ge [sflag:s24], $0x1800  }
0x4a: {  	[sflag:s24] =	ssyncset.done $0x0  }
0x4b: {  	[sflag:s24] =	ssyncadd.s32 $0xFFFFE800  }
0x4c: {  	[spmem:s15] =	stream.linear.scatter [tilespmem:s23], [sflag:$0x1], $0x1800, $0x38;
	[tilespmem:$0x19100] =	vst v63  }
0x4d: {  	_ =	swait.ge [sflag:s24], $0x1800  }
0x4e: {  	[sflag:s24] =	ssyncset.done $0x0  }
0x4f: {  	[sflag:s24] =	ssyncadd.s32 $0xFFFFE800  }
0x50: {  	[spmem:s16] =	stream.linear.scatter [tilespmem:s23], [sflag:$0x1], $0x1800, $0x38;
	[tilespmem:$0x19100] =	vst v63  }
0x51: {  	_ =	swait.ge [sflag:s24], $0x1800  }
0x52: {  	[sflag:s24] =	ssyncset.done $0x0  }
0x53: {  	[sflag:s24] =	ssyncadd.s32 $0xFFFFE800  }
0x54: {  	[spmem:s17] =	stream.linear.scatter [tilespmem:s23], [sflag:$0x1], $0x1800, $0x38;
	[tilespmem:$0x19100] =	vst v63  }
0x55: {  	_ =	swait.ge [sflag:s24], $0x1800  }
0x56: {  	[sflag:s24] =	ssyncset.done $0x0  }
0x57: {  	s25 =	simm.s32 @!p0 $0x4080;
	[sflag:s24] =	ssyncadd.s32 $0xFFFFE800  }
0x58: {  	[spmem:s18] =	stream.linear.scatter @!p0 [tilespmem:s25], [sflag:$0x1], $0x800, $0x38;
	[tilespmem:$0x19100] =	vst v63  }
0x59: {  	s25 =	simm.s32 @!p0 $0x1  }
0x5a: {  	_ =	swait.ge @!p0 [sflag:s25], $0x800  }
0x5b: {  	[sflag:s25] =	ssyncset.done @!p0 $0x0  }
0x5c: {  	s26 =	simm.s32 $0x200;
	[sflag:s25] =	ssyncadd.s32 @!p0 $0xFFFFF800;
	s25 =	simm.s32 $0x0  }
.LBB2_4:
0x5d: {  	p1 =	sne.s32 s26, $0xFE00;
	[tilespmem:s25+$0xF0] =	vst v1  }
0x5e: {  	[tilespmem:s25+$0x80] =	vst v1  }
0x5f: {  	[tilespmem:s25+$0x90] =	vst v1  }
.Ltmp1:
0x60: {  	[tilespmem:s25+$0xA0] =	vst v1;
	(pc) =	sbr.rel @p1 .LBB2_4-.Ltmp1, $4  }
0x61: {  	[tilespmem:s25+$0xB0] =	vst v1  }
0x62: {  	[tilespmem:s25+$0xC0] =	vst v1  }
0x63: {  	[tilespmem:s25+$0xD0] =	vst v1  }
0x64: {  	[tilespmem:s25+$0xE0] =	vst v1;
	s25 =	sshra.s32 s26, $0x2;
	s26 =	sadd.s32 $0x200, s26  }
0x65: {  	[tilespmem:s25+$0xF0] =	vst v1  }
0x66: {  	[tilespmem:s25+$0x80] =	vst v1  }
0x67: {  	[tilespmem:s25+$0x90] =	vst v1  }
0x68: {  	[tilespmem:s25+$0xA0] =	vst v1  }
0x69: {  	[tilespmem:s25+$0xB0] =	vst v1  }
0x6a: {  	[tilespmem:s25+$0xC0] =	vst v1  }
0x6b: {  	[tilespmem:s25+$0xD0] =	vst v1;
	s26 =	sadd.s32 $0x0, s5  }
0x6c: {  	[tilespmem:s25+$0xE0] =	vst v1;
	p1 =	sgt.u32 s26, $0x4E1  }
0x6d: {  	[bflag:$0x0] =	sbarrier.arrive $0xFFFF;
	s26 =	simm.s32 @!p1 $0x0;
	s28 =	simm.s32 @!p1 $0x2  }
0x6e: {  	[tilespmem:s26], [sflag:$0x2] =	stream.linear.gather @!p1 [hbm4b:s22+s26], $0x80, $0x38;
	[tilespmem:$0x19100] =	vst v63  }
0x6f: {  	_ =	swait.ge @!p1 [sflag:s28], $0x80  }
0x70: {  	s25 =	simm.s32 $0x40;
	[sflag:s28] =	ssyncset.done @!p1 $0x0  }
0x71: {  	s29 =	simm.s32 @!p1 $0x80;
	[sflag:s28] =	ssyncadd.s32 @!p1 $0xFFFFFF80;
	s28 =	simm.s32 @!p1 $0x1  }
0x72: {  	[spmem:s2] =	stream.indirect.scatter.add.f32 @!p1 [tilespmem:s29], [sflag:$0x1], $0x80, s26, s29, $0xb8;
	[tilespmem:$0x19100] =	vst v63  }
0x73: {  	s31 =	sadd.s32 $0x20, s5;
	p2 =	por p1, p1;
	_ =	swait.ge @!p1 [sflag:s28], $0x4000  }
0x74: {  	s26 =	sadd.s32 $0x200, s22;
	p1 =	sgt.u32 s31, $0x4E1;
	[sflag:s28] =	ssyncset.done @!p2 $0x0  }
.LBB2_6:
0x75: {  	s29 =	simm.s32 @!p1 $0x0;
	s30 =	simm.s32 @!p1 $0x2  }
0x76: {  	[sflag:s28] =	ssyncadd.s32 @!p2 $0xFFFFC000;
	s31 =	smov.u32 s25;
	s25 =	sadd.s32 $0x20, s25  }
0x77: {  	[tilespmem:s29], [sflag:$0x2] =	stream.linear.gather @!p1 [hbm4b:s26+s29], $0x80, $0x38;
	[tilespmem:$0x19100] =	vst v63  }
0x78: {  	p3 =	sne.s32 s25, $0x500;
	_ =	swait.ge @!p1 [sflag:s30], $0x80  }
.Ltmp2:
0x79: {  	[sflag:s30] =	ssyncset.done @!p1 $0x0;
	(pc) =	sbr.rel @p3 .LBB2_6-.Ltmp2, $4  }
0x7a: {  	s28 =	simm.s32 @!p1 $0x1;
	[sflag:s30] =	ssyncadd.s32 @!p1 $0xFFFFFF80;
	s30 =	simm.s32 @!p1 $0x80  }
0x7b: {  	[spmem:s2] =	stream.indirect.scatter.add.f32 @!p1 [tilespmem:s30], [sflag:$0x1], $0x80, s29, s30, $0xb8;
	[tilespmem:$0x19100] =	vst v63  }
0x7c: {  	p2 =	por p1, p1;
	s29 =	sadd.s32 s31, s5;
	_ =	swait.ge @!p1 [sflag:s28], $0x4000  }
0x7d: {  	s26 =	sadd.s32 $0x200, s26;
	p1 =	sgt.u32 s29, $0x4E1;
	[sflag:s28] =	ssyncset.done @!p2 $0x0  }
0x7e: {  	s25 =	simm.s32 @!p1 $0x0;
	s29 =	simm.s32 @!p1 $0x2;
	[sflag:s28] =	ssyncadd.s32 @!p2 $0xFFFFC000  }
0x7f: {  	[tilespmem:s25], [sflag:$0x2] =	stream.linear.gather @!p1 [hbm4b:s26+s25], $0x80, $0x38;
	[tilespmem:$0x19100] =	vst v63  }
0x80: {  	_ =	swait.ge @!p1 [sflag:s29], $0x80  }
0x81: {  	[sflag:s29] =	ssyncset.done @!p1 $0x0  }
0x82: {  	s28 =	simm.s32 @!p1 $0x1;
	s26 =	simm.s32 @!p1 $0x80;
	[sflag:s29] =	ssyncadd.s32 @!p1 $0xFFFFFF80  }
0x83: {  	[spmem:s2] =	stream.indirect.scatter.add.f32 @!p1 [tilespmem:s26], [sflag:$0x1], $0x80, s25, s26, $0xb8;
	[tilespmem:$0x19100] =	vst v63  }
0x84: {  	_ =	swait.ge @!p1 [sflag:s28], $0x4000;
	p1 =	por p1, p1  }
0x85: {  	[sflag:s28] =	ssyncset.done @!p1 $0x0  }
0x86: {  	s30 =	sshll.u32 s1, $0x6;
	[sflag:s28] =	ssyncadd.s32 @!p1 $0xFFFFC000  }
0x87: {  	s31 =	sshrl.u32 s4, $0x3;
	s25 =	sor.u32 $0x1C01, s30;
	[bflag:$0x0] =	sbarrier.arrive $0xFFFF  }
0x88: {  	[hbm:s19], [sflag:s25] =	dma.local [spmem:s31], $0x2700  }
0x89: {  	_ =	swait.ge [sflag:s24], $0x2700  }
0x8a: {  	s3 =	sadd.s32 $0x1, s3;
	[sflag:s24] =	ssyncset.done $0x0  }
0x8b: {  	s26 =	sshrl.u32 @!p0 s18, $0x3;
	p1 =	sne.s32 s3, s21;
	[sflag:s24] =	ssyncadd.s32 $0xFFFFD900  }
0x8c: {  	[hbm:s20], [sflag:s25] =	dma.local @!p0 [spmem:s26], $0x100  }
.Ltmp3:
0x8d: {  	_ = 	snop;
	(pc) =	sbr.rel @p1 .LBB2_1-.Ltmp3, $4  }
0x8e: {  	s25 =	simm.s32 @!p0 $0x1  }
0x8f: {  	_ =	swait.ge @!p0 [sflag:s25], $0x100  }
0x90: {  	[sflag:s25] =	ssyncset.done @!p0 $0x0  }
0x91: {  	[sflag:s25] =	ssyncadd.s32 @!p0 $0xFFFFFF00  }
0x92: {  	_ =	sfence.sel $0x180000  }
0x93: {  	[bflag:$0x0] =	sbarrier.arrive $0xFFFF  }
0x94: {  	p0 =	sne.s32 s1, $0x0;
	_ =	strace $0x9000004A  }
0x95: {  	s0 =	sadd.s32 @!p0 $0x100000, s0;
	[bflag:$0x2] =	sbarrier.arrive $0xFFFF  }
0x96: {  	[sflag:s0] =	ssyncadd.tile.s32 @!p0 $0x1;
	_ =	shalt  }
.Lfunc_end2:
_tile_overlayer_lowered:
.L_overlay_start_2:
0x97: {  	(tag) =	ssettag $0x2  }
0x98: {  	s0 =	rddreg [dreg:$0x0];
	s2 =	stileid.u32  }
0x99: {  	s1 =	rddreg [dreg:$0x1];
	p0 =	sne.s32 s2, $0x0  }
0x9a: {  	s3 =	rddreg [dreg:$0x2];
	[bflag:$0x3] =	sbarrier.arrive $0xFFFF;
	s2 =	simm.s32 @!p0 $0x1C01  }
0x9b: {  	[timem:s3], [sflag:s2] =	dma.local @!p0 [hbm:s0], s1  }
0x9c: {  	s0 =	simm.s32 @!p0 $0x1  }
0x9d: {  	_ =	swait.ge @!p0 [sflag:s0], s1  }
0x9e: {  	s1 =	ssub.s32 @!p0 $0x0, s1;
	[sflag:s0] =	ssyncset.done @!p0 $0x0  }
0x9f: {  	[sflag:s0] =	ssyncadd.s32 @!p0 s1  }
0xa0: {  	[bflag:$0x3] =	sbarrier.arrive $0xFFFF  }
0xa1: {  	_ =	shalt  }

// kernel: kernel.13.cloned.1.call-start
scs
__scs_entry_jumppad:
0x0: {  	(pc) =	sbr.rel $0x88, $3  }
0x1: {  	(tag) =	ssettag $0x0;
	lr =	simm.s32 $0x1  }
0x2: {  	[smem:$0x3F83] =	sst lr;
	_ =	strace $0xD0000000  }
0x3: {  	_ = 	snop  }
0x4: {  	_ = 	snop  }
0x5: {  	_ = 	snop  }
0x6: {  	_ = 	snop  }
0x7: {  	_ = 	snop  }
__scs_overlays_trampoline_lowered:
0x8: {  	[smem:$0x3F92] =	sst s0  }
0x9: {  	[smem:$0x3F93] =	sst s1  }
0xa: {  	[smem:$0x3F94] =	sst s2  }
0xb: {  	[smem:$0x3F95] =	sst s3  }
0xc: {  	[smem:$0x3F96] =	sst s4  }
0xd: {  	[smem:$0x3F97] =	sst s5  }
0xe: {  	[smem:$0x3F98] =	sst s6  }
0xf: {  	[smem:$0x3F99] =	sst s7  }
0x10: {  	[smem:$0x3F9A] =	sst s8  }
0x11: {  	[smem:$0x3F9B] =	sst s9;
	s0 =	simm.s32 @!p0 $0x0  }
0x12: {  	s1 =	sld [smem:$0x3F81];
	s0 =	simm.s32 @p0 $0x1  }
0x13: {  	[smem:$0x3F9C] =	sst s0;
	s0 =	simm.s32 @!p1 $0x0  }
0x14: {  	s2 =	sld [smem:$0x3F80];
	s0 =	simm.s32 @p1 $0x1  }
0x15: {  	[smem:$0x3F9D] =	sst s0;
	s0 =	simm.s32 @!p2 $0x0  }
0x16: {  	s3 =	sld [smem:$0x3FDB];
	s0 =	simm.s32 @p2 $0x1  }
0x17: {  	s4 =	simm.s32 $0x1BF5;
	[smem:$0x3F9F] =	sst s0  }
0x18: {  	s0 =	sld [smem:$0x3F82];
	_ =	swait.ge [sflag:s4], $0x0  }
0x19: {  	s7 =	sld [smem:$0x3F83]  }
0x1a: {  	s8 =	sadd.s32 $0xFFFFE003, lr  }
0x1b: {  	s9 =	sadd.s32 $0xFFFFFEF7, lr;
	s5 =	simm.s32 $0xFFFFFFFF;
	p2 =	slt.u32 s8, $0xFFFFF086  }
0x1c: {  	p1 =	slt.u32 s9, $0xF7A;
	s5 =	simm.s32 @!p2 $0x0  }
0x1d: {  	s5 =	simm.s32 @p1 $0x1;
	p0 =	seq.s32 s7, s2  }
0x1e: {  	s7 =	smul.u32 @!p0 $0xF7A, s2;
	p2 =	seq.s32 @!p0 s5, $0x0  }
0x1f: {  	s9 =	smul.u32 $0xF7A, s1;
	s8 =	simm.s32 @!p0 $0x1BF5;
	p2 =	por !p2, p0  }
0x20: {  	[sflag:s8] =	ssyncset.s32 @!p0 $0xFFFFF086;
	s6 =	sadd.s32 @!p0 s3, s7;
	s7 =	simm.s32 @!p0 $0x108  }
0x21: {  	s3 =	sadd.s32 s3, s9;
	s6 =	sadd.s32 @!p0 $0x88, s6;
	s7 =	simm.s32 @p2 $0x1082  }
0x22: {  	[simem:s7], [sflag:s8] =	dma.local @!p0 [hbm:s6], $0xF7A  }
0x23: {  	s9 =	sor.u32 $0xD0000000, s2;
	s6 =	simm.s32 $0x108;
	_ =	swait.ge @!p0 [sflag:s8], $0x0  }
0x24: {  	s3 =	sadd.s32 $0x88, s3;
	s6 =	simm.s32 @!p1 $0x1082;
	[sflag:s4] =	ssyncset.s32 $0xFFFFF086  }
0x25: {  	[simem:s6], [sflag:s4] =	dma.local [hbm:s3], $0xF7A  }
0x26: {  	[smem:$0x3F83] =	sst s1;
	(tag) =	ssettag s2;
	_ =	strace s9  }
0x27: {  	s1 =	sld [smem:$0x3F93]  }
0x28: {  	s2 =	sld [smem:$0x3F94]  }
0x29: {  	s4 =	sld [smem:$0x3F96]  }
0x2a: {  	p0 =	seq.s32 s5, $0x0;
	s5 =	sld [smem:$0x3F97]  }
0x2b: {  	s6 =	sld [smem:$0x3F98]  }
0x2c: {  	s7 =	sld [smem:$0x3F99]  }
0x2d: {  	s3 =	simm.s32 $0x108;
	s8 =	sld [smem:$0x3F9A]  }
0x2e: {  	s3 =	simm.s32 @!p0 $0x1082;
	s9 =	sld [smem:$0x3F9B]  }
0x2f: {  	lr =	sadd.s32 s0, s3;
	s0 =	sld [smem:$0x3F92]  }
0x30: {  	s3 =	sld [smem:$0x3F95]  }
0x31: {  	[smem:$0x3F9E] =	sst s10  }
0x32: {  	s10 =	sld [smem:$0x3F9C];
	_ =	sdelay $0x3  }
0x33: {  	p0 =	seq.s32 s10, $0x1;
	s10 =	sld [smem:$0x3F9E];
	_ =	sdelay $0x3  }
0x34: {  	[smem:$0x3F9E] =	sst s10  }
0x35: {  	s10 =	sld [smem:$0x3F9D];
	_ =	sdelay $0x3  }
0x36: {  	p1 =	seq.s32 s10, $0x1;
	s10 =	sld [smem:$0x3F9E];
	_ =	sdelay $0x3  }
0x37: {  	[smem:$0x3F9E] =	sst s10  }
0x38: {  	s10 =	sld [smem:$0x3F9F]  }
0x39: {  	_ = 	snop;
	(pc) =	sbr.ind lr, $3  }
0x3a: {  	_ = 	snop  }
0x3b: {  	_ = 	snop  }
0x3c: {  	p2 =	seq.s32 s10, $0x1;
	s10 =	sld [smem:$0x3F9E]  }
0x3d: {  	_ =	shalt  }
0x3e: {  	_ =	shalt  }
0x3f: {  	_ =	shalt  }
0x40: {  	_ =	shalt  }
0x41: {  	_ =	shalt  }
0x42: {  	_ =	shalt  }
0x43: {  	_ =	shalt  }
0x44: {  	_ =	shalt  }
0x45: {  	_ =	shalt  }
0x46: {  	_ =	shalt  }
0x47: {  	_ =	shalt  }
0x48: {  	_ =	shalt  }
0x49: {  	_ =	shalt  }
0x4a: {  	_ =	shalt  }
0x4b: {  	_ =	shalt  }
0x4c: {  	_ =	shalt  }
0x4d: {  	_ =	shalt  }
0x4e: {  	_ =	shalt  }
0x4f: {  	_ =	shalt  }
0x50: {  	_ =	shalt  }
0x51: {  	_ =	shalt  }
0x52: {  	_ =	shalt  }
0x53: {  	_ =	shalt  }
0x54: {  	_ =	shalt  }
0x55: {  	_ =	shalt  }
0x56: {  	_ =	shalt  }
0x57: {  	_ =	shalt  }
0x58: {  	_ =	shalt  }
0x59: {  	_ =	shalt  }
0x5a: {  	_ =	shalt  }
0x5b: {  	_ =	shalt  }
0x5c: {  	_ =	shalt  }
0x5d: {  	_ =	shalt  }
0x5e: {  	_ =	shalt  }
0x5f: {  	_ =	shalt  }
0x60: {  	_ =	shalt  }
0x61: {  	_ =	shalt  }
0x62: {  	_ =	shalt  }
0x63: {  	_ =	shalt  }
0x64: {  	_ =	shalt  }
0x65: {  	_ =	shalt  }
0x66: {  	_ =	shalt  }
0x67: {  	_ =	shalt  }
0x68: {  	_ =	shalt  }
0x69: {  	_ =	shalt  }
0x6a: {  	_ =	shalt  }
0x6b: {  	_ =	shalt  }
0x6c: {  	_ =	shalt  }
0x6d: {  	_ =	shalt  }
0x6e: {  	_ =	shalt  }
0x6f: {  	_ =	shalt  }
0x70: {  	_ =	shalt  }
0x71: {  	_ =	shalt  }
0x72: {  	_ =	shalt  }
0x73: {  	_ =	shalt  }
0x74: {  	_ =	shalt  }
0x75: {  	_ =	shalt  }
0x76: {  	_ =	shalt  }
0x77: {  	_ =	shalt  }
0x78: {  	_ =	shalt  }
0x79: {  	_ =	shalt  }
0x7a: {  	_ =	shalt  }
0x7b: {  	_ =	shalt  }
0x7c: {  	_ =	shalt  }
0x7d: {  	_ =	shalt  }
0x7e: {  	_ =	shalt  }
0x7f: {  	_ =	shalt  }
0x80: {  	_ =	shalt  }
0x81: {  	_ =	shalt  }
0x82: {  	_ =	shalt  }
0x83: {  	_ =	shalt  }
0x84: {  	_ =	shalt  }
0x85: {  	_ =	shalt  }
0x86: {  	_ =	shalt  }
0x87: {  	_ =	shalt  }
.Lfunc_end0:
.L_simem_size_0:
called_computation.2_lowered:
.L_overlay_start_0:
0x88: {  	s2 =	sld [smem:$0x3FD9]  }
0x89: {  	s3 =	sld [smem:$0x3FFE];
	_ =	sdelay $0x1  }
0x8a: {  	s1 =	srdreg.scid  }
0x8b: {  	s0 =	sand.u32 $0x1, s1  }
0x8c: {  	s17 =	sshll.u32 s0, $0xA;
	s2 =	sadd.s32 s3, s2  }
0x8d: {  	s2 =	sadd.s32 s2, s17  }
0x8e: {  	[smem:$0x3FAA] =	sst s2  }
0x8f: {  	_ = 	snop  }
0x90: {  	(tm) =	ssettm $0x1  }
0x91: {  	s18 =	sld [smem:$0x3FFB];
	_ =	sdelay $0x3  }
0x92: {  	_ =	strace s18  }
0x93: {  	s2 =	sld [smem:$0x3FFC];
	_ =	sdelay $0x3  }
0x94: {  	_ =	strace s2  }
0x95: {  	s2 =	sld [smem:$0x3FFD];
	_ =	sdelay $0x3  }
0x96: {  	_ =	strace s2  }
0x97: {  	_ =	strace $0x8FFFFFFF  }
0x98: {  	s19 =	sld [smem:$0x3FDB];
	_ =	sdelay $0x1  }
0x99: {  	s20 =	simm.s32 $_scs_section_size  }
0x9a: {  	s4 =	simm.s32 $_size__tile_overlayer_lowered;
	s5 =	simm.s32 $_tile_overlayer_lowered  }
0x9b: {  	s6 =	simm.s32 $0x1BFF;
	s21 =	sshll.u32 s5, $0x1;
	s3 =	sadd.s32 s20, s19  }
0x9c: {  	s22 =	simm.s32 $0x0;
	s4 =	sshll.u32 s4, $0x1;
	s5 =	sadd.s32 s21, s3  }
0x9d: {  	[timem:s22], [sflag:s6] =	dma.local [hbm:s5], s4  }
0x9e: {  	_ =	swait.ge [sflag:s6], s4  }
0x9f: {  	s4 =	ssub.s32 $0x0, s4;
	[sflag:s6] =	ssyncset.done $0x0  }
0xa0: {  	[sflag:s6] =	ssyncadd.s32 s4;
	_ =	sdelay $0x1  }
0xa1: {  	s23 =	simm.s32 $0x1B8B  }
0xa2: {  	_ =	swait.ge [sflag:s23], $0x1  }
0xa3: {  	[sflag:s23] =	ssyncset.done $0x0  }
0xa4: {  	[sflag:s23] =	ssyncadd.s32 $0xFFFFFFFF  }
0xa5: {  	s4 =	sld [smem:$0x0]  }
0xa6: {  	s5 =	sand.u32 $0xFFFFFFFE, s1  }
0xa7: {  	p0 =	sne.s32 s1, s5  }
0xa8: {  	s5 =	sshll.u32 @p0 s5, $0xE  }
0xa9: {  	s5 =	sadd.s32 @p0 $0x11B8D, s5;
	s6 =	sshll.u32 @p0 s4, $0x11  }
0xaa: {  	s5 =	sor.u32 @p0 s6, s5  }
0xab: {  	[sflag:s5] =	ssyncadd.remote.s32 @p0 $0x1;
	_ =	sdelay $0x1  }
0xac: {  	s5 =	simm.s32 @p0 $0x1B8D  }
0xad: {  	_ =	swait.eq @p0 [sflag:s5], $0x1  }
0xae: {  	[sflag:s5] =	ssyncadd.s32 @p0 $0xFFFFFFFF  }
0xaf: {  	s6 =	sshll.u32 @!p0 s1, $0xE  }
0xb0: {  	s6 =	sor.u32 @!p0 $0x4000, s6;
	s5 =	simm.s32 @!p0 $0x1B8D  }
0xb1: {  	s4 =	sshll.u32 @!p0 s4, $0x11;
	s6 =	sadd.s32 @!p0 $0x11B8D, s6;
	_ =	swait.eq @!p0 [sflag:s5], $0x1  }
0xb2: {  	s4 =	sor.u32 @!p0 s4, s6;
	[sflag:s5] =	ssyncadd.s32 @!p0 $0xFFFFFFFF  }
0xb3: {  	s25 =	simm.s32 $0x1B8E;
	s24 =	sld [smem:$0x3FFE];
	[sflag:s4] =	ssyncadd.remote.s32 @!p0 $0x1  }
0xb4: {  	s26 =	simm.s32 $execute0_lowered;
	[smem:$0x3FD2] =	sst s25  }
0xb5: {  	s5 =	sshll.u32 s26, $0x1;
	_ =	strace $0x8000004C;
	[dreg:$0x1] =	wrdreg $0xFFFFFFFF  }
0xb6: {  	s28 =	simm.s32 $_size_execute0_lowered;
	s3 =	sadd.s32 s3, s5;
	[dreg:$0x0] =	wrdreg $0x0  }
0xb7: {  	s5 =	sshll.u32 s28, $0x1;
	[dreg:$0x2] =	wrdreg s3  }
0xb8: {  	[dreg:$0x3] =	wrdreg s5  }
0xb9: {  	[dreg:$0x4] =	wrdreg $0xC0  }
0xba: {  	_ =	task [dreg:s22], $0x5FFFF  }
0xbb: {  	[dreg:$0x1] =	wrdreg $0xFFFFFFFF  }
0xbc: {  	[dreg:$0x0] =	wrdreg $0x60  }
0xbd: {  	[dreg:$0x2] =	wrdreg s24  }
0xbe: {  	[dreg:$0x3] =	wrdreg $0x0  }
0xbf: {  	[dreg:$0x4] =	wrdreg $0xA  }
0xc0: {  	_ =	task.clear_ibuf [dreg:s22], $0x5FFFF;
	_ =	strace $0x9000004C  }
0xc1: {  	s29 =	simm.s32 $0xA;
	_ =	strace $0x8000004E  }
0xc2: {  	_ =	swait.ge [sflag:s29], $0x1  }
0xc3: {  	[sflag:s29] =	ssyncadd.s32 $0xFFFFFFFF  }
0xc4: {  	_ =	strace $0x9000004E  }
0xc5: {  	_ =	sfence  }
0xc6: {  	s30 =	sld [smem:$0x0];
	_ =	sdelay $0x2  }
0xc7: {  	s31 =	sshll.u32 s1, $0xD;
	s1 =	sshrl.u32 s1, $0x2  }
0xc8: {  	s4 =	sand.u32 $0x4000, s31;
	s1 =	sadd.s32 s1, s30  }
0xc9: {  	s0 =	sor.u32 s4, s0;
	s1 =	sshll.u32 s1, $0x11  }
0xca: {  	s0 =	sor.u32 s1, s0  }
0xcb: {  	s0 =	sadd.s32 $0x8F2B, s0  }
0xcc: {  	[sflag:s0] =	ssyncadd.remote.s32 $0x1  }
0xcd: {  	_ =	sfence.sel $0xFFFF  }
0xce: {  	[dreg:$0x0] =	wrdreg $0xFFFFFFFF;
	(pc) =	sbr.abs _section_cstart, $3  }
0xcf: {  	[dreg:$0x1] =	wrdreg $0xFFFFFFFF  }
0xd0: {  	_ =	task.clear_ibuf [dreg:s22], $0x2FFFF;
	_ =	strace $0x9FFFFFFF  }
0xd1: {  	(tm) =	ssettm $0x7FFFFFFF  }
tec
execute0_lowered:
.L_overlay_start_1:
0x0: {  	(tag) =	ssettag $0x1  }
0x1: {  	s0 =	rddreg [dreg:$0x0]  }
0x2: {  	s1 =	rddreg [dreg:$0x1];
	s3 =	simm.s32 $0x0  }
0x3: {  	s15 =	stileid.u32;
	s2 =	srdreg.scid;
	s17 =	simm.s32 $0x13880  }
0x4: {  	s18 =	simm.s32 $0x400;
	s19 =	simm.s32 $0x800;
	s20 =	simm.s32 $0x13980  }
0x5: {  	s21 =	simm.s32 $0x13900;
	s22 =	simm.s32 $0x4;
	s23 =	simm.s32 $0x17980  }
0x6: {  	s29 =	simm.s32 $0x2;
	s30 =	simm.s32 $0x0;
	[smem:$0x7FF] =	sst s3  }
0x7: {  	s4 =	sadd.s32 $0x53F800, s0;
	s5 =	sshll.u32 s15, $0x4;
	s7 =	smul.u32 $0x4E000, s15  }
0x8: {  	s2 =	sand.u32 $0x1, s2;
	s25 =	sshll.u32 s15, $0x6;
	s26 =	smul.u32 $0x27000, s15  }
0x9: {  	s16 =	sadd.s32 $0x138000, s1;
	s10 =	sshll.u32 s15, $0xF;
	p0 =	sne.s32 s15, $0xF  }
0xa: {  	s15 =	simm.s32 $0x3;
	_ =	strace $0x8000004D;
	s12 =	sadd.s32 s5, s0  }
0xb: {  	s6 =	ssub.s32 $0x2, s2;
	s5 =	sadd.s32 $0x5600, s0;
	s0 =	sadd.s32 $0xF600, s0  }
0xc: {  	s9 =	sshll.u32 s2, $0xA;
	s2 =	sshll.u32 s2, $0x7;
	s16 =	sshrl.u32 @!p0 s16, $0x3  }
0xd: {  	s8 =	sshrl.u32 s6, $0x1;
	s24 =	sshrl.u32 s7, $0x2;
	s7 =	sadd.s32 $0xA600, s12  }
0xe: {  	s13 =	sor.u32 s9, s10;
	s11 =	ssub.s32 s6, s8;
	s14 =	sadd.s32 s24, s1  }
.Ltmp0:
0xf: {  	s6 =	sor.u32 $0x1C03, s25;
	s8 =	sor.u32 s9, s26;
	(pc) =	sbr.rel .LBB2_1-.Ltmp0, $4  }
0x10: {  	s28 =	sshrl.u32 s13, $0x3;
	s13 =	sor.u32 $0x80000, s13;
	s24 =	simm.s32 $0x1  }
0x11: {  	s25 =	simm.s32 $0x80;
	s31 =	sshrl.u32 s8, $0x3;
	s8 =	sadd.s32 s4, s28  }
0x12: {  	s11 =	smax.u32 s11, $0x1;
	s9 =	sadd.s32 s0, s31;
	s0 =	sadd.s32 s2, s0  }
0x13: {  	s14 =	sshrl.u32 s14, $0x3;
	s10 =	sadd.s32 $0x4E000, s0;
	s0 =	sadd.s32 $0xA700, s12  }
.LBB2_13:
0x14: {  	[bflag:$0x0] =	sbarrier.arrive $0xFFFF;
	s2 =	simm.s32 $0x8;
	s12 =	simm.s32 $0x100  }
0x15: {  	[hbm:s9@s12], [sflag:s6] =	dma.strided [spmem:s14@s25], $0x2700, s2, $0x10   }
0x16: {  	s26 =	simm.s32 @!p0 $0x80;
	_ =	swait.ge [sflag:s15], $0x2700  }
0x17: {  	s30 =	sadd.s32 $0x1, s30;
	s2 =	simm.s32 @!p0 $0x8;
	[sflag:s15] =	ssyncset.done $0x0  }
0x18: {  	s12 =	simm.s32 @!p0 $0x100;
	p1 =	sne.s32 s30, s11;
	[sflag:s15] =	ssyncadd.s32 $0xFFFFD900  }
0x19: {  	[hbm:s10@s12], [sflag:s6] =	dma.strided @!p0 [spmem:s16@s26], $0x100, s2, $0x10   }
.Ltmp1:
0x1a: {  	_ = 	snop;
	(pc) =	sbr.rel @!p1 .LBB2_14-.Ltmp1, $4  }
0x1b: {  	s2 =	simm.s32 @!p0 $0x3  }
0x1c: {  	_ =	swait.ge @!p0 [sflag:s2], $0x100  }
0x1d: {  	[sflag:s2] =	ssyncset.done @!p0 $0x0  }
0x1e: {  	[sflag:s2] =	ssyncadd.s32 @!p0 $0xFFFFFF00  }
.LBB2_1:
0x1f: {  	[spmem:s14], [sflag:s6] =	dma.local [hbm:s5], $0x2700  }
0x20: {  	_ =	swait.ge [sflag:s15], $0x2700  }
0x21: {  	[sflag:s15] =	ssyncset.done $0x0  }
0x22: {  	s2 =	simm.s32 @!p0 $0x3;
	[sflag:s15] =	ssyncadd.s32 $0xFFFFD900  }
0x23: {  	[spmem:s16], [sflag:s6] =	dma.local @!p0 [hbm:s5], $0x100  }
0x24: {  	_ =	swait.ge @!p0 [sflag:s2], $0x100  }
0x25: {  	[sflag:s2] =	ssyncset.done @!p0 $0x0  }
0x26: {  	[sflag:s2] =	ssyncadd.s32 @!p0 $0xFFFFFF00  }
0x27: {  	[bflag:$0x0] =	sbarrier.arrive $0xFFFF  }
0x28: {  	[tilespmem:s17], [sflag:$0x3] =	stream.linear.gather [hbm4b:s7+s3], $0x80, $0x38;
	[tilespmem:$0x1B980] =	vst v63  }
.Ltmp2:
0x29: {  	_ = 	snop;
	(pc) =	sbr.rel .LBB2_2-.Ltmp2, $4  }
0x2a: {  	_ =	swait.ge [sflag:s15], $0x80  }
0x2b: {  	s31 =	smov.u32 s13;
	s12 =	smov.u32 s0;
	[sflag:s15] =	ssyncset.done $0x0  }
0x2c: {  	s26 =	simm.s32 $0x0;
	s2 =	stileid.u32;
	[sflag:s15] =	ssyncadd.s32 $0xFFFFFF80  }
0x2d: {  	[tilespmem:s20], [sflag:$0x1] =	stream.strided.gather [hbm4b:s8+s18], $0x4000, s19, s18, $0x38;
	[tilespmem:$0x1B980] =	vst v63  }
.LBB2_8:
0x2e: {  	[tilespmem:s17], [sflag:$0x4] =	stream.linear.gather [hbm4b:s12+s3], $0x80, $0x38;
	[tilespmem:$0x1B980] =	vst v63  }
0x2f: {  	_ =	swait.ge [sflag:s22], $0x80  }
0x30: {  	s28 =	sshrl.u32 s31, $0x3;
	[sflag:s22] =	ssyncset.done $0x0  }
0x31: {  	s28 =	sadd.s32 s4, s28;
	[sflag:s22] =	ssyncadd.s32 $0xFFFFFF80  }
0x32: {  	[tilespmem:s20], [sflag:$0x1] =	stream.strided.gather [hbm4b:s28+s18], $0x4000, s19, s18, $0x38;
	[tilespmem:$0x1B980] =	vst v63  }
.LBB2_10:
0x33: {  	_ =	swait.ge [sflag:s29], $0x4000  }
0x34: {  	[sflag:s29] =	ssyncset.done $0x0  }
0x35: {  	s28 =	simm.s32 $0x3;
	[sflag:s29] =	ssyncadd.s32 $0xFFFFC000  }
0x36: {  	[spmem:s1] =	stream.indirect.scatter.add.f32 [tilespmem:s23], [sflag:$0x3], $0x80, s21, s25, $0xb8;
	[tilespmem:$0x1B980] =	vst v63  }
.LBB2_11:
0x37: {  	_ =	swait.ge [sflag:s28], $0x4000  }
0x38: {  	[sflag:s28] =	ssyncset.done $0x0  }
0x39: {  	[sflag:s28] =	ssyncadd.s32 $0xFFFFC000  }
.LBB2_12:
0x3a: {  	s26 =	sadd.s32 $0x1, s26  }
0x3b: {  	p1 =	sne.s32 s26, $0x4F  }
.Ltmp3:
0x3c: {  	_ = 	snop;
	(pc) =	sbr.rel @!p1 .LBB2_13-.Ltmp3, $2  }
0x3d: {  	_ =	sdelay $0x2  }
0x3e: {  	s2 =	sadd.s32 $0x10, s2;
	s12 =	sadd.s32 $0x100, s12;
	s31 =	sadd.s32 $0x80000, s31  }
.LBB2_2:
0x3f: {  	s28 =	sand.u32 $0x1, s26  }
0x40: {  	p2 =	seq.s32 s28, $0x1  }
.Ltmp4:
0x41: {  	_ = 	snop;
	(pc) =	sbr.rel @p2 .LBB2_7-.Ltmp4, $2  }
0x42: {  	_ =	sdelay $0x2  }
0x43: {  	p1 =	sgt.u32 s2, $0x4D1  }
.Ltmp5:
0x44: {  	(pc) =	sbr.rel @p1 .LBB2_5-.Ltmp5, $1  }
0x45: {  	_ =	sdelay $0x3  }
0x46: {  	[tilespmem:s21], [sflag:$0x4] =	stream.linear.gather [hbm4b:s12+s3], $0x80, $0x38;
	[tilespmem:$0x1B980] =	vst v63  }
.Ltmp6:
0x47: {  	_ = 	snop;
	(pc) =	sbr.rel .LBB2_6-.Ltmp6, $4  }
0x48: {  	_ =	swait.ge [sflag:s22], $0x80  }
0x49: {  	s28 =	sshrl.u32 s31, $0x3;
	[sflag:s22] =	ssyncset.done $0x0  }
0x4a: {  	s28 =	sadd.s32 s4, s28;
	[sflag:s22] =	ssyncadd.s32 $0xFFFFFF80  }
0x4b: {  	[tilespmem:s23], [sflag:$0x2] =	stream.strided.gather [hbm4b:s28+s18], $0x4000, s19, s18, $0x38;
	[tilespmem:$0x1B980] =	vst v63  }
.LBB2_7:
.Ltmp7:
0x4c: {  	(pc) =	sbr.rel @!p1 .LBB2_8-.Ltmp7, $1  }
0x4d: {  	_ =	sdelay $0x3  }
0x4e: {  	p1 =	sgt.u32 s2, $0x4E1  }
.Ltmp8:
0x4f: {  	_ = 	snop;
	(pc) =	sbr.rel @p1 .LBB2_12-.Ltmp8, $4  }
.Ltmp9:
0x50: {  	_ = 	snop;
	(pc) =	sbr.rel @!p1 .LBB2_10-.Ltmp9, $4  }
0x51: {  	_ = 	snop  }
0x52: {  	_ = 	snop  }
0x53: {  	_ = 	snop  }
0x54: {  	_ = 	snop  }
.LBB2_5:
0x55: {  	p1 =	sgt.u32 s2, $0x4E1  }
.Ltmp10:
0x56: {  	_ = 	snop;
	(pc) =	sbr.rel @p1 .LBB2_12-.Ltmp10, $1  }
0x57: {  	_ =	sdelay $0x3  }
.LBB2_6:
.Ltmp11:
0x58: {  	(pc) =	sbr.rel .LBB2_11-.Ltmp11, $4  }
0x59: {  	_ =	swait.ge [sflag:s24], $0x4000  }
0x5a: {  	[sflag:s24] =	ssyncset.done $0x0  }
0x5b: {  	s28 =	simm.s32 $0x4;
	[sflag:s24] =	ssyncadd.s32 $0xFFFFC000  }
0x5c: {  	[spmem:s1] =	stream.indirect.scatter.add.f32 [tilespmem:s20], [sflag:$0x4], $0x80, s17, s25, $0xb8;
	[tilespmem:$0x1B980] =	vst v63  }
.LBB2_14:
0x5d: {  	_ =	sfence.sel $0x180000  }
0x5e: {  	[bflag:$0x0] =	sbarrier.arrive $0xFFFF  }
0x5f: {  	_ =	strace $0x9000004D  }
0x60: {  	s0 =	stileid.u32;
	[bflag:$0x2] =	sbarrier.arrive $0xFFFF  }
0x61: {  	p0 =	sne.s32 s0, $0x0;
	s0 =	rddreg [dreg:$0x2]  }
0x62: {  	s0 =	sadd.s32 @!p0 $0x100000, s0  }
0x63: {  	[sflag:s0] =	ssyncadd.tile.s32 @!p0 $0x1;
	_ =	shalt  }
.Lfunc_end2:
_tile_overlayer_lowered:
.L_overlay_start_2:
0x64: {  	(tag) =	ssettag $0x2  }
0x65: {  	s0 =	rddreg [dreg:$0x0];
	s2 =	stileid.u32  }
0x66: {  	s1 =	rddreg [dreg:$0x1];
	p0 =	sne.s32 s2, $0x0  }
0x67: {  	s3 =	rddreg [dreg:$0x2];
	[bflag:$0x3] =	sbarrier.arrive $0xFFFF;
	s2 =	simm.s32 @!p0 $0x1C03  }
0x68: {  	[timem:s3], [sflag:s2] =	dma.local @!p0 [hbm:s0], s1  }
0x69: {  	s0 =	simm.s32 @!p0 $0x3  }
0x6a: {  	_ =	swait.ge @!p0 [sflag:s0], s1  }
0x6b: {  	s1 =	ssub.s32 @!p0 $0x0, s1;
	[sflag:s0] =	ssyncset.done @!p0 $0x0  }
0x6c: {  	[sflag:s0] =	ssyncadd.s32 @!p0 s1  }
0x6d: {  	[bflag:$0x3] =	sbarrier.arrive $0xFFFF  }
0x6e: {  	_ =	shalt  }

// kernel: kernel.7.cloned.1.call-start
scs
__scs_entry_jumppad:
0x0: {  	(pc) =	sbr.rel $0x88, $3  }
0x1: {  	(tag) =	ssettag $0x0;
	lr =	simm.s32 $0x1  }
0x2: {  	[smem:$0x3F83] =	sst lr;
	_ =	strace $0xD0000000  }
0x3: {  	_ = 	snop  }
0x4: {  	_ = 	snop  }
0x5: {  	_ = 	snop  }
0x6: {  	_ = 	snop  }
0x7: {  	_ = 	snop  }
__scs_overlays_trampoline_lowered:
0x8: {  	[smem:$0x3F92] =	sst s0  }
0x9: {  	[smem:$0x3F93] =	sst s1  }
0xa: {  	[smem:$0x3F94] =	sst s2  }
0xb: {  	[smem:$0x3F95] =	sst s3  }
0xc: {  	[smem:$0x3F96] =	sst s4  }
0xd: {  	[smem:$0x3F97] =	sst s5  }
0xe: {  	[smem:$0x3F98] =	sst s6  }
0xf: {  	[smem:$0x3F99] =	sst s7  }
0x10: {  	[smem:$0x3F9A] =	sst s8  }
0x11: {  	[smem:$0x3F9B] =	sst s9;
	s0 =	simm.s32 @!p0 $0x0  }
0x12: {  	s1 =	sld [smem:$0x3F81];
	s0 =	simm.s32 @p0 $0x1  }
0x13: {  	[smem:$0x3F9C] =	sst s0;
	s0 =	simm.s32 @!p1 $0x0  }
0x14: {  	s2 =	sld [smem:$0x3F80];
	s0 =	simm.s32 @p1 $0x1  }
0x15: {  	[smem:$0x3F9D] =	sst s0;
	s0 =	simm.s32 @!p2 $0x0  }
0x16: {  	s3 =	sld [smem:$0x3FDB];
	s0 =	simm.s32 @p2 $0x1  }
0x17: {  	s4 =	simm.s32 $0x1BF5;
	[smem:$0x3F9F] =	sst s0  }
0x18: {  	s0 =	sld [smem:$0x3F82];
	_ =	swait.ge [sflag:s4], $0x0  }
0x19: {  	s7 =	sld [smem:$0x3F83]  }
0x1a: {  	s8 =	sadd.s32 $0xFFFFE003, lr  }
0x1b: {  	s9 =	sadd.s32 $0xFFFFFEF7, lr;
	s5 =	simm.s32 $0xFFFFFFFF;
	p2 =	slt.u32 s8, $0xFFFFF086  }
0x1c: {  	p1 =	slt.u32 s9, $0xF7A;
	s5 =	simm.s32 @!p2 $0x0  }
0x1d: {  	s5 =	simm.s32 @p1 $0x1;
	p0 =	seq.s32 s7, s2  }
0x1e: {  	s7 =	smul.u32 @!p0 $0xF7A, s2;
	p2 =	seq.s32 @!p0 s5, $0x0  }
0x1f: {  	s9 =	smul.u32 $0xF7A, s1;
	s8 =	simm.s32 @!p0 $0x1BF5;
	p2 =	por !p2, p0  }
0x20: {  	[sflag:s8] =	ssyncset.s32 @!p0 $0xFFFFF086;
	s6 =	sadd.s32 @!p0 s3, s7;
	s7 =	simm.s32 @!p0 $0x108  }
0x21: {  	s3 =	sadd.s32 s3, s9;
	s6 =	sadd.s32 @!p0 $0x88, s6;
	s7 =	simm.s32 @p2 $0x1082  }
0x22: {  	[simem:s7], [sflag:s8] =	dma.local @!p0 [hbm:s6], $0xF7A  }
0x23: {  	s9 =	sor.u32 $0xD0000000, s2;
	s6 =	simm.s32 $0x108;
	_ =	swait.ge @!p0 [sflag:s8], $0x0  }
0x24: {  	s3 =	sadd.s32 $0x88, s3;
	s6 =	simm.s32 @!p1 $0x1082;
	[sflag:s4] =	ssyncset.s32 $0xFFFFF086  }
0x25: {  	[simem:s6], [sflag:s4] =	dma.local [hbm:s3], $0xF7A  }
0x26: {  	[smem:$0x3F83] =	sst s1;
	(tag) =	ssettag s2;
	_ =	strace s9  }
0x27: {  	s1 =	sld [smem:$0x3F93]  }
0x28: {  	s2 =	sld [smem:$0x3F94]  }
0x29: {  	s4 =	sld [smem:$0x3F96]  }
0x2a: {  	p0 =	seq.s32 s5, $0x0;
	s5 =	sld [smem:$0x3F97]  }
0x2b: {  	s6 =	sld [smem:$0x3F98]  }
0x2c: {  	s7 =	sld [smem:$0x3F99]  }
0x2d: {  	s3 =	simm.s32 $0x108;
	s8 =	sld [smem:$0x3F9A]  }
0x2e: {  	s3 =	simm.s32 @!p0 $0x1082;
	s9 =	sld [smem:$0x3F9B]  }
0x2f: {  	lr =	sadd.s32 s0, s3;
	s0 =	sld [smem:$0x3F92]  }
0x30: {  	s3 =	sld [smem:$0x3F95]  }
0x31: {  	[smem:$0x3F9E] =	sst s10  }
0x32: {  	s10 =	sld [smem:$0x3F9C];
	_ =	sdelay $0x3  }
0x33: {  	p0 =	seq.s32 s10, $0x1;
	s10 =	sld [smem:$0x3F9E];
	_ =	sdelay $0x3  }
0x34: {  	[smem:$0x3F9E] =	sst s10  }
0x35: {  	s10 =	sld [smem:$0x3F9D];
	_ =	sdelay $0x3  }
0x36: {  	p1 =	seq.s32 s10, $0x1;
	s10 =	sld [smem:$0x3F9E];
	_ =	sdelay $0x3  }
0x37: {  	[smem:$0x3F9E] =	sst s10  }
0x38: {  	s10 =	sld [smem:$0x3F9F]  }
0x39: {  	_ = 	snop;
	(pc) =	sbr.ind lr, $3  }
0x3a: {  	_ = 	snop  }
0x3b: {  	_ = 	snop  }
0x3c: {  	p2 =	seq.s32 s10, $0x1;
	s10 =	sld [smem:$0x3F9E]  }
0x3d: {  	_ =	shalt  }
0x3e: {  	_ =	shalt  }
0x3f: {  	_ =	shalt  }
0x40: {  	_ =	shalt  }
0x41: {  	_ =	shalt  }
0x42: {  	_ =	shalt  }
0x43: {  	_ =	shalt  }
0x44: {  	_ =	shalt  }
0x45: {  	_ =	shalt  }
0x46: {  	_ =	shalt  }
0x47: {  	_ =	shalt  }
0x48: {  	_ =	shalt  }
0x49: {  	_ =	shalt  }
0x4a: {  	_ =	shalt  }
0x4b: {  	_ =	shalt  }
0x4c: {  	_ =	shalt  }
0x4d: {  	_ =	shalt  }
0x4e: {  	_ =	shalt  }
0x4f: {  	_ =	shalt  }
0x50: {  	_ =	shalt  }
0x51: {  	_ =	shalt  }
0x52: {  	_ =	shalt  }
0x53: {  	_ =	shalt  }
0x54: {  	_ =	shalt  }
0x55: {  	_ =	shalt  }
0x56: {  	_ =	shalt  }
0x57: {  	_ =	shalt  }
0x58: {  	_ =	shalt  }
0x59: {  	_ =	shalt  }
0x5a: {  	_ =	shalt  }
0x5b: {  	_ =	shalt  }
0x5c: {  	_ =	shalt  }
0x5d: {  	_ =	shalt  }
0x5e: {  	_ =	shalt  }
0x5f: {  	_ =	shalt  }
0x60: {  	_ =	shalt  }
0x61: {  	_ =	shalt  }
0x62: {  	_ =	shalt  }
0x63: {  	_ =	shalt  }
0x64: {  	_ =	shalt  }
0x65: {  	_ =	shalt  }
0x66: {  	_ =	shalt  }
0x67: {  	_ =	shalt  }
0x68: {  	_ =	shalt  }
0x69: {  	_ =	shalt  }
0x6a: {  	_ =	shalt  }
0x6b: {  	_ =	shalt  }
0x6c: {  	_ =	shalt  }
0x6d: {  	_ =	shalt  }
0x6e: {  	_ =	shalt  }
0x6f: {  	_ =	shalt  }
0x70: {  	_ =	shalt  }
0x71: {  	_ =	shalt  }
0x72: {  	_ =	shalt  }
0x73: {  	_ =	shalt  }
0x74: {  	_ =	shalt  }
0x75: {  	_ =	shalt  }
0x76: {  	_ =	shalt  }
0x77: {  	_ =	shalt  }
0x78: {  	_ =	shalt  }
0x79: {  	_ =	shalt  }
0x7a: {  	_ =	shalt  }
0x7b: {  	_ =	shalt  }
0x7c: {  	_ =	shalt  }
0x7d: {  	_ =	shalt  }
0x7e: {  	_ =	shalt  }
0x7f: {  	_ =	shalt  }
0x80: {  	_ =	shalt  }
0x81: {  	_ =	shalt  }
0x82: {  	_ =	shalt  }
0x83: {  	_ =	shalt  }
0x84: {  	_ =	shalt  }
0x85: {  	_ =	shalt  }
0x86: {  	_ =	shalt  }
0x87: {  	_ =	shalt  }
.Lfunc_end0:
.L_simem_size_0:
called_computation_lowered:
.L_overlay_start_0:
0x88: {  	s2 =	sld [smem:$0x3FD9]  }
0x89: {  	s3 =	sld [smem:$0x3FFE];
	_ =	sdelay $0x1  }
0x8a: {  	s1 =	srdreg.scid  }
0x8b: {  	s0 =	sand.u32 $0x1, s1  }
0x8c: {  	s17 =	sshll.u32 s0, $0xA;
	s2 =	sadd.s32 s3, s2  }
0x8d: {  	s2 =	sadd.s32 s2, s17  }
0x8e: {  	[smem:$0x3FAA] =	sst s2  }
0x8f: {  	_ = 	snop  }
0x90: {  	s2 =	sld [smem:$0x3FD0];
	(tm) =	ssettm $0x1  }
0x91: {  	s18 =	sld [smem:$0x3FFB];
	_ =	sdelay $0x3  }
0x92: {  	_ =	strace s18  }
0x93: {  	s3 =	sld [smem:$0x3FFC];
	_ =	sdelay $0x3  }
0x94: {  	_ =	strace s3  }
0x95: {  	s3 =	sld [smem:$0x3FFD];
	_ =	sdelay $0x3  }
0x96: {  	_ =	strace s3  }
0x97: {  	_ =	strace $0x8FFFFFFF  }
0x98: {  	s19 =	sld [smem:$0x3FDB];
	_ =	sdelay $0x1  }
0x99: {  	s4 =	simm.s32 $_scs_section_size  }
0x9a: {  	s5 =	simm.s32 $_size__tile_overlayer_lowered;
	s6 =	simm.s32 $_tile_overlayer_lowered  }
0x9b: {  	s22 =	simm.s32 $0x1BFF;
	s21 =	sshll.u32 s6, $0x1;
	s3 =	sadd.s32 s4, s19  }
0x9c: {  	s7 =	simm.s32 $0x0;
	s20 =	sshll.u32 s5, $0x1;
	s5 =	sadd.s32 s21, s3  }
0x9d: {  	[timem:s7], [sflag:s22] =	dma.local [hbm:s5], s20  }
0x9e: {  	_ =	swait.ge [sflag:s22], s20  }
0x9f: {  	s4 =	ssub.s32 $0x0, s20;
	[sflag:s22] =	ssyncset.done $0x0  }
0xa0: {  	[sflag:s22] =	ssyncadd.s32 s4;
	_ =	sdelay $0x1  }
0xa1: {  	s23 =	simm.s32 $0x1B8B  }
0xa2: {  	_ =	swait.ge [sflag:s23], $0x1  }
0xa3: {  	[sflag:s23] =	ssyncset.done $0x0  }
0xa4: {  	s25 =	simm.s32 $0x1B8E;
	s24 =	sld [smem:$0x3FFE];
	[sflag:s23] =	ssyncadd.s32 $0xFFFFFFFF  }
0xa5: {  	s26 =	simm.s32 $execute0_lowered;
	[smem:$0x3FD2] =	sst s25  }
0xa6: {  	s5 =	sshll.u32 s26, $0x1;
	_ =	strace $0x80000046;
	[dreg:$0x1] =	wrdreg $0xFFFFFFFF  }
0xa7: {  	s28 =	simm.s32 $_size_execute0_lowered;
	s3 =	sadd.s32 s3, s5;
	[dreg:$0x0] =	wrdreg $0x0  }
0xa8: {  	s5 =	sshll.u32 s28, $0x1;
	[dreg:$0x2] =	wrdreg s3  }
0xa9: {  	[dreg:$0x3] =	wrdreg s5  }
0xaa: {  	[dreg:$0x4] =	wrdreg $0xC0  }
0xab: {  	_ =	task [dreg:s7], $0x5FFFF  }
0xac: {  	[dreg:$0x1] =	wrdreg $0xFFFFFFFF  }
0xad: {  	[dreg:$0x0] =	wrdreg $0x60  }
0xae: {  	[dreg:$0x2] =	wrdreg s2  }
0xaf: {  	[dreg:$0x3] =	wrdreg s24  }
0xb0: {  	[dreg:$0x4] =	wrdreg $0xA  }
0xb1: {  	_ =	task.clear_ibuf [dreg:s7], $0x5FFFF;
	_ =	strace $0x90000046  }
0xb2: {  	s29 =	simm.s32 $0xA;
	_ =	strace $0x80000048  }
0xb3: {  	_ =	swait.ge [sflag:s29], $0x1  }
0xb4: {  	[sflag:s29] =	ssyncadd.s32 $0xFFFFFFFF  }
0xb5: {  	_ =	strace $0x90000048  }
0xb6: {  	_ =	sfence  }
0xb7: {  	s30 =	sld [smem:$0x0];
	_ =	sdelay $0x2  }
0xb8: {  	s31 =	sshll.u32 s1, $0xD;
	s1 =	sshrl.u32 s1, $0x2  }
0xb9: {  	s3 =	sand.u32 $0x4000, s31;
	s1 =	sadd.s32 s1, s30  }
0xba: {  	s0 =	sor.u32 s3, s0;
	s1 =	sshll.u32 s1, $0x11  }
0xbb: {  	s0 =	sor.u32 s1, s0  }
0xbc: {  	s0 =	sadd.s32 $0x8F2B, s0  }
0xbd: {  	[sflag:s0] =	ssyncadd.remote.s32 $0x1  }
0xbe: {  	_ =	sfence.sel $0xFFFF  }
0xbf: {  	[dreg:$0x0] =	wrdreg $0xFFFFFFFF;
	(pc) =	sbr.abs _section_cstart, $3  }
0xc0: {  	[dreg:$0x1] =	wrdreg $0xFFFFFFFF  }
0xc1: {  	_ =	task.clear_ibuf [dreg:s7], $0x2FFFF;
	_ =	strace $0x9FFFFFFF  }
0xc2: {  	(tm) =	ssettm $0x7FFFFFFF  }
0xc3: {  	_ =	shalt  }
tec
execute0_lowered:
.L_overlay_start_1:
0x0: {  	(tag) =	ssettag $0x1  }
0x1: {  	s1 =	rddreg [dreg:$0x0]  }
0x2: {  	s0 =	rddreg [dreg:$0x1];
	s3 =	simm.s32 $0x0  }
0x3: {  	s2 =	srdreg.scid;
	s5 =	stileid.u32;
	s13 =	simm.s32 $0x200  }
0x4: {  	s19 =	simm.s32 $0x3200;
	s20 =	simm.s32 $0x3A00;
	s21 =	simm.s32 $0x4200  }
0x5: {  	s22 =	simm.s32 $0x4A00;
	s23 =	simm.s32 $0x5200;
	s24 =	simm.s32 $0x5A00  }
0x6: {  	s28 =	simm.s32 $0x7200;
	s29 =	simm.s32 $0x7A00;
	s31 =	simm.s32 $0x6  }
0x7: {  	s11 =	simm.s32 $0x1;
	s30 =	simm.s32 $0x2;
	[smem:$0x7FF] =	sst s3  }
0x8: {  	s2 =	sand.u32 $0x1, s2;
	s4 =	sadd.s32 $0xA600, s0;
	s6 =	sshll.u32 s5, $0x1  }
0x9: {  	s5 =	sadd.s32 $0x5600, s0;
	s7 =	sadd.s32 $0xF600, s0;
	s6 =	sor.u32 s2, s6  }
0xa: {  	_ =	strace $0x80000047;
	s8 =	ssub.s32 $0x2, s2;
	s2 =	sshll.u32 s6, $0x3  }
.Ltmp0:
0xb: {  	s9 =	sshrl.u32 s8, $0x1;
	s26 =	sadd.s32 s4, s2;
	(pc) =	sbr.rel .LBB2_1-.Ltmp0, $4  }
0xc: {  	s25 =	ssub.s32 s8, s9;
	s2 =	sadd.s32 s5, s2;
	[dreg:$0x3] =	wrdreg s26  }
0xd: {  	v2 =	vlaneseq.u32;
	s8 =	simm.s32 $0x4;
	s9 =	simm.s32 $0x0;
	[dreg:$0x4] =	wrdreg s2  }
0xe: {  	vm0 =	vmmov $0xffff;
	v1 =	vshrl.u32 v2, $0x3;
	s0 =	smax.u32 s25, $0x1;
	s25 =	simm.s32 $0x6200;
	s26 =	simm.s32 $0x6A00  }
0xf: {  	v0 =	vand.u32 $0x7, v2;
	v2 =	vor.u32 $0x8, v2;
	v1 =	vmul.u32 $0x8, v1;
	s2 =	simm.s32 $0x8200;
	[dreg:$0x5] =	wrdreg s0;
	s0 =	simm.s32 $0x3  }
.LBB2_17:
0x10: {  	s9 =	sadd.s32 $0x1, s9;
	s10 =	rddreg [dreg:$0x5]  }
0x11: {  	p0 =	sne.s32 s9, s10  }
.Ltmp1:
0x12: {  	_ = 	snop;
	(pc) =	sbr.rel @!p0 .LBB2_18-.Ltmp1, $1  }
0x13: {  	_ =	sdelay $0x3  }
.LBB2_1:
0x14: {  	s10 =	rddreg [dreg:$0x3];
	s12 =	simm.s32 $0x5  }
0x15: {  	[tilespmem:s3], [sflag:$0x5] =	stream.linear.gather [hbm4b:s10+s3], $0x40, $0x38;
	[tilespmem:$0x10200] =	vst v63  }
0x16: {  	_ =	swait.ge [sflag:s12], $0x40  }
0x17: {  	[sflag:s12] =	ssyncset.done $0x0  }
0x18: {  	s14 =	simm.s32 $0x80;
	s18 =	rddreg [dreg:$0x4];
	[sflag:s12] =	ssyncadd.s32 $0xFFFFFFC0  }
0x19: {  	[tilespmem:s14], [sflag:$0x5] =	stream.linear.gather [hbm4b:s18+s3], $0x40, $0x38;
	[tilespmem:$0x10200] =	vst v63  }
0x1a: {  	_ =	swait.ge [sflag:s12], $0x40  }
0x1b: {  	[sflag:s12] =	ssyncset.done $0x0  }
0x1c: {  	[sflag:s12] =	ssyncadd.s32 $0xFFFFFFC0  }
0x1d: {  	v3 =	vld [tilespmem:$0x0];
	_ =	sdelay $0x4  }
0x1e: {  	v4 =	vshll.u32 v3, $0x1  }
0x1f: {  	v3 =	vand.u32 $0x7, v3;
	v4 =	vand.u32 $0xFFFFFFF0, v4  }
0x20: {  	v3 =	vor.u32 v3, v4  }
0x21: {  	v4 =	vperm.xlane v3, v0;
	_ =	sdelay $0x1  }
0x22: {  	v3 =	vperm.xlane v3, v2;
	v4 =	vadd.s32 v1, v4;
	_ =	sdelay $0x1  }
0x23: {  	v3 =	vadd.s32 v1, v3;
	_ =	sdelay $0x2  }
0x24: {  	[tilespmem:s13], [sflag:$0x1] =	stream.indirect_vreg.gather [hbm4b:s1+s3], $0x80, v4, vm0, $0xb8;
	[tilespmem:$0x10200] =	vst v63  }
0x25: {  	s14 =	simm.s32 $0xA00  }
0x26: {  	[tilespmem:s14], [sflag:$0x1] =	stream.indirect_vreg.gather [hbm4b:s1+s3], $0x80, v3, vm0, $0xb8;
	[tilespmem:$0x10200] =	vst v63  }
0x27: {  	v3 =	vld [tilespmem:$0x10];
	_ =	sdelay $0x4  }
0x28: {  	v57 =	vshll.u32 v3, $0x1  }
0x29: {  	v3 =	vand.u32 $0x7, v3;
	v4 =	vand.u32 $0xFFFFFFF0, v57  }
0x2a: {  	v3 =	vor.u32 v3, v4  }
0x2b: {  	v4 =	vperm.xlane v3, v0;
	_ =	sdelay $0x1  }
0x2c: {  	v3 =	vperm.xlane v3, v2;
	v4 =	vadd.s32 v1, v4;
	_ =	sdelay $0x1  }
0x2d: {  	v3 =	vadd.s32 v1, v3;
	_ =	sdelay $0x1  }
0x2e: {  	s15 =	simm.s32 $0x1200  }
0x2f: {  	[tilespmem:s15], [sflag:$0x1] =	stream.indirect_vreg.gather [hbm4b:s1+s3], $0x80, v4, vm0, $0xb8;
	[tilespmem:$0x10200] =	vst v63  }
0x30: {  	s16 =	simm.s32 $0x1A00  }
0x31: {  	[tilespmem:s16], [sflag:$0x1] =	stream.indirect_vreg.gather [hbm4b:s1+s3], $0x80, v3, vm0, $0xb8;
	[tilespmem:$0x10200] =	vst v63  }
0x32: {  	v3 =	vld [tilespmem:$0x20];
	_ =	sdelay $0x4  }
0x33: {  	v58 =	vshll.u32 v3, $0x1  }
0x34: {  	v3 =	vand.u32 $0x7, v3;
	v4 =	vand.u32 $0xFFFFFFF0, v58  }
0x35: {  	v3 =	vor.u32 v3, v4  }
0x36: {  	v4 =	vperm.xlane v3, v0;
	_ =	sdelay $0x1  }
0x37: {  	v3 =	vperm.xlane v3, v2;
	v4 =	vadd.s32 v1, v4;
	_ =	sdelay $0x1  }
0x38: {  	v3 =	vadd.s32 v1, v3;
	_ =	sdelay $0x1  }
0x39: {  	s17 =	simm.s32 $0x2200  }
0x3a: {  	[tilespmem:s17], [sflag:$0x1] =	stream.indirect_vreg.gather [hbm4b:s1+s3], $0x80, v4, vm0, $0xb8;
	[tilespmem:$0x10200] =	vst v63  }
0x3b: {  	s18 =	simm.s32 $0x2A00  }
0x3c: {  	[tilespmem:s18], [sflag:$0x1] =	stream.indirect_vreg.gather [hbm4b:s1+s3], $0x80, v3, vm0, $0xb8;
	[tilespmem:$0x10200] =	vst v63  }
0x3d: {  	v3 =	vld [tilespmem:$0x30];
	_ =	sdelay $0x4  }
0x3e: {  	v59 =	vshll.u32 v3, $0x1  }
0x3f: {  	v3 =	vand.u32 $0x7, v3;
	v4 =	vand.u32 $0xFFFFFFF0, v59  }
0x40: {  	v3 =	vor.u32 v3, v4  }
0x41: {  	v4 =	vperm.xlane v3, v0;
	_ =	sdelay $0x1  }
0x42: {  	v3 =	vperm.xlane v3, v2;
	v4 =	vadd.s32 v1, v4;
	_ =	sdelay $0x1  }
0x43: {  	v3 =	vadd.s32 v1, v3;
	_ =	sdelay $0x2  }
0x44: {  	[tilespmem:s19], [sflag:$0x1] =	stream.indirect_vreg.gather [hbm4b:s1+s3], $0x80, v4, vm0, $0xb8;
	[tilespmem:$0x10200] =	vst v63  }
0x45: {  	_ = 	snop  }
0x46: {  	[tilespmem:s20], [sflag:$0x1] =	stream.indirect_vreg.gather [hbm4b:s1+s3], $0x80, v3, vm0, $0xb8;
	[tilespmem:$0x10200] =	vst v63  }
0x47: {  	v3 =	vld [tilespmem:$0x80];
	_ =	sdelay $0x4  }
0x48: {  	v60 =	vshll.u32 v3, $0x1  }
0x49: {  	v3 =	vand.u32 $0x7, v3;
	v4 =	vand.u32 $0xFFFFFFF0, v60  }
0x4a: {  	v3 =	vor.u32 v3, v4  }
0x4b: {  	v4 =	vperm.xlane v3, v0;
	_ =	sdelay $0x1  }
0x4c: {  	v3 =	vperm.xlane v3, v2;
	v4 =	vadd.s32 v1, v4;
	_ =	sdelay $0x1  }
0x4d: {  	v3 =	vadd.s32 v1, v3;
	_ =	sdelay $0x2  }
0x4e: {  	[tilespmem:s21], [sflag:$0x2] =	stream.indirect_vreg.gather [hbm4b:s1+s3], $0x80, v4, vm0, $0xb8;
	[tilespmem:$0x10200] =	vst v63  }
0x4f: {  	_ = 	snop  }
0x50: {  	[tilespmem:s22], [sflag:$0x2] =	stream.indirect_vreg.gather [hbm4b:s1+s3], $0x80, v3, vm0, $0xb8;
	[tilespmem:$0x10200] =	vst v63  }
0x51: {  	v3 =	vld [tilespmem:$0x90];
	_ =	sdelay $0x4  }
0x52: {  	v61 =	vshll.u32 v3, $0x1  }
0x53: {  	v3 =	vand.u32 $0x7, v3;
	v4 =	vand.u32 $0xFFFFFFF0, v61  }
0x54: {  	v3 =	vor.u32 v3, v4  }
0x55: {  	v4 =	vperm.xlane v3, v0;
	_ =	sdelay $0x1  }
0x56: {  	v3 =	vperm.xlane v3, v2;
	v4 =	vadd.s32 v1, v4;
	_ =	sdelay $0x1  }
0x57: {  	v3 =	vadd.s32 v1, v3;
	_ =	sdelay $0x2  }
0x58: {  	[tilespmem:s23], [sflag:$0x2] =	stream.indirect_vreg.gather [hbm4b:s1+s3], $0x80, v4, vm0, $0xb8;
	[tilespmem:$0x10200] =	vst v63  }
0x59: {  	_ = 	snop  }
0x5a: {  	[tilespmem:s24], [sflag:$0x2] =	stream.indirect_vreg.gather [hbm4b:s1+s3], $0x80, v3, vm0, $0xb8;
	[tilespmem:$0x10200] =	vst v63  }
0x5b: {  	v3 =	vld [tilespmem:$0xA0];
	_ =	sdelay $0x4  }
0x5c: {  	v62 =	vshll.u32 v3, $0x1  }
0x5d: {  	v3 =	vand.u32 $0x7, v3;
	v4 =	vand.u32 $0xFFFFFFF0, v62  }
0x5e: {  	v3 =	vor.u32 v3, v4  }
0x5f: {  	v4 =	vperm.xlane v3, v0;
	_ =	sdelay $0x1  }
0x60: {  	v3 =	vperm.xlane v3, v2;
	v4 =	vadd.s32 v1, v4;
	_ =	sdelay $0x1  }
0x61: {  	v3 =	vadd.s32 v1, v3;
	_ =	sdelay $0x2  }
0x62: {  	[tilespmem:s25], [sflag:$0x2] =	stream.indirect_vreg.gather [hbm4b:s1+s3], $0x80, v4, vm0, $0xb8;
	[tilespmem:$0x10200] =	vst v63  }
0x63: {  	_ = 	snop  }
0x64: {  	[tilespmem:s26], [sflag:$0x2] =	stream.indirect_vreg.gather [hbm4b:s1+s3], $0x80, v3, vm0, $0xb8;
	[tilespmem:$0x10200] =	vst v63  }
0x65: {  	v3 =	vld [tilespmem:$0xB0];
	_ =	sdelay $0x4  }
0x66: {  	v63 =	vshll.u32 v3, $0x1  }
0x67: {  	v3 =	vand.u32 $0x7, v3;
	v4 =	vand.u32 $0xFFFFFFF0, v63  }
0x68: {  	v3 =	vor.u32 v3, v4  }
0x69: {  	v4 =	vperm.xlane v3, v0;
	_ =	sdelay $0x1  }
0x6a: {  	v3 =	vperm.xlane v3, v2;
	v4 =	vadd.s32 v1, v4;
	_ =	sdelay $0x1  }
0x6b: {  	v3 =	vadd.s32 v1, v3  }
.Ltmp2:
0x6c: {  	_ = 	snop;
	(pc) =	sbr.rel .LBB2_2-.Ltmp2, $4  }
0x6d: {  	_ = 	snop  }
0x6e: {  	[tilespmem:s28], [sflag:$0x2] =	stream.indirect_vreg.gather [hbm4b:s1+s3], $0x80, v4, vm0, $0xb8;
	[tilespmem:$0x10200] =	vst v63  }
0x6f: {  	s10 =	simm.s32 $0x0  }
0x70: {  	[tilespmem:s29], [sflag:$0x2] =	stream.indirect_vreg.gather [hbm4b:s1+s3], $0x80, v3, vm0, $0xb8;
	[tilespmem:$0x10200] =	vst v63  }
.LBB2_14:
0x71: {  	[tilespmem:s14+$0x8270] =	vst v16;
	v9 =	vsub.f32 v13, v9;
	v62 =	vld [tilespmem:s14+$0x8660]  }
0x72: {  	[tilespmem:s14+$0x8600] =	vst v15;
	v8 =	vsub.f32 v12, v8;
	v63 =	vld [tilespmem:s14+$0x8670]  }
0x73: {  	v7 =	vsub.f32 v10, v7;
	[tilespmem:s14+$0x8610] =	vst v9  }
0x74: {  	v6 =	vsub.f32 v11, v6;
	[tilespmem:s14+$0x8620] =	vst v8  }
0x75: {  	v5 =	vsub.f32 v14, v5;
	[tilespmem:s14+$0x8630] =	vst v7  }
0x76: {  	[tilespmem:s14+$0x8640] =	vst v6;
	v4 =	vsub.f32 v62, v4  }
0x77: {  	[tilespmem:s14+$0x8650] =	vst v5;
	v3 =	vsub.f32 v63, v3  }
0x78: {  	s12 =	sshll.u32 s12, $0xB;
	[tilespmem:s14+$0x8660] =	vst v4  }
0x79: {  	s12 =	sadd.s32 s7, s12;
	[tilespmem:s14+$0x8670] =	vst v3  }
0x7a: {  	[hbm4b:s12+s3] =	stream.linear.scatter [tilespmem:s2], [sflag:$0x5], $0x4000, $0x38;
	[tilespmem:$0x10200] =	vst v63  }
0x7b: {  	s12 =	simm.s32 $0x5  }
.LBB2_15:
0x7c: {  	_ =	swait.ge [sflag:s12], $0x4000  }
0x7d: {  	[sflag:s12] =	ssyncset.done $0x0  }
0x7e: {  	[sflag:s12] =	ssyncadd.s32 $0xFFFFC000  }
.LBB2_16:
0x7f: {  	s10 =	sadd.s32 $0x1, s10  }
0x80: {  	p0 =	sne.s32 s10, $0x4F  }
.Ltmp3:
0x81: {  	_ = 	snop;
	(pc) =	sbr.rel @!p0 .LBB2_17-.Ltmp3, $1  }
0x82: {  	_ =	sdelay $0x3  }
.LBB2_2:
0x83: {  	s14 =	sand.u32 $0x1, s10  }
0x84: {  	p1 =	seq.s32 s14, $0x1  }
.Ltmp4:
0x85: {  	_ = 	snop;
	(pc) =	sbr.rel @p1 .LBB2_9-.Ltmp4, $4  }
0x86: {  	_ = 	snop  }
0x87: {  	s12 =	sshll.u32 s10, $0x5  }
0x88: {  	s12 =	sor.u32 s6, s12  }
0x89: {  	s14 =	sadd.s32 $0x20, s12;
	p0 =	sgt.u32 s12, $0x9A3  }
.Ltmp5:
0x8a: {  	(pc) =	sbr.rel @p0 .LBB2_5-.Ltmp5, $1  }
0x8b: {  	_ =	sdelay $0x3  }
0x8c: {  	s14 =	sshll.u32 s14, $0x3  }
0x8d: {  	s16 =	simm.s32 $0x100;
	s15 =	sadd.s32 s4, s14  }
0x8e: {  	[tilespmem:s16], [sflag:$0x6] =	stream.linear.gather [hbm4b:s15+s3], $0x40, $0x38;
	[tilespmem:$0x10200] =	vst v63  }
0x8f: {  	_ =	swait.ge [sflag:s31], $0x40  }
0x90: {  	[sflag:s31] =	ssyncset.done $0x0  }
0x91: {  	s18 =	simm.s32 $0x180;
	s14 =	sadd.s32 s5, s14;
	[sflag:s31] =	ssyncadd.s32 $0xFFFFFFC0  }
0x92: {  	[tilespmem:s18], [sflag:$0x6] =	stream.linear.gather [hbm4b:s14+s3], $0x40, $0x38;
	[tilespmem:$0x10200] =	vst v63  }
0x93: {  	_ =	swait.ge [sflag:s31], $0x40  }
0x94: {  	[sflag:s31] =	ssyncset.done $0x0  }
0x95: {  	[sflag:s31] =	ssyncadd.s32 $0xFFFFFFC0  }
0x96: {  	v3 =	vld [tilespmem:$0x100];
	_ =	sdelay $0x4  }
0x97: {  	v4 =	vshll.u32 v3, $0x1  }
0x98: {  	v3 =	vand.u32 $0x7, v3;
	v4 =	vand.u32 $0xFFFFFFF0, v4  }
0x99: {  	v3 =	vor.u32 v3, v4  }
0x9a: {  	v4 =	vperm.xlane v3, v0;
	_ =	sdelay $0x1  }
0x9b: {  	v3 =	vperm.xlane v3, v2;
	v4 =	vadd.s32 v1, v4;
	_ =	sdelay $0x1  }
0x9c: {  	v3 =	vadd.s32 v1, v3;
	_ =	sdelay $0x2  }
0x9d: {  	[tilespmem:s2], [sflag:$0x3] =	stream.indirect_vreg.gather [hbm4b:s1+s3], $0x80, v4, vm0, $0xb8;
	[tilespmem:$0x10200] =	vst v63  }
0x9e: {  	s16 =	simm.s32 $0x8A00  }
0x9f: {  	[tilespmem:s16], [sflag:$0x3] =	stream.indirect_vreg.gather [hbm4b:s1+s3], $0x80, v3, vm0, $0xb8;
	[tilespmem:$0x10200] =	vst v63  }
0xa0: {  	v3 =	vld [tilespmem:$0x110];
	_ =	sdelay $0x4  }
0xa1: {  	v57 =	vshll.u32 v3, $0x1  }
0xa2: {  	v3 =	vand.u32 $0x7, v3;
	v4 =	vand.u32 $0xFFFFFFF0, v57  }
0xa3: {  	v3 =	vor.u32 v3, v4  }
0xa4: {  	v4 =	vperm.xlane v3, v0;
	_ =	sdelay $0x1  }
0xa5: {  	v3 =	vperm.xlane v3, v2;
	v4 =	vadd.s32 v1, v4;
	_ =	sdelay $0x1  }
0xa6: {  	v3 =	vadd.s32 v1, v3;
	_ =	sdelay $0x1  }
0xa7: {  	s17 =	simm.s32 $0x9200  }
0xa8: {  	[tilespmem:s17], [sflag:$0x3] =	stream.indirect_vreg.gather [hbm4b:s1+s3], $0x80, v4, vm0, $0xb8;
	[tilespmem:$0x10200] =	vst v63  }
0xa9: {  	s18 =	simm.s32 $0x9A00  }
0xaa: {  	[tilespmem:s18], [sflag:$0x3] =	stream.indirect_vreg.gather [hbm4b:s1+s3], $0x80, v3, vm0, $0xb8;
	[tilespmem:$0x10200] =	vst v63  }
0xab: {  	v3 =	vld [tilespmem:$0x120];
	_ =	sdelay $0x4  }
0xac: {  	v58 =	vshll.u32 v3, $0x1  }
0xad: {  	v3 =	vand.u32 $0x7, v3;
	v4 =	vand.u32 $0xFFFFFFF0, v58  }
0xae: {  	v3 =	vor.u32 v3, v4  }
0xaf: {  	v4 =	vperm.xlane v3, v0;
	_ =	sdelay $0x1  }
0xb0: {  	v3 =	vperm.xlane v3, v2;
	v4 =	vadd.s32 v1, v4;
	_ =	sdelay $0x1  }
0xb1: {  	v3 =	vadd.s32 v1, v3;
	_ =	sdelay $0x1  }
0xb2: {  	s15 =	simm.s32 $0xA200  }
0xb3: {  	[tilespmem:s15], [sflag:$0x3] =	stream.indirect_vreg.gather [hbm4b:s1+s3], $0x80, v4, vm0, $0xb8;
	[tilespmem:$0x10200] =	vst v63  }
0xb4: {  	s16 =	simm.s32 $0xAA00  }
0xb5: {  	[tilespmem:s16], [sflag:$0x3] =	stream.indirect_vreg.gather [hbm4b:s1+s3], $0x80, v3, vm0, $0xb8;
	[tilespmem:$0x10200] =	vst v63  }
0xb6: {  	v3 =	vld [tilespmem:$0x130];
	_ =	sdelay $0x4  }
0xb7: {  	v59 =	vshll.u32 v3, $0x1  }
0xb8: {  	v3 =	vand.u32 $0x7, v3;
	v4 =	vand.u32 $0xFFFFFFF0, v59  }
0xb9: {  	v3 =	vor.u32 v3, v4  }
0xba: {  	v4 =	vperm.xlane v3, v0;
	_ =	sdelay $0x1  }
0xbb: {  	v3 =	vperm.xlane v3, v2;
	v4 =	vadd.s32 v1, v4;
	_ =	sdelay $0x1  }
0xbc: {  	v3 =	vadd.s32 v1, v3;
	_ =	sdelay $0x1  }
0xbd: {  	s17 =	simm.s32 $0xB200  }
0xbe: {  	[tilespmem:s17], [sflag:$0x3] =	stream.indirect_vreg.gather [hbm4b:s1+s3], $0x80, v4, vm0, $0xb8;
	[tilespmem:$0x10200] =	vst v63  }
0xbf: {  	s18 =	simm.s32 $0xBA00  }
0xc0: {  	[tilespmem:s18], [sflag:$0x3] =	stream.indirect_vreg.gather [hbm4b:s1+s3], $0x80, v3, vm0, $0xb8;
	[tilespmem:$0x10200] =	vst v63  }
0xc1: {  	v3 =	vld [tilespmem:$0x180];
	_ =	sdelay $0x4  }
0xc2: {  	v60 =	vshll.u32 v3, $0x1  }
0xc3: {  	v3 =	vand.u32 $0x7, v3;
	v4 =	vand.u32 $0xFFFFFFF0, v60  }
0xc4: {  	v3 =	vor.u32 v3, v4  }
0xc5: {  	v4 =	vperm.xlane v3, v0;
	_ =	sdelay $0x1  }
0xc6: {  	v3 =	vperm.xlane v3, v2;
	v4 =	vadd.s32 v1, v4;
	_ =	sdelay $0x1  }
0xc7: {  	v3 =	vadd.s32 v1, v3;
	_ =	sdelay $0x1  }
0xc8: {  	s15 =	simm.s32 $0xC200  }
0xc9: {  	[tilespmem:s15], [sflag:$0x4] =	stream.indirect_vreg.gather [hbm4b:s1+s3], $0x80, v4, vm0, $0xb8;
	[tilespmem:$0x10200] =	vst v63  }
0xca: {  	s16 =	simm.s32 $0xCA00  }
0xcb: {  	[tilespmem:s16], [sflag:$0x4] =	stream.indirect_vreg.gather [hbm4b:s1+s3], $0x80, v3, vm0, $0xb8;
	[tilespmem:$0x10200] =	vst v63  }
0xcc: {  	v3 =	vld [tilespmem:$0x190];
	_ =	sdelay $0x4  }
0xcd: {  	v61 =	vshll.u32 v3, $0x1  }
0xce: {  	v3 =	vand.u32 $0x7, v3;
	v4 =	vand.u32 $0xFFFFFFF0, v61  }
0xcf: {  	v3 =	vor.u32 v3, v4  }
0xd0: {  	v4 =	vperm.xlane v3, v0;
	_ =	sdelay $0x1  }
0xd1: {  	v3 =	vperm.xlane v3, v2;
	v4 =	vadd.s32 v1, v4;
	_ =	sdelay $0x1  }
0xd2: {  	v3 =	vadd.s32 v1, v3;
	_ =	sdelay $0x1  }
0xd3: {  	s17 =	simm.s32 $0xD200  }
0xd4: {  	[tilespmem:s17], [sflag:$0x4] =	stream.indirect_vreg.gather [hbm4b:s1+s3], $0x80, v4, vm0, $0xb8;
	[tilespmem:$0x10200] =	vst v63  }
0xd5: {  	s18 =	simm.s32 $0xDA00  }
0xd6: {  	[tilespmem:s18], [sflag:$0x4] =	stream.indirect_vreg.gather [hbm4b:s1+s3], $0x80, v3, vm0, $0xb8;
	[tilespmem:$0x10200] =	vst v63  }
0xd7: {  	v3 =	vld [tilespmem:$0x1A0];
	_ =	sdelay $0x4  }
0xd8: {  	v62 =	vshll.u32 v3, $0x1  }
0xd9: {  	v3 =	vand.u32 $0x7, v3;
	v4 =	vand.u32 $0xFFFFFFF0, v62  }
0xda: {  	v3 =	vor.u32 v3, v4  }
0xdb: {  	v4 =	vperm.xlane v3, v0;
	_ =	sdelay $0x1  }
0xdc: {  	v3 =	vperm.xlane v3, v2;
	v4 =	vadd.s32 v1, v4;
	_ =	sdelay $0x1  }
0xdd: {  	v3 =	vadd.s32 v1, v3;
	_ =	sdelay $0x1  }
0xde: {  	s15 =	simm.s32 $0xE200  }
0xdf: {  	[tilespmem:s15], [sflag:$0x4] =	stream.indirect_vreg.gather [hbm4b:s1+s3], $0x80, v4, vm0, $0xb8;
	[tilespmem:$0x10200] =	vst v63  }
0xe0: {  	s16 =	simm.s32 $0xEA00  }
0xe1: {  	[tilespmem:s16], [sflag:$0x4] =	stream.indirect_vreg.gather [hbm4b:s1+s3], $0x80, v3, vm0, $0xb8;
	[tilespmem:$0x10200] =	vst v63  }
0xe2: {  	v3 =	vld [tilespmem:$0x1B0];
	_ =	sdelay $0x4  }
0xe3: {  	v63 =	vshll.u32 v3, $0x1  }
0xe4: {  	v3 =	vand.u32 $0x7, v3;
	v4 =	vand.u32 $0xFFFFFFF0, v63  }
0xe5: {  	v3 =	vor.u32 v3, v4  }
0xe6: {  	v4 =	vperm.xlane v3, v0;
	_ =	sdelay $0x1  }
0xe7: {  	v3 =	vperm.xlane v3, v2;
	v4 =	vadd.s32 v1, v4;
	_ =	sdelay $0x1  }
0xe8: {  	v3 =	vadd.s32 v1, v3  }
.Ltmp6:
0xe9: {  	_ = 	snop;
	(pc) =	sbr.rel .LBB2_6-.Ltmp6, $4  }
0xea: {  	s17 =	simm.s32 $0xF200  }
0xeb: {  	[tilespmem:s17], [sflag:$0x4] =	stream.indirect_vreg.gather [hbm4b:s1+s3], $0x80, v4, vm0, $0xb8;
	[tilespmem:$0x10200] =	vst v63  }
0xec: {  	s18 =	simm.s32 $0xFA00  }
0xed: {  	[tilespmem:s18], [sflag:$0x4] =	stream.indirect_vreg.gather [hbm4b:s1+s3], $0x80, v3, vm0, $0xb8;
	[tilespmem:$0x10200] =	vst v63  }
.LBB2_9:
.Ltmp7:
0xee: {  	(pc) =	sbr.rel @p0 .LBB2_11-.Ltmp7, $1  }
0xef: {  	_ =	sdelay $0x3  }
0xf0: {  	s14 =	sshll.u32 s14, $0x3  }
0xf1: {  	s15 =	sadd.s32 s4, s14  }
0xf2: {  	[tilespmem:s3], [sflag:$0x6] =	stream.linear.gather [hbm4b:s15+s3], $0x40, $0x38;
	[tilespmem:$0x10200] =	vst v63  }
0xf3: {  	_ =	swait.ge [sflag:s31], $0x40  }
0xf4: {  	[sflag:s31] =	ssyncset.done $0x0  }
0xf5: {  	s17 =	simm.s32 $0x80;
	s14 =	sadd.s32 s5, s14;
	[sflag:s31] =	ssyncadd.s32 $0xFFFFFFC0  }
0xf6: {  	[tilespmem:s17], [sflag:$0x6] =	stream.linear.gather [hbm4b:s14+s3], $0x40, $0x38;
	[tilespmem:$0x10200] =	vst v63  }
0xf7: {  	_ =	swait.ge [sflag:s31], $0x40  }
0xf8: {  	[sflag:s31] =	ssyncset.done $0x0  }
0xf9: {  	[sflag:s31] =	ssyncadd.s32 $0xFFFFFFC0  }
0xfa: {  	v3 =	vld [tilespmem:$0x0];
	_ =	sdelay $0x4  }
0xfb: {  	v4 =	vshll.u32 v3, $0x1  }
0xfc: {  	v3 =	vand.u32 $0x7, v3;
	v4 =	vand.u32 $0xFFFFFFF0, v4  }
0xfd: {  	v3 =	vor.u32 v3, v4  }
0xfe: {  	v4 =	vperm.xlane v3, v0;
	_ =	sdelay $0x1  }
0xff: {  	v3 =	vperm.xlane v3, v2;
	v4 =	vadd.s32 v1, v4;
	_ =	sdelay $0x1  }
0x100: {  	v3 =	vadd.s32 v1, v3;
	_ =	sdelay $0x2  }
0x101: {  	[tilespmem:s13], [sflag:$0x1] =	stream.indirect_vreg.gather [hbm4b:s1+s3], $0x80, v4, vm0, $0xb8;
	[tilespmem:$0x10200] =	vst v63  }
0x102: {  	s18 =	simm.s32 $0xA00  }
0x103: {  	[tilespmem:s18], [sflag:$0x1] =	stream.indirect_vreg.gather [hbm4b:s1+s3], $0x80, v3, vm0, $0xb8;
	[tilespmem:$0x10200] =	vst v63  }
0x104: {  	v3 =	vld [tilespmem:$0x10];
	_ =	sdelay $0x4  }
0x105: {  	v57 =	vshll.u32 v3, $0x1  }
0x106: {  	v3 =	vand.u32 $0x7, v3;
	v4 =	vand.u32 $0xFFFFFFF0, v57  }
0x107: {  	v3 =	vor.u32 v3, v4  }
0x108: {  	v4 =	vperm.xlane v3, v0;
	_ =	sdelay $0x1  }
0x109: {  	v3 =	vperm.xlane v3, v2;
	v4 =	vadd.s32 v1, v4;
	_ =	sdelay $0x1  }
0x10a: {  	v3 =	vadd.s32 v1, v3;
	_ =	sdelay $0x1  }
0x10b: {  	s15 =	simm.s32 $0x1200  }
0x10c: {  	[tilespmem:s15], [sflag:$0x1] =	stream.indirect_vreg.gather [hbm4b:s1+s3], $0x80, v4, vm0, $0xb8;
	[tilespmem:$0x10200] =	vst v63  }
0x10d: {  	s16 =	simm.s32 $0x1A00  }
0x10e: {  	[tilespmem:s16], [sflag:$0x1] =	stream.indirect_vreg.gather [hbm4b:s1+s3], $0x80, v3, vm0, $0xb8;
	[tilespmem:$0x10200] =	vst v63  }
0x10f: {  	v3 =	vld [tilespmem:$0x20];
	_ =	sdelay $0x4  }
0x110: {  	v58 =	vshll.u32 v3, $0x1  }
0x111: {  	v3 =	vand.u32 $0x7, v3;
	v4 =	vand.u32 $0xFFFFFFF0, v58  }
0x112: {  	v3 =	vor.u32 v3, v4  }
0x113: {  	v4 =	vperm.xlane v3, v0;
	_ =	sdelay $0x1  }
0x114: {  	v3 =	vperm.xlane v3, v2;
	v4 =	vadd.s32 v1, v4;
	_ =	sdelay $0x1  }
0x115: {  	v3 =	vadd.s32 v1, v3;
	_ =	sdelay $0x1  }
0x116: {  	s17 =	simm.s32 $0x2200  }
0x117: {  	[tilespmem:s17], [sflag:$0x1] =	stream.indirect_vreg.gather [hbm4b:s1+s3], $0x80, v4, vm0, $0xb8;
	[tilespmem:$0x10200] =	vst v63  }
0x118: {  	s18 =	simm.s32 $0x2A00  }
0x119: {  	[tilespmem:s18], [sflag:$0x1] =	stream.indirect_vreg.gather [hbm4b:s1+s3], $0x80, v3, vm0, $0xb8;
	[tilespmem:$0x10200] =	vst v63  }
0x11a: {  	v3 =	vld [tilespmem:$0x30];
	_ =	sdelay $0x4  }
0x11b: {  	v59 =	vshll.u32 v3, $0x1  }
0x11c: {  	v3 =	vand.u32 $0x7, v3;
	v4 =	vand.u32 $0xFFFFFFF0, v59  }
0x11d: {  	v3 =	vor.u32 v3, v4  }
0x11e: {  	v4 =	vperm.xlane v3, v0;
	_ =	sdelay $0x1  }
0x11f: {  	v3 =	vperm.xlane v3, v2;
	v4 =	vadd.s32 v1, v4;
	_ =	sdelay $0x1  }
0x120: {  	v3 =	vadd.s32 v1, v3;
	_ =	sdelay $0x2  }
0x121: {  	[tilespmem:s19], [sflag:$0x1] =	stream.indirect_vreg.gather [hbm4b:s1+s3], $0x80, v4, vm0, $0xb8;
	[tilespmem:$0x10200] =	vst v63  }
0x122: {  	_ = 	snop  }
0x123: {  	[tilespmem:s20], [sflag:$0x1] =	stream.indirect_vreg.gather [hbm4b:s1+s3], $0x80, v3, vm0, $0xb8;
	[tilespmem:$0x10200] =	vst v63  }
0x124: {  	v3 =	vld [tilespmem:$0x80];
	_ =	sdelay $0x4  }
0x125: {  	v60 =	vshll.u32 v3, $0x1  }
0x126: {  	v3 =	vand.u32 $0x7, v3;
	v4 =	vand.u32 $0xFFFFFFF0, v60  }
0x127: {  	v3 =	vor.u32 v3, v4  }
0x128: {  	v4 =	vperm.xlane v3, v0;
	_ =	sdelay $0x1  }
0x129: {  	v3 =	vperm.xlane v3, v2;
	v4 =	vadd.s32 v1, v4;
	_ =	sdelay $0x1  }
0x12a: {  	v3 =	vadd.s32 v1, v3;
	_ =	sdelay $0x2  }
0x12b: {  	[tilespmem:s21], [sflag:$0x2] =	stream.indirect_vreg.gather [hbm4b:s1+s3], $0x80, v4, vm0, $0xb8;
	[tilespmem:$0x10200] =	vst v63  }
0x12c: {  	_ = 	snop  }
0x12d: {  	[tilespmem:s22], [sflag:$0x2] =	stream.indirect_vreg.gather [hbm4b:s1+s3], $0x80, v3, vm0, $0xb8;
	[tilespmem:$0x10200] =	vst v63  }
0x12e: {  	v3 =	vld [tilespmem:$0x90];
	_ =	sdelay $0x4  }
0x12f: {  	v61 =	vshll.u32 v3, $0x1  }
0x130: {  	v3 =	vand.u32 $0x7, v3;
	v4 =	vand.u32 $0xFFFFFFF0, v61  }
0x131: {  	v3 =	vor.u32 v3, v4  }
0x132: {  	v4 =	vperm.xlane v3, v0;
	_ =	sdelay $0x1  }
0x133: {  	v3 =	vperm.xlane v3, v2;
	v4 =	vadd.s32 v1, v4;
	_ =	sdelay $0x1  }
0x134: {  	v3 =	vadd.s32 v1, v3;
	_ =	sdelay $0x2  }
0x135: {  	[tilespmem:s23], [sflag:$0x2] =	stream.indirect_vreg.gather [hbm4b:s1+s3], $0x80, v4, vm0, $0xb8;
	[tilespmem:$0x10200] =	vst v63  }
0x136: {  	_ = 	snop  }
0x137: {  	[tilespmem:s24], [sflag:$0x2] =	stream.indirect_vreg.gather [hbm4b:s1+s3], $0x80, v3, vm0, $0xb8;
	[tilespmem:$0x10200] =	vst v63  }
0x138: {  	v3 =	vld [tilespmem:$0xA0];
	_ =	sdelay $0x4  }
0x139: {  	v62 =	vshll.u32 v3, $0x1  }
0x13a: {  	v3 =	vand.u32 $0x7, v3;
	v4 =	vand.u32 $0xFFFFFFF0, v62  }
0x13b: {  	v3 =	vor.u32 v3, v4  }
0x13c: {  	v4 =	vperm.xlane v3, v0;
	_ =	sdelay $0x1  }
0x13d: {  	v3 =	vperm.xlane v3, v2;
	v4 =	vadd.s32 v1, v4;
	_ =	sdelay $0x1  }
0x13e: {  	v3 =	vadd.s32 v1, v3;
	_ =	sdelay $0x2  }
0x13f: {  	[tilespmem:s25], [sflag:$0x2] =	stream.indirect_vreg.gather [hbm4b:s1+s3], $0x80, v4, vm0, $0xb8;
	[tilespmem:$0x10200] =	vst v63  }
0x140: {  	_ = 	snop  }
0x141: {  	[tilespmem:s26], [sflag:$0x2] =	stream.indirect_vreg.gather [hbm4b:s1+s3], $0x80, v3, vm0, $0xb8;
	[tilespmem:$0x10200] =	vst v63  }
0x142: {  	v3 =	vld [tilespmem:$0xB0];
	_ =	sdelay $0x4  }
0x143: {  	v63 =	vshll.u32 v3, $0x1  }
0x144: {  	v3 =	vand.u32 $0x7, v3;
	v4 =	vand.u32 $0xFFFFFFF0, v63  }
0x145: {  	v3 =	vor.u32 v3, v4  }
0x146: {  	v4 =	vperm.xlane v3, v0;
	_ =	sdelay $0x1  }
0x147: {  	v3 =	vperm.xlane v3, v2;
	v4 =	vadd.s32 v1, v4;
	_ =	sdelay $0x1  }
0x148: {  	v3 =	vadd.s32 v1, v3  }
.Ltmp8:
0x149: {  	_ = 	snop;
	(pc) =	sbr.rel .LBB2_12-.Ltmp8, $4  }
0x14a: {  	_ = 	snop  }
0x14b: {  	[tilespmem:s28], [sflag:$0x2] =	stream.indirect_vreg.gather [hbm4b:s1+s3], $0x80, v4, vm0, $0xb8;
	[tilespmem:$0x10200] =	vst v63  }
0x14c: {  	_ = 	snop  }
0x14d: {  	[tilespmem:s29], [sflag:$0x2] =	stream.indirect_vreg.gather [hbm4b:s1+s3], $0x80, v3, vm0, $0xb8;
	[tilespmem:$0x10200] =	vst v63  }
.LBB2_5:
0x14e: {  	p0 =	sgt.u32 s12, $0x9C3  }
.Ltmp9:
0x14f: {  	_ = 	snop;
	(pc) =	sbr.rel @p0 .LBB2_16-.Ltmp9, $1  }
0x150: {  	_ =	sdelay $0x3  }
.LBB2_6:
0x151: {  	_ =	swait.ge [sflag:s11], $0x4000  }
0x152: {  	[sflag:s11] =	ssyncset.done $0x0  }
0x153: {  	[sflag:s11] =	ssyncadd.s32 $0xFFFFC000  }
0x154: {  	s14 =	simm.s32 $0x0;
	_ =	swait.ge [sflag:s30], $0x4000  }
0x155: {  	s15 =	sand.u32 $0x3800, s14;
	s14 =	sand.u32 $0x380, s14;
	[sflag:s30] =	ssyncset.done $0x0  }
0x156: {  	s14 =	sor.u32 s14, s15;
	[sflag:s30] =	ssyncadd.s32 $0xFFFFC000  }
0x157: {  	v10 =	vld [tilespmem:s14+$0x4200]  }
0x158: {  	v11 =	vld [tilespmem:s14+$0x4210]  }
0x159: {  	v12 =	vld [tilespmem:s14+$0x4220]  }
0x15a: {  	v13 =	vld [tilespmem:s14+$0x4230]  }
0x15b: {  	v14 =	vld [tilespmem:s14+$0x4240]  }
0x15c: {  	v15 =	vld [tilespmem:s14+$0x4250]  }
0x15d: {  	v16 =	vld [tilespmem:s14+$0x4260]  }
0x15e: {  	v17 =	vld [tilespmem:s14+$0x4270]  }
0x15f: {  	v18 =	vld [tilespmem:s14+$0x4600]  }
0x160: {  	v9 =	vld [tilespmem:s14+$0x4610]  }
0x161: {  	v8 =	vld [tilespmem:s14+$0x4620]  }
0x162: {  	v7 =	vld [tilespmem:s14+$0x4630]  }
0x163: {  	v6 =	vld [tilespmem:s14+$0x4640]  }
0x164: {  	v5 =	vld [tilespmem:s14+$0x4650]  }
0x165: {  	v4 =	vld [tilespmem:s14+$0x4660]  }
0x166: {  	v3 =	vld [tilespmem:s14+$0x4670]  }
0x167: {  	v19 =	vld [tilespmem:s14+$0x200]  }
0x168: {  	v20 =	vld [tilespmem:s14+$0x210]  }
0x169: {  	v21 =	vld [tilespmem:s14+$0x220]  }
0x16a: {  	v22 =	vld [tilespmem:s14+$0x230]  }
0x16b: {  	v23 =	vld [tilespmem:s14+$0x240]  }
0x16c: {  	v10 =	vsub.f32 v19, v10;
	v19 =	vld [tilespmem:s14+$0x250]  }
0x16d: {  	v61 =	vld [tilespmem:s14+$0x260];
	v11 =	vsub.f32 v20, v11  }
0x16e: {  	v62 =	vld [tilespmem:s14+$0x270];
	[tilespmem:s14+$0x200] =	vst v10;
	v10 =	vsub.f32 v21, v12  }
0x16f: {  	v63 =	vld [tilespmem:s14+$0x600];
	[tilespmem:s14+$0x210] =	vst v11;
	v11 =	vsub.f32 v22, v13  }
0x170: {  	v13 =	vld [tilespmem:s14+$0x610];
	[tilespmem:s14+$0x220] =	vst v10;
	v10 =	vsub.f32 v23, v14  }
0x171: {  	v12 =	vld [tilespmem:s14+$0x620];
	[tilespmem:s14+$0x230] =	vst v11;
	v11 =	vsub.f32 v19, v15  }
0x172: {  	v14 =	vsub.f32 v61, v16;
	[tilespmem:s14+$0x240] =	vst v10;
	v10 =	vld [tilespmem:s14+$0x630]  }
0x173: {  	v16 =	vsub.f32 v62, v17;
	[tilespmem:s14+$0x250] =	vst v11;
	v11 =	vld [tilespmem:s14+$0x640]  }
0x174: {  	s16 =	simm.s32 $0x100;
	s15 =	simm.s32 $0x80;
	v15 =	vsub.f32 v63, v18;
	[tilespmem:s14+$0x260] =	vst v14;
	v14 =	vld [tilespmem:s14+$0x650]  }
.LBB2_7:
0x175: {  	s17 =	sand.u32 $0x3800, s16;
	s18 =	sand.u32 $0x380, s15;
	p0 =	sne.s32 s16, $0x3F00;
	[tilespmem:s14+$0x270] =	vst v16;
	v9 =	vsub.f32 v13, v9;
	v13 =	vld [tilespmem:s14+$0x660]  }
0x176: {  	s17 =	sor.u32 s18, s17;
	[tilespmem:s14+$0x600] =	vst v15;
	v8 =	vsub.f32 v12, v8;
	v12 =	vld [tilespmem:s14+$0x670]  }
0x177: {  	v15 =	vld [tilespmem:s17+$0x4200];
	[tilespmem:s14+$0x610] =	vst v9;
	v7 =	vsub.f32 v10, v7  }
0x178: {  	v10 =	vld [tilespmem:s17+$0x4210];
	[tilespmem:s14+$0x620] =	vst v8;
	v6 =	vsub.f32 v11, v6  }
0x179: {  	v11 =	vld [tilespmem:s17+$0x4220];
	[tilespmem:s14+$0x630] =	vst v7;
	v5 =	vsub.f32 v14, v5  }
0x17a: {  	v14 =	vld [tilespmem:s17+$0x4230];
	[tilespmem:s14+$0x640] =	vst v6;
	v4 =	vsub.f32 v13, v4  }
0x17b: {  	v13 =	vld [tilespmem:s17+$0x4240];
	[tilespmem:s14+$0x650] =	vst v5;
	v3 =	vsub.f32 v12, v3  }
0x17c: {  	v12 =	vld [tilespmem:s17+$0x4250];
	[tilespmem:s14+$0x660] =	vst v4  }
0x17d: {  	v16 =	vld [tilespmem:s17+$0x4260];
	[tilespmem:s14+$0x670] =	vst v3;
	s14 =	smov.u32 s17  }
0x17e: {  	v17 =	vld [tilespmem:s14+$0x4270]  }
0x17f: {  	v18 =	vld [tilespmem:s14+$0x4600]  }
0x180: {  	v9 =	vld [tilespmem:s14+$0x4610]  }
0x181: {  	v8 =	vld [tilespmem:s14+$0x4620]  }
0x182: {  	v7 =	vld [tilespmem:s14+$0x4630]  }
0x183: {  	v6 =	vld [tilespmem:s14+$0x4640]  }
0x184: {  	v5 =	vld [tilespmem:s14+$0x4650]  }
0x185: {  	v4 =	vld [tilespmem:s14+$0x4660]  }
0x186: {  	v3 =	vld [tilespmem:s14+$0x4670]  }
0x187: {  	v19 =	vld [tilespmem:s14+$0x200]  }
0x188: {  	v20 =	vld [tilespmem:s14+$0x210]  }
0x189: {  	v21 =	vld [tilespmem:s14+$0x220]  }
0x18a: {  	v22 =	vld [tilespmem:s14+$0x230]  }
0x18b: {  	v23 =	vld [tilespmem:s14+$0x240]  }
0x18c: {  	v15 =	vsub.f32 v19, v15;
	v19 =	vld [tilespmem:s14+$0x250]  }
0x18d: {  	v10 =	vsub.f32 v20, v10;
	v20 =	vld [tilespmem:s14+$0x260]  }
0x18e: {  	[tilespmem:s14+$0x200] =	vst v15;
	v11 =	vsub.f32 v21, v11;
	v15 =	vld [tilespmem:s14+$0x270]  }
0x18f: {  	[tilespmem:s14+$0x210] =	vst v10;
	v10 =	vsub.f32 v22, v14;
	v14 =	vld [tilespmem:s14+$0x600]  }
.Ltmp10:
0x190: {  	[tilespmem:s14+$0x220] =	vst v11;
	v11 =	vsub.f32 v23, v13;
	v13 =	vld [tilespmem:s14+$0x610];
	(pc) =	sbr.rel @p0 .LBB2_7-.Ltmp10, $4  }
0x191: {  	[tilespmem:s14+$0x230] =	vst v10;
	v19 =	vsub.f32 v19, v12;
	v12 =	vld [tilespmem:s14+$0x620]  }
0x192: {  	[tilespmem:s14+$0x240] =	vst v11;
	v20 =	vsub.f32 v20, v16;
	v10 =	vld [tilespmem:s14+$0x630]  }
0x193: {  	[tilespmem:s14+$0x250] =	vst v19;
	v16 =	vsub.f32 v15, v17;
	v11 =	vld [tilespmem:s14+$0x640]  }
0x194: {  	s15 =	sadd.s32 $0x80, s15;
	s16 =	sadd.s32 $0x100, s16;
	[tilespmem:s14+$0x260] =	vst v20;
	v15 =	vsub.f32 v14, v18;
	v14 =	vld [tilespmem:s14+$0x650]  }
0x195: {  	[tilespmem:s14+$0x270] =	vst v16;
	v9 =	vsub.f32 v13, v9;
	v62 =	vld [tilespmem:s14+$0x660]  }
0x196: {  	v63 =	vld [tilespmem:s14+$0x670];
	[tilespmem:s14+$0x600] =	vst v15;
	v8 =	vsub.f32 v12, v8  }
0x197: {  	[tilespmem:s14+$0x610] =	vst v9;
	v7 =	vsub.f32 v10, v7  }
0x198: {  	[tilespmem:s14+$0x620] =	vst v8;
	v6 =	vsub.f32 v11, v6  }
0x199: {  	[tilespmem:s14+$0x630] =	vst v7;
	v5 =	vsub.f32 v14, v5  }
0x19a: {  	[tilespmem:s14+$0x640] =	vst v6;
	v4 =	vsub.f32 v62, v4  }
.Ltmp11:
0x19b: {  	v3 =	vsub.f32 v63, v3;
	[tilespmem:s14+$0x650] =	vst v5;
	(pc) =	sbr.rel .LBB2_15-.Ltmp11, $4  }
0x19c: {  	s12 =	sshll.u32 s12, $0xB;
	[tilespmem:s14+$0x660] =	vst v4  }
0x19d: {  	s12 =	sadd.s32 s7, s12;
	[tilespmem:s14+$0x670] =	vst v3  }
0x19e: {  	[hbm4b:s12+s3] =	stream.linear.scatter [tilespmem:s13], [sflag:$0x6], $0x4000, $0x38;
	[tilespmem:$0x10200] =	vst v63  }
0x19f: {  	s12 =	simm.s32 $0x6  }
.LBB2_11:
0x1a0: {  	p0 =	sgt.u32 s12, $0x9C3  }
.Ltmp12:
0x1a1: {  	_ = 	snop;
	(pc) =	sbr.rel @p0 .LBB2_16-.Ltmp12, $1  }
0x1a2: {  	_ =	sdelay $0x3  }
.LBB2_12:
0x1a3: {  	_ =	swait.ge [sflag:s0], $0x4000  }
0x1a4: {  	[sflag:s0] =	ssyncset.done $0x0  }
0x1a5: {  	[sflag:s0] =	ssyncadd.s32 $0xFFFFC000  }
0x1a6: {  	s14 =	simm.s32 $0x0;
	_ =	swait.ge [sflag:s8], $0x4000  }
0x1a7: {  	s15 =	sand.u32 $0x3800, s14;
	s14 =	sand.u32 $0x380, s14;
	[sflag:s8] =	ssyncset.done $0x0  }
0x1a8: {  	s14 =	sor.u32 s14, s15;
	[sflag:s8] =	ssyncadd.s32 $0xFFFFC000  }
0x1a9: {  	v10 =	vld [tilespmem:s14+$0xC200]  }
0x1aa: {  	v11 =	vld [tilespmem:s14+$0xC210]  }
0x1ab: {  	v12 =	vld [tilespmem:s14+$0xC220]  }
0x1ac: {  	v13 =	vld [tilespmem:s14+$0xC230]  }
0x1ad: {  	v14 =	vld [tilespmem:s14+$0xC240]  }
0x1ae: {  	v15 =	vld [tilespmem:s14+$0xC250]  }
0x1af: {  	v16 =	vld [tilespmem:s14+$0xC260]  }
0x1b0: {  	v17 =	vld [tilespmem:s14+$0xC270]  }
0x1b1: {  	v18 =	vld [tilespmem:s14+$0xC600]  }
0x1b2: {  	v9 =	vld [tilespmem:s14+$0xC610]  }
0x1b3: {  	v8 =	vld [tilespmem:s14+$0xC620]  }
0x1b4: {  	v7 =	vld [tilespmem:s14+$0xC630]  }
0x1b5: {  	v6 =	vld [tilespmem:s14+$0xC640]  }
0x1b6: {  	v5 =	vld [tilespmem:s14+$0xC650]  }
0x1b7: {  	v4 =	vld [tilespmem:s14+$0xC660]  }
0x1b8: {  	v3 =	vld [tilespmem:s14+$0xC670]  }
0x1b9: {  	v19 =	vld [tilespmem:s14+$0x8200]  }
0x1ba: {  	v20 =	vld [tilespmem:s14+$0x8210]  }
0x1bb: {  	v21 =	vld [tilespmem:s14+$0x8220]  }
0x1bc: {  	v22 =	vld [tilespmem:s14+$0x8230]  }
0x1bd: {  	v23 =	vld [tilespmem:s14+$0x8240]  }
0x1be: {  	v10 =	vsub.f32 v19, v10;
	v19 =	vld [tilespmem:s14+$0x8250]  }
0x1bf: {  	v61 =	vld [tilespmem:s14+$0x8260];
	v11 =	vsub.f32 v20, v11  }
0x1c0: {  	v62 =	vld [tilespmem:s14+$0x8270];
	[tilespmem:s14+$0x8200] =	vst v10;
	v10 =	vsub.f32 v21, v12  }
0x1c1: {  	v63 =	vld [tilespmem:s14+$0x8600];
	[tilespmem:s14+$0x8210] =	vst v11;
	v11 =	vsub.f32 v22, v13  }
0x1c2: {  	v13 =	vld [tilespmem:s14+$0x8610];
	[tilespmem:s14+$0x8220] =	vst v10;
	v10 =	vsub.f32 v23, v14  }
0x1c3: {  	v12 =	vld [tilespmem:s14+$0x8620];
	[tilespmem:s14+$0x8230] =	vst v11;
	v11 =	vsub.f32 v19, v15  }
0x1c4: {  	v14 =	vsub.f32 v61, v16;
	[tilespmem:s14+$0x8240] =	vst v10;
	v10 =	vld [tilespmem:s14+$0x8630]  }
0x1c5: {  	v16 =	vsub.f32 v62, v17;
	[tilespmem:s14+$0x8250] =	vst v11;
	v11 =	vld [tilespmem:s14+$0x8640]  }
0x1c6: {  	s16 =	simm.s32 $0x100;
	s15 =	simm.s32 $0x80;
	v15 =	vsub.f32 v63, v18;
	[tilespmem:s14+$0x8260] =	vst v14;
	v14 =	vld [tilespmem:s14+$0x8650]  }
.LBB2_13:
0x1c7: {  	s17 =	sand.u32 $0x3800, s16;
	s18 =	sand.u32 $0x380, s15;
	p0 =	sne.s32 s16, $0x3F00;
	[tilespmem:s14+$0x8270] =	vst v16;
	v9 =	vsub.f32 v13, v9;
	v13 =	vld [tilespmem:s14+$0x8660]  }
0x1c8: {  	v8 =	vsub.f32 v12, v8;
	s17 =	sor.u32 s18, s17;
	[tilespmem:s14+$0x8600] =	vst v15;
	v12 =	vld [tilespmem:s14+$0x8670]  }
0x1c9: {  	v7 =	vsub.f32 v10, v7;
	v15 =	vld [tilespmem:s17+$0xC200];
	[tilespmem:s14+$0x8610] =	vst v9  }
0x1ca: {  	v6 =	vsub.f32 v11, v6;
	v10 =	vld [tilespmem:s17+$0xC210];
	[tilespmem:s14+$0x8620] =	vst v8  }
0x1cb: {  	v5 =	vsub.f32 v14, v5;
	v11 =	vld [tilespmem:s17+$0xC220];
	[tilespmem:s14+$0x8630] =	vst v7  }
0x1cc: {  	v14 =	vld [tilespmem:s17+$0xC230];
	[tilespmem:s14+$0x8640] =	vst v6;
	v4 =	vsub.f32 v13, v4  }
0x1cd: {  	v13 =	vld [tilespmem:s17+$0xC240];
	[tilespmem:s14+$0x8650] =	vst v5;
	v3 =	vsub.f32 v12, v3  }
0x1ce: {  	v12 =	vld [tilespmem:s17+$0xC250];
	[tilespmem:s14+$0x8660] =	vst v4  }
0x1cf: {  	v16 =	vld [tilespmem:s17+$0xC260];
	[tilespmem:s14+$0x8670] =	vst v3;
	s14 =	smov.u32 s17  }
0x1d0: {  	v17 =	vld [tilespmem:s14+$0xC270]  }
0x1d1: {  	v18 =	vld [tilespmem:s14+$0xC600]  }
0x1d2: {  	v9 =	vld [tilespmem:s14+$0xC610]  }
0x1d3: {  	v8 =	vld [tilespmem:s14+$0xC620]  }
0x1d4: {  	v7 =	vld [tilespmem:s14+$0xC630]  }
0x1d5: {  	v6 =	vld [tilespmem:s14+$0xC640]  }
0x1d6: {  	v5 =	vld [tilespmem:s14+$0xC650]  }
0x1d7: {  	v4 =	vld [tilespmem:s14+$0xC660]  }
0x1d8: {  	v3 =	vld [tilespmem:s14+$0xC670]  }
0x1d9: {  	v19 =	vld [tilespmem:s14+$0x8200]  }
0x1da: {  	v20 =	vld [tilespmem:s14+$0x8210]  }
0x1db: {  	v21 =	vld [tilespmem:s14+$0x8220]  }
0x1dc: {  	v22 =	vld [tilespmem:s14+$0x8230]  }
0x1dd: {  	v23 =	vld [tilespmem:s14+$0x8240]  }
0x1de: {  	v15 =	vsub.f32 v19, v15;
	v19 =	vld [tilespmem:s14+$0x8250]  }
0x1df: {  	v10 =	vsub.f32 v20, v10;
	v20 =	vld [tilespmem:s14+$0x8260]  }
0x1e0: {  	[tilespmem:s14+$0x8200] =	vst v15;
	v11 =	vsub.f32 v21, v11;
	v15 =	vld [tilespmem:s14+$0x8270]  }
0x1e1: {  	[tilespmem:s14+$0x8210] =	vst v10;
	v10 =	vsub.f32 v22, v14;
	v14 =	vld [tilespmem:s14+$0x8600]  }
.Ltmp13:
0x1e2: {  	[tilespmem:s14+$0x8220] =	vst v11;
	v11 =	vsub.f32 v23, v13;
	v13 =	vld [tilespmem:s14+$0x8610];
	(pc) =	sbr.rel @p0 .LBB2_13-.Ltmp13, $4  }
0x1e3: {  	[tilespmem:s14+$0x8230] =	vst v10;
	v19 =	vsub.f32 v19, v12;
	v12 =	vld [tilespmem:s14+$0x8620]  }
0x1e4: {  	[tilespmem:s14+$0x8240] =	vst v11;
	v20 =	vsub.f32 v20, v16;
	v10 =	vld [tilespmem:s14+$0x8630]  }
0x1e5: {  	[tilespmem:s14+$0x8250] =	vst v19;
	v16 =	vsub.f32 v15, v17;
	v11 =	vld [tilespmem:s14+$0x8640]  }
0x1e6: {  	s15 =	sadd.s32 $0x80, s15;
	s16 =	sadd.s32 $0x100, s16;
	[tilespmem:s14+$0x8260] =	vst v20;
	v15 =	vsub.f32 v14, v18;
	v14 =	vld [tilespmem:s14+$0x8650]  }
.Ltmp14:
0x1e7: {  	_ = 	snop;
	(pc) =	sbr.rel .LBB2_14-.Ltmp14, $1  }
0x1e8: {  	_ =	sdelay $0x3  }
.LBB2_18:
0x1e9: {  	_ =	sfence.sel $0x180000  }
0x1ea: {  	[bflag:$0x0] =	sbarrier.arrive $0xFFFF  }
0x1eb: {  	_ =	strace $0x90000047  }
0x1ec: {  	s0 =	stileid.u32;
	[bflag:$0x2] =	sbarrier.arrive $0xFFFF  }
0x1ed: {  	p0 =	sne.s32 s0, $0x0;
	s0 =	rddreg [dreg:$0x2]  }
0x1ee: {  	s0 =	sadd.s32 @!p0 $0x100000, s0  }
0x1ef: {  	[sflag:s0] =	ssyncadd.tile.s32 @!p0 $0x1;
	_ =	shalt  }
.Lfunc_end2:
_tile_overlayer_lowered:
.L_overlay_start_2:
0x1f0: {  	(tag) =	ssettag $0x2  }
0x1f1: {  	s0 =	rddreg [dreg:$0x0];
	s2 =	stileid.u32  }
0x1f2: {  	s1 =	rddreg [dreg:$0x1];
	p0 =	sne.s32 s2, $0x0  }
0x1f3: {  	s3 =	rddreg [dreg:$0x2];
	[bflag:$0x3] =	sbarrier.arrive $0xFFFF;
	s2 =	simm.s32 @!p0 $0x1C05  }
0x1f4: {  	[timem:s3], [sflag:s2] =	dma.local @!p0 [hbm:s0], s1  }
0x1f5: {  	s0 =	simm.s32 @!p0 $0x5  }
0x1f6: {  	_ =	swait.ge @!p0 [sflag:s0], s1  }
0x1f7: {  	s1 =	ssub.s32 @!p0 $0x0, s1;
	[sflag:s0] =	ssyncset.done @!p0 $0x0  }
0x1f8: {  	[sflag:s0] =	ssyncadd.s32 @!p0 s1  }
0x1f9: {  	[bflag:$0x3] =	sbarrier.arrive $0xFFFF  }
0x1fa: {  	_ =	shalt  }

</sc_bundles>
